<compile_context>
chip_gen: v7x
topology: tpu7x:2x2x1
jax: 0.10.2.dev20260603
libtpu: 0.0.44.dev20260713+nightly
codegen_flags: <defaults>
</compile_context>

<pallas_src>
import functools

import jax
import jax.numpy as jnp
import numpy as np
from jax import lax
from jax.experimental import pallas as pl
from jax.experimental.pallas import tpu as pltpu
from jax.experimental.pallas import tpu_sc as plsc

N = 10000
E = 320000
D_IN = 128
D_HID = 128
D_OUT = 40
D_OUT_PAD = 128
BN_EPS = 1e-5

NC = 2
NS = 16
NW = NC * NS
K = 128
BLK = 8
C = -(-E // (NW * K * BLK)) * BLK
NB = C // BLK
E_PAD = NW * C * K
N_ACC = N + 112
RP_ACC = N_ACC // NS

ROWS_BLK = 1024
HIST_W = 128


def _sc_mesh():
    return plsc.VectorSubcoreMesh(
        core_axis_name="c", subcore_axis_name="s", num_cores=NC, num_subcores=NS
    )


def _sc_degree(col3, ones_rows, zeros_hist):

    @functools.partial(
        pl.kernel,
        out_type=jax.ShapeDtypeStruct((NC, N_ACC, HIST_W), jnp.float32),
        mesh=_sc_mesh(),
        scratch_types=[
            pltpu.VMEM((C, K), jnp.int32),
            pltpu.VMEM((K, HIST_W), jnp.float32),
            pltpu.VMEM_SHARED((N_ACC, HIST_W), jnp.float32),
        ],
    )
    def k(col_hbm, ones_hbm, zeros_hbm, out_hbm, colb, ones_v, acc):
        c = lax.axis_index("c")
        s = lax.axis_index("s")
        w = c * NS + s
        pltpu.sync_copy(zeros_hbm.at[pl.ds(s * RP_ACC, RP_ACC)],
                        acc.at[pl.ds(s * RP_ACC, RP_ACC)])
        pltpu.sync_copy(col_hbm.at[w], colb)
        pltpu.sync_copy(ones_hbm, ones_v)
        plsc.subcore_barrier()

        def body(g, carry):
            pltpu.sync_copy(ones_v, acc.at[colb.at[g]], add=True)
            return carry

        lax.fori_loop(jnp.int32(0), jnp.int32(C), body, jnp.int32(0))
        plsc.subcore_barrier()
        pltpu.sync_copy(acc.at[pl.ds(s * RP_ACC, RP_ACC)],
                        out_hbm.at[c, pl.ds(s * RP_ACC, RP_ACC)])

    return k(col3, ones_rows, zeros_hist)


def _sc_scatter(hp, row3, col3, zeros_acc, d):

    @functools.partial(
        pl.kernel,
        out_type=jax.ShapeDtypeStruct((NC, N_ACC, d), jnp.float32),
        mesh=_sc_mesh(),
        scratch_types=[
            pltpu.VMEM((2, BLK, K), jnp.int32),
            pltpu.VMEM((2, BLK, K), jnp.int32),
            pltpu.VMEM((K, d), jnp.float32),
            pltpu.VMEM((K, d), jnp.float32),
            pltpu.VMEM_SHARED((N_ACC, d), jnp.float32),
            pltpu.SemaphoreType.DMA,
            pltpu.SemaphoreType.DMA,
            pltpu.SemaphoreType.DMA,
        ],
    )
    def k(hp_hbm, row_hbm, col_hbm, zeros_hbm, out_hbm, rowi, coli, rows_a,
          rows_b, acc, sem_i, sem_a, sem_b):
        c = lax.axis_index("c")
        s = lax.axis_index("s")
        w = c * NS + s
        i0 = jnp.int32(0)
        pltpu.sync_copy(zeros_hbm.at[pl.ds(s * RP_ACC, RP_ACC)],
                        acc.at[pl.ds(s * RP_ACC, RP_ACC)])
        pltpu.sync_copy(row_hbm.at[w, pl.ds(i0, BLK)], rowi.at[i0])
        pltpu.sync_copy(col_hbm.at[w, pl.ds(i0, BLK)], coli.at[i0])
        plsc.subcore_barrier()
        pltpu.async_copy(hp_hbm.at[rowi.at[i0, i0]], rows_a, sem_a)

        def body(b, carry):
            cur = lax.rem(b, jnp.int32(2))
            nxt = lax.rem(b + 1, jnp.int32(2))
            bn = jnp.minimum(b + 1, jnp.int32(NB - 1))
            pltpu.async_copy(row_hbm.at[w, pl.ds(bn * BLK, BLK)],
                             rowi.at[nxt], sem_i)
            pltpu.async_copy(col_hbm.at[w, pl.ds(bn * BLK, BLK)],
                             coli.at[nxt], sem_i)
            for j in range(0, BLK, 2):
                jj = jnp.int32(j)
                pltpu.async_copy(hp_hbm.at[rowi.at[cur, jj + 1]], rows_b,
                                 sem_b)
                pltpu.make_async_copy(hp_hbm.at[rowi.at[cur, jj]], rows_a,
                                      sem_a).wait()
                pltpu.sync_copy(rows_a, acc.at[coli.at[cur, jj]], add=True)
                if j == BLK - 2:
                    pltpu.make_async_copy(row_hbm.at[w, pl.ds(bn * BLK, BLK)],
                                          rowi.at[nxt], sem_i).wait()
                    pltpu.make_async_copy(col_hbm.at[w, pl.ds(bn * BLK, BLK)],
                                          coli.at[nxt], sem_i).wait()
                    nxt_idx = rowi.at[nxt, i0]
                else:
                    nxt_idx = rowi.at[cur, jj + 2]
                pltpu.async_copy(hp_hbm.at[nxt_idx], rows_a, sem_a)
                pltpu.make_async_copy(hp_hbm.at[rowi.at[cur, jj + 1]], rows_b,
                                      sem_b).wait()
                pltpu.sync_copy(rows_b, acc.at[coli.at[cur, jj + 1]], add=True)
            return carry

        lax.fori_loop(jnp.int32(0), jnp.int32(NB), body, jnp.int32(0))
        pltpu.make_async_copy(hp_hbm.at[rowi.at[i0, i0]], rows_a, sem_a).wait()
        plsc.subcore_barrier()
        pltpu.sync_copy(acc.at[pl.ds(s * RP_ACC, RP_ACC)],
                        out_hbm.at[c, pl.ds(s * RP_ACC, RP_ACC)])

    return k(hp, row3, col3, zeros_acc)


def _tc_layer1(x, W1, hist):
    grid = (pl.cdiv(N, ROWS_BLK),)

    def body(x_ref, w_ref, h_ref, hp_ref, dv_ref):
        deg = 1.0 + h_ref[0][:, 0:1] + h_ref[1][:, 0:1]
        dinv = lax.rsqrt(deg)
        h = jnp.dot(x_ref[...], w_ref[...], preferred_element_type=jnp.float32)
        hp_ref[...] = h * dinv
        dv_ref[...] = jnp.broadcast_to(dinv, (ROWS_BLK, 16))

    return pl.pallas_call(
        body,
        grid=grid,
        in_specs=[
            pl.BlockSpec((ROWS_BLK, D_IN), lambda i: (i, np.int32(0))),
            pl.BlockSpec((D_IN, D_HID), lambda i: (np.int32(0), np.int32(0))),
            pl.BlockSpec((NC, ROWS_BLK, HIST_W), lambda i: (np.int32(0), i, np.int32(0))),
        ],
        out_specs=[
            pl.BlockSpec((ROWS_BLK, D_HID), lambda i: (i, np.int32(0))),
            pl.BlockSpec((ROWS_BLK, 16), lambda i: (i, np.int32(0))),
        ],
        out_shape=[
            jax.ShapeDtypeStruct((N, D_HID), jnp.float32),
            jax.ShapeDtypeStruct((N, 16), jnp.float32),
        ],
    )(x, W1, hist)


def _tc_mid(S, hp, dv, b, gs, be, W, d_out):
    grid = (pl.cdiv(N, ROWS_BLK),)
    d_in = hp.shape[1]

    def body(s_ref, hp_ref, dv_ref, b_ref, gs_ref, be_ref, w_ref, out_ref):
        dinv = dv_ref[:, 0:1]
        y = dinv * (s_ref[0] + s_ref[1] + hp_ref[...]) + b_ref[...]
        y = y * gs_ref[...] + be_ref[...]
        y = jnp.maximum(y, 0.0)
        out_ref[...] = jnp.dot(y, w_ref[...], preferred_element_type=jnp.float32) * dinv

    return pl.pallas_call(
        body,
        grid=grid,
        in_specs=[
            pl.BlockSpec((NC, ROWS_BLK, d_in), lambda i: (np.int32(0), i, np.int32(0))),
            pl.BlockSpec((ROWS_BLK, d_in), lambda i: (i, np.int32(0))),
            pl.BlockSpec((ROWS_BLK, 16), lambda i: (i, np.int32(0))),
            pl.BlockSpec((1, d_in), lambda i: (np.int32(0), np.int32(0))),
            pl.BlockSpec((1, d_in), lambda i: (np.int32(0), np.int32(0))),
            pl.BlockSpec((1, d_in), lambda i: (np.int32(0), np.int32(0))),
            pl.BlockSpec((d_in, d_out), lambda i: (np.int32(0), np.int32(0))),
        ],
        out_specs=pl.BlockSpec((ROWS_BLK, d_out), lambda i: (i, np.int32(0))),
        out_shape=jax.ShapeDtypeStruct((N, d_out), jnp.float32),
    )(S, hp, dv, b, gs, be, W)


def _tc_final(S, hp, dv, b3):
    grid = (pl.cdiv(N, ROWS_BLK),)

    def body(s_ref, hp_ref, dv_ref, b_ref, out_ref):
        dinv = dv_ref[:, 0:1]
        y = dinv * (s_ref[0] + s_ref[1] + hp_ref[...]) + b_ref[...]
        mask = lax.broadcasted_iota(jnp.int32, (1, D_OUT_PAD), 1) < D_OUT
        neg = jnp.float32(-jnp.inf)
        ylog = jnp.where(mask, y, neg)
        m = jnp.max(ylog, axis=1, keepdims=True)
        e = jnp.where(mask, jnp.exp(ylog - m), 0.0)
        p = e / jnp.sum(e, axis=1, keepdims=True)
        out_ref[...] = p[:, :D_OUT]

    return pl.pallas_call(
        body,
        grid=grid,
        in_specs=[
            pl.BlockSpec((NC, ROWS_BLK, D_OUT_PAD), lambda i: (np.int32(0), i, np.int32(0))),
            pl.BlockSpec((ROWS_BLK, D_OUT_PAD), lambda i: (i, np.int32(0))),
            pl.BlockSpec((ROWS_BLK, 16), lambda i: (i, np.int32(0))),
            pl.BlockSpec((1, D_OUT_PAD), lambda i: (np.int32(0), np.int32(0))),
        ],
        out_specs=pl.BlockSpec((ROWS_BLK, D_OUT), lambda i: (i, np.int32(0))),
        out_shape=jax.ShapeDtypeStruct((N, D_OUT), jnp.float32),
    )(S, hp, dv, b3)


def kernel(x, edge_index, W1, b1, g1, be1, W2, b2, g2, be2, W3, b3):
    f32 = jnp.float32
    x = x.astype(f32)
    W1 = W1.astype(f32)
    W2 = W2.astype(f32)
    W3 = W3.astype(f32)
    row = edge_index[0].astype(jnp.int32)
    col = edge_index[1].astype(jnp.int32)
    pad = E_PAD - E
    row3 = jnp.concatenate([row, jnp.zeros((pad,), jnp.int32)]).reshape(NW, C, K)
    col3 = jnp.concatenate([col, jnp.full((pad,), N, jnp.int32)]).reshape(NW, C, K)

    zeros128 = jnp.zeros((N_ACC, D_HID), f32)
    zeros_hist = jnp.zeros((N_ACC, HIST_W), f32)

    bn_scale = np.float32(1.0 / np.sqrt(1.0 + BN_EPS))
    b1r = b1.reshape(1, D_HID).astype(f32)
    gs1 = (g1 * bn_scale).reshape(1, D_HID).astype(f32)
    be1r = be1.reshape(1, D_HID).astype(f32)
    b2r = b2.reshape(1, D_HID).astype(f32)
    gs2 = (g2 * bn_scale).reshape(1, D_HID).astype(f32)
    be2r = be2.reshape(1, D_HID).astype(f32)
    W3p = jnp.pad(W3, ((0, 0), (0, D_OUT_PAD - D_OUT))).astype(f32)
    b3r = jnp.pad(b3, (0, D_OUT_PAD - D_OUT)).reshape(1, D_OUT_PAD).astype(f32)

    ones_rows = jnp.ones((K, HIST_W), f32)
    hist = _sc_degree(col3, ones_rows, zeros_hist)
    hp1, dv = _tc_layer1(x, W1, hist)
    S1 = _sc_scatter(hp1, row3, col3, zeros128, D_HID)
    hp2 = _tc_mid(S1, hp1, dv, b1r, gs1, be1r, W2, D_HID)
    S2 = _sc_scatter(hp2, row3, col3, zeros128, D_HID)
    hp3 = _tc_mid(S2, hp2, dv, b2r, gs2, be2r, W3p, D_OUT_PAD)
    S3 = _sc_scatter(hp3, row3, col3, zeros128, D_OUT_PAD)
    out = _tc_final(S3, hp3, dv, b3r)
    return out.astype(jnp.float64)

# --- scband reference (transcript-rebuilt; emitter-appended) ---
"""Pipeline reference for scband-gcn-8830452760938 (READ-ONLY COPY).

The authoritative reference and input builder live on the scoring server;
editing this copy changes nothing except your own understanding.
"""

import jax, jax.numpy as jnp
import numpy as np

jax.config.update("jax_enable_x64", True)

N = 10000
E = 320000
D_IN = 128
D_HID = 128
D_OUT = 40
BN_EPS = 1e-5


def gcn_conv(x, edge_index, W, b):
    # Faithful PyG GCNConv: add self-loops, symmetric deg normalization,
    # x @ W first, gather messages from src, scatter-add at dst, then + bias.
    n = x.shape[0]
    row = edge_index[0]
    col = edge_index[1]
    si = jnp.arange(n, dtype=edge_index.dtype)
    row = jnp.concatenate([row, si])
    col = jnp.concatenate([col, si])
    h = x @ W
    deg = jnp.zeros((n,), dtype=h.dtype).at[col].add(1.0)
    dinv = jnp.where(deg > 0, deg ** -0.5, 0.0)
    norm = dinv[row] * dinv[col]
    msg = h[row] * norm[:, None]
    out = jax.ops.segment_sum(msg, col, num_segments=n)
    return out + b


def batch_norm_eval(h, gamma, beta):
    # BatchNorm1d in eval mode with fresh running stats (mean=0, var=1)
    return h / jnp.sqrt(1.0 + BN_EPS) * gamma + beta


def setup_inputs(seed: int = 0) -> dict:
    key = jax.random.key(seed)
    ks = jax.random.split(key, 12)
    x = jax.random.normal(ks[0], (N, D_IN), dtype=jnp.float32)
    edge_index = jax.random.randint(ks[1], (2, E), 0, N, dtype=jnp.int64)
    W1 = jax.random.normal(ks[2], (D_IN, D_HID), dtype=jnp.float32) / np.sqrt(D_IN)
    b1 = jnp.zeros((D_HID,), dtype=jnp.float32)
    g1 = jnp.ones((D_HID,), dtype=jnp.float32)
    be1 = jnp.zeros((D_HID,), dtype=jnp.float32)
    W2 = jax.random.normal(ks[3], (D_HID, D_HID), dtype=jnp.float32) / np.sqrt(D_HID)
    b2 = jnp.zeros((D_HID,), dtype=jnp.float32)
    g2 = jnp.ones((D_HID,), dtype=jnp.float32)
    be2 = jnp.zeros((D_HID,), dtype=jnp.float32)
    W3 = jax.random.normal(ks[4], (D_HID, D_OUT), dtype=jnp.float32) / np.sqrt(D_HID)
    b3 = jnp.zeros((D_OUT,), dtype=jnp.float32)
    return {"x": x, "edge_index": edge_index, "W1": W1, "b1": b1, "g1": g1,
            "be1": be1, "W2": W2, "b2": b2, "g2": g2, "be2": be2,
            "W3": W3, "b3": b3}


def reference(x, edge_index, W1, b1, g1, be1, W2, b2, g2, be2, W3, b3):
    h = gcn_conv(x, edge_index, W1, b1)
    h = batch_norm_eval(h, g1, be1)
    h = jax.nn.relu(h)
    # dropout is identity in eval mode
    h = gcn_conv(h, edge_index, W2, b2)
    h = batch_norm_eval(h, g2, be2)
    h = jax.nn.relu(h)
    h = gcn_conv(h, edge_index, W3, b3)
    return jax.nn.softmax(h, axis=1)

if __name__ == "__main__":
    import jax
    _d = setup_inputs()
    print(jax.jit(kernel)(*tuple(_d.values())))

</pallas_src>

<mosaic_0001>
#map = affine_map<(d0, d1) -> (0, 0, 0)>
#map1 = affine_map<(d0, d1) -> (0, 0)>
module attributes {stable_mosaic.version = 14 : i64} {
  func.func @k(%arg0: i32, %arg1: i32, %arg2: memref<32x80x128xi32, #tpu.memory_space<hbm>>, %arg3: memref<128x128xf32, #tpu.memory_space<hbm>>, %arg4: memref<10112x128xf32, #tpu.memory_space<hbm>>, %arg5: memref<2x10112x128xf32, #tpu.memory_space<hbm>>, %arg6: memref<80x128xi32, #tpu.memory_space<vmem>>, %arg7: memref<128x128xf32, #tpu.memory_space<vmem>>, %arg8: memref<10112x128xf32, #tpu.memory_space<vmem_shared>>) attributes {dimension_semantics = [#tpu.dimension_semantics<core_parallel>, #tpu.dimension_semantics<subcore_parallel>], iteration_bounds = array<i64: 2, 16>, scalar_prefetch = 0 : i64, scratch_operands = 3 : i64, tpu.core_type = #tpu.core_type<sc_vector_subcore>, window_params = [{transform_indices = #map}, {transform_indices = #map1}, {transform_indices = #map1}, {transform_indices = #map}]} {
    %mul3A = arith.constant 16 : i32
    %mul3A_0 = arith.muli %arg0, %mul3A : i32
    %add3A = arith.addi %mul3A_0, %arg1 : i32
    %mul3A_1 = arith.constant 632 : i32
    %mul3A_2 = arith.muli %arg1, %mul3A_1 : i32
    %mul3A_3 = arith.constant 632 : i32
    %mul3A_4 = arith.muli %arg1, %mul3A_3 : i32
    "tpu.region"() ({
      %run_scoped3A = tpu.sem_alloc : memref<!tpu.dma_semaphore, #tpu.memory_space<semaphore_mem>>
      %dma_start3A = arith.constant 0 : i32
      %dma_start3A_20 = tpu.memref_slice %arg8[%mul3A_4, %dma_start3A] : memref<10112x128xf32, #tpu.memory_space<vmem_shared>> -> memref<632x128xf32, #tpu.memory_space<vmem_shared>>
      %dma_start3A_21 = arith.constant 0 : i32
      %dma_start3A_22 = tpu.memref_slice %arg4[%mul3A_2, %dma_start3A_21] : memref<10112x128xf32, #tpu.memory_space<hbm>> -> memref<632x128xf32, #tpu.memory_space<hbm>>
      tpu.enqueue_dma source(%dma_start3A_22 : memref<632x128xf32, #tpu.memory_space<hbm>>) target(%dma_start3A_20 : memref<632x128xf32, #tpu.memory_space<vmem_shared>>) target_semaphore(%run_scoped3A : memref<!tpu.dma_semaphore, #tpu.memory_space<semaphore_mem>>)
      %dma_wait3A = arith.constant 0 : i32
      %dma_wait3A_23 = tpu.memref_slice %arg8[%mul3A_4, %dma_wait3A] : memref<10112x128xf32, #tpu.memory_space<vmem_shared>> -> memref<632x128xf32, #tpu.memory_space<vmem_shared>>
      %dma_wait3A_24 = arith.constant 0 : i32
      %dma_wait3A_25 = tpu.memref_slice %arg4[%mul3A_2, %dma_wait3A_24] : memref<10112x128xf32, #tpu.memory_space<hbm>> -> memref<632x128xf32, #tpu.memory_space<hbm>>
      tpu.wait_dma2 semaphore(%run_scoped3A : memref<!tpu.dma_semaphore, #tpu.memory_space<semaphore_mem>>) src(%dma_wait3A_25 : memref<632x128xf32, #tpu.memory_space<hbm>>) dst(%dma_wait3A_23 : memref<632x128xf32, #tpu.memory_space<vmem_shared>>)
      tpu.yield
    }) : () -> ()
    "tpu.region"() ({
      %run_scoped3A = tpu.sem_alloc : memref<!tpu.dma_semaphore, #tpu.memory_space<semaphore_mem>>
      %dma_start3A = arith.constant 0 : i32
      %dma_start3A_20 = arith.constant 0 : i32
      %dma_start3A_21 = tpu.memref_slice %arg2[%add3A, %dma_start3A, %dma_start3A_20] : memref<32x80x128xi32, #tpu.memory_space<hbm>> -> memref<1x80x128xi32, #tpu.memory_space<hbm>>
      %dma_start3A_22 = tpu.memref_squeeze %dma_start3A_21 : memref<1x80x128xi32, #tpu.memory_space<hbm>> -> memref<80x128xi32, #tpu.memory_space<hbm>>
      %dma_start3A_23 = arith.constant 0 : i32
      %dma_start3A_24 = arith.constant 0 : i32
      %dma_start3A_25 = tpu.memref_slice %arg2[%add3A, %dma_start3A_23, %dma_start3A_24] : memref<32x80x128xi32, #tpu.memory_space<hbm>> -> memref<1x80x128xi32, #tpu.memory_space<hbm>>
      %dma_start3A_26 = tpu.memref_squeeze %dma_start3A_25 : memref<1x80x128xi32, #tpu.memory_space<hbm>> -> memref<80x128xi32, #tpu.memory_space<hbm>>
      tpu.enqueue_dma source(%dma_start3A_26 : memref<80x128xi32, #tpu.memory_space<hbm>>) target(%arg6 : memref<80x128xi32, #tpu.memory_space<vmem>>) target_semaphore(%run_scoped3A : memref<!tpu.dma_semaphore, #tpu.memory_space<semaphore_mem>>)
      %dma_wait3A = arith.constant 0 : i32
      %dma_wait3A_27 = arith.constant 0 : i32
      %dma_wait3A_28 = tpu.memref_slice %arg2[%add3A, %dma_wait3A, %dma_wait3A_27] : memref<32x80x128xi32, #tpu.memory_space<hbm>> -> memref<1x80x128xi32, #tpu.memory_space<hbm>>
      %dma_wait3A_29 = tpu.memref_squeeze %dma_wait3A_28 : memref<1x80x128xi32, #tpu.memory_space<hbm>> -> memref<80x128xi32, #tpu.memory_space<hbm>>
      %dma_wait3A_30 = arith.constant 0 : i32
      %dma_wait3A_31 = arith.constant 0 : i32
      %dma_wait3A_32 = tpu.memref_slice %arg2[%add3A, %dma_wait3A_30, %dma_wait3A_31] : memref<32x80x128xi32, #tpu.memory_space<hbm>> -> memref<1x80x128xi32, #tpu.memory_space<hbm>>
      %dma_wait3A_33 = tpu.memref_squeeze %dma_wait3A_32 : memref<1x80x128xi32, #tpu.memory_space<hbm>> -> memref<80x128xi32, #tpu.memory_space<hbm>>
      tpu.wait_dma2 semaphore(%run_scoped3A : memref<!tpu.dma_semaphore, #tpu.memory_space<semaphore_mem>>) src(%dma_wait3A_33 : memref<80x128xi32, #tpu.memory_space<hbm>>) dst(%arg6 : memref<80x128xi32, #tpu.memory_space<vmem>>)
      tpu.yield
    }) : () -> ()
    "tpu.region"() ({
      %run_scoped3A = tpu.sem_alloc : memref<!tpu.dma_semaphore, #tpu.memory_space<semaphore_mem>>
      tpu.enqueue_dma source(%arg3 : memref<128x128xf32, #tpu.memory_space<hbm>>) target(%arg7 : memref<128x128xf32, #tpu.memory_space<vmem>>) target_semaphore(%run_scoped3A : memref<!tpu.dma_semaphore, #tpu.memory_space<semaphore_mem>>)
      tpu.wait_dma2 semaphore(%run_scoped3A : memref<!tpu.dma_semaphore, #tpu.memory_space<semaphore_mem>>) src(%arg3 : memref<128x128xf32, #tpu.memory_space<hbm>>) dst(%arg7 : memref<128x128xf32, #tpu.memory_space<vmem>>)
      tpu.yield
    }) : () -> ()
    %barrier3A = arith.constant 0 : index
    tpu.barrier barrier_id(%barrier3A)
    %while3A = arith.constant 0 : i32
    %while3A_5 = arith.constant 0 : i32
    %while3A_6 = arith.constant 80 : i32
    %while3A_7 = arith.subi %while3A_6, %while3A_5 : i32
    %while3A_8 = arith.addi %while3A_5, %while3A_7 : i32
    %while3A_9 = arith.constant 1 : i32
    %while3A_10 = arith.divsi %while3A_7, %while3A_9 : i32
    %while3A_11 = arith.muli %while3A_10, %while3A_9 : i32
    %while3A_12 = arith.addi %while3A_5, %while3A_11 : i32
    %while3A_13 = arith.constant 1 : i32
    scf.for %while3A_20 = %while3A_5 to %while3A_12 step %while3A_13  : i32 {
      "tpu.region"() ({
        %run_scoped3A = tpu.sem_alloc : memref<!tpu.dma_semaphore, #tpu.memory_space<semaphore_mem>>
        %dma_start3A = arith.constant 0 : i32
        %dma_start3A_21 = tpu.memref_slice %arg6[%while3A_20, %dma_start3A] : memref<80x128xi32, #tpu.memory_space<vmem>> -> memref<1x128xi32, #tpu.memory_space<vmem>>
        %dma_start3A_22 = tpu.memref_squeeze %dma_start3A_21 : memref<1x128xi32, #tpu.memory_space<vmem>> -> memref<128xi32, #tpu.memory_space<vmem>>
        %dma_start3A_23 = arith.constant 0 : i32
        %dma_start3A_24 = arith.constant 0 : i32
        %dma_start3A_25 = tpu.memref_slice %arg8[%dma_start3A_23, %dma_start3A_24] : memref<10112x128xf32, #tpu.memory_space<vmem_shared>> -> memref<10112x128xf32, #tpu.memory_space<vmem_shared>>
        tpu.enqueue_indirect_dma source(%arg7 : memref<128x128xf32, #tpu.memory_space<vmem>>) target(%dma_start3A_25 : memref<10112x128xf32, #tpu.memory_space<vmem_shared>>) offsets(%dma_start3A_22 : memref<128xi32, #tpu.memory_space<vmem>>) semaphore(%run_scoped3A : memref<!tpu.dma_semaphore, #tpu.memory_space<semaphore_mem>>) {add = true}
        %dma_wait3A = arith.constant 0 : i32
        %dma_wait3A_26 = tpu.memref_slice %arg6[%while3A_20, %dma_wait3A] : memref<80x128xi32, #tpu.memory_space<vmem>> -> memref<1x128xi32, #tpu.memory_space<vmem>>
        %dma_wait3A_27 = tpu.memref_squeeze %dma_wait3A_26 : memref<1x128xi32, #tpu.memory_space<vmem>> -> memref<128xi32, #tpu.memory_space<vmem>>
        %dma_wait3A_28 = arith.constant 0 : i32
        %dma_wait3A_29 = arith.constant 0 : i32
        %dma_wait3A_30 = tpu.memref_slice %arg8[%dma_wait3A_28, %dma_wait3A_29] : memref<10112x128xf32, #tpu.memory_space<vmem_shared>> -> memref<10112x128xf32, #tpu.memory_space<vmem_shared>>
        tpu.wait_indirect_dma semaphore(%run_scoped3A : memref<!tpu.dma_semaphore, #tpu.memory_space<semaphore_mem>>) src(%arg7 : memref<128x128xf32, #tpu.memory_space<vmem>>) dst(%dma_wait3A_30 : memref<10112x128xf32, #tpu.memory_space<vmem_shared>>)
        tpu.yield
      }) : () -> ()
    }
    %while3A_14 = arith.constant 1 : i32
    scf.for %while3A_20 = %while3A_12 to %while3A_8 step %while3A_14  : i32 {
      "tpu.region"() ({
        %run_scoped3A = tpu.sem_alloc : memref<!tpu.dma_semaphore, #tpu.memory_space<semaphore_mem>>
        %dma_start3A = arith.constant 0 : i32
        %dma_start3A_21 = tpu.memref_slice %arg6[%while3A_20, %dma_start3A] : memref<80x128xi32, #tpu.memory_space<vmem>> -> memref<1x128xi32, #tpu.memory_space<vmem>>
        %dma_start3A_22 = tpu.memref_squeeze %dma_start3A_21 : memref<1x128xi32, #tpu.memory_space<vmem>> -> memref<128xi32, #tpu.memory_space<vmem>>
        %dma_start3A_23 = arith.constant 0 : i32
        %dma_start3A_24 = arith.constant 0 : i32
        %dma_start3A_25 = tpu.memref_slice %arg8[%dma_start3A_23, %dma_start3A_24] : memref<10112x128xf32, #tpu.memory_space<vmem_shared>> -> memref<10112x128xf32, #tpu.memory_space<vmem_shared>>
        tpu.enqueue_indirect_dma source(%arg7 : memref<128x128xf32, #tpu.memory_space<vmem>>) target(%dma_start3A_25 : memref<10112x128xf32, #tpu.memory_space<vmem_shared>>) offsets(%dma_start3A_22 : memref<128xi32, #tpu.memory_space<vmem>>) semaphore(%run_scoped3A : memref<!tpu.dma_semaphore, #tpu.memory_space<semaphore_mem>>) {add = true}
        %dma_wait3A = arith.constant 0 : i32
        %dma_wait3A_26 = tpu.memref_slice %arg6[%while3A_20, %dma_wait3A] : memref<80x128xi32, #tpu.memory_space<vmem>> -> memref<1x128xi32, #tpu.memory_space<vmem>>
        %dma_wait3A_27 = tpu.memref_squeeze %dma_wait3A_26 : memref<1x128xi32, #tpu.memory_space<vmem>> -> memref<128xi32, #tpu.memory_space<vmem>>
        %dma_wait3A_28 = arith.constant 0 : i32
        %dma_wait3A_29 = arith.constant 0 : i32
        %dma_wait3A_30 = tpu.memref_slice %arg8[%dma_wait3A_28, %dma_wait3A_29] : memref<10112x128xf32, #tpu.memory_space<vmem_shared>> -> memref<10112x128xf32, #tpu.memory_space<vmem_shared>>
        tpu.wait_indirect_dma semaphore(%run_scoped3A : memref<!tpu.dma_semaphore, #tpu.memory_space<semaphore_mem>>) src(%arg7 : memref<128x128xf32, #tpu.memory_space<vmem>>) dst(%dma_wait3A_30 : memref<10112x128xf32, #tpu.memory_space<vmem_shared>>)
        tpu.yield
      }) : () -> ()
    }
    %barrier3A_15 = arith.constant 0 : index
    tpu.barrier barrier_id(%barrier3A_15)
    %mul3A_16 = arith.constant 632 : i32
    %mul3A_17 = arith.muli %arg1, %mul3A_16 : i32
    %mul3A_18 = arith.constant 632 : i32
    %mul3A_19 = arith.muli %arg1, %mul3A_18 : i32
    "tpu.region"() ({
      %run_scoped3A = tpu.sem_alloc : memref<!tpu.dma_semaphore, #tpu.memory_space<semaphore_mem>>
      %dma_start3A = arith.constant 0 : i32
      %dma_start3A_20 = tpu.memref_slice %arg5[%arg0, %mul3A_19, %dma_start3A] : memref<2x10112x128xf32, #tpu.memory_space<hbm>> -> memref<1x632x128xf32, #tpu.memory_space<hbm>>
      %dma_start3A_21 = tpu.memref_squeeze %dma_start3A_20 : memref<1x632x128xf32, #tpu.memory_space<hbm>> -> memref<632x128xf32, #tpu.memory_space<hbm>>
      %dma_start3A_22 = arith.constant 0 : i32
      %dma_start3A_23 = tpu.memref_slice %arg8[%mul3A_17, %dma_start3A_22] : memref<10112x128xf32, #tpu.memory_space<vmem_shared>> -> memref<632x128xf32, #tpu.memory_space<vmem_shared>>
      tpu.enqueue_dma source(%dma_start3A_23 : memref<632x128xf32, #tpu.memory_space<vmem_shared>>) target(%dma_start3A_21 : memref<632x128xf32, #tpu.memory_space<hbm>>) target_semaphore(%run_scoped3A : memref<!tpu.dma_semaphore, #tpu.memory_space<semaphore_mem>>)
      %dma_wait3A = arith.constant 0 : i32
      %dma_wait3A_24 = tpu.memref_slice %arg5[%arg0, %mul3A_19, %dma_wait3A] : memref<2x10112x128xf32, #tpu.memory_space<hbm>> -> memref<1x632x128xf32, #tpu.memory_space<hbm>>
      %dma_wait3A_25 = tpu.memref_squeeze %dma_wait3A_24 : memref<1x632x128xf32, #tpu.memory_space<hbm>> -> memref<632x128xf32, #tpu.memory_space<hbm>>
      %dma_wait3A_26 = arith.constant 0 : i32
      %dma_wait3A_27 = tpu.memref_slice %arg8[%mul3A_17, %dma_wait3A_26] : memref<10112x128xf32, #tpu.memory_space<vmem_shared>> -> memref<632x128xf32, #tpu.memory_space<vmem_shared>>
      tpu.wait_dma2 semaphore(%run_scoped3A : memref<!tpu.dma_semaphore, #tpu.memory_space<semaphore_mem>>) src(%dma_wait3A_27 : memref<632x128xf32, #tpu.memory_space<vmem_shared>>) dst(%dma_wait3A_25 : memref<632x128xf32, #tpu.memory_space<hbm>>)
      tpu.yield
    }) : () -> ()
    return
  }
}

#map = affine_map<(d0, d1) -> (0, 0)>
#map1 = affine_map<(d0, d1) -> (0, 0, 0)>
module attributes {stable_mosaic.version = 14 : i64} {
  func.func @k(%arg0: i32, %arg1: i32, %arg2: memref<10000x128xf32, #tpu.memory_space<hbm>>, %arg3: memref<32x80x128xi32, #tpu.memory_space<hbm>>, %arg4: memref<32x80x128xi32, #tpu.memory_space<hbm>>, %arg5: memref<10112x128xf32, #tpu.memory_space<hbm>>, %arg6: memref<2x10112x128xf32, #tpu.memory_space<hbm>>, %arg7: memref<2x8x128xi32, #tpu.memory_space<vmem>>, %arg8: memref<2x8x128xi32, #tpu.memory_space<vmem>>, %arg9: memref<128x128xf32, #tpu.memory_space<vmem>>, %arg10: memref<128x128xf32, #tpu.memory_space<vmem>>, %arg11: memref<10112x128xf32, #tpu.memory_space<vmem_shared>>, %arg12: memref<!tpu.dma_semaphore, #tpu.memory_space<semaphore_mem>>, %arg13: memref<!tpu.dma_semaphore, #tpu.memory_space<semaphore_mem>>, %arg14: memref<!tpu.dma_semaphore, #tpu.memory_space<semaphore_mem>>) attributes {dimension_semantics = [#tpu.dimension_semantics<core_parallel>, #tpu.dimension_semantics<subcore_parallel>], iteration_bounds = array<i64: 2, 16>, scalar_prefetch = 0 : i64, scratch_operands = 8 : i64, tpu.core_type = #tpu.core_type<sc_vector_subcore>, window_params = [{transform_indices = #map}, {transform_indices = #map1}, {transform_indices = #map1}, {transform_indices = #map}, {transform_indices = #map1}]} {
    %mul3A = arith.constant 16 : i32
    %mul3A_0 = arith.muli %arg0, %mul3A : i32
    %add3A = arith.addi %mul3A_0, %arg1 : i32
    %mul3A_1 = arith.constant 632 : i32
    %mul3A_2 = arith.muli %arg1, %mul3A_1 : i32
    %mul3A_3 = arith.constant 632 : i32
    %mul3A_4 = arith.muli %arg1, %mul3A_3 : i32
    "tpu.region"() ({
      %run_scoped3A_36 = tpu.sem_alloc : memref<!tpu.dma_semaphore, #tpu.memory_space<semaphore_mem>>
      %dma_start3A_37 = arith.constant 0 : i32
      %dma_start3A_38 = tpu.memref_slice %arg11[%mul3A_4, %dma_start3A_37] : memref<10112x128xf32, #tpu.memory_space<vmem_shared>> -> memref<632x128xf32, #tpu.memory_space<vmem_shared>>
      %dma_start3A_39 = arith.constant 0 : i32
      %dma_start3A_40 = tpu.memref_slice %arg5[%mul3A_2, %dma_start3A_39] : memref<10112x128xf32, #tpu.memory_space<hbm>> -> memref<632x128xf32, #tpu.memory_space<hbm>>
      tpu.enqueue_dma source(%dma_start3A_40 : memref<632x128xf32, #tpu.memory_space<hbm>>) target(%dma_start3A_38 : memref<632x128xf32, #tpu.memory_space<vmem_shared>>) target_semaphore(%run_scoped3A_36 : memref<!tpu.dma_semaphore, #tpu.memory_space<semaphore_mem>>)
      %dma_wait3A_41 = arith.constant 0 : i32
      %dma_wait3A_42 = tpu.memref_slice %arg11[%mul3A_4, %dma_wait3A_41] : memref<10112x128xf32, #tpu.memory_space<vmem_shared>> -> memref<632x128xf32, #tpu.memory_space<vmem_shared>>
      %dma_wait3A_43 = arith.constant 0 : i32
      %dma_wait3A_44 = tpu.memref_slice %arg5[%mul3A_2, %dma_wait3A_43] : memref<10112x128xf32, #tpu.memory_space<hbm>> -> memref<632x128xf32, #tpu.memory_space<hbm>>
      tpu.wait_dma2 semaphore(%run_scoped3A_36 : memref<!tpu.dma_semaphore, #tpu.memory_space<semaphore_mem>>) src(%dma_wait3A_44 : memref<632x128xf32, #tpu.memory_space<hbm>>) dst(%dma_wait3A_42 : memref<632x128xf32, #tpu.memory_space<vmem_shared>>)
      tpu.yield
    }) : () -> ()
    %run_scoped3A = arith.constant 0 : i32
    "tpu.region"() ({
      %run_scoped3A_36 = tpu.sem_alloc : memref<!tpu.dma_semaphore, #tpu.memory_space<semaphore_mem>>
      %dma_start3A_37 = arith.constant 0 : i32
      %dma_start3A_38 = arith.constant 0 : i32
      %dma_start3A_39 = tpu.memref_slice %arg7[%run_scoped3A, %dma_start3A_37, %dma_start3A_38] : memref<2x8x128xi32, #tpu.memory_space<vmem>> -> memref<1x8x128xi32, #tpu.memory_space<vmem>>
      %dma_start3A_40 = tpu.memref_squeeze %dma_start3A_39 : memref<1x8x128xi32, #tpu.memory_space<vmem>> -> memref<8x128xi32, #tpu.memory_space<vmem>>
      %dma_start3A_41 = arith.constant 0 : i32
      %dma_start3A_42 = tpu.memref_slice %arg3[%add3A, %run_scoped3A, %dma_start3A_41] : memref<32x80x128xi32, #tpu.memory_space<hbm>> -> memref<1x8x128xi32, #tpu.memory_space<hbm>>
      %dma_start3A_43 = tpu.memref_squeeze %dma_start3A_42 : memref<1x8x128xi32, #tpu.memory_space<hbm>> -> memref<8x128xi32, #tpu.memory_space<hbm>>
      %dma_start3A_44 = arith.constant 0 : i32
      %dma_start3A_45 = arith.constant 0 : i32
      %dma_start3A_46 = tpu.memref_slice %arg7[%run_scoped3A, %dma_start3A_44, %dma_start3A_45] : memref<2x8x128xi32, #tpu.memory_space<vmem>> -> memref<1x8x128xi32, #tpu.memory_space<vmem>>
      %dma_start3A_47 = tpu.memref_squeeze %dma_start3A_46 : memref<1x8x128xi32, #tpu.memory_space<vmem>> -> memref<8x128xi32, #tpu.memory_space<vmem>>
      %dma_start3A_48 = arith.constant 0 : i32
      %dma_start3A_49 = tpu.memref_slice %arg3[%add3A, %run_scoped3A, %dma_start3A_48] : memref<32x80x128xi32, #tpu.memory_space<hbm>> -> memref<1x8x128xi32, #tpu.memory_space<hbm>>
      %dma_start3A_50 = tpu.memref_squeeze %dma_start3A_49 : memref<1x8x128xi32, #tpu.memory_space<hbm>> -> memref<8x128xi32, #tpu.memory_space<hbm>>
      tpu.enqueue_dma source(%dma_start3A_50 : memref<8x128xi32, #tpu.memory_space<hbm>>) target(%dma_start3A_47 : memref<8x128xi32, #tpu.memory_space<vmem>>) target_semaphore(%run_scoped3A_36 : memref<!tpu.dma_semaphore, #tpu.memory_space<semaphore_mem>>)
      %dma_wait3A_51 = arith.constant 0 : i32
      %dma_wait3A_52 = arith.constant 0 : i32
      %dma_wait3A_53 = tpu.memref_slice %arg7[%run_scoped3A, %dma_wait3A_51, %dma_wait3A_52] : memref<2x8x128xi32, #tpu.memory_space<vmem>> -> memref<1x8x128xi32, #tpu.memory_space<vmem>>
      %dma_wait3A_54 = tpu.memref_squeeze %dma_wait3A_53 : memref<1x8x128xi32, #tpu.memory_space<vmem>> -> memref<8x128xi32, #tpu.memory_space<vmem>>
      %dma_wait3A_55 = arith.constant 0 : i32
      %dma_wait3A_56 = tpu.memref_slice %arg3[%add3A, %run_scoped3A, %dma_wait3A_55] : memref<32x80x128xi32, #tpu.memory_space<hbm>> -> memref<1x8x128xi32, #tpu.memory_space<hbm>>
      %dma_wait3A_57 = tpu.memref_squeeze %dma_wait3A_56 : memref<1x8x128xi32, #tpu.memory_space<hbm>> -> memref<8x128xi32, #tpu.memory_space<hbm>>
      %dma_wait3A_58 = arith.constant 0 : i32
      %dma_wait3A_59 = arith.constant 0 : i32
      %dma_wait3A_60 = tpu.memref_slice %arg7[%run_scoped3A, %dma_wait3A_58, %dma_wait3A_59] : memref<2x8x128xi32, #tpu.memory_space<vmem>> -> memref<1x8x128xi32, #tpu.memory_space<vmem>>
      %dma_wait3A_61 = tpu.memref_squeeze %dma_wait3A_60 : memref<1x8x128xi32, #tpu.memory_space<vmem>> -> memref<8x128xi32, #tpu.memory_space<vmem>>
      %dma_wait3A_62 = arith.constant 0 : i32
      %dma_wait3A_63 = tpu.memref_slice %arg3[%add3A, %run_scoped3A, %dma_wait3A_62] : memref<32x80x128xi32, #tpu.memory_space<hbm>> -> memref<1x8x128xi32, #tpu.memory_space<hbm>>
      %dma_wait3A_64 = tpu.memref_squeeze %dma_wait3A_63 : memref<1x8x128xi32, #tpu.memory_space<hbm>> -> memref<8x128xi32, #tpu.memory_space<hbm>>
      tpu.wait_dma2 semaphore(%run_scoped3A_36 : memref<!tpu.dma_semaphore, #tpu.memory_space<semaphore_mem>>) src(%dma_wait3A_64 : memref<8x128xi32, #tpu.memory_space<hbm>>) dst(%dma_wait3A_61 : memref<8x128xi32, #tpu.memory_space<vmem>>)
      tpu.yield
    }) : () -> ()
    %run_scoped3A_5 = arith.constant 0 : i32
    "tpu.region"() ({
      %run_scoped3A_36 = tpu.sem_alloc : memref<!tpu.dma_semaphore, #tpu.memory_space<semaphore_mem>>
      %dma_start3A_37 = arith.constant 0 : i32
      %dma_start3A_38 = arith.constant 0 : i32
      %dma_start3A_39 = tpu.memref_slice %arg8[%run_scoped3A_5, %dma_start3A_37, %dma_start3A_38] : memref<2x8x128xi32, #tpu.memory_space<vmem>> -> memref<1x8x128xi32, #tpu.memory_space<vmem>>
      %dma_start3A_40 = tpu.memref_squeeze %dma_start3A_39 : memref<1x8x128xi32, #tpu.memory_space<vmem>> -> memref<8x128xi32, #tpu.memory_space<vmem>>
      %dma_start3A_41 = arith.constant 0 : i32
      %dma_start3A_42 = tpu.memref_slice %arg4[%add3A, %run_scoped3A_5, %dma_start3A_41] : memref<32x80x128xi32, #tpu.memory_space<hbm>> -> memref<1x8x128xi32, #tpu.memory_space<hbm>>
      %dma_start3A_43 = tpu.memref_squeeze %dma_start3A_42 : memref<1x8x128xi32, #tpu.memory_space<hbm>> -> memref<8x128xi32, #tpu.memory_space<hbm>>
      %dma_start3A_44 = arith.constant 0 : i32
      %dma_start3A_45 = arith.constant 0 : i32
      %dma_start3A_46 = tpu.memref_slice %arg8[%run_scoped3A_5, %dma_start3A_44, %dma_start3A_45] : memref<2x8x128xi32, #tpu.memory_space<vmem>> -> memref<1x8x128xi32, #tpu.memory_space<vmem>>
      %dma_start3A_47 = tpu.memref_squeeze %dma_start3A_46 : memref<1x8x128xi32, #tpu.memory_space<vmem>> -> memref<8x128xi32, #tpu.memory_space<vmem>>
      %dma_start3A_48 = arith.constant 0 : i32
      %dma_start3A_49 = tpu.memref_slice %arg4[%add3A, %run_scoped3A_5, %dma_start3A_48] : memref<32x80x128xi32, #tpu.memory_space<hbm>> -> memref<1x8x128xi32, #tpu.memory_space<hbm>>
      %dma_start3A_50 = tpu.memref_squeeze %dma_start3A_49 : memref<1x8x128xi32, #tpu.memory_space<hbm>> -> memref<8x128xi32, #tpu.memory_space<hbm>>
      tpu.enqueue_dma source(%dma_start3A_50 : memref<8x128xi32, #tpu.memory_space<hbm>>) target(%dma_start3A_47 : memref<8x128xi32, #tpu.memory_space<vmem>>) target_semaphore(%run_scoped3A_36 : memref<!tpu.dma_semaphore, #tpu.memory_space<semaphore_mem>>)
      %dma_wait3A_51 = arith.constant 0 : i32
      %dma_wait3A_52 = arith.constant 0 : i32
      %dma_wait3A_53 = tpu.memref_slice %arg8[%run_scoped3A_5, %dma_wait3A_51, %dma_wait3A_52] : memref<2x8x128xi32, #tpu.memory_space<vmem>> -> memref<1x8x128xi32, #tpu.memory_space<vmem>>
      %dma_wait3A_54 = tpu.memref_squeeze %dma_wait3A_53 : memref<1x8x128xi32, #tpu.memory_space<vmem>> -> memref<8x128xi32, #tpu.memory_space<vmem>>
      %dma_wait3A_55 = arith.constant 0 : i32
      %dma_wait3A_56 = tpu.memref_slice %arg4[%add3A, %run_scoped3A_5, %dma_wait3A_55] : memref<32x80x128xi32, #tpu.memory_space<hbm>> -> memref<1x8x128xi32, #tpu.memory_space<hbm>>
      %dma_wait3A_57 = tpu.memref_squeeze %dma_wait3A_56 : memref<1x8x128xi32, #tpu.memory_space<hbm>> -> memref<8x128xi32, #tpu.memory_space<hbm>>
      %dma_wait3A_58 = arith.constant 0 : i32
      %dma_wait3A_59 = arith.constant 0 : i32
      %dma_wait3A_60 = tpu.memref_slice %arg8[%run_scoped3A_5, %dma_wait3A_58, %dma_wait3A_59] : memref<2x8x128xi32, #tpu.memory_space<vmem>> -> memref<1x8x128xi32, #tpu.memory_space<vmem>>
      %dma_wait3A_61 = tpu.memref_squeeze %dma_wait3A_60 : memref<1x8x128xi32, #tpu.memory_space<vmem>> -> memref<8x128xi32, #tpu.memory_space<vmem>>
      %dma_wait3A_62 = arith.constant 0 : i32
      %dma_wait3A_63 = tpu.memref_slice %arg4[%add3A, %run_scoped3A_5, %dma_wait3A_62] : memref<32x80x128xi32, #tpu.memory_space<hbm>> -> memref<1x8x128xi32, #tpu.memory_space<hbm>>
      %dma_wait3A_64 = tpu.memref_squeeze %dma_wait3A_63 : memref<1x8x128xi32, #tpu.memory_space<hbm>> -> memref<8x128xi32, #tpu.memory_space<hbm>>
      tpu.wait_dma2 semaphore(%run_scoped3A_36 : memref<!tpu.dma_semaphore, #tpu.memory_space<semaphore_mem>>) src(%dma_wait3A_64 : memref<8x128xi32, #tpu.memory_space<hbm>>) dst(%dma_wait3A_61 : memref<8x128xi32, #tpu.memory_space<vmem>>)
      tpu.yield
    }) : () -> ()
    %barrier3A = arith.constant 0 : index
    tpu.barrier barrier_id(%barrier3A)
    %dma_start3A = arith.constant 0 : i32
    %dma_start3A_6 = arith.constant 0 : i32
    %dma_start3A_7 = arith.constant 0 : i32
    %dma_start3A_8 = tpu.memref_slice %arg7[%dma_start3A, %dma_start3A_6, %dma_start3A_7] : memref<2x8x128xi32, #tpu.memory_space<vmem>> -> memref<1x1x128xi32, #tpu.memory_space<vmem>>
    %dma_start3A_9 = tpu.memref_squeeze %dma_start3A_8 : memref<1x1x128xi32, #tpu.memory_space<vmem>> -> memref<128xi32, #tpu.memory_space<vmem>>
    %dma_start3A_10 = arith.constant 0 : i32
    %dma_start3A_11 = arith.constant 0 : i32
    %dma_start3A_12 = tpu.memref_slice %arg2[%dma_start3A_10, %dma_start3A_11] : memref<10000x128xf32, #tpu.memory_space<hbm>> -> memref<10000x128xf32, #tpu.memory_space<hbm>>
    tpu.enqueue_indirect_dma source(%dma_start3A_12 : memref<10000x128xf32, #tpu.memory_space<hbm>>) target(%arg9 : memref<128x128xf32, #tpu.memory_space<vmem>>) offsets(%dma_start3A_9 : memref<128xi32, #tpu.memory_space<vmem>>) semaphore(%arg13 : memref<!tpu.dma_semaphore, #tpu.memory_space<semaphore_mem>>)
    %while3A = arith.constant 0 : i32
    %while3A_13 = arith.constant 0 : i32
    %while3A_14 = arith.constant 0 : i32
    %while3A_15 = arith.constant 10 : i32
    %while3A_16 = arith.subi %while3A_15, %while3A_14 : i32
    %while3A_17 = arith.addi %while3A_14, %while3A_16 : i32
    %while3A_18 = arith.constant 1 : i32
    %while3A_19 = arith.divsi %while3A_16, %while3A_18 : i32
    %while3A_20 = arith.muli %while3A_19, %while3A_18 : i32
    %while3A_21 = arith.addi %while3A_14, %while3A_20 : i32
    %while3A_22 = arith.constant 1 : i32
    scf.for %while3A_36 = %while3A_14 to %while3A_21 step %while3A_22  : i32 {
      %rem3A = arith.constant 2 : i32
      %rem3A_37 = arith.remsi %while3A_36, %rem3A : i32
      %add3A_38 = arith.constant 1 : i32
      %add3A_39 = arith.addi %while3A_36, %add3A_38 : i32
      %rem3A_40 = arith.constant 2 : i32
      %rem3A_41 = arith.remsi %add3A_39, %rem3A_40 : i32
      %add3A_42 = arith.constant 1 : i32
      %add3A_43 = arith.addi %while3A_36, %add3A_42 : i32
      %min3A = arith.constant 9 : i32
      %min3A_44 = arith.minsi %add3A_43, %min3A : i32
      %mul3A_45 = arith.constant 8 : i32
      %mul3A_46 = arith.muli %min3A_44, %mul3A_45 : i32
      %dma_start3A_47 = arith.constant 0 : i32
      %dma_start3A_48 = arith.constant 0 : i32
      %dma_start3A_49 = tpu.memref_slice %arg7[%rem3A_41, %dma_start3A_47, %dma_start3A_48] : memref<2x8x128xi32, #tpu.memory_space<vmem>> -> memref<1x8x128xi32, #tpu.memory_space<vmem>>
      %dma_start3A_50 = tpu.memref_squeeze %dma_start3A_49 : memref<1x8x128xi32, #tpu.memory_space<vmem>> -> memref<8x128xi32, #tpu.memory_space<vmem>>
      %dma_start3A_51 = arith.constant 0 : i32
      %dma_start3A_52 = tpu.memref_slice %arg3[%add3A, %mul3A_46, %dma_start3A_51] : memref<32x80x128xi32, #tpu.memory_space<hbm>> -> memref<1x8x128xi32, #tpu.memory_space<hbm>>
      %dma_start3A_53 = tpu.memref_squeeze %dma_start3A_52 : memref<1x8x128xi32, #tpu.memory_space<hbm>> -> memref<8x128xi32, #tpu.memory_space<hbm>>
      %dma_start3A_54 = arith.constant 0 : i32
      %dma_start3A_55 = arith.constant 0 : i32
      %dma_start3A_56 = tpu.memref_slice %arg7[%rem3A_41, %dma_start3A_54, %dma_start3A_55] : memref<2x8x128xi32, #tpu.memory_space<vmem>> -> memref<1x8x128xi32, #tpu.memory_space<vmem>>
      %dma_start3A_57 = tpu.memref_squeeze %dma_start3A_56 : memref<1x8x128xi32, #tpu.memory_space<vmem>> -> memref<8x128xi32, #tpu.memory_space<vmem>>
      %dma_start3A_58 = arith.constant 0 : i32
      %dma_start3A_59 = tpu.memref_slice %arg3[%add3A, %mul3A_46, %dma_start3A_58] : memref<32x80x128xi32, #tpu.memory_space<hbm>> -> memref<1x8x128xi32, #tpu.memory_space<hbm>>
      %dma_start3A_60 = tpu.memref_squeeze %dma_start3A_59 : memref<1x8x128xi32, #tpu.memory_space<hbm>> -> memref<8x128xi32, #tpu.memory_space<hbm>>
      tpu.enqueue_dma source(%dma_start3A_60 : memref<8x128xi32, #tpu.memory_space<hbm>>) target(%dma_start3A_57 : memref<8x128xi32, #tpu.memory_space<vmem>>) target_semaphore(%arg12 : memref<!tpu.dma_semaphore, #tpu.memory_space<semaphore_mem>>)
      %mul3A_61 = arith.constant 8 : i32
      %mul3A_62 = arith.muli %min3A_44, %mul3A_61 : i32
      %dma_start3A_63 = arith.constant 0 : i32
      %dma_start3A_64 = arith.constant 0 : i32
      %dma_start3A_65 = tpu.memref_slice %arg8[%rem3A_41, %dma_start3A_63, %dma_start3A_64] : memref<2x8x128xi32, #tpu.memory_space<vmem>> -> memref<1x8x128xi32, #tpu.memory_space<vmem>>
      %dma_start3A_66 = tpu.memref_squeeze %dma_start3A_65 : memref<1x8x128xi32, #tpu.memory_space<vmem>> -> memref<8x128xi32, #tpu.memory_space<vmem>>
      %dma_start3A_67 = arith.constant 0 : i32
      %dma_start3A_68 = tpu.memref_slice %arg4[%add3A, %mul3A_62, %dma_start3A_67] : memref<32x80x128xi32, #tpu.memory_space<hbm>> -> memref<1x8x128xi32, #tpu.memory_space<hbm>>
      %dma_start3A_69 = tpu.memref_squeeze %dma_start3A_68 : memref<1x8x128xi32, #tpu.memory_space<hbm>> -> memref<8x128xi32, #tpu.memory_space<hbm>>
      %dma_start3A_70 = arith.constant 0 : i32
      %dma_start3A_71 = arith.constant 0 : i32
      %dma_start3A_72 = tpu.memref_slice %arg8[%rem3A_41, %dma_start3A_70, %dma_start3A_71] : memref<2x8x128xi32, #tpu.memory_space<vmem>> -> memref<1x8x128xi32, #tpu.memory_space<vmem>>
      %dma_start3A_73 = tpu.memref_squeeze %dma_start3A_72 : memref<1x8x128xi32, #tpu.memory_space<vmem>> -> memref<8x128xi32, #tpu.memory_space<vmem>>
      %dma_start3A_74 = arith.constant 0 : i32
      %dma_start3A_75 = tpu.memref_slice %arg4[%add3A, %mul3A_62, %dma_start3A_74] : memref<32x80x128xi32, #tpu.memory_space<hbm>> -> memref<1x8x128xi32, #tpu.memory_space<hbm>>
      %dma_start3A_76 = tpu.memref_squeeze %dma_start3A_75 : memref<1x8x128xi32, #tpu.memory_space<hbm>> -> memref<8x128xi32, #tpu.memory_space<hbm>>
      tpu.enqueue_dma source(%dma_start3A_76 : memref<8x128xi32, #tpu.memory_space<hbm>>) target(%dma_start3A_73 : memref<8x128xi32, #tpu.memory_space<vmem>>) target_semaphore(%arg12 : memref<!tpu.dma_semaphore, #tpu.memory_space<semaphore_mem>>)
      %add3A_77 = arith.constant 0 : i32
      %add3A_78 = arith.constant 1 : i32
      %add3A_79 = arith.addi %add3A_77, %add3A_78 : i32
      %dma_start3A_80 = arith.constant 0 : i32
      %dma_start3A_81 = tpu.memref_slice %arg7[%rem3A_37, %add3A_79, %dma_start3A_80] : memref<2x8x128xi32, #tpu.memory_space<vmem>> -> memref<1x1x128xi32, #tpu.memory_space<vmem>>
      %dma_start3A_82 = tpu.memref_squeeze %dma_start3A_81 : memref<1x1x128xi32, #tpu.memory_space<vmem>> -> memref<128xi32, #tpu.memory_space<vmem>>
      %dma_start3A_83 = arith.constant 0 : i32
      %dma_start3A_84 = arith.constant 0 : i32
      %dma_start3A_85 = tpu.memref_slice %arg2[%dma_start3A_83, %dma_start3A_84] : memref<10000x128xf32, #tpu.memory_space<hbm>> -> memref<10000x128xf32, #tpu.memory_space<hbm>>
      tpu.enqueue_indirect_dma source(%dma_start3A_85 : memref<10000x128xf32, #tpu.memory_space<hbm>>) target(%arg10 : memref<128x128xf32, #tpu.memory_space<vmem>>) offsets(%dma_start3A_82 : memref<128xi32, #tpu.memory_space<vmem>>) semaphore(%arg14 : memref<!tpu.dma_semaphore, #tpu.memory_space<semaphore_mem>>)
      %dma_wait3A_86 = arith.constant 0 : i32
      %dma_wait3A_87 = arith.constant 0 : i32
      %dma_wait3A_88 = tpu.memref_slice %arg7[%rem3A_37, %dma_wait3A_86, %dma_wait3A_87] : memref<2x8x128xi32, #tpu.memory_space<vmem>> -> memref<1x1x128xi32, #tpu.memory_space<vmem>>
      %dma_wait3A_89 = tpu.memref_squeeze %dma_wait3A_88 : memref<1x1x128xi32, #tpu.memory_space<vmem>> -> memref<128xi32, #tpu.memory_space<vmem>>
      %dma_wait3A_90 = arith.constant 0 : i32
      %dma_wait3A_91 = arith.constant 0 : i32
      %dma_wait3A_92 = tpu.memref_slice %arg2[%dma_wait3A_90, %dma_wait3A_91] : memref<10000x128xf32, #tpu.memory_space<hbm>> -> memref<10000x128xf32, #tpu.memory_space<hbm>>
      tpu.wait_indirect_dma semaphore(%arg13 : memref<!tpu.dma_semaphore, #tpu.memory_space<semaphore_mem>>) src(%dma_wait3A_92 : memref<10000x128xf32, #tpu.memory_space<hbm>>) dst(%arg9 : memref<128x128xf32, #tpu.memory_space<vmem>>)
      %run_scoped3A_93 = arith.constant 0 : i32
      "tpu.region"() ({
        %run_scoped3A_258 = tpu.sem_alloc : memref<!tpu.dma_semaphore, #tpu.memory_space<semaphore_mem>>
        %dma_start3A_259 = arith.constant 0 : i32
        %dma_start3A_260 = tpu.memref_slice %arg8[%rem3A_37, %run_scoped3A_93, %dma_start3A_259] : memref<2x8x128xi32, #tpu.memory_space<vmem>> -> memref<1x1x128xi32, #tpu.memory_space<vmem>>
        %dma_start3A_261 = tpu.memref_squeeze %dma_start3A_260 : memref<1x1x128xi32, #tpu.memory_space<vmem>> -> memref<128xi32, #tpu.memory_space<vmem>>
        %dma_start3A_262 = arith.constant 0 : i32
        %dma_start3A_263 = arith.constant 0 : i32
        %dma_start3A_264 = tpu.memref_slice %arg11[%dma_start3A_262, %dma_start3A_263] : memref<10112x128xf32, #tpu.memory_space<vmem_shared>> -> memref<10112x128xf32, #tpu.memory_space<vmem_shared>>
        tpu.enqueue_indirect_dma source(%arg9 : memref<128x128xf32, #tpu.memory_space<vmem>>) target(%dma_start3A_264 : memref<10112x128xf32, #tpu.memory_space<vmem_shared>>) offsets(%dma_start3A_261 : memref<128xi32, #tpu.memory_space<vmem>>) semaphore(%run_scoped3A_258 : memref<!tpu.dma_semaphore, #tpu.memory_space<semaphore_mem>>) {add = true}
        %dma_wait3A_265 = arith.constant 0 : i32
        %dma_wait3A_266 = tpu.memref_slice %arg8[%rem3A_37, %run_scoped3A_93, %dma_wait3A_265] : memref<2x8x128xi32, #tpu.memory_space<vmem>> -> memref<1x1x128xi32, #tpu.memory_space<vmem>>
        %dma_wait3A_267 = tpu.memref_squeeze %dma_wait3A_266 : memref<1x1x128xi32, #tpu.memory_space<vmem>> -> memref<128xi32, #tpu.memory_space<vmem>>
        %dma_wait3A_268 = arith.constant 0 : i32
        %dma_wait3A_269 = arith.constant 0 : i32
        %dma_wait3A_270 = tpu.memref_slice %arg11[%dma_wait3A_268, %dma_wait3A_269] : memref<10112x128xf32, #tpu.memory_space<vmem_shared>> -> memref<10112x128xf32, #tpu.memory_space<vmem_shared>>
        tpu.wait_indirect_dma semaphore(%run_scoped3A_258 : memref<!tpu.dma_semaphore, #tpu.memory_space<semaphore_mem>>) src(%arg9 : memref<128x128xf32, #tpu.memory_space<vmem>>) dst(%dma_wait3A_270 : memref<10112x128xf32, #tpu.memory_space<vmem_shared>>)
        tpu.yield
      }) : () -> ()
      %add3A_94 = arith.constant 0 : i32
      %add3A_95 = arith.constant 2 : i32
      %add3A_96 = arith.addi %add3A_94, %add3A_95 : i32
      %dma_start3A_97 = arith.constant 0 : i32
      %dma_start3A_98 = tpu.memref_slice %arg7[%rem3A_37, %add3A_96, %dma_start3A_97] : memref<2x8x128xi32, #tpu.memory_space<vmem>> -> memref<1x1x128xi32, #tpu.memory_space<vmem>>
      %dma_start3A_99 = tpu.memref_squeeze %dma_start3A_98 : memref<1x1x128xi32, #tpu.memory_space<vmem>> -> memref<128xi32, #tpu.memory_space<vmem>>
      %dma_start3A_100 = arith.constant 0 : i32
      %dma_start3A_101 = arith.constant 0 : i32
      %dma_start3A_102 = tpu.memref_slice %arg2[%dma_start3A_100, %dma_start3A_101] : memref<10000x128xf32, #tpu.memory_space<hbm>> -> memref<10000x128xf32, #tpu.memory_space<hbm>>
      tpu.enqueue_indirect_dma source(%dma_start3A_102 : memref<10000x128xf32, #tpu.memory_space<hbm>>) target(%arg9 : memref<128x128xf32, #tpu.memory_space<vmem>>) offsets(%dma_start3A_99 : memref<128xi32, #tpu.memory_space<vmem>>) semaphore(%arg13 : memref<!tpu.dma_semaphore, #tpu.memory_space<semaphore_mem>>)
      %add3A_103 = arith.constant 0 : i32
      %add3A_104 = arith.constant 1 : i32
      %add3A_105 = arith.addi %add3A_103, %add3A_104 : i32
      %dma_wait3A_106 = arith.constant 0 : i32
      %dma_wait3A_107 = tpu.memref_slice %arg7[%rem3A_37, %add3A_105, %dma_wait3A_106] : memref<2x8x128xi32, #tpu.memory_space<vmem>> -> memref<1x1x128xi32, #tpu.memory_space<vmem>>
      %dma_wait3A_108 = tpu.memref_squeeze %dma_wait3A_107 : memref<1x1x128xi32, #tpu.memory_space<vmem>> -> memref<128xi32, #tpu.memory_space<vmem>>
      %dma_wait3A_109 = arith.constant 0 : i32
      %dma_wait3A_110 = arith.constant 0 : i32
      %dma_wait3A_111 = tpu.memref_slice %arg2[%dma_wait3A_109, %dma_wait3A_110] : memref<10000x128xf32, #tpu.memory_space<hbm>> -> memref<10000x128xf32, #tpu.memory_space<hbm>>
      tpu.wait_indirect_dma semaphore(%arg14 : memref<!tpu.dma_semaphore, #tpu.memory_space<semaphore_mem>>) src(%dma_wait3A_111 : memref<10000x128xf32, #tpu.memory_space<hbm>>) dst(%arg10 : memref<128x128xf32, #tpu.memory_space<vmem>>)
      %add3A_112 = arith.constant 0 : i32
      %add3A_113 = arith.constant 1 : i32
      %add3A_114 = arith.addi %add3A_112, %add3A_113 : i32
      "tpu.region"() ({
        %run_scoped3A_258 = tpu.sem_alloc : memref<!tpu.dma_semaphore, #tpu.memory_space<semaphore_mem>>
        %dma_start3A_259 = arith.constant 0 : i32
        %dma_start3A_260 = tpu.memref_slice %arg8[%rem3A_37, %add3A_114, %dma_start3A_259] : memref<2x8x128xi32, #tpu.memory_space<vmem>> -> memref<1x1x128xi32, #tpu.memory_space<vmem>>
        %dma_start3A_261 = tpu.memref_squeeze %dma_start3A_260 : memref<1x1x128xi32, #tpu.memory_space<vmem>> -> memref<128xi32, #tpu.memory_space<vmem>>
        %dma_start3A_262 = arith.constant 0 : i32
        %dma_start3A_263 = arith.constant 0 : i32
        %dma_start3A_264 = tpu.memref_slice %arg11[%dma_start3A_262, %dma_start3A_263] : memref<10112x128xf32, #tpu.memory_space<vmem_shared>> -> memref<10112x128xf32, #tpu.memory_space<vmem_shared>>
        tpu.enqueue_indirect_dma source(%arg10 : memref<128x128xf32, #tpu.memory_space<vmem>>) target(%dma_start3A_264 : memref<10112x128xf32, #tpu.memory_space<vmem_shared>>) offsets(%dma_start3A_261 : memref<128xi32, #tpu.memory_space<vmem>>) semaphore(%run_scoped3A_258 : memref<!tpu.dma_semaphore, #tpu.memory_space<semaphore_mem>>) {add = true}
        %dma_wait3A_265 = arith.constant 0 : i32
        %dma_wait3A_266 = tpu.memref_slice %arg8[%rem3A_37, %add3A_114, %dma_wait3A_265] : memref<2x8x128xi32, #tpu.memory_space<vmem>> -> memref<1x1x128xi32, #tpu.memory_space<vmem>>
        %dma_wait3A_267 = tpu.memref_squeeze %dma_wait3A_266 : memref<1x1x128xi32, #tpu.memory_space<vmem>> -> memref<128xi32, #tpu.memory_space<vmem>>
        %dma_wait3A_268 = arith.constant 0 : i32
        %dma_wait3A_269 = arith.constant 0 : i32
        %dma_wait3A_270 = tpu.memref_slice %arg11[%dma_wait3A_268, %dma_wait3A_269] : memref<10112x128xf32, #tpu.memory_space<vmem_shared>> -> memref<10112x128xf32, #tpu.memory_space<vmem_shared>>
        tpu.wait_indirect_dma semaphore(%run_scoped3A_258 : memref<!tpu.dma_semaphore, #tpu.memory_space<semaphore_mem>>) src(%arg10 : memref<128x128xf32, #tpu.memory_space<vmem>>) dst(%dma_wait3A_270 : memref<10112x128xf32, #tpu.memory_space<vmem_shared>>)
        tpu.yield
      }) : () -> ()
      %add3A_115 = arith.constant 2 : i32
      %add3A_116 = arith.constant 1 : i32
      %add3A_117 = arith.addi %add3A_115, %add3A_116 : i32
      %dma_start3A_118 = arith.constant 0 : i32
      %dma_start3A_119 = tpu.memref_slice %arg7[%rem3A_37, %add3A_117, %dma_start3A_118] : memref<2x8x128xi32, #tpu.memory_space<vmem>> -> memref<1x1x128xi32, #tpu.memory_space<vmem>>
      %dma_start3A_120 = tpu.memref_squeeze %dma_start3A_119 : memref<1x1x128xi32, #tpu.memory_space<vmem>> -> memref<128xi32, #tpu.memory_space<vmem>>
      %dma_start3A_121 = arith.constant 0 : i32
      %dma_start3A_122 = arith.constant 0 : i32
      %dma_start3A_123 = tpu.memref_slice %arg2[%dma_start3A_121, %dma_start3A_122] : memref<10000x128xf32, #tpu.memory_space<hbm>> -> memref<10000x128xf32, #tpu.memory_space<hbm>>
      tpu.enqueue_indirect_dma source(%dma_start3A_123 : memref<10000x128xf32, #tpu.memory_space<hbm>>) target(%arg10 : memref<128x128xf32, #tpu.memory_space<vmem>>) offsets(%dma_start3A_120 : memref<128xi32, #tpu.memory_space<vmem>>) semaphore(%arg14 : memref<!tpu.dma_semaphore, #tpu.memory_space<semaphore_mem>>)
      %dma_wait3A_124 = arith.constant 2 : i32
      %dma_wait3A_125 = arith.constant 0 : i32
      %dma_wait3A_126 = tpu.memref_slice %arg7[%rem3A_37, %dma_wait3A_124, %dma_wait3A_125] : memref<2x8x128xi32, #tpu.memory_space<vmem>> -> memref<1x1x128xi32, #tpu.memory_space<vmem>>
      %dma_wait3A_127 = tpu.memref_squeeze %dma_wait3A_126 : memref<1x1x128xi32, #tpu.memory_space<vmem>> -> memref<128xi32, #tpu.memory_space<vmem>>
      %dma_wait3A_128 = arith.constant 0 : i32
      %dma_wait3A_129 = arith.constant 0 : i32
      %dma_wait3A_130 = tpu.memref_slice %arg2[%dma_wait3A_128, %dma_wait3A_129] : memref<10000x128xf32, #tpu.memory_space<hbm>> -> memref<10000x128xf32, #tpu.memory_space<hbm>>
      tpu.wait_indirect_dma semaphore(%arg13 : memref<!tpu.dma_semaphore, #tpu.memory_space<semaphore_mem>>) src(%dma_wait3A_130 : memref<10000x128xf32, #tpu.memory_space<hbm>>) dst(%arg9 : memref<128x128xf32, #tpu.memory_space<vmem>>)
      %run_scoped3A_131 = arith.constant 2 : i32
      "tpu.region"() ({
        %run_scoped3A_258 = tpu.sem_alloc : memref<!tpu.dma_semaphore, #tpu.memory_space<semaphore_mem>>
        %dma_start3A_259 = arith.constant 0 : i32
        %dma_start3A_260 = tpu.memref_slice %arg8[%rem3A_37, %run_scoped3A_131, %dma_start3A_259] : memref<2x8x128xi32, #tpu.memory_space<vmem>> -> memref<1x1x128xi32, #tpu.memory_space<vmem>>
        %dma_start3A_261 = tpu.memref_squeeze %dma_start3A_260 : memref<1x1x128xi32, #tpu.memory_space<vmem>> -> memref<128xi32, #tpu.memory_space<vmem>>
        %dma_start3A_262 = arith.constant 0 : i32
        %dma_start3A_263 = arith.constant 0 : i32
        %dma_start3A_264 = tpu.memref_slice %arg11[%dma_start3A_262, %dma_start3A_263] : memref<10112x128xf32, #tpu.memory_space<vmem_shared>> -> memref<10112x128xf32, #tpu.memory_space<vmem_shared>>
        tpu.enqueue_indirect_dma source(%arg9 : memref<128x128xf32, #tpu.memory_space<vmem>>) target(%dma_start3A_264 : memref<10112x128xf32, #tpu.memory_space<vmem_shared>>) offsets(%dma_start3A_261 : memref<128xi32, #tpu.memory_space<vmem>>) semaphore(%run_scoped3A_258 : memref<!tpu.dma_semaphore, #tpu.memory_space<semaphore_mem>>) {add = true}
        %dma_wait3A_265 = arith.constant 0 : i32
        %dma_wait3A_266 = tpu.memref_slice %arg8[%rem3A_37, %run_scoped3A_131, %dma_wait3A_265] : memref<2x8x128xi32, #tpu.memory_space<vmem>> -> memref<1x1x128xi32, #tpu.memory_space<vmem>>
        %dma_wait3A_267 = tpu.memref_squeeze %dma_wait3A_266 : memref<1x1x128xi32, #tpu.memory_space<vmem>> -> memref<128xi32, #tpu.memory_space<vmem>>
        %dma_wait3A_268 = arith.constant 0 : i32
        %dma_wait3A_269 = arith.constant 0 : i32
        %dma_wait3A_270 = tpu.memref_slice %arg11[%dma_wait3A_268, %dma_wait3A_269] : memref<10112x128xf32, #tpu.memory_space<vmem_shared>> -> memref<10112x128xf32, #tpu.memory_space<vmem_shared>>
        tpu.wait_indirect_dma semaphore(%run_scoped3A_258 : memref<!tpu.dma_semaphore, #tpu.memory_space<semaphore_mem>>) src(%arg9 : memref<128x128xf32, #tpu.memory_space<vmem>>) dst(%dma_wait3A_270 : memref<10112x128xf32, #tpu.memory_space<vmem_shared>>)
        tpu.yield
      }) : () -> ()
      %add3A_132 = arith.constant 2 : i32
      %add3A_133 = arith.constant 2 : i32
      %add3A_134 = arith.addi %add3A_132, %add3A_133 : i32
      %dma_start3A_135 = arith.constant 0 : i32
      %dma_start3A_136 = tpu.memref_slice %arg7[%rem3A_37, %add3A_134, %dma_start3A_135] : memref<2x8x128xi32, #tpu.memory_space<vmem>> -> memref<1x1x128xi32, #tpu.memory_space<vmem>>
      %dma_start3A_137 = tpu.memref_squeeze %dma_start3A_136 : memref<1x1x128xi32, #tpu.memory_space<vmem>> -> memref<128xi32, #tpu.memory_space<vmem>>
      %dma_start3A_138 = arith.constant 0 : i32
      %dma_start3A_139 = arith.constant 0 : i32
      %dma_start3A_140 = tpu.memref_slice %arg2[%dma_start3A_138, %dma_start3A_139] : memref<10000x128xf32, #tpu.memory_space<hbm>> -> memref<10000x128xf32, #tpu.memory_space<hbm>>
      tpu.enqueue_indirect_dma source(%dma_start3A_140 : memref<10000x128xf32, #tpu.memory_space<hbm>>) target(%arg9 : memref<128x128xf32, #tpu.memory_space<vmem>>) offsets(%dma_start3A_137 : memref<128xi32, #tpu.memory_space<vmem>>) semaphore(%arg13 : memref<!tpu.dma_semaphore, #tpu.memory_space<semaphore_mem>>)
      %add3A_141 = arith.constant 2 : i32
      %add3A_142 = arith.constant 1 : i32
      %add3A_143 = arith.addi %add3A_141, %add3A_142 : i32
      %dma_wait3A_144 = arith.constant 0 : i32
      %dma_wait3A_145 = tpu.memref_slice %arg7[%rem3A_37, %add3A_143, %dma_wait3A_144] : memref<2x8x128xi32, #tpu.memory_space<vmem>> -> memref<1x1x128xi32, #tpu.memory_space<vmem>>
      %dma_wait3A_146 = tpu.memref_squeeze %dma_wait3A_145 : memref<1x1x128xi32, #tpu.memory_space<vmem>> -> memref<128xi32, #tpu.memory_space<vmem>>
      %dma_wait3A_147 = arith.constant 0 : i32
      %dma_wait3A_148 = arith.constant 0 : i32
      %dma_wait3A_149 = tpu.memref_slice %arg2[%dma_wait3A_147, %dma_wait3A_148] : memref<10000x128xf32, #tpu.memory_space<hbm>> -> memref<10000x128xf32, #tpu.memory_space<hbm>>
      tpu.wait_indirect_dma semaphore(%arg14 : memref<!tpu.dma_semaphore, #tpu.memory_space<semaphore_mem>>) src(%dma_wait3A_149 : memref<10000x128xf32, #tpu.memory_space<hbm>>) dst(%arg10 : memref<128x128xf32, #tpu.memory_space<vmem>>)
      %add3A_150 = arith.constant 2 : i32
      %add3A_151 = arith.constant 1 : i32
      %add3A_152 = arith.addi %add3A_150, %add3A_151 : i32
      "tpu.region"() ({
        %run_scoped3A_258 = tpu.sem_alloc : memref<!tpu.dma_semaphore, #tpu.memory_space<semaphore_mem>>
        %dma_start3A_259 = arith.constant 0 : i32
        %dma_start3A_260 = tpu.memref_slice %arg8[%rem3A_37, %add3A_152, %dma_start3A_259] : memref<2x8x128xi32, #tpu.memory_space<vmem>> -> memref<1x1x128xi32, #tpu.memory_space<vmem>>
        %dma_start3A_261 = tpu.memref_squeeze %dma_start3A_260 : memref<1x1x128xi32, #tpu.memory_space<vmem>> -> memref<128xi32, #tpu.memory_space<vmem>>
        %dma_start3A_262 = arith.constant 0 : i32
        %dma_start3A_263 = arith.constant 0 : i32
        %dma_start3A_264 = tpu.memref_slice %arg11[%dma_start3A_262, %dma_start3A_263] : memref<10112x128xf32, #tpu.memory_space<vmem_shared>> -> memref<10112x128xf32, #tpu.memory_space<vmem_shared>>
        tpu.enqueue_indirect_dma source(%arg10 : memref<128x128xf32, #tpu.memory_space<vmem>>) target(%dma_start3A_264 : memref<10112x128xf32, #tpu.memory_space<vmem_shared>>) offsets(%dma_start3A_261 : memref<128xi32, #tpu.memory_space<vmem>>) semaphore(%run_scoped3A_258 : memref<!tpu.dma_semaphore, #tpu.memory_space<semaphore_mem>>) {add = true}
        %dma_wait3A_265 = arith.constant 0 : i32
        %dma_wait3A_266 = tpu.memref_slice %arg8[%rem3A_37, %add3A_152, %dma_wait3A_265] : memref<2x8x128xi32, #tpu.memory_space<vmem>> -> memref<1x1x128xi32, #tpu.memory_space<vmem>>
        %dma_wait3A_267 = tpu.memref_squeeze %dma_wait3A_266 : memref<1x1x128xi32, #tpu.memory_space<vmem>> -> memref<128xi32, #tpu.memory_space<vmem>>
        %dma_wait3A_268 = arith.constant 0 : i32
        %dma_wait3A_269 = arith.constant 0 : i32
        %dma_wait3A_270 = tpu.memref_slice %arg11[%dma_wait3A_268, %dma_wait3A_269] : memref<10112x128xf32, #tpu.memory_space<vmem_shared>> -> memref<10112x128xf32, #tpu.memory_space<vmem_shared>>
        tpu.wait_indirect_dma semaphore(%run_scoped3A_258 : memref<!tpu.dma_semaphore, #tpu.memory_space<semaphore_mem>>) src(%arg10 : memref<128x128xf32, #tpu.memory_space<vmem>>) dst(%dma_wait3A_270 : memref<10112x128xf32, #tpu.memory_space<vmem_shared>>)
        tpu.yield
      }) : () -> ()
      %add3A_153 = arith.constant 4 : i32
      %add3A_154 = arith.constant 1 : i32
      %add3A_155 = arith.addi %add3A_153, %add3A_154 : i32
      %dma_start3A_156 = arith.constant 0 : i32
      %dma_start3A_157 = tpu.memref_slice %arg7[%rem3A_37, %add3A_155, %dma_start3A_156] : memref<2x8x128xi32, #tpu.memory_space<vmem>> -> memref<1x1x128xi32, #tpu.memory_space<vmem>>
      %dma_start3A_158 = tpu.memref_squeeze %dma_start3A_157 : memref<1x1x128xi32, #tpu.memory_space<vmem>> -> memref<128xi32, #tpu.memory_space<vmem>>
      %dma_start3A_159 = arith.constant 0 : i32
      %dma_start3A_160 = arith.constant 0 : i32
      %dma_start3A_161 = tpu.memref_slice %arg2[%dma_start3A_159, %dma_start3A_160] : memref<10000x128xf32, #tpu.memory_space<hbm>> -> memref<10000x128xf32, #tpu.memory_space<hbm>>
      tpu.enqueue_indirect_dma source(%dma_start3A_161 : memref<10000x128xf32, #tpu.memory_space<hbm>>) target(%arg10 : memref<128x128xf32, #tpu.memory_space<vmem>>) offsets(%dma_start3A_158 : memref<128xi32, #tpu.memory_space<vmem>>) semaphore(%arg14 : memref<!tpu.dma_semaphore, #tpu.memory_space<semaphore_mem>>)
      %dma_wait3A_162 = arith.constant 4 : i32
      %dma_wait3A_163 = arith.constant 0 : i32
      %dma_wait3A_164 = tpu.memref_slice %arg7[%rem3A_37, %dma_wait3A_162, %dma_wait3A_163] : memref<2x8x128xi32, #tpu.memory_space<vmem>> -> memref<1x1x128xi32, #tpu.memory_space<vmem>>
      %dma_wait3A_165 = tpu.memref_squeeze %dma_wait3A_164 : memref<1x1x128xi32, #tpu.memory_space<vmem>> -> memref<128xi32, #tpu.memory_space<vmem>>
      %dma_wait3A_166 = arith.constant 0 : i32
      %dma_wait3A_167 = arith.constant 0 : i32
      %dma_wait3A_168 = tpu.memref_slice %arg2[%dma_wait3A_166, %dma_wait3A_167] : memref<10000x128xf32, #tpu.memory_space<hbm>> -> memref<10000x128xf32, #tpu.memory_space<hbm>>
      tpu.wait_indirect_dma semaphore(%arg13 : memref<!tpu.dma_semaphore, #tpu.memory_space<semaphore_mem>>) src(%dma_wait3A_168 : memref<10000x128xf32, #tpu.memory_space<hbm>>) dst(%arg9 : memref<128x128xf32, #tpu.memory_space<vmem>>)
      %run_scoped3A_169 = arith.constant 4 : i32
      "tpu.region"() ({
        %run_scoped3A_258 = tpu.sem_alloc : memref<!tpu.dma_semaphore, #tpu.memory_space<semaphore_mem>>
        %dma_start3A_259 = arith.constant 0 : i32
        %dma_start3A_260 = tpu.memref_slice %arg8[%rem3A_37, %run_scoped3A_169, %dma_start3A_259] : memref<2x8x128xi32, #tpu.memory_space<vmem>> -> memref<1x1x128xi32, #tpu.memory_space<vmem>>
        %dma_start3A_261 = tpu.memref_squeeze %dma_start3A_260 : memref<1x1x128xi32, #tpu.memory_space<vmem>> -> memref<128xi32, #tpu.memory_space<vmem>>
        %dma_start3A_262 = arith.constant 0 : i32
        %dma_start3A_263 = arith.constant 0 : i32
        %dma_start3A_264 = tpu.memref_slice %arg11[%dma_start3A_262, %dma_start3A_263] : memref<10112x128xf32, #tpu.memory_space<vmem_shared>> -> memref<10112x128xf32, #tpu.memory_space<vmem_shared>>
        tpu.enqueue_indirect_dma source(%arg9 : memref<128x128xf32, #tpu.memory_space<vmem>>) target(%dma_start3A_264 : memref<10112x128xf32, #tpu.memory_space<vmem_shared>>) offsets(%dma_start3A_261 : memref<128xi32, #tpu.memory_space<vmem>>) semaphore(%run_scoped3A_258 : memref<!tpu.dma_semaphore, #tpu.memory_space<semaphore_mem>>) {add = true}
        %dma_wait3A_265 = arith.constant 0 : i32
        %dma_wait3A_266 = tpu.memref_slice %arg8[%rem3A_37, %run_scoped3A_169, %dma_wait3A_265] : memref<2x8x128xi32, #tpu.memory_space<vmem>> -> memref<1x1x128xi32, #tpu.memory_space<vmem>>
        %dma_wait3A_267 = tpu.memref_squeeze %dma_wait3A_266 : memref<1x1x128xi32, #tpu.memory_space<vmem>> -> memref<128xi32, #tpu.memory_space<vmem>>
        %dma_wait3A_268 = arith.constant 0 : i32
        %dma_wait3A_269 = arith.constant 0 : i32
        %dma_wait3A_270 = tpu.memref_slice %arg11[%dma_wait3A_268, %dma_wait3A_269] : memref<10112x128xf32, #tpu.memory_space<vmem_shared>> -> memref<10112x128xf32, #tpu.memory_space<vmem_shared>>
        tpu.wait_indirect_dma semaphore(%run_scoped3A_258 : memref<!tpu.dma_semaphore, #tpu.memory_space<semaphore_mem>>) src(%arg9 : memref<128x128xf32, #tpu.memory_space<vmem>>) dst(%dma_wait3A_270 : memref<10112x128xf32, #tpu.memory_space<vmem_shared>>)
        tpu.yield
      }) : () -> ()
      %add3A_170 = arith.constant 4 : i32
      %add3A_171 = arith.constant 2 : i32
      %add3A_172 = arith.addi %add3A_170, %add3A_171 : i32
      %dma_start3A_173 = arith.constant 0 : i32
      %dma_start3A_174 = tpu.memref_slice %arg7[%rem3A_37, %add3A_172, %dma_start3A_173] : memref<2x8x128xi32, #tpu.memory_space<vmem>> -> memref<1x1x128xi32, #tpu.memory_space<vmem>>
      %dma_start3A_175 = tpu.memref_squeeze %dma_start3A_174 : memref<1x1x128xi32, #tpu.memory_space<vmem>> -> memref<128xi32, #tpu.memory_space<vmem>>
      %dma_start3A_176 = arith.constant 0 : i32
      %dma_start3A_177 = arith.constant 0 : i32
      %dma_start3A_178 = tpu.memref_slice %arg2[%dma_start3A_176, %dma_start3A_177] : memref<10000x128xf32, #tpu.memory_space<hbm>> -> memref<10000x128xf32, #tpu.memory_space<hbm>>
      tpu.enqueue_indirect_dma source(%dma_start3A_178 : memref<10000x128xf32, #tpu.memory_space<hbm>>) target(%arg9 : memref<128x128xf32, #tpu.memory_space<vmem>>) offsets(%dma_start3A_175 : memref<128xi32, #tpu.memory_space<vmem>>) semaphore(%arg13 : memref<!tpu.dma_semaphore, #tpu.memory_space<semaphore_mem>>)
      %add3A_179 = arith.constant 4 : i32
      %add3A_180 = arith.constant 1 : i32
      %add3A_181 = arith.addi %add3A_179, %add3A_180 : i32
      %dma_wait3A_182 = arith.constant 0 : i32
      %dma_wait3A_183 = tpu.memref_slice %arg7[%rem3A_37, %add3A_181, %dma_wait3A_182] : memref<2x8x128xi32, #tpu.memory_space<vmem>> -> memref<1x1x128xi32, #tpu.memory_space<vmem>>
      %dma_wait3A_184 = tpu.memref_squeeze %dma_wait3A_183 : memref<1x1x128xi32, #tpu.memory_space<vmem>> -> memref<128xi32, #tpu.memory_space<vmem>>
      %dma_wait3A_185 = arith.constant 0 : i32
      %dma_wait3A_186 = arith.constant 0 : i32
      %dma_wait3A_187 = tpu.memref_slice %arg2[%dma_wait3A_185, %dma_wait3A_186] : memref<10000x128xf32, #tpu.memory_space<hbm>> -> memref<10000x128xf32, #tpu.memory_space<hbm>>
      tpu.wait_indirect_dma semaphore(%arg14 : memref<!tpu.dma_semaphore, #tpu.memory_space<semaphore_mem>>) src(%dma_wait3A_187 : memref<10000x128xf32, #tpu.memory_space<hbm>>) dst(%arg10 : memref<128x128xf32, #tpu.memory_space<vmem>>)
      %add3A_188 = arith.constant 4 : i32
      %add3A_189 = arith.constant 1 : i32
      %add3A_190 = arith.addi %add3A_188, %add3A_189 : i32
      "tpu.region"() ({
        %run_scoped3A_258 = tpu.sem_alloc : memref<!tpu.dma_semaphore, #tpu.memory_space<semaphore_mem>>
        %dma_start3A_259 = arith.constant 0 : i32
        %dma_start3A_260 = tpu.memref_slice %arg8[%rem3A_37, %add3A_190, %dma_start3A_259] : memref<2x8x128xi32, #tpu.memory_space<vmem>> -> memref<1x1x128xi32, #tpu.memory_space<vmem>>
        %dma_start3A_261 = tpu.memref_squeeze %dma_start3A_260 : memref<1x1x128xi32, #tpu.memory_space<vmem>> -> memref<128xi32, #tpu.memory_space<vmem>>
        %dma_start3A_262 = arith.constant 0 : i32
        %dma_start3A_263 = arith.constant 0 : i32
        %dma_start3A_264 = tpu.memref_slice %arg11[%dma_start3A_262, %dma_start3A_263] : memref<10112x128xf32, #tpu.memory_space<vmem_shared>> -> memref<10112x128xf32, #tpu.memory_space<vmem_shared>>
        tpu.enqueue_indirect_dma source(%arg10 : memref<128x128xf32, #tpu.memory_space<vmem>>) target(%dma_start3A_264 : memref<10112x128xf32, #tpu.memory_space<vmem_shared>>) offsets(%dma_start3A_261 : memref<128xi32, #tpu.memory_space<vmem>>) semaphore(%run_scoped3A_258 : memref<!tpu.dma_semaphore, #tpu.memory_space<semaphore_mem>>) {add = true}
        %dma_wait3A_265 = arith.constant 0 : i32
        %dma_wait3A_266 = tpu.memref_slice %arg8[%rem3A_37, %add3A_190, %dma_wait3A_265] : memref<2x8x128xi32, #tpu.memory_space<vmem>> -> memref<1x1x128xi32, #tpu.memory_space<vmem>>
        %dma_wait3A_267 = tpu.memref_squeeze %dma_wait3A_266 : memref<1x1x128xi32, #tpu.memory_space<vmem>> -> memref<128xi32, #tpu.memory_space<vmem>>
        %dma_wait3A_268 = arith.constant 0 : i32
        %dma_wait3A_269 = arith.constant 0 : i32
        %dma_wait3A_270 = tpu.memref_slice %arg11[%dma_wait3A_268, %dma_wait3A_269] : memref<10112x128xf32, #tpu.memory_space<vmem_shared>> -> memref<10112x128xf32, #tpu.memory_space<vmem_shared>>
        tpu.wait_indirect_dma semaphore(%run_scoped3A_258 : memref<!tpu.dma_semaphore, #tpu.memory_space<semaphore_mem>>) src(%arg10 : memref<128x128xf32, #tpu.memory_space<vmem>>) dst(%dma_wait3A_270 : memref<10112x128xf32, #tpu.memory_space<vmem_shared>>)
        tpu.yield
      }) : () -> ()
      %add3A_191 = arith.constant 6 : i32
      %add3A_192 = arith.constant 1 : i32
      %add3A_193 = arith.addi %add3A_191, %add3A_192 : i32
      %dma_start3A_194 = arith.constant 0 : i32
      %dma_start3A_195 = tpu.memref_slice %arg7[%rem3A_37, %add3A_193, %dma_start3A_194] : memref<2x8x128xi32, #tpu.memory_space<vmem>> -> memref<1x1x128xi32, #tpu.memory_space<vmem>>
      %dma_start3A_196 = tpu.memref_squeeze %dma_start3A_195 : memref<1x1x128xi32, #tpu.memory_space<vmem>> -> memref<128xi32, #tpu.memory_space<vmem>>
      %dma_start3A_197 = arith.constant 0 : i32
      %dma_start3A_198 = arith.constant 0 : i32
      %dma_start3A_199 = tpu.memref_slice %arg2[%dma_start3A_197, %dma_start3A_198] : memref<10000x128xf32, #tpu.memory_space<hbm>> -> memref<10000x128xf32, #tpu.memory_space<hbm>>
      tpu.enqueue_indirect_dma source(%dma_start3A_199 : memref<10000x128xf32, #tpu.memory_space<hbm>>) target(%arg10 : memref<128x128xf32, #tpu.memory_space<vmem>>) offsets(%dma_start3A_196 : memref<128xi32, #tpu.memory_space<vmem>>) semaphore(%arg14 : memref<!tpu.dma_semaphore, #tpu.memory_space<semaphore_mem>>)
      %dma_wait3A_200 = arith.constant 6 : i32
      %dma_wait3A_201 = arith.constant 0 : i32
      %dma_wait3A_202 = tpu.memref_slice %arg7[%rem3A_37, %dma_wait3A_200, %dma_wait3A_201] : memref<2x8x128xi32, #tpu.memory_space<vmem>> -> memref<1x1x128xi32, #tpu.memory_space<vmem>>
      %dma_wait3A_203 = tpu.memref_squeeze %dma_wait3A_202 : memref<1x1x128xi32, #tpu.memory_space<vmem>> -> memref<128xi32, #tpu.memory_space<vmem>>
      %dma_wait3A_204 = arith.constant 0 : i32
      %dma_wait3A_205 = arith.constant 0 : i32
      %dma_wait3A_206 = tpu.memref_slice %arg2[%dma_wait3A_204, %dma_wait3A_205] : memref<10000x128xf32, #tpu.memory_space<hbm>> -> memref<10000x128xf32, #tpu.memory_space<hbm>>
      tpu.wait_indirect_dma semaphore(%arg13 : memref<!tpu.dma_semaphore, #tpu.memory_space<semaphore_mem>>) src(%dma_wait3A_206 : memref<10000x128xf32, #tpu.memory_space<hbm>>) dst(%arg9 : memref<128x128xf32, #tpu.memory_space<vmem>>)
      %run_scoped3A_207 = arith.constant 6 : i32
      "tpu.region"() ({
        %run_scoped3A_258 = tpu.sem_alloc : memref<!tpu.dma_semaphore, #tpu.memory_space<semaphore_mem>>
        %dma_start3A_259 = arith.constant 0 : i32
        %dma_start3A_260 = tpu.memref_slice %arg8[%rem3A_37, %run_scoped3A_207, %dma_start3A_259] : memref<2x8x128xi32, #tpu.memory_space<vmem>> -> memref<1x1x128xi32, #tpu.memory_space<vmem>>
        %dma_start3A_261 = tpu.memref_squeeze %dma_start3A_260 : memref<1x1x128xi32, #tpu.memory_space<vmem>> -> memref<128xi32, #tpu.memory_space<vmem>>
        %dma_start3A_262 = arith.constant 0 : i32
        %dma_start3A_263 = arith.constant 0 : i32
        %dma_start3A_264 = tpu.memref_slice %arg11[%dma_start3A_262, %dma_start3A_263] : memref<10112x128xf32, #tpu.memory_space<vmem_shared>> -> memref<10112x128xf32, #tpu.memory_space<vmem_shared>>
        tpu.enqueue_indirect_dma source(%arg9 : memref<128x128xf32, #tpu.memory_space<vmem>>) target(%dma_start3A_264 : memref<10112x128xf32, #tpu.memory_space<vmem_shared>>) offsets(%dma_start3A_261 : memref<128xi32, #tpu.memory_space<vmem>>) semaphore(%run_scoped3A_258 : memref<!tpu.dma_semaphore, #tpu.memory_space<semaphore_mem>>) {add = true}
        %dma_wait3A_265 = arith.constant 0 : i32
        %dma_wait3A_266 = tpu.memref_slice %arg8[%rem3A_37, %run_scoped3A_207, %dma_wait3A_265] : memref<2x8x128xi32, #tpu.memory_space<vmem>> -> memref<1x1x128xi32, #tpu.memory_space<vmem>>
        %dma_wait3A_267 = tpu.memref_squeeze %dma_wait3A_266 : memref<1x1x128xi32, #tpu.memory_space<vmem>> -> memref<128xi32, #tpu.memory_space<vmem>>
        %dma_wait3A_268 = arith.constant 0 : i32
        %dma_wait3A_269 = arith.constant 0 : i32
        %dma_wait3A_270 = tpu.memref_slice %arg11[%dma_wait3A_268, %dma_wait3A_269] : memref<10112x128xf32, #tpu.memory_space<vmem_shared>> -> memref<10112x128xf32, #tpu.memory_space<vmem_shared>>
        tpu.wait_indirect_dma semaphore(%run_scoped3A_258 : memref<!tpu.dma_semaphore, #tpu.memory_space<semaphore_mem>>) src(%arg9 : memref<128x128xf32, #tpu.memory_space<vmem>>) dst(%dma_wait3A_270 : memref<10112x128xf32, #tpu.memory_space<vmem_shared>>)
        tpu.yield
      }) : () -> ()
      %mul3A_208 = arith.constant 8 : i32
      %mul3A_209 = arith.muli %min3A_44, %mul3A_208 : i32
      %dma_wait3A_210 = arith.constant 0 : i32
      %dma_wait3A_211 = arith.constant 0 : i32
      %dma_wait3A_212 = tpu.memref_slice %arg7[%rem3A_41, %dma_wait3A_210, %dma_wait3A_211] : memref<2x8x128xi32, #tpu.memory_space<vmem>> -> memref<1x8x128xi32, #tpu.memory_space<vmem>>
      %dma_wait3A_213 = tpu.memref_squeeze %dma_wait3A_212 : memref<1x8x128xi32, #tpu.memory_space<vmem>> -> memref<8x128xi32, #tpu.memory_space<vmem>>
      %dma_wait3A_214 = arith.constant 0 : i32
      %dma_wait3A_215 = tpu.memref_slice %arg3[%add3A, %mul3A_209, %dma_wait3A_214] : memref<32x80x128xi32, #tpu.memory_space<hbm>> -> memref<1x8x128xi32, #tpu.memory_space<hbm>>
      %dma_wait3A_216 = tpu.memref_squeeze %dma_wait3A_215 : memref<1x8x128xi32, #tpu.memory_space<hbm>> -> memref<8x128xi32, #tpu.memory_space<hbm>>
      %dma_wait3A_217 = arith.constant 0 : i32
      %dma_wait3A_218 = arith.constant 0 : i32
      %dma_wait3A_219 = tpu.memref_slice %arg7[%rem3A_41, %dma_wait3A_217, %dma_wait3A_218] : memref<2x8x128xi32, #tpu.memory_space<vmem>> -> memref<1x8x128xi32, #tpu.memory_space<vmem>>
      %dma_wait3A_220 = tpu.memref_squeeze %dma_wait3A_219 : memref<1x8x128xi32, #tpu.memory_space<vmem>> -> memref<8x128xi32, #tpu.memory_space<vmem>>
      %dma_wait3A_221 = arith.constant 0 : i32
      %dma_wait3A_222 = tpu.memref_slice %arg3[%add3A, %mul3A_209, %dma_wait3A_221] : memref<32x80x128xi32, #tpu.memory_space<hbm>> -> memref<1x8x128xi32, #tpu.memory_space<hbm>>
      %dma_wait3A_223 = tpu.memref_squeeze %dma_wait3A_222 : memref<1x8x128xi32, #tpu.memory_space<hbm>> -> memref<8x128xi32, #tpu.memory_space<hbm>>
      tpu.wait_dma2 semaphore(%arg12 : memref<!tpu.dma_semaphore, #tpu.memory_space<semaphore_mem>>) src(%dma_wait3A_223 : memref<8x128xi32, #tpu.memory_space<hbm>>) dst(%dma_wait3A_220 : memref<8x128xi32, #tpu.memory_space<vmem>>)
      %mul3A_224 = arith.constant 8 : i32
      %mul3A_225 = arith.muli %min3A_44, %mul3A_224 : i32
      %dma_wait3A_226 = arith.constant 0 : i32
      %dma_wait3A_227 = arith.constant 0 : i32
      %dma_wait3A_228 = tpu.memref_slice %arg8[%rem3A_41, %dma_wait3A_226, %dma_wait3A_227] : memref<2x8x128xi32, #tpu.memory_space<vmem>> -> memref<1x8x128xi32, #tpu.memory_space<vmem>>
      %dma_wait3A_229 = tpu.memref_squeeze %dma_wait3A_228 : memref<1x8x128xi32, #tpu.memory_space<vmem>> -> memref<8x128xi32, #tpu.memory_space<vmem>>
      %dma_wait3A_230 = arith.constant 0 : i32
      %dma_wait3A_231 = tpu.memref_slice %arg4[%add3A, %mul3A_225, %dma_wait3A_230] : memref<32x80x128xi32, #tpu.memory_space<hbm>> -> memref<1x8x128xi32, #tpu.memory_space<hbm>>
      %dma_wait3A_232 = tpu.memref_squeeze %dma_wait3A_231 : memref<1x8x128xi32, #tpu.memory_space<hbm>> -> memref<8x128xi32, #tpu.memory_space<hbm>>
      %dma_wait3A_233 = arith.constant 0 : i32
      %dma_wait3A_234 = arith.constant 0 : i32
      %dma_wait3A_235 = tpu.memref_slice %arg8[%rem3A_41, %dma_wait3A_233, %dma_wait3A_234] : memref<2x8x128xi32, #tpu.memory_space<vmem>> -> memref<1x8x128xi32, #tpu.memory_space<vmem>>
      %dma_wait3A_236 = tpu.memref_squeeze %dma_wait3A_235 : memref<1x8x128xi32, #tpu.memory_space<vmem>> -> memref<8x128xi32, #tpu.memory_space<vmem>>
      %dma_wait3A_237 = arith.constant 0 : i32
      %dma_wait3A_238 = tpu.memref_slice %arg4[%add3A, %mul3A_225, %dma_wait3A_237] : memref<32x80x128xi32, #tpu.memory_space<hbm>> -> memref<1x8x128xi32, #tpu.memory_space<hbm>>
      %dma_wait3A_239 = tpu.memref_squeeze %dma_wait3A_238 : memref<1x8x128xi32, #tpu.memory_space<hbm>> -> memref<8x128xi32, #tpu.memory_space<hbm>>
      tpu.wait_dma2 semaphore(%arg12 : memref<!tpu.dma_semaphore, #tpu.memory_space<semaphore_mem>>) src(%dma_wait3A_239 : memref<8x128xi32, #tpu.memory_space<hbm>>) dst(%dma_wait3A_236 : memref<8x128xi32, #tpu.memory_space<vmem>>)
      %dma_start3A_240 = arith.constant 0 : i32
      %dma_start3A_241 = tpu.memref_slice %arg7[%rem3A_41, %while3A_13, %dma_start3A_240] : memref<2x8x128xi32, #tpu.memory_space<vmem>> -> memref<1x1x128xi32, #tpu.memory_space<vmem>>
      %dma_start3A_242 = tpu.memref_squeeze %dma_start3A_241 : memref<1x1x128xi32, #tpu.memory_space<vmem>> -> memref<128xi32, #tpu.memory_space<vmem>>
      %dma_start3A_243 = arith.constant 0 : i32
      %dma_start3A_244 = arith.constant 0 : i32
      %dma_start3A_245 = tpu.memref_slice %arg2[%dma_start3A_243, %dma_start3A_244] : memref<10000x128xf32, #tpu.memory_space<hbm>> -> memref<10000x128xf32, #tpu.memory_space<hbm>>
      tpu.enqueue_indirect_dma source(%dma_start3A_245 : memref<10000x128xf32, #tpu.memory_space<hbm>>) target(%arg9 : memref<128x128xf32, #tpu.memory_space<vmem>>) offsets(%dma_start3A_242 : memref<128xi32, #tpu.memory_space<vmem>>) semaphore(%arg13 : memref<!tpu.dma_semaphore, #tpu.memory_space<semaphore_mem>>)
      %add3A_246 = arith.constant 6 : i32
      %add3A_247 = arith.constant 1 : i32
      %add3A_248 = arith.addi %add3A_246, %add3A_247 : i32
      %dma_wait3A_249 = arith.constant 0 : i32
      %dma_wait3A_250 = tpu.memref_slice %arg7[%rem3A_37, %add3A_248, %dma_wait3A_249] : memref<2x8x128xi32, #tpu.memory_space<vmem>> -> memref<1x1x128xi32, #tpu.memory_space<vmem>>
      %dma_wait3A_251 = tpu.memref_squeeze %dma_wait3A_250 : memref<1x1x128xi32, #tpu.memory_space<vmem>> -> memref<128xi32, #tpu.memory_space<vmem>>
      %dma_wait3A_252 = arith.constant 0 : i32
      %dma_wait3A_253 = arith.constant 0 : i32
      %dma_wait3A_254 = tpu.memref_slice %arg2[%dma_wait3A_252, %dma_wait3A_253] : memref<10000x128xf32, #tpu.memory_space<hbm>> -> memref<10000x128xf32, #tpu.memory_space<hbm>>
      tpu.wait_indirect_dma semaphore(%arg14 : memref<!tpu.dma_semaphore, #tpu.memory_space<semaphore_mem>>) src(%dma_wait3A_254 : memref<10000x128xf32, #tpu.memory_space<hbm>>) dst(%arg10 : memref<128x128xf32, #tpu.memory_space<vmem>>)
      %add3A_255 = arith.constant 6 : i32
      %add3A_256 = arith.constant 1 : i32
      %add3A_257 = arith.addi %add3A_255, %add3A_256 : i32
      "tpu.region"() ({
        %run_scoped3A_258 = tpu.sem_alloc : memref<!tpu.dma_semaphore, #tpu.memory_space<semaphore_mem>>
        %dma_start3A_259 = arith.constant 0 : i32
        %dma_start3A_260 = tpu.memref_slice %arg8[%rem3A_37, %add3A_257, %dma_start3A_259] : memref<2x8x128xi32, #tpu.memory_space<vmem>> -> memref<1x1x128xi32, #tpu.memory_space<vmem>>
        %dma_start3A_261 = tpu.memref_squeeze %dma_start3A_260 : memref<1x1x128xi32, #tpu.memory_space<vmem>> -> memref<128xi32, #tpu.memory_space<vmem>>
        %dma_start3A_262 = arith.constant 0 : i32
        %dma_start3A_263 = arith.constant 0 : i32
        %dma_start3A_264 = tpu.memref_slice %arg11[%dma_start3A_262, %dma_start3A_263] : memref<10112x128xf32, #tpu.memory_space<vmem_shared>> -> memref<10112x128xf32, #tpu.memory_space<vmem_shared>>
        tpu.enqueue_indirect_dma source(%arg10 : memref<128x128xf32, #tpu.memory_space<vmem>>) target(%dma_start3A_264 : memref<10112x128xf32, #tpu.memory_space<vmem_shared>>) offsets(%dma_start3A_261 : memref<128xi32, #tpu.memory_space<vmem>>) semaphore(%run_scoped3A_258 : memref<!tpu.dma_semaphore, #tpu.memory_space<semaphore_mem>>) {add = true}
        %dma_wait3A_265 = arith.constant 0 : i32
        %dma_wait3A_266 = tpu.memref_slice %arg8[%rem3A_37, %add3A_257, %dma_wait3A_265] : memref<2x8x128xi32, #tpu.memory_space<vmem>> -> memref<1x1x128xi32, #tpu.memory_space<vmem>>
        %dma_wait3A_267 = tpu.memref_squeeze %dma_wait3A_266 : memref<1x1x128xi32, #tpu.memory_space<vmem>> -> memref<128xi32, #tpu.memory_space<vmem>>
        %dma_wait3A_268 = arith.constant 0 : i32
        %dma_wait3A_269 = arith.constant 0 : i32
        %dma_wait3A_270 = tpu.memref_slice %arg11[%dma_wait3A_268, %dma_wait3A_269] : memref<10112x128xf32, #tpu.memory_space<vmem_shared>> -> memref<10112x128xf32, #tpu.memory_space<vmem_shared>>
        tpu.wait_indirect_dma semaphore(%run_scoped3A_258 : memref<!tpu.dma_semaphore, #tpu.memory_space<semaphore_mem>>) src(%arg10 : memref<128x128xf32, #tpu.memory_space<vmem>>) dst(%dma_wait3A_270 : memref<10112x128xf32, #tpu.memory_space<vmem_shared>>)
        tpu.yield
      }) : () -> ()
    }
    %while3A_23 = arith.constant 1 : i32
    scf.for %while3A_36 = %while3A_21 to %while3A_17 step %while3A_23  : i32 {
      %rem3A = arith.constant 2 : i32
      %rem3A_37 = arith.remsi %while3A_36, %rem3A : i32
      %add3A_38 = arith.constant 1 : i32
      %add3A_39 = arith.addi %while3A_36, %add3A_38 : i32
      %rem3A_40 = arith.constant 2 : i32
      %rem3A_41 = arith.remsi %add3A_39, %rem3A_40 : i32
      %add3A_42 = arith.constant 1 : i32
      %add3A_43 = arith.addi %while3A_36, %add3A_42 : i32
      %min3A = arith.constant 9 : i32
      %min3A_44 = arith.minsi %add3A_43, %min3A : i32
      %mul3A_45 = arith.constant 8 : i32
      %mul3A_46 = arith.muli %min3A_44, %mul3A_45 : i32
      %dma_start3A_47 = arith.constant 0 : i32
      %dma_start3A_48 = arith.constant 0 : i32
      %dma_start3A_49 = tpu.memref_slice %arg7[%rem3A_41, %dma_start3A_47, %dma_start3A_48] : memref<2x8x128xi32, #tpu.memory_space<vmem>> -> memref<1x8x128xi32, #tpu.memory_space<vmem>>
      %dma_start3A_50 = tpu.memref_squeeze %dma_start3A_49 : memref<1x8x128xi32, #tpu.memory_space<vmem>> -> memref<8x128xi32, #tpu.memory_space<vmem>>
      %dma_start3A_51 = arith.constant 0 : i32
      %dma_start3A_52 = tpu.memref_slice %arg3[%add3A, %mul3A_46, %dma_start3A_51] : memref<32x80x128xi32, #tpu.memory_space<hbm>> -> memref<1x8x128xi32, #tpu.memory_space<hbm>>
      %dma_start3A_53 = tpu.memref_squeeze %dma_start3A_52 : memref<1x8x128xi32, #tpu.memory_space<hbm>> -> memref<8x128xi32, #tpu.memory_space<hbm>>
      %dma_start3A_54 = arith.constant 0 : i32
      %dma_start3A_55 = arith.constant 0 : i32
      %dma_start3A_56 = tpu.memref_slice %arg7[%rem3A_41, %dma_start3A_54, %dma_start3A_55] : memref<2x8x128xi32, #tpu.memory_space<vmem>> -> memref<1x8x128xi32, #tpu.memory_space<vmem>>
      %dma_start3A_57 = tpu.memref_squeeze %dma_start3A_56 : memref<1x8x128xi32, #tpu.memory_space<vmem>> -> memref<8x128xi32, #tpu.memory_space<vmem>>
      %dma_start3A_58 = arith.constant 0 : i32
      %dma_start3A_59 = tpu.memref_slice %arg3[%add3A, %mul3A_46, %dma_start3A_58] : memref<32x80x128xi32, #tpu.memory_space<hbm>> -> memref<1x8x128xi32, #tpu.memory_space<hbm>>
      %dma_start3A_60 = tpu.memref_squeeze %dma_start3A_59 : memref<1x8x128xi32, #tpu.memory_space<hbm>> -> memref<8x128xi32, #tpu.memory_space<hbm>>
      tpu.enqueue_dma source(%dma_start3A_60 : memref<8x128xi32, #tpu.memory_space<hbm>>) target(%dma_start3A_57 : memref<8x128xi32, #tpu.memory_space<vmem>>) target_semaphore(%arg12 : memref<!tpu.dma_semaphore, #tpu.memory_space<semaphore_mem>>)
      %mul3A_61 = arith.constant 8 : i32
      %mul3A_62 = arith.muli %min3A_44, %mul3A_61 : i32
      %dma_start3A_63 = arith.constant 0 : i32
      %dma_start3A_64 = arith.constant 0 : i32
      %dma_start3A_65 = tpu.memref_slice %arg8[%rem3A_41, %dma_start3A_63, %dma_start3A_64] : memref<2x8x128xi32, #tpu.memory_space<vmem>> -> memref<1x8x128xi32, #tpu.memory_space<vmem>>
      %dma_start3A_66 = tpu.memref_squeeze %dma_start3A_65 : memref<1x8x128xi32, #tpu.memory_space<vmem>> -> memref<8x128xi32, #tpu.memory_space<vmem>>
      %dma_start3A_67 = arith.constant 0 : i32
      %dma_start3A_68 = tpu.memref_slice %arg4[%add3A, %mul3A_62, %dma_start3A_67] : memref<32x80x128xi32, #tpu.memory_space<hbm>> -> memref<1x8x128xi32, #tpu.memory_space<hbm>>
      %dma_start3A_69 = tpu.memref_squeeze %dma_start3A_68 : memref<1x8x128xi32, #tpu.memory_space<hbm>> -> memref<8x128xi32, #tpu.memory_space<hbm>>
      %dma_start3A_70 = arith.constant 0 : i32
      %dma_start3A_71 = arith.constant 0 : i32
      %dma_start3A_72 = tpu.memref_slice %arg8[%rem3A_41, %dma_start3A_70, %dma_start3A_71] : memref<2x8x128xi32, #tpu.memory_space<vmem>> -> memref<1x8x128xi32, #tpu.memory_space<vmem>>
      %dma_start3A_73 = tpu.memref_squeeze %dma_start3A_72 : memref<1x8x128xi32, #tpu.memory_space<vmem>> -> memref<8x128xi32, #tpu.memory_space<vmem>>
      %dma_start3A_74 = arith.constant 0 : i32
      %dma_start3A_75 = tpu.memref_slice %arg4[%add3A, %mul3A_62, %dma_start3A_74] : memref<32x80x128xi32, #tpu.memory_space<hbm>> -> memref<1x8x128xi32, #tpu.memory_space<hbm>>
      %dma_start3A_76 = tpu.memref_squeeze %dma_start3A_75 : memref<1x8x128xi32, #tpu.memory_space<hbm>> -> memref<8x128xi32, #tpu.memory_space<hbm>>
      tpu.enqueue_dma source(%dma_start3A_76 : memref<8x128xi32, #tpu.memory_space<hbm>>) target(%dma_start3A_73 : memref<8x128xi32, #tpu.memory_space<vmem>>) target_semaphore(%arg12 : memref<!tpu.dma_semaphore, #tpu.memory_space<semaphore_mem>>)
      %add3A_77 = arith.constant 0 : i32
      %add3A_78 = arith.constant 1 : i32
      %add3A_79 = arith.addi %add3A_77, %add3A_78 : i32
      %dma_start3A_80 = arith.constant 0 : i32
      %dma_start3A_81 = tpu.memref_slice %arg7[%rem3A_37, %add3A_79, %dma_start3A_80] : memref<2x8x128xi32, #tpu.memory_space<vmem>> -> memref<1x1x128xi32, #tpu.memory_space<vmem>>
      %dma_start3A_82 = tpu.memref_squeeze %dma_start3A_81 : memref<1x1x128xi32, #tpu.memory_space<vmem>> -> memref<128xi32, #tpu.memory_space<vmem>>
      %dma_start3A_83 = arith.constant 0 : i32
      %dma_start3A_84 = arith.constant 0 : i32
      %dma_start3A_85 = tpu.memref_slice %arg2[%dma_start3A_83, %dma_start3A_84] : memref<10000x128xf32, #tpu.memory_space<hbm>> -> memref<10000x128xf32, #tpu.memory_space<hbm>>
      tpu.enqueue_indirect_dma source(%dma_start3A_85 : memref<10000x128xf32, #tpu.memory_space<hbm>>) target(%arg10 : memref<128x128xf32, #tpu.memory_space<vmem>>) offsets(%dma_start3A_82 : memref<128xi32, #tpu.memory_space<vmem>>) semaphore(%arg14 : memref<!tpu.dma_semaphore, #tpu.memory_space<semaphore_mem>>)
      %dma_wait3A_86 = arith.constant 0 : i32
      %dma_wait3A_87 = arith.constant 0 : i32
      %dma_wait3A_88 = tpu.memref_slice %arg7[%rem3A_37, %dma_wait3A_86, %dma_wait3A_87] : memref<2x8x128xi32, #tpu.memory_space<vmem>> -> memref<1x1x128xi32, #tpu.memory_space<vmem>>
      %dma_wait3A_89 = tpu.memref_squeeze %dma_wait3A_88 : memref<1x1x128xi32, #tpu.memory_space<vmem>> -> memref<128xi32, #tpu.memory_space<vmem>>
      %dma_wait3A_90 = arith.constant 0 : i32
      %dma_wait3A_91 = arith.constant 0 : i32
      %dma_wait3A_92 = tpu.memref_slice %arg2[%dma_wait3A_90, %dma_wait3A_91] : memref<10000x128xf32, #tpu.memory_space<hbm>> -> memref<10000x128xf32, #tpu.memory_space<hbm>>
      tpu.wait_indirect_dma semaphore(%arg13 : memref<!tpu.dma_semaphore, #tpu.memory_space<semaphore_mem>>) src(%dma_wait3A_92 : memref<10000x128xf32, #tpu.memory_space<hbm>>) dst(%arg9 : memref<128x128xf32, #tpu.memory_space<vmem>>)
      %run_scoped3A_93 = arith.constant 0 : i32
      "tpu.region"() ({
        %run_scoped3A_258 = tpu.sem_alloc : memref<!tpu.dma_semaphore, #tpu.memory_space<semaphore_mem>>
        %dma_start3A_259 = arith.constant 0 : i32
        %dma_start3A_260 = tpu.memref_slice %arg8[%rem3A_37, %run_scoped3A_93, %dma_start3A_259] : memref<2x8x128xi32, #tpu.memory_space<vmem>> -> memref<1x1x128xi32, #tpu.memory_space<vmem>>
        %dma_start3A_261 = tpu.memref_squeeze %dma_start3A_260 : memref<1x1x128xi32, #tpu.memory_space<vmem>> -> memref<128xi32, #tpu.memory_space<vmem>>
        %dma_start3A_262 = arith.constant 0 : i32
        %dma_start3A_263 = arith.constant 0 : i32
        %dma_start3A_264 = tpu.memref_slice %arg11[%dma_start3A_262, %dma_start3A_263] : memref<10112x128xf32, #tpu.memory_space<vmem_shared>> -> memref<10112x128xf32, #tpu.memory_space<vmem_shared>>
        tpu.enqueue_indirect_dma source(%arg9 : memref<128x128xf32, #tpu.memory_space<vmem>>) target(%dma_start3A_264 : memref<10112x128xf32, #tpu.memory_space<vmem_shared>>) offsets(%dma_start3A_261 : memref<128xi32, #tpu.memory_space<vmem>>) semaphore(%run_scoped3A_258 : memref<!tpu.dma_semaphore, #tpu.memory_space<semaphore_mem>>) {add = true}
        %dma_wait3A_265 = arith.constant 0 : i32
        %dma_wait3A_266 = tpu.memref_slice %arg8[%rem3A_37, %run_scoped3A_93, %dma_wait3A_265] : memref<2x8x128xi32, #tpu.memory_space<vmem>> -> memref<1x1x128xi32, #tpu.memory_space<vmem>>
        %dma_wait3A_267 = tpu.memref_squeeze %dma_wait3A_266 : memref<1x1x128xi32, #tpu.memory_space<vmem>> -> memref<128xi32, #tpu.memory_space<vmem>>
        %dma_wait3A_268 = arith.constant 0 : i32
        %dma_wait3A_269 = arith.constant 0 : i32
        %dma_wait3A_270 = tpu.memref_slice %arg11[%dma_wait3A_268, %dma_wait3A_269] : memref<10112x128xf32, #tpu.memory_space<vmem_shared>> -> memref<10112x128xf32, #tpu.memory_space<vmem_shared>>
        tpu.wait_indirect_dma semaphore(%run_scoped3A_258 : memref<!tpu.dma_semaphore, #tpu.memory_space<semaphore_mem>>) src(%arg9 : memref<128x128xf32, #tpu.memory_space<vmem>>) dst(%dma_wait3A_270 : memref<10112x128xf32, #tpu.memory_space<vmem_shared>>)
        tpu.yield
      }) : () -> ()
      %add3A_94 = arith.constant 0 : i32
      %add3A_95 = arith.constant 2 : i32
      %add3A_96 = arith.addi %add3A_94, %add3A_95 : i32
      %dma_start3A_97 = arith.constant 0 : i32
      %dma_start3A_98 = tpu.memref_slice %arg7[%rem3A_37, %add3A_96, %dma_start3A_97] : memref<2x8x128xi32, #tpu.memory_space<vmem>> -> memref<1x1x128xi32, #tpu.memory_space<vmem>>
      %dma_start3A_99 = tpu.memref_squeeze %dma_start3A_98 : memref<1x1x128xi32, #tpu.memory_space<vmem>> -> memref<128xi32, #tpu.memory_space<vmem>>
      %dma_start3A_100 = arith.constant 0 : i32
      %dma_start3A_101 = arith.constant 0 : i32
      %dma_start3A_102 = tpu.memref_slice %arg2[%dma_start3A_100, %dma_start3A_101] : memref<10000x128xf32, #tpu.memory_space<hbm>> -> memref<10000x128xf32, #tpu.memory_space<hbm>>
      tpu.enqueue_indirect_dma source(%dma_start3A_102 : memref<10000x128xf32, #tpu.memory_space<hbm>>) target(%arg9 : memref<128x128xf32, #tpu.memory_space<vmem>>) offsets(%dma_start3A_99 : memref<128xi32, #tpu.memory_space<vmem>>) semaphore(%arg13 : memref<!tpu.dma_semaphore, #tpu.memory_space<semaphore_mem>>)
      %add3A_103 = arith.constant 0 : i32
      %add3A_104 = arith.constant 1 : i32
      %add3A_105 = arith.addi %add3A_103, %add3A_104 : i32
      %dma_wait3A_106 = arith.constant 0 : i32
      %dma_wait3A_107 = tpu.memref_slice %arg7[%rem3A_37, %add3A_105, %dma_wait3A_106] : memref<2x8x128xi32, #tpu.memory_space<vmem>> -> memref<1x1x128xi32, #tpu.memory_space<vmem>>
      %dma_wait3A_108 = tpu.memref_squeeze %dma_wait3A_107 : memref<1x1x128xi32, #tpu.memory_space<vmem>> -> memref<128xi32, #tpu.memory_space<vmem>>
      %dma_wait3A_109 = arith.constant 0 : i32
      %dma_wait3A_110 = arith.constant 0 : i32
      %dma_wait3A_111 = tpu.memref_slice %arg2[%dma_wait3A_109, %dma_wait3A_110] : memref<10000x128xf32, #tpu.memory_space<hbm>> -> memref<10000x128xf32, #tpu.memory_space<hbm>>
      tpu.wait_indirect_dma semaphore(%arg14 : memref<!tpu.dma_semaphore, #tpu.memory_space<semaphore_mem>>) src(%dma_wait3A_111 : memref<10000x128xf32, #tpu.memory_space<hbm>>) dst(%arg10 : memref<128x128xf32, #tpu.memory_space<vmem>>)
      %add3A_112 = arith.constant 0 : i32
      %add3A_113 = arith.constant 1 : i32
      %add3A_114 = arith.addi %add3A_112, %add3A_113 : i32
      "tpu.region"() ({
        %run_scoped3A_258 = tpu.sem_alloc : memref<!tpu.dma_semaphore, #tpu.memory_space<semaphore_mem>>
        %dma_start3A_259 = arith.constant 0 : i32
        %dma_start3A_260 = tpu.memref_slice %arg8[%rem3A_37, %add3A_114, %dma_start3A_259] : memref<2x8x128xi32, #tpu.memory_space<vmem>> -> memref<1x1x128xi32, #tpu.memory_space<vmem>>
        %dma_start3A_261 = tpu.memref_squeeze %dma_start3A_260 : memref<1x1x128xi32, #tpu.memory_space<vmem>> -> memref<128xi32, #tpu.memory_space<vmem>>
        %dma_start3A_262 = arith.constant 0 : i32
        %dma_start3A_263 = arith.constant 0 : i32
        %dma_start3A_264 = tpu.memref_slice %arg11[%dma_start3A_262, %dma_start3A_263] : memref<10112x128xf32, #tpu.memory_space<vmem_shared>> -> memref<10112x128xf32, #tpu.memory_space<vmem_shared>>
        tpu.enqueue_indirect_dma source(%arg10 : memref<128x128xf32, #tpu.memory_space<vmem>>) target(%dma_start3A_264 : memref<10112x128xf32, #tpu.memory_space<vmem_shared>>) offsets(%dma_start3A_261 : memref<128xi32, #tpu.memory_space<vmem>>) semaphore(%run_scoped3A_258 : memref<!tpu.dma_semaphore, #tpu.memory_space<semaphore_mem>>) {add = true}
        %dma_wait3A_265 = arith.constant 0 : i32
        %dma_wait3A_266 = tpu.memref_slice %arg8[%rem3A_37, %add3A_114, %dma_wait3A_265] : memref<2x8x128xi32, #tpu.memory_space<vmem>> -> memref<1x1x128xi32, #tpu.memory_space<vmem>>
        %dma_wait3A_267 = tpu.memref_squeeze %dma_wait3A_266 : memref<1x1x128xi32, #tpu.memory_space<vmem>> -> memref<128xi32, #tpu.memory_space<vmem>>
        %dma_wait3A_268 = arith.constant 0 : i32
        %dma_wait3A_269 = arith.constant 0 : i32
        %dma_wait3A_270 = tpu.memref_slice %arg11[%dma_wait3A_268, %dma_wait3A_269] : memref<10112x128xf32, #tpu.memory_space<vmem_shared>> -> memref<10112x128xf32, #tpu.memory_space<vmem_shared>>
        tpu.wait_indirect_dma semaphore(%run_scoped3A_258 : memref<!tpu.dma_semaphore, #tpu.memory_space<semaphore_mem>>) src(%arg10 : memref<128x128xf32, #tpu.memory_space<vmem>>) dst(%dma_wait3A_270 : memref<10112x128xf32, #tpu.memory_space<vmem_shared>>)
        tpu.yield
      }) : () -> ()
      %add3A_115 = arith.constant 2 : i32
      %add3A_116 = arith.constant 1 : i32
      %add3A_117 = arith.addi %add3A_115, %add3A_116 : i32
      %dma_start3A_118 = arith.constant 0 : i32
      %dma_start3A_119 = tpu.memref_slice %arg7[%rem3A_37, %add3A_117, %dma_start3A_118] : memref<2x8x128xi32, #tpu.memory_space<vmem>> -> memref<1x1x128xi32, #tpu.memory_space<vmem>>
      %dma_start3A_120 = tpu.memref_squeeze %dma_start3A_119 : memref<1x1x128xi32, #tpu.memory_space<vmem>> -> memref<128xi32, #tpu.memory_space<vmem>>
      %dma_start3A_121 = arith.constant 0 : i32
      %dma_start3A_122 = arith.constant 0 : i32
      %dma_start3A_123 = tpu.memref_slice %arg2[%dma_start3A_121, %dma_start3A_122] : memref<10000x128xf32, #tpu.memory_space<hbm>> -> memref<10000x128xf32, #tpu.memory_space<hbm>>
      tpu.enqueue_indirect_dma source(%dma_start3A_123 : memref<10000x128xf32, #tpu.memory_space<hbm>>) target(%arg10 : memref<128x128xf32, #tpu.memory_space<vmem>>) offsets(%dma_start3A_120 : memref<128xi32, #tpu.memory_space<vmem>>) semaphore(%arg14 : memref<!tpu.dma_semaphore, #tpu.memory_space<semaphore_mem>>)
      %dma_wait3A_124 = arith.constant 2 : i32
      %dma_wait3A_125 = arith.constant 0 : i32
      %dma_wait3A_126 = tpu.memref_slice %arg7[%rem3A_37, %dma_wait3A_124, %dma_wait3A_125] : memref<2x8x128xi32, #tpu.memory_space<vmem>> -> memref<1x1x128xi32, #tpu.memory_space<vmem>>
      %dma_wait3A_127 = tpu.memref_squeeze %dma_wait3A_126 : memref<1x1x128xi32, #tpu.memory_space<vmem>> -> memref<128xi32, #tpu.memory_space<vmem>>
      %dma_wait3A_128 = arith.constant 0 : i32
      %dma_wait3A_129 = arith.constant 0 : i32
      %dma_wait3A_130 = tpu.memref_slice %arg2[%dma_wait3A_128, %dma_wait3A_129] : memref<10000x128xf32, #tpu.memory_space<hbm>> -> memref<10000x128xf32, #tpu.memory_space<hbm>>
      tpu.wait_indirect_dma semaphore(%arg13 : memref<!tpu.dma_semaphore, #tpu.memory_space<semaphore_mem>>) src(%dma_wait3A_130 : memref<10000x128xf32, #tpu.memory_space<hbm>>) dst(%arg9 : memref<128x128xf32, #tpu.memory_space<vmem>>)
      %run_scoped3A_131 = arith.constant 2 : i32
      "tpu.region"() ({
        %run_scoped3A_258 = tpu.sem_alloc : memref<!tpu.dma_semaphore, #tpu.memory_space<semaphore_mem>>
        %dma_start3A_259 = arith.constant 0 : i32
        %dma_start3A_260 = tpu.memref_slice %arg8[%rem3A_37, %run_scoped3A_131, %dma_start3A_259] : memref<2x8x128xi32, #tpu.memory_space<vmem>> -> memref<1x1x128xi32, #tpu.memory_space<vmem>>
        %dma_start3A_261 = tpu.memref_squeeze %dma_start3A_260 : memref<1x1x128xi32, #tpu.memory_space<vmem>> -> memref<128xi32, #tpu.memory_space<vmem>>
        %dma_start3A_262 = arith.constant 0 : i32
        %dma_start3A_263 = arith.constant 0 : i32
        %dma_start3A_264 = tpu.memref_slice %arg11[%dma_start3A_262, %dma_start3A_263] : memref<10112x128xf32, #tpu.memory_space<vmem_shared>> -> memref<10112x128xf32, #tpu.memory_space<vmem_shared>>
        tpu.enqueue_indirect_dma source(%arg9 : memref<128x128xf32, #tpu.memory_space<vmem>>) target(%dma_start3A_264 : memref<10112x128xf32, #tpu.memory_space<vmem_shared>>) offsets(%dma_start3A_261 : memref<128xi32, #tpu.memory_space<vmem>>) semaphore(%run_scoped3A_258 : memref<!tpu.dma_semaphore, #tpu.memory_space<semaphore_mem>>) {add = true}
        %dma_wait3A_265 = arith.constant 0 : i32
        %dma_wait3A_266 = tpu.memref_slice %arg8[%rem3A_37, %run_scoped3A_131, %dma_wait3A_265] : memref<2x8x128xi32, #tpu.memory_space<vmem>> -> memref<1x1x128xi32, #tpu.memory_space<vmem>>
        %dma_wait3A_267 = tpu.memref_squeeze %dma_wait3A_266 : memref<1x1x128xi32, #tpu.memory_space<vmem>> -> memref<128xi32, #tpu.memory_space<vmem>>
        %dma_wait3A_268 = arith.constant 0 : i32
        %dma_wait3A_269 = arith.constant 0 : i32
        %dma_wait3A_270 = tpu.memref_slice %arg11[%dma_wait3A_268, %dma_wait3A_269] : memref<10112x128xf32, #tpu.memory_space<vmem_shared>> -> memref<10112x128xf32, #tpu.memory_space<vmem_shared>>
        tpu.wait_indirect_dma semaphore(%run_scoped3A_258 : memref<!tpu.dma_semaphore, #tpu.memory_space<semaphore_mem>>) src(%arg9 : memref<128x128xf32, #tpu.memory_space<vmem>>) dst(%dma_wait3A_270 : memref<10112x128xf32, #tpu.memory_space<vmem_shared>>)
        tpu.yield
      }) : () -> ()
      %add3A_132 = arith.constant 2 : i32
      %add3A_133 = arith.constant 2 : i32
      %add3A_134 = arith.addi %add3A_132, %add3A_133 : i32
      %dma_start3A_135 = arith.constant 0 : i32
      %dma_start3A_136 = tpu.memref_slice %arg7[%rem3A_37, %add3A_134, %dma_start3A_135] : memref<2x8x128xi32, #tpu.memory_space<vmem>> -> memref<1x1x128xi32, #tpu.memory_space<vmem>>
      %dma_start3A_137 = tpu.memref_squeeze %dma_start3A_136 : memref<1x1x128xi32, #tpu.memory_space<vmem>> -> memref<128xi32, #tpu.memory_space<vmem>>
      %dma_start3A_138 = arith.constant 0 : i32
      %dma_start3A_139 = arith.constant 0 : i32
      %dma_start3A_140 = tpu.memref_slice %arg2[%dma_start3A_138, %dma_start3A_139] : memref<10000x128xf32, #tpu.memory_space<hbm>> -> memref<10000x128xf32, #tpu.memory_space<hbm>>
      tpu.enqueue_indirect_dma source(%dma_start3A_140 : memref<10000x128xf32, #tpu.memory_space<hbm>>) target(%arg9 : memref<128x128xf32, #tpu.memory_space<vmem>>) offsets(%dma_start3A_137 : memref<128xi32, #tpu.memory_space<vmem>>) semaphore(%arg13 : memref<!tpu.dma_semaphore, #tpu.memory_space<semaphore_mem>>)
      %add3A_141 = arith.constant 2 : i32
      %add3A_142 = arith.constant 1 : i32
      %add3A_143 = arith.addi %add3A_141, %add3A_142 : i32
      %dma_wait3A_144 = arith.constant 0 : i32
      %dma_wait3A_145 = tpu.memref_slice %arg7[%rem3A_37, %add3A_143, %dma_wait3A_144] : memref<2x8x128xi32, #tpu.memory_space<vmem>> -> memref<1x1x128xi32, #tpu.memory_space<vmem>>
      %dma_wait3A_146 = tpu.memref_squeeze %dma_wait3A_145 : memref<1x1x128xi32, #tpu.memory_space<vmem>> -> memref<128xi32, #tpu.memory_space<vmem>>
      %dma_wait3A_147 = arith.constant 0 : i32
      %dma_wait3A_148 = arith.constant 0 : i32
      %dma_wait3A_149 = tpu.memref_slice %arg2[%dma_wait3A_147, %dma_wait3A_148] : memref<10000x128xf32, #tpu.memory_space<hbm>> -> memref<10000x128xf32, #tpu.memory_space<hbm>>
      tpu.wait_indirect_dma semaphore(%arg14 : memref<!tpu.dma_semaphore, #tpu.memory_space<semaphore_mem>>) src(%dma_wait3A_149 : memref<10000x128xf32, #tpu.memory_space<hbm>>) dst(%arg10 : memref<128x128xf32, #tpu.memory_space<vmem>>)
      %add3A_150 = arith.constant 2 : i32
      %add3A_151 = arith.constant 1 : i32
      %add3A_152 = arith.addi %add3A_150, %add3A_151 : i32
      "tpu.region"() ({
        %run_scoped3A_258 = tpu.sem_alloc : memref<!tpu.dma_semaphore, #tpu.memory_space<semaphore_mem>>
        %dma_start3A_259 = arith.constant 0 : i32
        %dma_start3A_260 = tpu.memref_slice %arg8[%rem3A_37, %add3A_152, %dma_start3A_259] : memref<2x8x128xi32, #tpu.memory_space<vmem>> -> memref<1x1x128xi32, #tpu.memory_space<vmem>>
        %dma_start3A_261 = tpu.memref_squeeze %dma_start3A_260 : memref<1x1x128xi32, #tpu.memory_space<vmem>> -> memref<128xi32, #tpu.memory_space<vmem>>
        %dma_start3A_262 = arith.constant 0 : i32
        %dma_start3A_263 = arith.constant 0 : i32
        %dma_start3A_264 = tpu.memref_slice %arg11[%dma_start3A_262, %dma_start3A_263] : memref<10112x128xf32, #tpu.memory_space<vmem_shared>> -> memref<10112x128xf32, #tpu.memory_space<vmem_shared>>
        tpu.enqueue_indirect_dma source(%arg10 : memref<128x128xf32, #tpu.memory_space<vmem>>) target(%dma_start3A_264 : memref<10112x128xf32, #tpu.memory_space<vmem_shared>>) offsets(%dma_start3A_261 : memref<128xi32, #tpu.memory_space<vmem>>) semaphore(%run_scoped3A_258 : memref<!tpu.dma_semaphore, #tpu.memory_space<semaphore_mem>>) {add = true}
        %dma_wait3A_265 = arith.constant 0 : i32
        %dma_wait3A_266 = tpu.memref_slice %arg8[%rem3A_37, %add3A_152, %dma_wait3A_265] : memref<2x8x128xi32, #tpu.memory_space<vmem>> -> memref<1x1x128xi32, #tpu.memory_space<vmem>>
        %dma_wait3A_267 = tpu.memref_squeeze %dma_wait3A_266 : memref<1x1x128xi32, #tpu.memory_space<vmem>> -> memref<128xi32, #tpu.memory_space<vmem>>
        %dma_wait3A_268 = arith.constant 0 : i32
        %dma_wait3A_269 = arith.constant 0 : i32
        %dma_wait3A_270 = tpu.memref_slice %arg11[%dma_wait3A_268, %dma_wait3A_269] : memref<10112x128xf32, #tpu.memory_space<vmem_shared>> -> memref<10112x128xf32, #tpu.memory_space<vmem_shared>>
        tpu.wait_indirect_dma semaphore(%run_scoped3A_258 : memref<!tpu.dma_semaphore, #tpu.memory_space<semaphore_mem>>) src(%arg10 : memref<128x128xf32, #tpu.memory_space<vmem>>) dst(%dma_wait3A_270 : memref<10112x128xf32, #tpu.memory_space<vmem_shared>>)
        tpu.yield
      }) : () -> ()
      %add3A_153 = arith.constant 4 : i32
      %add3A_154 = arith.constant 1 : i32
      %add3A_155 = arith.addi %add3A_153, %add3A_154 : i32
      %dma_start3A_156 = arith.constant 0 : i32
      %dma_start3A_157 = tpu.memref_slice %arg7[%rem3A_37, %add3A_155, %dma_start3A_156] : memref<2x8x128xi32, #tpu.memory_space<vmem>> -> memref<1x1x128xi32, #tpu.memory_space<vmem>>
      %dma_start3A_158 = tpu.memref_squeeze %dma_start3A_157 : memref<1x1x128xi32, #tpu.memory_space<vmem>> -> memref<128xi32, #tpu.memory_space<vmem>>
      %dma_start3A_159 = arith.constant 0 : i32
      %dma_start3A_160 = arith.constant 0 : i32
      %dma_start3A_161 = tpu.memref_slice %arg2[%dma_start3A_159, %dma_start3A_160] : memref<10000x128xf32, #tpu.memory_space<hbm>> -> memref<10000x128xf32, #tpu.memory_space<hbm>>
      tpu.enqueue_indirect_dma source(%dma_start3A_161 : memref<10000x128xf32, #tpu.memory_space<hbm>>) target(%arg10 : memref<128x128xf32, #tpu.memory_space<vmem>>) offsets(%dma_start3A_158 : memref<128xi32, #tpu.memory_space<vmem>>) semaphore(%arg14 : memref<!tpu.dma_semaphore, #tpu.memory_space<semaphore_mem>>)
      %dma_wait3A_162 = arith.constant 4 : i32
      %dma_wait3A_163 = arith.constant 0 : i32
      %dma_wait3A_164 = tpu.memref_slice %arg7[%rem3A_37, %dma_wait3A_162, %dma_wait3A_163] : memref<2x8x128xi32, #tpu.memory_space<vmem>> -> memref<1x1x128xi32, #tpu.memory_space<vmem>>
      %dma_wait3A_165 = tpu.memref_squeeze %dma_wait3A_164 : memref<1x1x128xi32, #tpu.memory_space<vmem>> -> memref<128xi32, #tpu.memory_space<vmem>>
      %dma_wait3A_166 = arith.constant 0 : i32
      %dma_wait3A_167 = arith.constant 0 : i32
      %dma_wait3A_168 = tpu.memref_slice %arg2[%dma_wait3A_166, %dma_wait3A_167] : memref<10000x128xf32, #tpu.memory_space<hbm>> -> memref<10000x128xf32, #tpu.memory_space<hbm>>
      tpu.wait_indirect_dma semaphore(%arg13 : memref<!tpu.dma_semaphore, #tpu.memory_space<semaphore_mem>>) src(%dma_wait3A_168 : memref<10000x128xf32, #tpu.memory_space<hbm>>) dst(%arg9 : memref<128x128xf32, #tpu.memory_space<vmem>>)
      %run_scoped3A_169 = arith.constant 4 : i32
      "tpu.region"() ({
        %run_scoped3A_258 = tpu.sem_alloc : memref<!tpu.dma_semaphore, #tpu.memory_space<semaphore_mem>>
        %dma_start3A_259 = arith.constant 0 : i32
        %dma_start3A_260 = tpu.memref_slice %arg8[%rem3A_37, %run_scoped3A_169, %dma_start3A_259] : memref<2x8x128xi32, #tpu.memory_space<vmem>> -> memref<1x1x128xi32, #tpu.memory_space<vmem>>
        %dma_start3A_261 = tpu.memref_squeeze %dma_start3A_260 : memref<1x1x128xi32, #tpu.memory_space<vmem>> -> memref<128xi32, #tpu.memory_space<vmem>>
        %dma_start3A_262 = arith.constant 0 : i32
        %dma_start3A_263 = arith.constant 0 : i32
        %dma_start3A_264 = tpu.memref_slice %arg11[%dma_start3A_262, %dma_start3A_263] : memref<10112x128xf32, #tpu.memory_space<vmem_shared>> -> memref<10112x128xf32, #tpu.memory_space<vmem_shared>>
        tpu.enqueue_indirect_dma source(%arg9 : memref<128x128xf32, #tpu.memory_space<vmem>>) target(%dma_start3A_264 : memref<10112x128xf32, #tpu.memory_space<vmem_shared>>) offsets(%dma_start3A_261 : memref<128xi32, #tpu.memory_space<vmem>>) semaphore(%run_scoped3A_258 : memref<!tpu.dma_semaphore, #tpu.memory_space<semaphore_mem>>) {add = true}
        %dma_wait3A_265 = arith.constant 0 : i32
        %dma_wait3A_266 = tpu.memref_slice %arg8[%rem3A_37, %run_scoped3A_169, %dma_wait3A_265] : memref<2x8x128xi32, #tpu.memory_space<vmem>> -> memref<1x1x128xi32, #tpu.memory_space<vmem>>
        %dma_wait3A_267 = tpu.memref_squeeze %dma_wait3A_266 : memref<1x1x128xi32, #tpu.memory_space<vmem>> -> memref<128xi32, #tpu.memory_space<vmem>>
        %dma_wait3A_268 = arith.constant 0 : i32
        %dma_wait3A_269 = arith.constant 0 : i32
        %dma_wait3A_270 = tpu.memref_slice %arg11[%dma_wait3A_268, %dma_wait3A_269] : memref<10112x128xf32, #tpu.memory_space<vmem_shared>> -> memref<10112x128xf32, #tpu.memory_space<vmem_shared>>
        tpu.wait_indirect_dma semaphore(%run_scoped3A_258 : memref<!tpu.dma_semaphore, #tpu.memory_space<semaphore_mem>>) src(%arg9 : memref<128x128xf32, #tpu.memory_space<vmem>>) dst(%dma_wait3A_270 : memref<10112x128xf32, #tpu.memory_space<vmem_shared>>)
        tpu.yield
      }) : () -> ()
      %add3A_170 = arith.constant 4 : i32
      %add3A_171 = arith.constant 2 : i32
      %add3A_172 = arith.addi %add3A_170, %add3A_171 : i32
      %dma_start3A_173 = arith.constant 0 : i32
      %dma_start3A_174 = tpu.memref_slice %arg7[%rem3A_37, %add3A_172, %dma_start3A_173] : memref<2x8x128xi32, #tpu.memory_space<vmem>> -> memref<1x1x128xi32, #tpu.memory_space<vmem>>
      %dma_start3A_175 = tpu.memref_squeeze %dma_start3A_174 : memref<1x1x128xi32, #tpu.memory_space<vmem>> -> memref<128xi32, #tpu.memory_space<vmem>>
      %dma_start3A_176 = arith.constant 0 : i32
      %dma_start3A_177 = arith.constant 0 : i32
      %dma_start3A_178 = tpu.memref_slice %arg2[%dma_start3A_176, %dma_start3A_177] : memref<10000x128xf32, #tpu.memory_space<hbm>> -> memref<10000x128xf32, #tpu.memory_space<hbm>>
      tpu.enqueue_indirect_dma source(%dma_start3A_178 : memref<10000x128xf32, #tpu.memory_space<hbm>>) target(%arg9 : memref<128x128xf32, #tpu.memory_space<vmem>>) offsets(%dma_start3A_175 : memref<128xi32, #tpu.memory_space<vmem>>) semaphore(%arg13 : memref<!tpu.dma_semaphore, #tpu.memory_space<semaphore_mem>>)
      %add3A_179 = arith.constant 4 : i32
      %add3A_180 = arith.constant 1 : i32
      %add3A_181 = arith.addi %add3A_179, %add3A_180 : i32
      %dma_wait3A_182 = arith.constant 0 : i32
      %dma_wait3A_183 = tpu.memref_slice %arg7[%rem3A_37, %add3A_181, %dma_wait3A_182] : memref<2x8x128xi32, #tpu.memory_space<vmem>> -> memref<1x1x128xi32, #tpu.memory_space<vmem>>
      %dma_wait3A_184 = tpu.memref_squeeze %dma_wait3A_183 : memref<1x1x128xi32, #tpu.memory_space<vmem>> -> memref<128xi32, #tpu.memory_space<vmem>>
      %dma_wait3A_185 = arith.constant 0 : i32
      %dma_wait3A_186 = arith.constant 0 : i32
      %dma_wait3A_187 = tpu.memref_slice %arg2[%dma_wait3A_185, %dma_wait3A_186] : memref<10000x128xf32, #tpu.memory_space<hbm>> -> memref<10000x128xf32, #tpu.memory_space<hbm>>
      tpu.wait_indirect_dma semaphore(%arg14 : memref<!tpu.dma_semaphore, #tpu.memory_space<semaphore_mem>>) src(%dma_wait3A_187 : memref<10000x128xf32, #tpu.memory_space<hbm>>) dst(%arg10 : memref<128x128xf32, #tpu.memory_space<vmem>>)
      %add3A_188 = arith.constant 4 : i32
      %add3A_189 = arith.constant 1 : i32
      %add3A_190 = arith.addi %add3A_188, %add3A_189 : i32
      "tpu.region"() ({
        %run_scoped3A_258 = tpu.sem_alloc : memref<!tpu.dma_semaphore, #tpu.memory_space<semaphore_mem>>
        %dma_start3A_259 = arith.constant 0 : i32
        %dma_start3A_260 = tpu.memref_slice %arg8[%rem3A_37, %add3A_190, %dma_start3A_259] : memref<2x8x128xi32, #tpu.memory_space<vmem>> -> memref<1x1x128xi32, #tpu.memory_space<vmem>>
        %dma_start3A_261 = tpu.memref_squeeze %dma_start3A_260 : memref<1x1x128xi32, #tpu.memory_space<vmem>> -> memref<128xi32, #tpu.memory_space<vmem>>
        %dma_start3A_262 = arith.constant 0 : i32
        %dma_start3A_263 = arith.constant 0 : i32
        %dma_start3A_264 = tpu.memref_slice %arg11[%dma_start3A_262, %dma_start3A_263] : memref<10112x128xf32, #tpu.memory_space<vmem_shared>> -> memref<10112x128xf32, #tpu.memory_space<vmem_shared>>
        tpu.enqueue_indirect_dma source(%arg10 : memref<128x128xf32, #tpu.memory_space<vmem>>) target(%dma_start3A_264 : memref<10112x128xf32, #tpu.memory_space<vmem_shared>>) offsets(%dma_start3A_261 : memref<128xi32, #tpu.memory_space<vmem>>) semaphore(%run_scoped3A_258 : memref<!tpu.dma_semaphore, #tpu.memory_space<semaphore_mem>>) {add = true}
        %dma_wait3A_265 = arith.constant 0 : i32
        %dma_wait3A_266 = tpu.memref_slice %arg8[%rem3A_37, %add3A_190, %dma_wait3A_265] : memref<2x8x128xi32, #tpu.memory_space<vmem>> -> memref<1x1x128xi32, #tpu.memory_space<vmem>>
        %dma_wait3A_267 = tpu.memref_squeeze %dma_wait3A_266 : memref<1x1x128xi32, #tpu.memory_space<vmem>> -> memref<128xi32, #tpu.memory_space<vmem>>
        %dma_wait3A_268 = arith.constant 0 : i32
        %dma_wait3A_269 = arith.constant 0 : i32
        %dma_wait3A_270 = tpu.memref_slice %arg11[%dma_wait3A_268, %dma_wait3A_269] : memref<10112x128xf32, #tpu.memory_space<vmem_shared>> -> memref<10112x128xf32, #tpu.memory_space<vmem_shared>>
        tpu.wait_indirect_dma semaphore(%run_scoped3A_258 : memref<!tpu.dma_semaphore, #tpu.memory_space<semaphore_mem>>) src(%arg10 : memref<128x128xf32, #tpu.memory_space<vmem>>) dst(%dma_wait3A_270 : memref<10112x128xf32, #tpu.memory_space<vmem_shared>>)
        tpu.yield
      }) : () -> ()
      %add3A_191 = arith.constant 6 : i32
      %add3A_192 = arith.constant 1 : i32
      %add3A_193 = arith.addi %add3A_191, %add3A_192 : i32
      %dma_start3A_194 = arith.constant 0 : i32
      %dma_start3A_195 = tpu.memref_slice %arg7[%rem3A_37, %add3A_193, %dma_start3A_194] : memref<2x8x128xi32, #tpu.memory_space<vmem>> -> memref<1x1x128xi32, #tpu.memory_space<vmem>>
      %dma_start3A_196 = tpu.memref_squeeze %dma_start3A_195 : memref<1x1x128xi32, #tpu.memory_space<vmem>> -> memref<128xi32, #tpu.memory_space<vmem>>
      %dma_start3A_197 = arith.constant 0 : i32
      %dma_start3A_198 = arith.constant 0 : i32
      %dma_start3A_199 = tpu.memref_slice %arg2[%dma_start3A_197, %dma_start3A_198] : memref<10000x128xf32, #tpu.memory_space<hbm>> -> memref<10000x128xf32, #tpu.memory_space<hbm>>
      tpu.enqueue_indirect_dma source(%dma_start3A_199 : memref<10000x128xf32, #tpu.memory_space<hbm>>) target(%arg10 : memref<128x128xf32, #tpu.memory_space<vmem>>) offsets(%dma_start3A_196 : memref<128xi32, #tpu.memory_space<vmem>>) semaphore(%arg14 : memref<!tpu.dma_semaphore, #tpu.memory_space<semaphore_mem>>)
      %dma_wait3A_200 = arith.constant 6 : i32
      %dma_wait3A_201 = arith.constant 0 : i32
      %dma_wait3A_202 = tpu.memref_slice %arg7[%rem3A_37, %dma_wait3A_200, %dma_wait3A_201] : memref<2x8x128xi32, #tpu.memory_space<vmem>> -> memref<1x1x128xi32, #tpu.memory_space<vmem>>
      %dma_wait3A_203 = tpu.memref_squeeze %dma_wait3A_202 : memref<1x1x128xi32, #tpu.memory_space<vmem>> -> memref<128xi32, #tpu.memory_space<vmem>>
      %dma_wait3A_204 = arith.constant 0 : i32
      %dma_wait3A_205 = arith.constant 0 : i32
      %dma_wait3A_206 = tpu.memref_slice %arg2[%dma_wait3A_204, %dma_wait3A_205] : memref<10000x128xf32, #tpu.memory_space<hbm>> -> memref<10000x128xf32, #tpu.memory_space<hbm>>
      tpu.wait_indirect_dma semaphore(%arg13 : memref<!tpu.dma_semaphore, #tpu.memory_space<semaphore_mem>>) src(%dma_wait3A_206 : memref<10000x128xf32, #tpu.memory_space<hbm>>) dst(%arg9 : memref<128x128xf32, #tpu.memory_space<vmem>>)
      %run_scoped3A_207 = arith.constant 6 : i32
      "tpu.region"() ({
        %run_scoped3A_258 = tpu.sem_alloc : memref<!tpu.dma_semaphore, #tpu.memory_space<semaphore_mem>>
        %dma_start3A_259 = arith.constant 0 : i32
        %dma_start3A_260 = tpu.memref_slice %arg8[%rem3A_37, %run_scoped3A_207, %dma_start3A_259] : memref<2x8x128xi32, #tpu.memory_space<vmem>> -> memref<1x1x128xi32, #tpu.memory_space<vmem>>
        %dma_start3A_261 = tpu.memref_squeeze %dma_start3A_260 : memref<1x1x128xi32, #tpu.memory_space<vmem>> -> memref<128xi32, #tpu.memory_space<vmem>>
        %dma_start3A_262 = arith.constant 0 : i32
        %dma_start3A_263 = arith.constant 0 : i32
        %dma_start3A_264 = tpu.memref_slice %arg11[%dma_start3A_262, %dma_start3A_263] : memref<10112x128xf32, #tpu.memory_space<vmem_shared>> -> memref<10112x128xf32, #tpu.memory_space<vmem_shared>>
        tpu.enqueue_indirect_dma source(%arg9 : memref<128x128xf32, #tpu.memory_space<vmem>>) target(%dma_start3A_264 : memref<10112x128xf32, #tpu.memory_space<vmem_shared>>) offsets(%dma_start3A_261 : memref<128xi32, #tpu.memory_space<vmem>>) semaphore(%run_scoped3A_258 : memref<!tpu.dma_semaphore, #tpu.memory_space<semaphore_mem>>) {add = true}
        %dma_wait3A_265 = arith.constant 0 : i32
        %dma_wait3A_266 = tpu.memref_slice %arg8[%rem3A_37, %run_scoped3A_207, %dma_wait3A_265] : memref<2x8x128xi32, #tpu.memory_space<vmem>> -> memref<1x1x128xi32, #tpu.memory_space<vmem>>
        %dma_wait3A_267 = tpu.memref_squeeze %dma_wait3A_266 : memref<1x1x128xi32, #tpu.memory_space<vmem>> -> memref<128xi32, #tpu.memory_space<vmem>>
        %dma_wait3A_268 = arith.constant 0 : i32
        %dma_wait3A_269 = arith.constant 0 : i32
        %dma_wait3A_270 = tpu.memref_slice %arg11[%dma_wait3A_268, %dma_wait3A_269] : memref<10112x128xf32, #tpu.memory_space<vmem_shared>> -> memref<10112x128xf32, #tpu.memory_space<vmem_shared>>
        tpu.wait_indirect_dma semaphore(%run_scoped3A_258 : memref<!tpu.dma_semaphore, #tpu.memory_space<semaphore_mem>>) src(%arg9 : memref<128x128xf32, #tpu.memory_space<vmem>>) dst(%dma_wait3A_270 : memref<10112x128xf32, #tpu.memory_space<vmem_shared>>)
        tpu.yield
      }) : () -> ()
      %mul3A_208 = arith.constant 8 : i32
      %mul3A_209 = arith.muli %min3A_44, %mul3A_208 : i32
      %dma_wait3A_210 = arith.constant 0 : i32
      %dma_wait3A_211 = arith.constant 0 : i32
      %dma_wait3A_212 = tpu.memref_slice %arg7[%rem3A_41, %dma_wait3A_210, %dma_wait3A_211] : memref<2x8x128xi32, #tpu.memory_space<vmem>> -> memref<1x8x128xi32, #tpu.memory_space<vmem>>
      %dma_wait3A_213 = tpu.memref_squeeze %dma_wait3A_212 : memref<1x8x128xi32, #tpu.memory_space<vmem>> -> memref<8x128xi32, #tpu.memory_space<vmem>>
      %dma_wait3A_214 = arith.constant 0 : i32
      %dma_wait3A_215 = tpu.memref_slice %arg3[%add3A, %mul3A_209, %dma_wait3A_214] : memref<32x80x128xi32, #tpu.memory_space<hbm>> -> memref<1x8x128xi32, #tpu.memory_space<hbm>>
      %dma_wait3A_216 = tpu.memref_squeeze %dma_wait3A_215 : memref<1x8x128xi32, #tpu.memory_space<hbm>> -> memref<8x128xi32, #tpu.memory_space<hbm>>
      %dma_wait3A_217 = arith.constant 0 : i32
      %dma_wait3A_218 = arith.constant 0 : i32
      %dma_wait3A_219 = tpu.memref_slice %arg7[%rem3A_41, %dma_wait3A_217, %dma_wait3A_218] : memref<2x8x128xi32, #tpu.memory_space<vmem>> -> memref<1x8x128xi32, #tpu.memory_space<vmem>>
      %dma_wait3A_220 = tpu.memref_squeeze %dma_wait3A_219 : memref<1x8x128xi32, #tpu.memory_space<vmem>> -> memref<8x128xi32, #tpu.memory_space<vmem>>
      %dma_wait3A_221 = arith.constant 0 : i32
      %dma_wait3A_222 = tpu.memref_slice %arg3[%add3A, %mul3A_209, %dma_wait3A_221] : memref<32x80x128xi32, #tpu.memory_space<hbm>> -> memref<1x8x128xi32, #tpu.memory_space<hbm>>
      %dma_wait3A_223 = tpu.memref_squeeze %dma_wait3A_222 : memref<1x8x128xi32, #tpu.memory_space<hbm>> -> memref<8x128xi32, #tpu.memory_space<hbm>>
      tpu.wait_dma2 semaphore(%arg12 : memref<!tpu.dma_semaphore, #tpu.memory_space<semaphore_mem>>) src(%dma_wait3A_223 : memref<8x128xi32, #tpu.memory_space<hbm>>) dst(%dma_wait3A_220 : memref<8x128xi32, #tpu.memory_space<vmem>>)
      %mul3A_224 = arith.constant 8 : i32
      %mul3A_225 = arith.muli %min3A_44, %mul3A_224 : i32
      %dma_wait3A_226 = arith.constant 0 : i32
      %dma_wait3A_227 = arith.constant 0 : i32
      %dma_wait3A_228 = tpu.memref_slice %arg8[%rem3A_41, %dma_wait3A_226, %dma_wait3A_227] : memref<2x8x128xi32, #tpu.memory_space<vmem>> -> memref<1x8x128xi32, #tpu.memory_space<vmem>>
      %dma_wait3A_229 = tpu.memref_squeeze %dma_wait3A_228 : memref<1x8x128xi32, #tpu.memory_space<vmem>> -> memref<8x128xi32, #tpu.memory_space<vmem>>
      %dma_wait3A_230 = arith.constant 0 : i32
      %dma_wait3A_231 = tpu.memref_slice %arg4[%add3A, %mul3A_225, %dma_wait3A_230] : memref<32x80x128xi32, #tpu.memory_space<hbm>> -> memref<1x8x128xi32, #tpu.memory_space<hbm>>
      %dma_wait3A_232 = tpu.memref_squeeze %dma_wait3A_231 : memref<1x8x128xi32, #tpu.memory_space<hbm>> -> memref<8x128xi32, #tpu.memory_space<hbm>>
      %dma_wait3A_233 = arith.constant 0 : i32
      %dma_wait3A_234 = arith.constant 0 : i32
      %dma_wait3A_235 = tpu.memref_slice %arg8[%rem3A_41, %dma_wait3A_233, %dma_wait3A_234] : memref<2x8x128xi32, #tpu.memory_space<vmem>> -> memref<1x8x128xi32, #tpu.memory_space<vmem>>
      %dma_wait3A_236 = tpu.memref_squeeze %dma_wait3A_235 : memref<1x8x128xi32, #tpu.memory_space<vmem>> -> memref<8x128xi32, #tpu.memory_space<vmem>>
      %dma_wait3A_237 = arith.constant 0 : i32
      %dma_wait3A_238 = tpu.memref_slice %arg4[%add3A, %mul3A_225, %dma_wait3A_237] : memref<32x80x128xi32, #tpu.memory_space<hbm>> -> memref<1x8x128xi32, #tpu.memory_space<hbm>>
      %dma_wait3A_239 = tpu.memref_squeeze %dma_wait3A_238 : memref<1x8x128xi32, #tpu.memory_space<hbm>> -> memref<8x128xi32, #tpu.memory_space<hbm>>
      tpu.wait_dma2 semaphore(%arg12 : memref<!tpu.dma_semaphore, #tpu.memory_space<semaphore_mem>>) src(%dma_wait3A_239 : memref<8x128xi32, #tpu.memory_space<hbm>>) dst(%dma_wait3A_236 : memref<8x128xi32, #tpu.memory_space<vmem>>)
      %dma_start3A_240 = arith.constant 0 : i32
      %dma_start3A_241 = tpu.memref_slice %arg7[%rem3A_41, %while3A_13, %dma_start3A_240] : memref<2x8x128xi32, #tpu.memory_space<vmem>> -> memref<1x1x128xi32, #tpu.memory_space<vmem>>
      %dma_start3A_242 = tpu.memref_squeeze %dma_start3A_241 : memref<1x1x128xi32, #tpu.memory_space<vmem>> -> memref<128xi32, #tpu.memory_space<vmem>>
      %dma_start3A_243 = arith.constant 0 : i32
      %dma_start3A_244 = arith.constant 0 : i32
      %dma_start3A_245 = tpu.memref_slice %arg2[%dma_start3A_243, %dma_start3A_244] : memref<10000x128xf32, #tpu.memory_space<hbm>> -> memref<10000x128xf32, #tpu.memory_space<hbm>>
      tpu.enqueue_indirect_dma source(%dma_start3A_245 : memref<10000x128xf32, #tpu.memory_space<hbm>>) target(%arg9 : memref<128x128xf32, #tpu.memory_space<vmem>>) offsets(%dma_start3A_242 : memref<128xi32, #tpu.memory_space<vmem>>) semaphore(%arg13 : memref<!tpu.dma_semaphore, #tpu.memory_space<semaphore_mem>>)
      %add3A_246 = arith.constant 6 : i32
      %add3A_247 = arith.constant 1 : i32
      %add3A_248 = arith.addi %add3A_246, %add3A_247 : i32
      %dma_wait3A_249 = arith.constant 0 : i32
      %dma_wait3A_250 = tpu.memref_slice %arg7[%rem3A_37, %add3A_248, %dma_wait3A_249] : memref<2x8x128xi32, #tpu.memory_space<vmem>> -> memref<1x1x128xi32, #tpu.memory_space<vmem>>
      %dma_wait3A_251 = tpu.memref_squeeze %dma_wait3A_250 : memref<1x1x128xi32, #tpu.memory_space<vmem>> -> memref<128xi32, #tpu.memory_space<vmem>>
      %dma_wait3A_252 = arith.constant 0 : i32
      %dma_wait3A_253 = arith.constant 0 : i32
      %dma_wait3A_254 = tpu.memref_slice %arg2[%dma_wait3A_252, %dma_wait3A_253] : memref<10000x128xf32, #tpu.memory_space<hbm>> -> memref<10000x128xf32, #tpu.memory_space<hbm>>
      tpu.wait_indirect_dma semaphore(%arg14 : memref<!tpu.dma_semaphore, #tpu.memory_space<semaphore_mem>>) src(%dma_wait3A_254 : memref<10000x128xf32, #tpu.memory_space<hbm>>) dst(%arg10 : memref<128x128xf32, #tpu.memory_space<vmem>>)
      %add3A_255 = arith.constant 6 : i32
      %add3A_256 = arith.constant 1 : i32
      %add3A_257 = arith.addi %add3A_255, %add3A_256 : i32
      "tpu.region"() ({
        %run_scoped3A_258 = tpu.sem_alloc : memref<!tpu.dma_semaphore, #tpu.memory_space<semaphore_mem>>
        %dma_start3A_259 = arith.constant 0 : i32
        %dma_start3A_260 = tpu.memref_slice %arg8[%rem3A_37, %add3A_257, %dma_start3A_259] : memref<2x8x128xi32, #tpu.memory_space<vmem>> -> memref<1x1x128xi32, #tpu.memory_space<vmem>>
        %dma_start3A_261 = tpu.memref_squeeze %dma_start3A_260 : memref<1x1x128xi32, #tpu.memory_space<vmem>> -> memref<128xi32, #tpu.memory_space<vmem>>
        %dma_start3A_262 = arith.constant 0 : i32
        %dma_start3A_263 = arith.constant 0 : i32
        %dma_start3A_264 = tpu.memref_slice %arg11[%dma_start3A_262, %dma_start3A_263] : memref<10112x128xf32, #tpu.memory_space<vmem_shared>> -> memref<10112x128xf32, #tpu.memory_space<vmem_shared>>
        tpu.enqueue_indirect_dma source(%arg10 : memref<128x128xf32, #tpu.memory_space<vmem>>) target(%dma_start3A_264 : memref<10112x128xf32, #tpu.memory_space<vmem_shared>>) offsets(%dma_start3A_261 : memref<128xi32, #tpu.memory_space<vmem>>) semaphore(%run_scoped3A_258 : memref<!tpu.dma_semaphore, #tpu.memory_space<semaphore_mem>>) {add = true}
        %dma_wait3A_265 = arith.constant 0 : i32
        %dma_wait3A_266 = tpu.memref_slice %arg8[%rem3A_37, %add3A_257, %dma_wait3A_265] : memref<2x8x128xi32, #tpu.memory_space<vmem>> -> memref<1x1x128xi32, #tpu.memory_space<vmem>>
        %dma_wait3A_267 = tpu.memref_squeeze %dma_wait3A_266 : memref<1x1x128xi32, #tpu.memory_space<vmem>> -> memref<128xi32, #tpu.memory_space<vmem>>
        %dma_wait3A_268 = arith.constant 0 : i32
        %dma_wait3A_269 = arith.constant 0 : i32
        %dma_wait3A_270 = tpu.memref_slice %arg11[%dma_wait3A_268, %dma_wait3A_269] : memref<10112x128xf32, #tpu.memory_space<vmem_shared>> -> memref<10112x128xf32, #tpu.memory_space<vmem_shared>>
        tpu.wait_indirect_dma semaphore(%run_scoped3A_258 : memref<!tpu.dma_semaphore, #tpu.memory_space<semaphore_mem>>) src(%arg10 : memref<128x128xf32, #tpu.memory_space<vmem>>) dst(%dma_wait3A_270 : memref<10112x128xf32, #tpu.memory_space<vmem_shared>>)
        tpu.yield
      }) : () -> ()
    }
    %dma_wait3A = arith.constant 0 : i32
    %dma_wait3A_24 = arith.constant 0 : i32
    %dma_wait3A_25 = arith.constant 0 : i32
    %dma_wait3A_26 = tpu.memref_slice %arg7[%dma_wait3A, %dma_wait3A_24, %dma_wait3A_25] : memref<2x8x128xi32, #tpu.memory_space<vmem>> -> memref<1x1x128xi32, #tpu.memory_space<vmem>>
    %dma_wait3A_27 = tpu.memref_squeeze %dma_wait3A_26 : memref<1x1x128xi32, #tpu.memory_space<vmem>> -> memref<128xi32, #tpu.memory_space<vmem>>
    %dma_wait3A_28 = arith.constant 0 : i32
    %dma_wait3A_29 = arith.constant 0 : i32
    %dma_wait3A_30 = tpu.memref_slice %arg2[%dma_wait3A_28, %dma_wait3A_29] : memref<10000x128xf32, #tpu.memory_space<hbm>> -> memref<10000x128xf32, #tpu.memory_space<hbm>>
    tpu.wait_indirect_dma semaphore(%arg13 : memref<!tpu.dma_semaphore, #tpu.memory_space<semaphore_mem>>) src(%dma_wait3A_30 : memref<10000x128xf32, #tpu.memory_space<hbm>>) dst(%arg9 : memref<128x128xf32, #tpu.memory_space<vmem>>)
    %barrier3A_31 = arith.constant 0 : index
    tpu.barrier barrier_id(%barrier3A_31)
    %mul3A_32 = arith.constant 632 : i32
    %mul3A_33 = arith.muli %arg1, %mul3A_32 : i32
    %mul3A_34 = arith.constant 632 : i32
    %mul3A_35 = arith.muli %arg1, %mul3A_34 : i32
    "tpu.region"() ({
      %run_scoped3A_36 = tpu.sem_alloc : memref<!tpu.dma_semaphore, #tpu.memory_space<semaphore_mem>>
      %dma_start3A_37 = arith.constant 0 : i32
      %dma_start3A_38 = tpu.memref_slice %arg6[%arg0, %mul3A_35, %dma_start3A_37] : memref<2x10112x128xf32, #tpu.memory_space<hbm>> -> memref<1x632x128xf32, #tpu.memory_space<hbm>>
      %dma_start3A_39 = tpu.memref_squeeze %dma_start3A_38 : memref<1x632x128xf32, #tpu.memory_space<hbm>> -> memref<632x128xf32, #tpu.memory_space<hbm>>
      %dma_start3A_40 = arith.constant 0 : i32
      %dma_start3A_41 = tpu.memref_slice %arg11[%mul3A_33, %dma_start3A_40] : memref<10112x128xf32, #tpu.memory_space<vmem_shared>> -> memref<632x128xf32, #tpu.memory_space<vmem_shared>>
      tpu.enqueue_dma source(%dma_start3A_41 : memref<632x128xf32, #tpu.memory_space<vmem_shared>>) target(%dma_start3A_39 : memref<632x128xf32, #tpu.memory_space<hbm>>) target_semaphore(%run_scoped3A_36 : memref<!tpu.dma_semaphore, #tpu.memory_space<semaphore_mem>>)
      %dma_wait3A_42 = arith.constant 0 : i32
      %dma_wait3A_43 = tpu.memref_slice %arg6[%arg0, %mul3A_35, %dma_wait3A_42] : memref<2x10112x128xf32, #tpu.memory_space<hbm>> -> memref<1x632x128xf32, #tpu.memory_space<hbm>>
      %dma_wait3A_44 = tpu.memref_squeeze %dma_wait3A_43 : memref<1x632x128xf32, #tpu.memory_space<hbm>> -> memref<632x128xf32, #tpu.memory_space<hbm>>
      %dma_wait3A_45 = arith.constant 0 : i32
      %dma_wait3A_46 = tpu.memref_slice %arg11[%mul3A_33, %dma_wait3A_45] : memref<10112x128xf32, #tpu.memory_space<vmem_shared>> -> memref<632x128xf32, #tpu.memory_space<vmem_shared>>
      tpu.wait_dma2 semaphore(%run_scoped3A_36 : memref<!tpu.dma_semaphore, #tpu.memory_space<semaphore_mem>>) src(%dma_wait3A_46 : memref<632x128xf32, #tpu.memory_space<vmem_shared>>) dst(%dma_wait3A_44 : memref<632x128xf32, #tpu.memory_space<hbm>>)
      tpu.yield
    }) : () -> ()
    return
  }
}

#map = affine_map<(d0, d1) -> (0, 0)>
#map1 = affine_map<(d0, d1) -> (0, 0, 0)>
module attributes {stable_mosaic.version = 14 : i64} {
  func.func @k(%arg0: i32, %arg1: i32, %arg2: memref<10000x128xf32, #tpu.memory_space<hbm>>, %arg3: memref<32x80x128xi32, #tpu.memory_space<hbm>>, %arg4: memref<32x80x128xi32, #tpu.memory_space<hbm>>, %arg5: memref<10112x128xf32, #tpu.memory_space<hbm>>, %arg6: memref<2x10112x128xf32, #tpu.memory_space<hbm>>, %arg7: memref<2x8x128xi32, #tpu.memory_space<vmem>>, %arg8: memref<2x8x128xi32, #tpu.memory_space<vmem>>, %arg9: memref<128x128xf32, #tpu.memory_space<vmem>>, %arg10: memref<128x128xf32, #tpu.memory_space<vmem>>, %arg11: memref<10112x128xf32, #tpu.memory_space<vmem_shared>>, %arg12: memref<!tpu.dma_semaphore, #tpu.memory_space<semaphore_mem>>, %arg13: memref<!tpu.dma_semaphore, #tpu.memory_space<semaphore_mem>>, %arg14: memref<!tpu.dma_semaphore, #tpu.memory_space<semaphore_mem>>) attributes {dimension_semantics = [#tpu.dimension_semantics<core_parallel>, #tpu.dimension_semantics<subcore_parallel>], iteration_bounds = array<i64: 2, 16>, scalar_prefetch = 0 : i64, scratch_operands = 8 : i64, tpu.core_type = #tpu.core_type<sc_vector_subcore>, window_params = [{transform_indices = #map}, {transform_indices = #map1}, {transform_indices = #map1}, {transform_indices = #map}, {transform_indices = #map1}]} {
    %mul3A = arith.constant 16 : i32
    %mul3A_0 = arith.muli %arg0, %mul3A : i32
    %add3A = arith.addi %mul3A_0, %arg1 : i32
    %mul3A_1 = arith.constant 632 : i32
    %mul3A_2 = arith.muli %arg1, %mul3A_1 : i32
    %mul3A_3 = arith.constant 632 : i32
    %mul3A_4 = arith.muli %arg1, %mul3A_3 : i32
    "tpu.region"() ({
      %run_scoped3A_36 = tpu.sem_alloc : memref<!tpu.dma_semaphore, #tpu.memory_space<semaphore_mem>>
      %dma_start3A_37 = arith.constant 0 : i32
      %dma_start3A_38 = tpu.memref_slice %arg11[%mul3A_4, %dma_start3A_37] : memref<10112x128xf32, #tpu.memory_space<vmem_shared>> -> memref<632x128xf32, #tpu.memory_space<vmem_shared>>
      %dma_start3A_39 = arith.constant 0 : i32
      %dma_start3A_40 = tpu.memref_slice %arg5[%mul3A_2, %dma_start3A_39] : memref<10112x128xf32, #tpu.memory_space<hbm>> -> memref<632x128xf32, #tpu.memory_space<hbm>>
      tpu.enqueue_dma source(%dma_start3A_40 : memref<632x128xf32, #tpu.memory_space<hbm>>) target(%dma_start3A_38 : memref<632x128xf32, #tpu.memory_space<vmem_shared>>) target_semaphore(%run_scoped3A_36 : memref<!tpu.dma_semaphore, #tpu.memory_space<semaphore_mem>>)
      %dma_wait3A_41 = arith.constant 0 : i32
      %dma_wait3A_42 = tpu.memref_slice %arg11[%mul3A_4, %dma_wait3A_41] : memref<10112x128xf32, #tpu.memory_space<vmem_shared>> -> memref<632x128xf32, #tpu.memory_space<vmem_shared>>
      %dma_wait3A_43 = arith.constant 0 : i32
      %dma_wait3A_44 = tpu.memref_slice %arg5[%mul3A_2, %dma_wait3A_43] : memref<10112x128xf32, #tpu.memory_space<hbm>> -> memref<632x128xf32, #tpu.memory_space<hbm>>
      tpu.wait_dma2 semaphore(%run_scoped3A_36 : memref<!tpu.dma_semaphore, #tpu.memory_space<semaphore_mem>>) src(%dma_wait3A_44 : memref<632x128xf32, #tpu.memory_space<hbm>>) dst(%dma_wait3A_42 : memref<632x128xf32, #tpu.memory_space<vmem_shared>>)
      tpu.yield
    }) : () -> ()
    %run_scoped3A = arith.constant 0 : i32
    "tpu.region"() ({
      %run_scoped3A_36 = tpu.sem_alloc : memref<!tpu.dma_semaphore, #tpu.memory_space<semaphore_mem>>
      %dma_start3A_37 = arith.constant 0 : i32
      %dma_start3A_38 = arith.constant 0 : i32
      %dma_start3A_39 = tpu.memref_slice %arg7[%run_scoped3A, %dma_start3A_37, %dma_start3A_38] : memref<2x8x128xi32, #tpu.memory_space<vmem>> -> memref<1x8x128xi32, #tpu.memory_space<vmem>>
      %dma_start3A_40 = tpu.memref_squeeze %dma_start3A_39 : memref<1x8x128xi32, #tpu.memory_space<vmem>> -> memref<8x128xi32, #tpu.memory_space<vmem>>
      %dma_start3A_41 = arith.constant 0 : i32
      %dma_start3A_42 = tpu.memref_slice %arg3[%add3A, %run_scoped3A, %dma_start3A_41] : memref<32x80x128xi32, #tpu.memory_space<hbm>> -> memref<1x8x128xi32, #tpu.memory_space<hbm>>
      %dma_start3A_43 = tpu.memref_squeeze %dma_start3A_42 : memref<1x8x128xi32, #tpu.memory_space<hbm>> -> memref<8x128xi32, #tpu.memory_space<hbm>>
      %dma_start3A_44 = arith.constant 0 : i32
      %dma_start3A_45 = arith.constant 0 : i32
      %dma_start3A_46 = tpu.memref_slice %arg7[%run_scoped3A, %dma_start3A_44, %dma_start3A_45] : memref<2x8x128xi32, #tpu.memory_space<vmem>> -> memref<1x8x128xi32, #tpu.memory_space<vmem>>
      %dma_start3A_47 = tpu.memref_squeeze %dma_start3A_46 : memref<1x8x128xi32, #tpu.memory_space<vmem>> -> memref<8x128xi32, #tpu.memory_space<vmem>>
      %dma_start3A_48 = arith.constant 0 : i32
      %dma_start3A_49 = tpu.memref_slice %arg3[%add3A, %run_scoped3A, %dma_start3A_48] : memref<32x80x128xi32, #tpu.memory_space<hbm>> -> memref<1x8x128xi32, #tpu.memory_space<hbm>>
      %dma_start3A_50 = tpu.memref_squeeze %dma_start3A_49 : memref<1x8x128xi32, #tpu.memory_space<hbm>> -> memref<8x128xi32, #tpu.memory_space<hbm>>
      tpu.enqueue_dma source(%dma_start3A_50 : memref<8x128xi32, #tpu.memory_space<hbm>>) target(%dma_start3A_47 : memref<8x128xi32, #tpu.memory_space<vmem>>) target_semaphore(%run_scoped3A_36 : memref<!tpu.dma_semaphore, #tpu.memory_space<semaphore_mem>>)
      %dma_wait3A_51 = arith.constant 0 : i32
      %dma_wait3A_52 = arith.constant 0 : i32
      %dma_wait3A_53 = tpu.memref_slice %arg7[%run_scoped3A, %dma_wait3A_51, %dma_wait3A_52] : memref<2x8x128xi32, #tpu.memory_space<vmem>> -> memref<1x8x128xi32, #tpu.memory_space<vmem>>
      %dma_wait3A_54 = tpu.memref_squeeze %dma_wait3A_53 : memref<1x8x128xi32, #tpu.memory_space<vmem>> -> memref<8x128xi32, #tpu.memory_space<vmem>>
      %dma_wait3A_55 = arith.constant 0 : i32
      %dma_wait3A_56 = tpu.memref_slice %arg3[%add3A, %run_scoped3A, %dma_wait3A_55] : memref<32x80x128xi32, #tpu.memory_space<hbm>> -> memref<1x8x128xi32, #tpu.memory_space<hbm>>
      %dma_wait3A_57 = tpu.memref_squeeze %dma_wait3A_56 : memref<1x8x128xi32, #tpu.memory_space<hbm>> -> memref<8x128xi32, #tpu.memory_space<hbm>>
      %dma_wait3A_58 = arith.constant 0 : i32
      %dma_wait3A_59 = arith.constant 0 : i32
      %dma_wait3A_60 = tpu.memref_slice %arg7[%run_scoped3A, %dma_wait3A_58, %dma_wait3A_59] : memref<2x8x128xi32, #tpu.memory_space<vmem>> -> memref<1x8x128xi32, #tpu.memory_space<vmem>>
      %dma_wait3A_61 = tpu.memref_squeeze %dma_wait3A_60 : memref<1x8x128xi32, #tpu.memory_space<vmem>> -> memref<8x128xi32, #tpu.memory_space<vmem>>
      %dma_wait3A_62 = arith.constant 0 : i32
      %dma_wait3A_63 = tpu.memref_slice %arg3[%add3A, %run_scoped3A, %dma_wait3A_62] : memref<32x80x128xi32, #tpu.memory_space<hbm>> -> memref<1x8x128xi32, #tpu.memory_space<hbm>>
      %dma_wait3A_64 = tpu.memref_squeeze %dma_wait3A_63 : memref<1x8x128xi32, #tpu.memory_space<hbm>> -> memref<8x128xi32, #tpu.memory_space<hbm>>
      tpu.wait_dma2 semaphore(%run_scoped3A_36 : memref<!tpu.dma_semaphore, #tpu.memory_space<semaphore_mem>>) src(%dma_wait3A_64 : memref<8x128xi32, #tpu.memory_space<hbm>>) dst(%dma_wait3A_61 : memref<8x128xi32, #tpu.memory_space<vmem>>)
      tpu.yield
    }) : () -> ()
    %run_scoped3A_5 = arith.constant 0 : i32
    "tpu.region"() ({
      %run_scoped3A_36 = tpu.sem_alloc : memref<!tpu.dma_semaphore, #tpu.memory_space<semaphore_mem>>
      %dma_start3A_37 = arith.constant 0 : i32
      %dma_start3A_38 = arith.constant 0 : i32
      %dma_start3A_39 = tpu.memref_slice %arg8[%run_scoped3A_5, %dma_start3A_37, %dma_start3A_38] : memref<2x8x128xi32, #tpu.memory_space<vmem>> -> memref<1x8x128xi32, #tpu.memory_space<vmem>>
      %dma_start3A_40 = tpu.memref_squeeze %dma_start3A_39 : memref<1x8x128xi32, #tpu.memory_space<vmem>> -> memref<8x128xi32, #tpu.memory_space<vmem>>
      %dma_start3A_41 = arith.constant 0 : i32
      %dma_start3A_42 = tpu.memref_slice %arg4[%add3A, %run_scoped3A_5, %dma_start3A_41] : memref<32x80x128xi32, #tpu.memory_space<hbm>> -> memref<1x8x128xi32, #tpu.memory_space<hbm>>
      %dma_start3A_43 = tpu.memref_squeeze %dma_start3A_42 : memref<1x8x128xi32, #tpu.memory_space<hbm>> -> memref<8x128xi32, #tpu.memory_space<hbm>>
      %dma_start3A_44 = arith.constant 0 : i32
      %dma_start3A_45 = arith.constant 0 : i32
      %dma_start3A_46 = tpu.memref_slice %arg8[%run_scoped3A_5, %dma_start3A_44, %dma_start3A_45] : memref<2x8x128xi32, #tpu.memory_space<vmem>> -> memref<1x8x128xi32, #tpu.memory_space<vmem>>
      %dma_start3A_47 = tpu.memref_squeeze %dma_start3A_46 : memref<1x8x128xi32, #tpu.memory_space<vmem>> -> memref<8x128xi32, #tpu.memory_space<vmem>>
      %dma_start3A_48 = arith.constant 0 : i32
      %dma_start3A_49 = tpu.memref_slice %arg4[%add3A, %run_scoped3A_5, %dma_start3A_48] : memref<32x80x128xi32, #tpu.memory_space<hbm>> -> memref<1x8x128xi32, #tpu.memory_space<hbm>>
      %dma_start3A_50 = tpu.memref_squeeze %dma_start3A_49 : memref<1x8x128xi32, #tpu.memory_space<hbm>> -> memref<8x128xi32, #tpu.memory_space<hbm>>
      tpu.enqueue_dma source(%dma_start3A_50 : memref<8x128xi32, #tpu.memory_space<hbm>>) target(%dma_start3A_47 : memref<8x128xi32, #tpu.memory_space<vmem>>) target_semaphore(%run_scoped3A_36 : memref<!tpu.dma_semaphore, #tpu.memory_space<semaphore_mem>>)
      %dma_wait3A_51 = arith.constant 0 : i32
      %dma_wait3A_52 = arith.constant 0 : i32
      %dma_wait3A_53 = tpu.memref_slice %arg8[%run_scoped3A_5, %dma_wait3A_51, %dma_wait3A_52] : memref<2x8x128xi32, #tpu.memory_space<vmem>> -> memref<1x8x128xi32, #tpu.memory_space<vmem>>
      %dma_wait3A_54 = tpu.memref_squeeze %dma_wait3A_53 : memref<1x8x128xi32, #tpu.memory_space<vmem>> -> memref<8x128xi32, #tpu.memory_space<vmem>>
      %dma_wait3A_55 = arith.constant 0 : i32
      %dma_wait3A_56 = tpu.memref_slice %arg4[%add3A, %run_scoped3A_5, %dma_wait3A_55] : memref<32x80x128xi32, #tpu.memory_space<hbm>> -> memref<1x8x128xi32, #tpu.memory_space<hbm>>
      %dma_wait3A_57 = tpu.memref_squeeze %dma_wait3A_56 : memref<1x8x128xi32, #tpu.memory_space<hbm>> -> memref<8x128xi32, #tpu.memory_space<hbm>>
      %dma_wait3A_58 = arith.constant 0 : i32
      %dma_wait3A_59 = arith.constant 0 : i32
      %dma_wait3A_60 = tpu.memref_slice %arg8[%run_scoped3A_5, %dma_wait3A_58, %dma_wait3A_59] : memref<2x8x128xi32, #tpu.memory_space<vmem>> -> memref<1x8x128xi32, #tpu.memory_space<vmem>>
      %dma_wait3A_61 = tpu.memref_squeeze %dma_wait3A_60 : memref<1x8x128xi32, #tpu.memory_space<vmem>> -> memref<8x128xi32, #tpu.memory_space<vmem>>
      %dma_wait3A_62 = arith.constant 0 : i32
      %dma_wait3A_63 = tpu.memref_slice %arg4[%add3A, %run_scoped3A_5, %dma_wait3A_62] : memref<32x80x128xi32, #tpu.memory_space<hbm>> -> memref<1x8x128xi32, #tpu.memory_space<hbm>>
      %dma_wait3A_64 = tpu.memref_squeeze %dma_wait3A_63 : memref<1x8x128xi32, #tpu.memory_space<hbm>> -> memref<8x128xi32, #tpu.memory_space<hbm>>
      tpu.wait_dma2 semaphore(%run_scoped3A_36 : memref<!tpu.dma_semaphore, #tpu.memory_space<semaphore_mem>>) src(%dma_wait3A_64 : memref<8x128xi32, #tpu.memory_space<hbm>>) dst(%dma_wait3A_61 : memref<8x128xi32, #tpu.memory_space<vmem>>)
      tpu.yield
    }) : () -> ()
    %barrier3A = arith.constant 0 : index
    tpu.barrier barrier_id(%barrier3A)
    %dma_start3A = arith.constant 0 : i32
    %dma_start3A_6 = arith.constant 0 : i32
    %dma_start3A_7 = arith.constant 0 : i32
    %dma_start3A_8 = tpu.memref_slice %arg7[%dma_start3A, %dma_start3A_6, %dma_start3A_7] : memref<2x8x128xi32, #tpu.memory_space<vmem>> -> memref<1x1x128xi32, #tpu.memory_space<vmem>>
    %dma_start3A_9 = tpu.memref_squeeze %dma_start3A_8 : memref<1x1x128xi32, #tpu.memory_space<vmem>> -> memref<128xi32, #tpu.memory_space<vmem>>
    %dma_start3A_10 = arith.constant 0 : i32
    %dma_start3A_11 = arith.constant 0 : i32
    %dma_start3A_12 = tpu.memref_slice %arg2[%dma_start3A_10, %dma_start3A_11] : memref<10000x128xf32, #tpu.memory_space<hbm>> -> memref<10000x128xf32, #tpu.memory_space<hbm>>
    tpu.enqueue_indirect_dma source(%dma_start3A_12 : memref<10000x128xf32, #tpu.memory_space<hbm>>) target(%arg9 : memref<128x128xf32, #tpu.memory_space<vmem>>) offsets(%dma_start3A_9 : memref<128xi32, #tpu.memory_space<vmem>>) semaphore(%arg13 : memref<!tpu.dma_semaphore, #tpu.memory_space<semaphore_mem>>)
    %while3A = arith.constant 0 : i32
    %while3A_13 = arith.constant 0 : i32
    %while3A_14 = arith.constant 0 : i32
    %while3A_15 = arith.constant 10 : i32
    %while3A_16 = arith.subi %while3A_15, %while3A_14 : i32
    %while3A_17 = arith.addi %while3A_14, %while3A_16 : i32
    %while3A_18 = arith.constant 1 : i32
    %while3A_19 = arith.divsi %while3A_16, %while3A_18 : i32
    %while3A_20 = arith.muli %while3A_19, %while3A_18 : i32
    %while3A_21 = arith.addi %while3A_14, %while3A_20 : i32
    %while3A_22 = arith.constant 1 : i32
    scf.for %while3A_36 = %while3A_14 to %while3A_21 step %while3A_22  : i32 {
      %rem3A = arith.constant 2 : i32
      %rem3A_37 = arith.remsi %while3A_36, %rem3A : i32
      %add3A_38 = arith.constant 1 : i32
      %add3A_39 = arith.addi %while3A_36, %add3A_38 : i32
      %rem3A_40 = arith.constant 2 : i32
      %rem3A_41 = arith.remsi %add3A_39, %rem3A_40 : i32
      %add3A_42 = arith.constant 1 : i32
      %add3A_43 = arith.addi %while3A_36, %add3A_42 : i32
      %min3A = arith.constant 9 : i32
      %min3A_44 = arith.minsi %add3A_43, %min3A : i32
      %mul3A_45 = arith.constant 8 : i32
      %mul3A_46 = arith.muli %min3A_44, %mul3A_45 : i32
      %dma_start3A_47 = arith.constant 0 : i32
      %dma_start3A_48 = arith.constant 0 : i32
      %dma_start3A_49 = tpu.memref_slice %arg7[%rem3A_41, %dma_start3A_47, %dma_start3A_48] : memref<2x8x128xi32, #tpu.memory_space<vmem>> -> memref<1x8x128xi32, #tpu.memory_space<vmem>>
      %dma_start3A_50 = tpu.memref_squeeze %dma_start3A_49 : memref<1x8x128xi32, #tpu.memory_space<vmem>> -> memref<8x128xi32, #tpu.memory_space<vmem>>
      %dma_start3A_51 = arith.constant 0 : i32
      %dma_start3A_52 = tpu.memref_slice %arg3[%add3A, %mul3A_46, %dma_start3A_51] : memref<32x80x128xi32, #tpu.memory_space<hbm>> -> memref<1x8x128xi32, #tpu.memory_space<hbm>>
      %dma_start3A_53 = tpu.memref_squeeze %dma_start3A_52 : memref<1x8x128xi32, #tpu.memory_space<hbm>> -> memref<8x128xi32, #tpu.memory_space<hbm>>
      %dma_start3A_54 = arith.constant 0 : i32
      %dma_start3A_55 = arith.constant 0 : i32
      %dma_start3A_56 = tpu.memref_slice %arg7[%rem3A_41, %dma_start3A_54, %dma_start3A_55] : memref<2x8x128xi32, #tpu.memory_space<vmem>> -> memref<1x8x128xi32, #tpu.memory_space<vmem>>
      %dma_start3A_57 = tpu.memref_squeeze %dma_start3A_56 : memref<1x8x128xi32, #tpu.memory_space<vmem>> -> memref<8x128xi32, #tpu.memory_space<vmem>>
      %dma_start3A_58 = arith.constant 0 : i32
      %dma_start3A_59 = tpu.memref_slice %arg3[%add3A, %mul3A_46, %dma_start3A_58] : memref<32x80x128xi32, #tpu.memory_space<hbm>> -> memref<1x8x128xi32, #tpu.memory_space<hbm>>
      %dma_start3A_60 = tpu.memref_squeeze %dma_start3A_59 : memref<1x8x128xi32, #tpu.memory_space<hbm>> -> memref<8x128xi32, #tpu.memory_space<hbm>>
      tpu.enqueue_dma source(%dma_start3A_60 : memref<8x128xi32, #tpu.memory_space<hbm>>) target(%dma_start3A_57 : memref<8x128xi32, #tpu.memory_space<vmem>>) target_semaphore(%arg12 : memref<!tpu.dma_semaphore, #tpu.memory_space<semaphore_mem>>)
      %mul3A_61 = arith.constant 8 : i32
      %mul3A_62 = arith.muli %min3A_44, %mul3A_61 : i32
      %dma_start3A_63 = arith.constant 0 : i32
      %dma_start3A_64 = arith.constant 0 : i32
      %dma_start3A_65 = tpu.memref_slice %arg8[%rem3A_41, %dma_start3A_63, %dma_start3A_64] : memref<2x8x128xi32, #tpu.memory_space<vmem>> -> memref<1x8x128xi32, #tpu.memory_space<vmem>>
      %dma_start3A_66 = tpu.memref_squeeze %dma_start3A_65 : memref<1x8x128xi32, #tpu.memory_space<vmem>> -> memref<8x128xi32, #tpu.memory_space<vmem>>
      %dma_start3A_67 = arith.constant 0 : i32
      %dma_start3A_68 = tpu.memref_slice %arg4[%add3A, %mul3A_62, %dma_start3A_67] : memref<32x80x128xi32, #tpu.memory_space<hbm>> -> memref<1x8x128xi32, #tpu.memory_space<hbm>>
      %dma_start3A_69 = tpu.memref_squeeze %dma_start3A_68 : memref<1x8x128xi32, #tpu.memory_space<hbm>> -> memref<8x128xi32, #tpu.memory_space<hbm>>
      %dma_start3A_70 = arith.constant 0 : i32
      %dma_start3A_71 = arith.constant 0 : i32
      %dma_start3A_72 = tpu.memref_slice %arg8[%rem3A_41, %dma_start3A_70, %dma_start3A_71] : memref<2x8x128xi32, #tpu.memory_space<vmem>> -> memref<1x8x128xi32, #tpu.memory_space<vmem>>
      %dma_start3A_73 = tpu.memref_squeeze %dma_start3A_72 : memref<1x8x128xi32, #tpu.memory_space<vmem>> -> memref<8x128xi32, #tpu.memory_space<vmem>>
      %dma_start3A_74 = arith.constant 0 : i32
      %dma_start3A_75 = tpu.memref_slice %arg4[%add3A, %mul3A_62, %dma_start3A_74] : memref<32x80x128xi32, #tpu.memory_space<hbm>> -> memref<1x8x128xi32, #tpu.memory_space<hbm>>
      %dma_start3A_76 = tpu.memref_squeeze %dma_start3A_75 : memref<1x8x128xi32, #tpu.memory_space<hbm>> -> memref<8x128xi32, #tpu.memory_space<hbm>>
      tpu.enqueue_dma source(%dma_start3A_76 : memref<8x128xi32, #tpu.memory_space<hbm>>) target(%dma_start3A_73 : memref<8x128xi32, #tpu.memory_space<vmem>>) target_semaphore(%arg12 : memref<!tpu.dma_semaphore, #tpu.memory_space<semaphore_mem>>)
      %add3A_77 = arith.constant 0 : i32
      %add3A_78 = arith.constant 1 : i32
      %add3A_79 = arith.addi %add3A_77, %add3A_78 : i32
      %dma_start3A_80 = arith.constant 0 : i32
      %dma_start3A_81 = tpu.memref_slice %arg7[%rem3A_37, %add3A_79, %dma_start3A_80] : memref<2x8x128xi32, #tpu.memory_space<vmem>> -> memref<1x1x128xi32, #tpu.memory_space<vmem>>
      %dma_start3A_82 = tpu.memref_squeeze %dma_start3A_81 : memref<1x1x128xi32, #tpu.memory_space<vmem>> -> memref<128xi32, #tpu.memory_space<vmem>>
      %dma_start3A_83 = arith.constant 0 : i32
      %dma_start3A_84 = arith.constant 0 : i32
      %dma_start3A_85 = tpu.memref_slice %arg2[%dma_start3A_83, %dma_start3A_84] : memref<10000x128xf32, #tpu.memory_space<hbm>> -> memref<10000x128xf32, #tpu.memory_space<hbm>>
      tpu.enqueue_indirect_dma source(%dma_start3A_85 : memref<10000x128xf32, #tpu.memory_space<hbm>>) target(%arg10 : memref<128x128xf32, #tpu.memory_space<vmem>>) offsets(%dma_start3A_82 : memref<128xi32, #tpu.memory_space<vmem>>) semaphore(%arg14 : memref<!tpu.dma_semaphore, #tpu.memory_space<semaphore_mem>>)
      %dma_wait3A_86 = arith.constant 0 : i32
      %dma_wait3A_87 = arith.constant 0 : i32
      %dma_wait3A_88 = tpu.memref_slice %arg7[%rem3A_37, %dma_wait3A_86, %dma_wait3A_87] : memref<2x8x128xi32, #tpu.memory_space<vmem>> -> memref<1x1x128xi32, #tpu.memory_space<vmem>>
      %dma_wait3A_89 = tpu.memref_squeeze %dma_wait3A_88 : memref<1x1x128xi32, #tpu.memory_space<vmem>> -> memref<128xi32, #tpu.memory_space<vmem>>
      %dma_wait3A_90 = arith.constant 0 : i32
      %dma_wait3A_91 = arith.constant 0 : i32
      %dma_wait3A_92 = tpu.memref_slice %arg2[%dma_wait3A_90, %dma_wait3A_91] : memref<10000x128xf32, #tpu.memory_space<hbm>> -> memref<10000x128xf32, #tpu.memory_space<hbm>>
      tpu.wait_indirect_dma semaphore(%arg13 : memref<!tpu.dma_semaphore, #tpu.memory_space<semaphore_mem>>) src(%dma_wait3A_92 : memref<10000x128xf32, #tpu.memory_space<hbm>>) dst(%arg9 : memref<128x128xf32, #tpu.memory_space<vmem>>)
      %run_scoped3A_93 = arith.constant 0 : i32
      "tpu.region"() ({
        %run_scoped3A_258 = tpu.sem_alloc : memref<!tpu.dma_semaphore, #tpu.memory_space<semaphore_mem>>
        %dma_start3A_259 = arith.constant 0 : i32
        %dma_start3A_260 = tpu.memref_slice %arg8[%rem3A_37, %run_scoped3A_93, %dma_start3A_259] : memref<2x8x128xi32, #tpu.memory_space<vmem>> -> memref<1x1x128xi32, #tpu.memory_space<vmem>>
        %dma_start3A_261 = tpu.memref_squeeze %dma_start3A_260 : memref<1x1x128xi32, #tpu.memory_space<vmem>> -> memref<128xi32, #tpu.memory_space<vmem>>
        %dma_start3A_262 = arith.constant 0 : i32
        %dma_start3A_263 = arith.constant 0 : i32
        %dma_start3A_264 = tpu.memref_slice %arg11[%dma_start3A_262, %dma_start3A_263] : memref<10112x128xf32, #tpu.memory_space<vmem_shared>> -> memref<10112x128xf32, #tpu.memory_space<vmem_shared>>
        tpu.enqueue_indirect_dma source(%arg9 : memref<128x128xf32, #tpu.memory_space<vmem>>) target(%dma_start3A_264 : memref<10112x128xf32, #tpu.memory_space<vmem_shared>>) offsets(%dma_start3A_261 : memref<128xi32, #tpu.memory_space<vmem>>) semaphore(%run_scoped3A_258 : memref<!tpu.dma_semaphore, #tpu.memory_space<semaphore_mem>>) {add = true}
        %dma_wait3A_265 = arith.constant 0 : i32
        %dma_wait3A_266 = tpu.memref_slice %arg8[%rem3A_37, %run_scoped3A_93, %dma_wait3A_265] : memref<2x8x128xi32, #tpu.memory_space<vmem>> -> memref<1x1x128xi32, #tpu.memory_space<vmem>>
        %dma_wait3A_267 = tpu.memref_squeeze %dma_wait3A_266 : memref<1x1x128xi32, #tpu.memory_space<vmem>> -> memref<128xi32, #tpu.memory_space<vmem>>
        %dma_wait3A_268 = arith.constant 0 : i32
        %dma_wait3A_269 = arith.constant 0 : i32
        %dma_wait3A_270 = tpu.memref_slice %arg11[%dma_wait3A_268, %dma_wait3A_269] : memref<10112x128xf32, #tpu.memory_space<vmem_shared>> -> memref<10112x128xf32, #tpu.memory_space<vmem_shared>>
        tpu.wait_indirect_dma semaphore(%run_scoped3A_258 : memref<!tpu.dma_semaphore, #tpu.memory_space<semaphore_mem>>) src(%arg9 : memref<128x128xf32, #tpu.memory_space<vmem>>) dst(%dma_wait3A_270 : memref<10112x128xf32, #tpu.memory_space<vmem_shared>>)
        tpu.yield
      }) : () -> ()
      %add3A_94 = arith.constant 0 : i32
      %add3A_95 = arith.constant 2 : i32
      %add3A_96 = arith.addi %add3A_94, %add3A_95 : i32
      %dma_start3A_97 = arith.constant 0 : i32
      %dma_start3A_98 = tpu.memref_slice %arg7[%rem3A_37, %add3A_96, %dma_start3A_97] : memref<2x8x128xi32, #tpu.memory_space<vmem>> -> memref<1x1x128xi32, #tpu.memory_space<vmem>>
      %dma_start3A_99 = tpu.memref_squeeze %dma_start3A_98 : memref<1x1x128xi32, #tpu.memory_space<vmem>> -> memref<128xi32, #tpu.memory_space<vmem>>
      %dma_start3A_100 = arith.constant 0 : i32
      %dma_start3A_101 = arith.constant 0 : i32
      %dma_start3A_102 = tpu.memref_slice %arg2[%dma_start3A_100, %dma_start3A_101] : memref<10000x128xf32, #tpu.memory_space<hbm>> -> memref<10000x128xf32, #tpu.memory_space<hbm>>
      tpu.enqueue_indirect_dma source(%dma_start3A_102 : memref<10000x128xf32, #tpu.memory_space<hbm>>) target(%arg9 : memref<128x128xf32, #tpu.memory_space<vmem>>) offsets(%dma_start3A_99 : memref<128xi32, #tpu.memory_space<vmem>>) semaphore(%arg13 : memref<!tpu.dma_semaphore, #tpu.memory_space<semaphore_mem>>)
      %add3A_103 = arith.constant 0 : i32
      %add3A_104 = arith.constant 1 : i32
      %add3A_105 = arith.addi %add3A_103, %add3A_104 : i32
      %dma_wait3A_106 = arith.constant 0 : i32
      %dma_wait3A_107 = tpu.memref_slice %arg7[%rem3A_37, %add3A_105, %dma_wait3A_106] : memref<2x8x128xi32, #tpu.memory_space<vmem>> -> memref<1x1x128xi32, #tpu.memory_space<vmem>>
      %dma_wait3A_108 = tpu.memref_squeeze %dma_wait3A_107 : memref<1x1x128xi32, #tpu.memory_space<vmem>> -> memref<128xi32, #tpu.memory_space<vmem>>
      %dma_wait3A_109 = arith.constant 0 : i32
      %dma_wait3A_110 = arith.constant 0 : i32
      %dma_wait3A_111 = tpu.memref_slice %arg2[%dma_wait3A_109, %dma_wait3A_110] : memref<10000x128xf32, #tpu.memory_space<hbm>> -> memref<10000x128xf32, #tpu.memory_space<hbm>>
      tpu.wait_indirect_dma semaphore(%arg14 : memref<!tpu.dma_semaphore, #tpu.memory_space<semaphore_mem>>) src(%dma_wait3A_111 : memref<10000x128xf32, #tpu.memory_space<hbm>>) dst(%arg10 : memref<128x128xf32, #tpu.memory_space<vmem>>)
      %add3A_112 = arith.constant 0 : i32
      %add3A_113 = arith.constant 1 : i32
      %add3A_114 = arith.addi %add3A_112, %add3A_113 : i32
      "tpu.region"() ({
        %run_scoped3A_258 = tpu.sem_alloc : memref<!tpu.dma_semaphore, #tpu.memory_space<semaphore_mem>>
        %dma_start3A_259 = arith.constant 0 : i32
        %dma_start3A_260 = tpu.memref_slice %arg8[%rem3A_37, %add3A_114, %dma_start3A_259] : memref<2x8x128xi32, #tpu.memory_space<vmem>> -> memref<1x1x128xi32, #tpu.memory_space<vmem>>
        %dma_start3A_261 = tpu.memref_squeeze %dma_start3A_260 : memref<1x1x128xi32, #tpu.memory_space<vmem>> -> memref<128xi32, #tpu.memory_space<vmem>>
        %dma_start3A_262 = arith.constant 0 : i32
        %dma_start3A_263 = arith.constant 0 : i32
        %dma_start3A_264 = tpu.memref_slice %arg11[%dma_start3A_262, %dma_start3A_263] : memref<10112x128xf32, #tpu.memory_space<vmem_shared>> -> memref<10112x128xf32, #tpu.memory_space<vmem_shared>>
        tpu.enqueue_indirect_dma source(%arg10 : memref<128x128xf32, #tpu.memory_space<vmem>>) target(%dma_start3A_264 : memref<10112x128xf32, #tpu.memory_space<vmem_shared>>) offsets(%dma_start3A_261 : memref<128xi32, #tpu.memory_space<vmem>>) semaphore(%run_scoped3A_258 : memref<!tpu.dma_semaphore, #tpu.memory_space<semaphore_mem>>) {add = true}
        %dma_wait3A_265 = arith.constant 0 : i32
        %dma_wait3A_266 = tpu.memref_slice %arg8[%rem3A_37, %add3A_114, %dma_wait3A_265] : memref<2x8x128xi32, #tpu.memory_space<vmem>> -> memref<1x1x128xi32, #tpu.memory_space<vmem>>
        %dma_wait3A_267 = tpu.memref_squeeze %dma_wait3A_266 : memref<1x1x128xi32, #tpu.memory_space<vmem>> -> memref<128xi32, #tpu.memory_space<vmem>>
        %dma_wait3A_268 = arith.constant 0 : i32
        %dma_wait3A_269 = arith.constant 0 : i32
        %dma_wait3A_270 = tpu.memref_slice %arg11[%dma_wait3A_268, %dma_wait3A_269] : memref<10112x128xf32, #tpu.memory_space<vmem_shared>> -> memref<10112x128xf32, #tpu.memory_space<vmem_shared>>
        tpu.wait_indirect_dma semaphore(%run_scoped3A_258 : memref<!tpu.dma_semaphore, #tpu.memory_space<semaphore_mem>>) src(%arg10 : memref<128x128xf32, #tpu.memory_space<vmem>>) dst(%dma_wait3A_270 : memref<10112x128xf32, #tpu.memory_space<vmem_shared>>)
        tpu.yield
      }) : () -> ()
      %add3A_115 = arith.constant 2 : i32
      %add3A_116 = arith.constant 1 : i32
      %add3A_117 = arith.addi %add3A_115, %add3A_116 : i32
      %dma_start3A_118 = arith.constant 0 : i32
      %dma_start3A_119 = tpu.memref_slice %arg7[%rem3A_37, %add3A_117, %dma_start3A_118] : memref<2x8x128xi32, #tpu.memory_space<vmem>> -> memref<1x1x128xi32, #tpu.memory_space<vmem>>
      %dma_start3A_120 = tpu.memref_squeeze %dma_start3A_119 : memref<1x1x128xi32, #tpu.memory_space<vmem>> -> memref<128xi32, #tpu.memory_space<vmem>>
      %dma_start3A_121 = arith.constant 0 : i32
      %dma_start3A_122 = arith.constant 0 : i32
      %dma_start3A_123 = tpu.memref_slice %arg2[%dma_start3A_121, %dma_start3A_122] : memref<10000x128xf32, #tpu.memory_space<hbm>> -> memref<10000x128xf32, #tpu.memory_space<hbm>>
      tpu.enqueue_indirect_dma source(%dma_start3A_123 : memref<10000x128xf32, #tpu.memory_space<hbm>>) target(%arg10 : memref<128x128xf32, #tpu.memory_space<vmem>>) offsets(%dma_start3A_120 : memref<128xi32, #tpu.memory_space<vmem>>) semaphore(%arg14 : memref<!tpu.dma_semaphore, #tpu.memory_space<semaphore_mem>>)
      %dma_wait3A_124 = arith.constant 2 : i32
      %dma_wait3A_125 = arith.constant 0 : i32
      %dma_wait3A_126 = tpu.memref_slice %arg7[%rem3A_37, %dma_wait3A_124, %dma_wait3A_125] : memref<2x8x128xi32, #tpu.memory_space<vmem>> -> memref<1x1x128xi32, #tpu.memory_space<vmem>>
      %dma_wait3A_127 = tpu.memref_squeeze %dma_wait3A_126 : memref<1x1x128xi32, #tpu.memory_space<vmem>> -> memref<128xi32, #tpu.memory_space<vmem>>
      %dma_wait3A_128 = arith.constant 0 : i32
      %dma_wait3A_129 = arith.constant 0 : i32
      %dma_wait3A_130 = tpu.memref_slice %arg2[%dma_wait3A_128, %dma_wait3A_129] : memref<10000x128xf32, #tpu.memory_space<hbm>> -> memref<10000x128xf32, #tpu.memory_space<hbm>>
      tpu.wait_indirect_dma semaphore(%arg13 : memref<!tpu.dma_semaphore, #tpu.memory_space<semaphore_mem>>) src(%dma_wait3A_130 : memref<10000x128xf32, #tpu.memory_space<hbm>>) dst(%arg9 : memref<128x128xf32, #tpu.memory_space<vmem>>)
      %run_scoped3A_131 = arith.constant 2 : i32
      "tpu.region"() ({
        %run_scoped3A_258 = tpu.sem_alloc : memref<!tpu.dma_semaphore, #tpu.memory_space<semaphore_mem>>
        %dma_start3A_259 = arith.constant 0 : i32
        %dma_start3A_260 = tpu.memref_slice %arg8[%rem3A_37, %run_scoped3A_131, %dma_start3A_259] : memref<2x8x128xi32, #tpu.memory_space<vmem>> -> memref<1x1x128xi32, #tpu.memory_space<vmem>>
        %dma_start3A_261 = tpu.memref_squeeze %dma_start3A_260 : memref<1x1x128xi32, #tpu.memory_space<vmem>> -> memref<128xi32, #tpu.memory_space<vmem>>
        %dma_start3A_262 = arith.constant 0 : i32
        %dma_start3A_263 = arith.constant 0 : i32
        %dma_start3A_264 = tpu.memref_slice %arg11[%dma_start3A_262, %dma_start3A_263] : memref<10112x128xf32, #tpu.memory_space<vmem_shared>> -> memref<10112x128xf32, #tpu.memory_space<vmem_shared>>
        tpu.enqueue_indirect_dma source(%arg9 : memref<128x128xf32, #tpu.memory_space<vmem>>) target(%dma_start3A_264 : memref<10112x128xf32, #tpu.memory_space<vmem_shared>>) offsets(%dma_start3A_261 : memref<128xi32, #tpu.memory_space<vmem>>) semaphore(%run_scoped3A_258 : memref<!tpu.dma_semaphore, #tpu.memory_space<semaphore_mem>>) {add = true}
        %dma_wait3A_265 = arith.constant 0 : i32
        %dma_wait3A_266 = tpu.memref_slice %arg8[%rem3A_37, %run_scoped3A_131, %dma_wait3A_265] : memref<2x8x128xi32, #tpu.memory_space<vmem>> -> memref<1x1x128xi32, #tpu.memory_space<vmem>>
        %dma_wait3A_267 = tpu.memref_squeeze %dma_wait3A_266 : memref<1x1x128xi32, #tpu.memory_space<vmem>> -> memref<128xi32, #tpu.memory_space<vmem>>
        %dma_wait3A_268 = arith.constant 0 : i32
        %dma_wait3A_269 = arith.constant 0 : i32
        %dma_wait3A_270 = tpu.memref_slice %arg11[%dma_wait3A_268, %dma_wait3A_269] : memref<10112x128xf32, #tpu.memory_space<vmem_shared>> -> memref<10112x128xf32, #tpu.memory_space<vmem_shared>>
        tpu.wait_indirect_dma semaphore(%run_scoped3A_258 : memref<!tpu.dma_semaphore, #tpu.memory_space<semaphore_mem>>) src(%arg9 : memref<128x128xf32, #tpu.memory_space<vmem>>) dst(%dma_wait3A_270 : memref<10112x128xf32, #tpu.memory_space<vmem_shared>>)
        tpu.yield
      }) : () -> ()
      %add3A_132 = arith.constant 2 : i32
      %add3A_133 = arith.constant 2 : i32
      %add3A_134 = arith.addi %add3A_132, %add3A_133 : i32
      %dma_start3A_135 = arith.constant 0 : i32
      %dma_start3A_136 = tpu.memref_slice %arg7[%rem3A_37, %add3A_134, %dma_start3A_135] : memref<2x8x128xi32, #tpu.memory_space<vmem>> -> memref<1x1x128xi32, #tpu.memory_space<vmem>>
      %dma_start3A_137 = tpu.memref_squeeze %dma_start3A_136 : memref<1x1x128xi32, #tpu.memory_space<vmem>> -> memref<128xi32, #tpu.memory_space<vmem>>
      %dma_start3A_138 = arith.constant 0 : i32
      %dma_start3A_139 = arith.constant 0 : i32
      %dma_start3A_140 = tpu.memref_slice %arg2[%dma_start3A_138, %dma_start3A_139] : memref<10000x128xf32, #tpu.memory_space<hbm>> -> memref<10000x128xf32, #tpu.memory_space<hbm>>
      tpu.enqueue_indirect_dma source(%dma_start3A_140 : memref<10000x128xf32, #tpu.memory_space<hbm>>) target(%arg9 : memref<128x128xf32, #tpu.memory_space<vmem>>) offsets(%dma_start3A_137 : memref<128xi32, #tpu.memory_space<vmem>>) semaphore(%arg13 : memref<!tpu.dma_semaphore, #tpu.memory_space<semaphore_mem>>)
      %add3A_141 = arith.constant 2 : i32
      %add3A_142 = arith.constant 1 : i32
      %add3A_143 = arith.addi %add3A_141, %add3A_142 : i32
      %dma_wait3A_144 = arith.constant 0 : i32
      %dma_wait3A_145 = tpu.memref_slice %arg7[%rem3A_37, %add3A_143, %dma_wait3A_144] : memref<2x8x128xi32, #tpu.memory_space<vmem>> -> memref<1x1x128xi32, #tpu.memory_space<vmem>>
      %dma_wait3A_146 = tpu.memref_squeeze %dma_wait3A_145 : memref<1x1x128xi32, #tpu.memory_space<vmem>> -> memref<128xi32, #tpu.memory_space<vmem>>
      %dma_wait3A_147 = arith.constant 0 : i32
      %dma_wait3A_148 = arith.constant 0 : i32
      %dma_wait3A_149 = tpu.memref_slice %arg2[%dma_wait3A_147, %dma_wait3A_148] : memref<10000x128xf32, #tpu.memory_space<hbm>> -> memref<10000x128xf32, #tpu.memory_space<hbm>>
      tpu.wait_indirect_dma semaphore(%arg14 : memref<!tpu.dma_semaphore, #tpu.memory_space<semaphore_mem>>) src(%dma_wait3A_149 : memref<10000x128xf32, #tpu.memory_space<hbm>>) dst(%arg10 : memref<128x128xf32, #tpu.memory_space<vmem>>)
      %add3A_150 = arith.constant 2 : i32
      %add3A_151 = arith.constant 1 : i32
      %add3A_152 = arith.addi %add3A_150, %add3A_151 : i32
      "tpu.region"() ({
        %run_scoped3A_258 = tpu.sem_alloc : memref<!tpu.dma_semaphore, #tpu.memory_space<semaphore_mem>>
        %dma_start3A_259 = arith.constant 0 : i32
        %dma_start3A_260 = tpu.memref_slice %arg8[%rem3A_37, %add3A_152, %dma_start3A_259] : memref<2x8x128xi32, #tpu.memory_space<vmem>> -> memref<1x1x128xi32, #tpu.memory_space<vmem>>
        %dma_start3A_261 = tpu.memref_squeeze %dma_start3A_260 : memref<1x1x128xi32, #tpu.memory_space<vmem>> -> memref<128xi32, #tpu.memory_space<vmem>>
        %dma_start3A_262 = arith.constant 0 : i32
        %dma_start3A_263 = arith.constant 0 : i32
        %dma_start3A_264 = tpu.memref_slice %arg11[%dma_start3A_262, %dma_start3A_263] : memref<10112x128xf32, #tpu.memory_space<vmem_shared>> -> memref<10112x128xf32, #tpu.memory_space<vmem_shared>>
        tpu.enqueue_indirect_dma source(%arg10 : memref<128x128xf32, #tpu.memory_space<vmem>>) target(%dma_start3A_264 : memref<10112x128xf32, #tpu.memory_space<vmem_shared>>) offsets(%dma_start3A_261 : memref<128xi32, #tpu.memory_space<vmem>>) semaphore(%run_scoped3A_258 : memref<!tpu.dma_semaphore, #tpu.memory_space<semaphore_mem>>) {add = true}
        %dma_wait3A_265 = arith.constant 0 : i32
        %dma_wait3A_266 = tpu.memref_slice %arg8[%rem3A_37, %add3A_152, %dma_wait3A_265] : memref<2x8x128xi32, #tpu.memory_space<vmem>> -> memref<1x1x128xi32, #tpu.memory_space<vmem>>
        %dma_wait3A_267 = tpu.memref_squeeze %dma_wait3A_266 : memref<1x1x128xi32, #tpu.memory_space<vmem>> -> memref<128xi32, #tpu.memory_space<vmem>>
        %dma_wait3A_268 = arith.constant 0 : i32
        %dma_wait3A_269 = arith.constant 0 : i32
        %dma_wait3A_270 = tpu.memref_slice %arg11[%dma_wait3A_268, %dma_wait3A_269] : memref<10112x128xf32, #tpu.memory_space<vmem_shared>> -> memref<10112x128xf32, #tpu.memory_space<vmem_shared>>
        tpu.wait_indirect_dma semaphore(%run_scoped3A_258 : memref<!tpu.dma_semaphore, #tpu.memory_space<semaphore_mem>>) src(%arg10 : memref<128x128xf32, #tpu.memory_space<vmem>>) dst(%dma_wait3A_270 : memref<10112x128xf32, #tpu.memory_space<vmem_shared>>)
        tpu.yield
      }) : () -> ()
      %add3A_153 = arith.constant 4 : i32
      %add3A_154 = arith.constant 1 : i32
      %add3A_155 = arith.addi %add3A_153, %add3A_154 : i32
      %dma_start3A_156 = arith.constant 0 : i32
      %dma_start3A_157 = tpu.memref_slice %arg7[%rem3A_37, %add3A_155, %dma_start3A_156] : memref<2x8x128xi32, #tpu.memory_space<vmem>> -> memref<1x1x128xi32, #tpu.memory_space<vmem>>
      %dma_start3A_158 = tpu.memref_squeeze %dma_start3A_157 : memref<1x1x128xi32, #tpu.memory_space<vmem>> -> memref<128xi32, #tpu.memory_space<vmem>>
      %dma_start3A_159 = arith.constant 0 : i32
      %dma_start3A_160 = arith.constant 0 : i32
      %dma_start3A_161 = tpu.memref_slice %arg2[%dma_start3A_159, %dma_start3A_160] : memref<10000x128xf32, #tpu.memory_space<hbm>> -> memref<10000x128xf32, #tpu.memory_space<hbm>>
      tpu.enqueue_indirect_dma source(%dma_start3A_161 : memref<10000x128xf32, #tpu.memory_space<hbm>>) target(%arg10 : memref<128x128xf32, #tpu.memory_space<vmem>>) offsets(%dma_start3A_158 : memref<128xi32, #tpu.memory_space<vmem>>) semaphore(%arg14 : memref<!tpu.dma_semaphore, #tpu.memory_space<semaphore_mem>>)
      %dma_wait3A_162 = arith.constant 4 : i32
      %dma_wait3A_163 = arith.constant 0 : i32
      %dma_wait3A_164 = tpu.memref_slice %arg7[%rem3A_37, %dma_wait3A_162, %dma_wait3A_163] : memref<2x8x128xi32, #tpu.memory_space<vmem>> -> memref<1x1x128xi32, #tpu.memory_space<vmem>>
      %dma_wait3A_165 = tpu.memref_squeeze %dma_wait3A_164 : memref<1x1x128xi32, #tpu.memory_space<vmem>> -> memref<128xi32, #tpu.memory_space<vmem>>
      %dma_wait3A_166 = arith.constant 0 : i32
      %dma_wait3A_167 = arith.constant 0 : i32
      %dma_wait3A_168 = tpu.memref_slice %arg2[%dma_wait3A_166, %dma_wait3A_167] : memref<10000x128xf32, #tpu.memory_space<hbm>> -> memref<10000x128xf32, #tpu.memory_space<hbm>>
      tpu.wait_indirect_dma semaphore(%arg13 : memref<!tpu.dma_semaphore, #tpu.memory_space<semaphore_mem>>) src(%dma_wait3A_168 : memref<10000x128xf32, #tpu.memory_space<hbm>>) dst(%arg9 : memref<128x128xf32, #tpu.memory_space<vmem>>)
      %run_scoped3A_169 = arith.constant 4 : i32
      "tpu.region"() ({
        %run_scoped3A_258 = tpu.sem_alloc : memref<!tpu.dma_semaphore, #tpu.memory_space<semaphore_mem>>
        %dma_start3A_259 = arith.constant 0 : i32
        %dma_start3A_260 = tpu.memref_slice %arg8[%rem3A_37, %run_scoped3A_169, %dma_start3A_259] : memref<2x8x128xi32, #tpu.memory_space<vmem>> -> memref<1x1x128xi32, #tpu.memory_space<vmem>>
        %dma_start3A_261 = tpu.memref_squeeze %dma_start3A_260 : memref<1x1x128xi32, #tpu.memory_space<vmem>> -> memref<128xi32, #tpu.memory_space<vmem>>
        %dma_start3A_262 = arith.constant 0 : i32
        %dma_start3A_263 = arith.constant 0 : i32
        %dma_start3A_264 = tpu.memref_slice %arg11[%dma_start3A_262, %dma_start3A_263] : memref<10112x128xf32, #tpu.memory_space<vmem_shared>> -> memref<10112x128xf32, #tpu.memory_space<vmem_shared>>
        tpu.enqueue_indirect_dma source(%arg9 : memref<128x128xf32, #tpu.memory_space<vmem>>) target(%dma_start3A_264 : memref<10112x128xf32, #tpu.memory_space<vmem_shared>>) offsets(%dma_start3A_261 : memref<128xi32, #tpu.memory_space<vmem>>) semaphore(%run_scoped3A_258 : memref<!tpu.dma_semaphore, #tpu.memory_space<semaphore_mem>>) {add = true}
        %dma_wait3A_265 = arith.constant 0 : i32
        %dma_wait3A_266 = tpu.memref_slice %arg8[%rem3A_37, %run_scoped3A_169, %dma_wait3A_265] : memref<2x8x128xi32, #tpu.memory_space<vmem>> -> memref<1x1x128xi32, #tpu.memory_space<vmem>>
        %dma_wait3A_267 = tpu.memref_squeeze %dma_wait3A_266 : memref<1x1x128xi32, #tpu.memory_space<vmem>> -> memref<128xi32, #tpu.memory_space<vmem>>
        %dma_wait3A_268 = arith.constant 0 : i32
        %dma_wait3A_269 = arith.constant 0 : i32
        %dma_wait3A_270 = tpu.memref_slice %arg11[%dma_wait3A_268, %dma_wait3A_269] : memref<10112x128xf32, #tpu.memory_space<vmem_shared>> -> memref<10112x128xf32, #tpu.memory_space<vmem_shared>>
        tpu.wait_indirect_dma semaphore(%run_scoped3A_258 : memref<!tpu.dma_semaphore, #tpu.memory_space<semaphore_mem>>) src(%arg9 : memref<128x128xf32, #tpu.memory_space<vmem>>) dst(%dma_wait3A_270 : memref<10112x128xf32, #tpu.memory_space<vmem_shared>>)
        tpu.yield
      }) : () -> ()
      %add3A_170 = arith.constant 4 : i32
      %add3A_171 = arith.constant 2 : i32
      %add3A_172 = arith.addi %add3A_170, %add3A_171 : i32
      %dma_start3A_173 = arith.constant 0 : i32
      %dma_start3A_174 = tpu.memref_slice %arg7[%rem3A_37, %add3A_172, %dma_start3A_173] : memref<2x8x128xi32, #tpu.memory_space<vmem>> -> memref<1x1x128xi32, #tpu.memory_space<vmem>>
      %dma_start3A_175 = tpu.memref_squeeze %dma_start3A_174 : memref<1x1x128xi32, #tpu.memory_space<vmem>> -> memref<128xi32, #tpu.memory_space<vmem>>
      %dma_start3A_176 = arith.constant 0 : i32
      %dma_start3A_177 = arith.constant 0 : i32
      %dma_start3A_178 = tpu.memref_slice %arg2[%dma_start3A_176, %dma_start3A_177] : memref<10000x128xf32, #tpu.memory_space<hbm>> -> memref<10000x128xf32, #tpu.memory_space<hbm>>
      tpu.enqueue_indirect_dma source(%dma_start3A_178 : memref<10000x128xf32, #tpu.memory_space<hbm>>) target(%arg9 : memref<128x128xf32, #tpu.memory_space<vmem>>) offsets(%dma_start3A_175 : memref<128xi32, #tpu.memory_space<vmem>>) semaphore(%arg13 : memref<!tpu.dma_semaphore, #tpu.memory_space<semaphore_mem>>)
      %add3A_179 = arith.constant 4 : i32
      %add3A_180 = arith.constant 1 : i32
      %add3A_181 = arith.addi %add3A_179, %add3A_180 : i32
      %dma_wait3A_182 = arith.constant 0 : i32
      %dma_wait3A_183 = tpu.memref_slice %arg7[%rem3A_37, %add3A_181, %dma_wait3A_182] : memref<2x8x128xi32, #tpu.memory_space<vmem>> -> memref<1x1x128xi32, #tpu.memory_space<vmem>>
      %dma_wait3A_184 = tpu.memref_squeeze %dma_wait3A_183 : memref<1x1x128xi32, #tpu.memory_space<vmem>> -> memref<128xi32, #tpu.memory_space<vmem>>
      %dma_wait3A_185 = arith.constant 0 : i32
      %dma_wait3A_186 = arith.constant 0 : i32
      %dma_wait3A_187 = tpu.memref_slice %arg2[%dma_wait3A_185, %dma_wait3A_186] : memref<10000x128xf32, #tpu.memory_space<hbm>> -> memref<10000x128xf32, #tpu.memory_space<hbm>>
      tpu.wait_indirect_dma semaphore(%arg14 : memref<!tpu.dma_semaphore, #tpu.memory_space<semaphore_mem>>) src(%dma_wait3A_187 : memref<10000x128xf32, #tpu.memory_space<hbm>>) dst(%arg10 : memref<128x128xf32, #tpu.memory_space<vmem>>)
      %add3A_188 = arith.constant 4 : i32
      %add3A_189 = arith.constant 1 : i32
      %add3A_190 = arith.addi %add3A_188, %add3A_189 : i32
      "tpu.region"() ({
        %run_scoped3A_258 = tpu.sem_alloc : memref<!tpu.dma_semaphore, #tpu.memory_space<semaphore_mem>>
        %dma_start3A_259 = arith.constant 0 : i32
        %dma_start3A_260 = tpu.memref_slice %arg8[%rem3A_37, %add3A_190, %dma_start3A_259] : memref<2x8x128xi32, #tpu.memory_space<vmem>> -> memref<1x1x128xi32, #tpu.memory_space<vmem>>
        %dma_start3A_261 = tpu.memref_squeeze %dma_start3A_260 : memref<1x1x128xi32, #tpu.memory_space<vmem>> -> memref<128xi32, #tpu.memory_space<vmem>>
        %dma_start3A_262 = arith.constant 0 : i32
        %dma_start3A_263 = arith.constant 0 : i32
        %dma_start3A_264 = tpu.memref_slice %arg11[%dma_start3A_262, %dma_start3A_263] : memref<10112x128xf32, #tpu.memory_space<vmem_shared>> -> memref<10112x128xf32, #tpu.memory_space<vmem_shared>>
        tpu.enqueue_indirect_dma source(%arg10 : memref<128x128xf32, #tpu.memory_space<vmem>>) target(%dma_start3A_264 : memref<10112x128xf32, #tpu.memory_space<vmem_shared>>) offsets(%dma_start3A_261 : memref<128xi32, #tpu.memory_space<vmem>>) semaphore(%run_scoped3A_258 : memref<!tpu.dma_semaphore, #tpu.memory_space<semaphore_mem>>) {add = true}
        %dma_wait3A_265 = arith.constant 0 : i32
        %dma_wait3A_266 = tpu.memref_slice %arg8[%rem3A_37, %add3A_190, %dma_wait3A_265] : memref<2x8x128xi32, #tpu.memory_space<vmem>> -> memref<1x1x128xi32, #tpu.memory_space<vmem>>
        %dma_wait3A_267 = tpu.memref_squeeze %dma_wait3A_266 : memref<1x1x128xi32, #tpu.memory_space<vmem>> -> memref<128xi32, #tpu.memory_space<vmem>>
        %dma_wait3A_268 = arith.constant 0 : i32
        %dma_wait3A_269 = arith.constant 0 : i32
        %dma_wait3A_270 = tpu.memref_slice %arg11[%dma_wait3A_268, %dma_wait3A_269] : memref<10112x128xf32, #tpu.memory_space<vmem_shared>> -> memref<10112x128xf32, #tpu.memory_space<vmem_shared>>
        tpu.wait_indirect_dma semaphore(%run_scoped3A_258 : memref<!tpu.dma_semaphore, #tpu.memory_space<semaphore_mem>>) src(%arg10 : memref<128x128xf32, #tpu.memory_space<vmem>>) dst(%dma_wait3A_270 : memref<10112x128xf32, #tpu.memory_space<vmem_shared>>)
        tpu.yield
      }) : () -> ()
      %add3A_191 = arith.constant 6 : i32
      %add3A_192 = arith.constant 1 : i32
      %add3A_193 = arith.addi %add3A_191, %add3A_192 : i32
      %dma_start3A_194 = arith.constant 0 : i32
      %dma_start3A_195 = tpu.memref_slice %arg7[%rem3A_37, %add3A_193, %dma_start3A_194] : memref<2x8x128xi32, #tpu.memory_space<vmem>> -> memref<1x1x128xi32, #tpu.memory_space<vmem>>
      %dma_start3A_196 = tpu.memref_squeeze %dma_start3A_195 : memref<1x1x128xi32, #tpu.memory_space<vmem>> -> memref<128xi32, #tpu.memory_space<vmem>>
      %dma_start3A_197 = arith.constant 0 : i32
      %dma_start3A_198 = arith.constant 0 : i32
      %dma_start3A_199 = tpu.memref_slice %arg2[%dma_start3A_197, %dma_start3A_198] : memref<10000x128xf32, #tpu.memory_space<hbm>> -> memref<10000x128xf32, #tpu.memory_space<hbm>>
      tpu.enqueue_indirect_dma source(%dma_start3A_199 : memref<10000x128xf32, #tpu.memory_space<hbm>>) target(%arg10 : memref<128x128xf32, #tpu.memory_space<vmem>>) offsets(%dma_start3A_196 : memref<128xi32, #tpu.memory_space<vmem>>) semaphore(%arg14 : memref<!tpu.dma_semaphore, #tpu.memory_space<semaphore_mem>>)
      %dma_wait3A_200 = arith.constant 6 : i32
      %dma_wait3A_201 = arith.constant 0 : i32
      %dma_wait3A_202 = tpu.memref_slice %arg7[%rem3A_37, %dma_wait3A_200, %dma_wait3A_201] : memref<2x8x128xi32, #tpu.memory_space<vmem>> -> memref<1x1x128xi32, #tpu.memory_space<vmem>>
      %dma_wait3A_203 = tpu.memref_squeeze %dma_wait3A_202 : memref<1x1x128xi32, #tpu.memory_space<vmem>> -> memref<128xi32, #tpu.memory_space<vmem>>
      %dma_wait3A_204 = arith.constant 0 : i32
      %dma_wait3A_205 = arith.constant 0 : i32
      %dma_wait3A_206 = tpu.memref_slice %arg2[%dma_wait3A_204, %dma_wait3A_205] : memref<10000x128xf32, #tpu.memory_space<hbm>> -> memref<10000x128xf32, #tpu.memory_space<hbm>>
      tpu.wait_indirect_dma semaphore(%arg13 : memref<!tpu.dma_semaphore, #tpu.memory_space<semaphore_mem>>) src(%dma_wait3A_206 : memref<10000x128xf32, #tpu.memory_space<hbm>>) dst(%arg9 : memref<128x128xf32, #tpu.memory_space<vmem>>)
      %run_scoped3A_207 = arith.constant 6 : i32
      "tpu.region"() ({
        %run_scoped3A_258 = tpu.sem_alloc : memref<!tpu.dma_semaphore, #tpu.memory_space<semaphore_mem>>
        %dma_start3A_259 = arith.constant 0 : i32
        %dma_start3A_260 = tpu.memref_slice %arg8[%rem3A_37, %run_scoped3A_207, %dma_start3A_259] : memref<2x8x128xi32, #tpu.memory_space<vmem>> -> memref<1x1x128xi32, #tpu.memory_space<vmem>>
        %dma_start3A_261 = tpu.memref_squeeze %dma_start3A_260 : memref<1x1x128xi32, #tpu.memory_space<vmem>> -> memref<128xi32, #tpu.memory_space<vmem>>
        %dma_start3A_262 = arith.constant 0 : i32
        %dma_start3A_263 = arith.constant 0 : i32
        %dma_start3A_264 = tpu.memref_slice %arg11[%dma_start3A_262, %dma_start3A_263] : memref<10112x128xf32, #tpu.memory_space<vmem_shared>> -> memref<10112x128xf32, #tpu.memory_space<vmem_shared>>
        tpu.enqueue_indirect_dma source(%arg9 : memref<128x128xf32, #tpu.memory_space<vmem>>) target(%dma_start3A_264 : memref<10112x128xf32, #tpu.memory_space<vmem_shared>>) offsets(%dma_start3A_261 : memref<128xi32, #tpu.memory_space<vmem>>) semaphore(%run_scoped3A_258 : memref<!tpu.dma_semaphore, #tpu.memory_space<semaphore_mem>>) {add = true}
        %dma_wait3A_265 = arith.constant 0 : i32
        %dma_wait3A_266 = tpu.memref_slice %arg8[%rem3A_37, %run_scoped3A_207, %dma_wait3A_265] : memref<2x8x128xi32, #tpu.memory_space<vmem>> -> memref<1x1x128xi32, #tpu.memory_space<vmem>>
        %dma_wait3A_267 = tpu.memref_squeeze %dma_wait3A_266 : memref<1x1x128xi32, #tpu.memory_space<vmem>> -> memref<128xi32, #tpu.memory_space<vmem>>
        %dma_wait3A_268 = arith.constant 0 : i32
        %dma_wait3A_269 = arith.constant 0 : i32
        %dma_wait3A_270 = tpu.memref_slice %arg11[%dma_wait3A_268, %dma_wait3A_269] : memref<10112x128xf32, #tpu.memory_space<vmem_shared>> -> memref<10112x128xf32, #tpu.memory_space<vmem_shared>>
        tpu.wait_indirect_dma semaphore(%run_scoped3A_258 : memref<!tpu.dma_semaphore, #tpu.memory_space<semaphore_mem>>) src(%arg9 : memref<128x128xf32, #tpu.memory_space<vmem>>) dst(%dma_wait3A_270 : memref<10112x128xf32, #tpu.memory_space<vmem_shared>>)
        tpu.yield
      }) : () -> ()
      %mul3A_208 = arith.constant 8 : i32
      %mul3A_209 = arith.muli %min3A_44, %mul3A_208 : i32
      %dma_wait3A_210 = arith.constant 0 : i32
      %dma_wait3A_211 = arith.constant 0 : i32
      %dma_wait3A_212 = tpu.memref_slice %arg7[%rem3A_41, %dma_wait3A_210, %dma_wait3A_211] : memref<2x8x128xi32, #tpu.memory_space<vmem>> -> memref<1x8x128xi32, #tpu.memory_space<vmem>>
      %dma_wait3A_213 = tpu.memref_squeeze %dma_wait3A_212 : memref<1x8x128xi32, #tpu.memory_space<vmem>> -> memref<8x128xi32, #tpu.memory_space<vmem>>
      %dma_wait3A_214 = arith.constant 0 : i32
      %dma_wait3A_215 = tpu.memref_slice %arg3[%add3A, %mul3A_209, %dma_wait3A_214] : memref<32x80x128xi32, #tpu.memory_space<hbm>> -> memref<1x8x128xi32, #tpu.memory_space<hbm>>
      %dma_wait3A_216 = tpu.memref_squeeze %dma_wait3A_215 : memref<1x8x128xi32, #tpu.memory_space<hbm>> -> memref<8x128xi32, #tpu.memory_space<hbm>>
      %dma_wait3A_217 = arith.constant 0 : i32
      %dma_wait3A_218 = arith.constant 0 : i32
      %dma_wait3A_219 = tpu.memref_slice %arg7[%rem3A_41, %dma_wait3A_217, %dma_wait3A_218] : memref<2x8x128xi32, #tpu.memory_space<vmem>> -> memref<1x8x128xi32, #tpu.memory_space<vmem>>
      %dma_wait3A_220 = tpu.memref_squeeze %dma_wait3A_219 : memref<1x8x128xi32, #tpu.memory_space<vmem>> -> memref<8x128xi32, #tpu.memory_space<vmem>>
      %dma_wait3A_221 = arith.constant 0 : i32
      %dma_wait3A_222 = tpu.memref_slice %arg3[%add3A, %mul3A_209, %dma_wait3A_221] : memref<32x80x128xi32, #tpu.memory_space<hbm>> -> memref<1x8x128xi32, #tpu.memory_space<hbm>>
      %dma_wait3A_223 = tpu.memref_squeeze %dma_wait3A_222 : memref<1x8x128xi32, #tpu.memory_space<hbm>> -> memref<8x128xi32, #tpu.memory_space<hbm>>
      tpu.wait_dma2 semaphore(%arg12 : memref<!tpu.dma_semaphore, #tpu.memory_space<semaphore_mem>>) src(%dma_wait3A_223 : memref<8x128xi32, #tpu.memory_space<hbm>>) dst(%dma_wait3A_220 : memref<8x128xi32, #tpu.memory_space<vmem>>)
      %mul3A_224 = arith.constant 8 : i32
      %mul3A_225 = arith.muli %min3A_44, %mul3A_224 : i32
      %dma_wait3A_226 = arith.constant 0 : i32
      %dma_wait3A_227 = arith.constant 0 : i32
      %dma_wait3A_228 = tpu.memref_slice %arg8[%rem3A_41, %dma_wait3A_226, %dma_wait3A_227] : memref<2x8x128xi32, #tpu.memory_space<vmem>> -> memref<1x8x128xi32, #tpu.memory_space<vmem>>
      %dma_wait3A_229 = tpu.memref_squeeze %dma_wait3A_228 : memref<1x8x128xi32, #tpu.memory_space<vmem>> -> memref<8x128xi32, #tpu.memory_space<vmem>>
      %dma_wait3A_230 = arith.constant 0 : i32
      %dma_wait3A_231 = tpu.memref_slice %arg4[%add3A, %mul3A_225, %dma_wait3A_230] : memref<32x80x128xi32, #tpu.memory_space<hbm>> -> memref<1x8x128xi32, #tpu.memory_space<hbm>>
      %dma_wait3A_232 = tpu.memref_squeeze %dma_wait3A_231 : memref<1x8x128xi32, #tpu.memory_space<hbm>> -> memref<8x128xi32, #tpu.memory_space<hbm>>
      %dma_wait3A_233 = arith.constant 0 : i32
      %dma_wait3A_234 = arith.constant 0 : i32
      %dma_wait3A_235 = tpu.memref_slice %arg8[%rem3A_41, %dma_wait3A_233, %dma_wait3A_234] : memref<2x8x128xi32, #tpu.memory_space<vmem>> -> memref<1x8x128xi32, #tpu.memory_space<vmem>>
      %dma_wait3A_236 = tpu.memref_squeeze %dma_wait3A_235 : memref<1x8x128xi32, #tpu.memory_space<vmem>> -> memref<8x128xi32, #tpu.memory_space<vmem>>
      %dma_wait3A_237 = arith.constant 0 : i32
      %dma_wait3A_238 = tpu.memref_slice %arg4[%add3A, %mul3A_225, %dma_wait3A_237] : memref<32x80x128xi32, #tpu.memory_space<hbm>> -> memref<1x8x128xi32, #tpu.memory_space<hbm>>
      %dma_wait3A_239 = tpu.memref_squeeze %dma_wait3A_238 : memref<1x8x128xi32, #tpu.memory_space<hbm>> -> memref<8x128xi32, #tpu.memory_space<hbm>>
      tpu.wait_dma2 semaphore(%arg12 : memref<!tpu.dma_semaphore, #tpu.memory_space<semaphore_mem>>) src(%dma_wait3A_239 : memref<8x128xi32, #tpu.memory_space<hbm>>) dst(%dma_wait3A_236 : memref<8x128xi32, #tpu.memory_space<vmem>>)
      %dma_start3A_240 = arith.constant 0 : i32
      %dma_start3A_241 = tpu.memref_slice %arg7[%rem3A_41, %while3A_13, %dma_start3A_240] : memref<2x8x128xi32, #tpu.memory_space<vmem>> -> memref<1x1x128xi32, #tpu.memory_space<vmem>>
      %dma_start3A_242 = tpu.memref_squeeze %dma_start3A_241 : memref<1x1x128xi32, #tpu.memory_space<vmem>> -> memref<128xi32, #tpu.memory_space<vmem>>
      %dma_start3A_243 = arith.constant 0 : i32
      %dma_start3A_244 = arith.constant 0 : i32
      %dma_start3A_245 = tpu.memref_slice %arg2[%dma_start3A_243, %dma_start3A_244] : memref<10000x128xf32, #tpu.memory_space<hbm>> -> memref<10000x128xf32, #tpu.memory_space<hbm>>
      tpu.enqueue_indirect_dma source(%dma_start3A_245 : memref<10000x128xf32, #tpu.memory_space<hbm>>) target(%arg9 : memref<128x128xf32, #tpu.memory_space<vmem>>) offsets(%dma_start3A_242 : memref<128xi32, #tpu.memory_space<vmem>>) semaphore(%arg13 : memref<!tpu.dma_semaphore, #tpu.memory_space<semaphore_mem>>)
      %add3A_246 = arith.constant 6 : i32
      %add3A_247 = arith.constant 1 : i32
      %add3A_248 = arith.addi %add3A_246, %add3A_247 : i32
      %dma_wait3A_249 = arith.constant 0 : i32
      %dma_wait3A_250 = tpu.memref_slice %arg7[%rem3A_37, %add3A_248, %dma_wait3A_249] : memref<2x8x128xi32, #tpu.memory_space<vmem>> -> memref<1x1x128xi32, #tpu.memory_space<vmem>>
      %dma_wait3A_251 = tpu.memref_squeeze %dma_wait3A_250 : memref<1x1x128xi32, #tpu.memory_space<vmem>> -> memref<128xi32, #tpu.memory_space<vmem>>
      %dma_wait3A_252 = arith.constant 0 : i32
      %dma_wait3A_253 = arith.constant 0 : i32
      %dma_wait3A_254 = tpu.memref_slice %arg2[%dma_wait3A_252, %dma_wait3A_253] : memref<10000x128xf32, #tpu.memory_space<hbm>> -> memref<10000x128xf32, #tpu.memory_space<hbm>>
      tpu.wait_indirect_dma semaphore(%arg14 : memref<!tpu.dma_semaphore, #tpu.memory_space<semaphore_mem>>) src(%dma_wait3A_254 : memref<10000x128xf32, #tpu.memory_space<hbm>>) dst(%arg10 : memref<128x128xf32, #tpu.memory_space<vmem>>)
      %add3A_255 = arith.constant 6 : i32
      %add3A_256 = arith.constant 1 : i32
      %add3A_257 = arith.addi %add3A_255, %add3A_256 : i32
      "tpu.region"() ({
        %run_scoped3A_258 = tpu.sem_alloc : memref<!tpu.dma_semaphore, #tpu.memory_space<semaphore_mem>>
        %dma_start3A_259 = arith.constant 0 : i32
        %dma_start3A_260 = tpu.memref_slice %arg8[%rem3A_37, %add3A_257, %dma_start3A_259] : memref<2x8x128xi32, #tpu.memory_space<vmem>> -> memref<1x1x128xi32, #tpu.memory_space<vmem>>
        %dma_start3A_261 = tpu.memref_squeeze %dma_start3A_260 : memref<1x1x128xi32, #tpu.memory_space<vmem>> -> memref<128xi32, #tpu.memory_space<vmem>>
        %dma_start3A_262 = arith.constant 0 : i32
        %dma_start3A_263 = arith.constant 0 : i32
        %dma_start3A_264 = tpu.memref_slice %arg11[%dma_start3A_262, %dma_start3A_263] : memref<10112x128xf32, #tpu.memory_space<vmem_shared>> -> memref<10112x128xf32, #tpu.memory_space<vmem_shared>>
        tpu.enqueue_indirect_dma source(%arg10 : memref<128x128xf32, #tpu.memory_space<vmem>>) target(%dma_start3A_264 : memref<10112x128xf32, #tpu.memory_space<vmem_shared>>) offsets(%dma_start3A_261 : memref<128xi32, #tpu.memory_space<vmem>>) semaphore(%run_scoped3A_258 : memref<!tpu.dma_semaphore, #tpu.memory_space<semaphore_mem>>) {add = true}
        %dma_wait3A_265 = arith.constant 0 : i32
        %dma_wait3A_266 = tpu.memref_slice %arg8[%rem3A_37, %add3A_257, %dma_wait3A_265] : memref<2x8x128xi32, #tpu.memory_space<vmem>> -> memref<1x1x128xi32, #tpu.memory_space<vmem>>
        %dma_wait3A_267 = tpu.memref_squeeze %dma_wait3A_266 : memref<1x1x128xi32, #tpu.memory_space<vmem>> -> memref<128xi32, #tpu.memory_space<vmem>>
        %dma_wait3A_268 = arith.constant 0 : i32
        %dma_wait3A_269 = arith.constant 0 : i32
        %dma_wait3A_270 = tpu.memref_slice %arg11[%dma_wait3A_268, %dma_wait3A_269] : memref<10112x128xf32, #tpu.memory_space<vmem_shared>> -> memref<10112x128xf32, #tpu.memory_space<vmem_shared>>
        tpu.wait_indirect_dma semaphore(%run_scoped3A_258 : memref<!tpu.dma_semaphore, #tpu.memory_space<semaphore_mem>>) src(%arg10 : memref<128x128xf32, #tpu.memory_space<vmem>>) dst(%dma_wait3A_270 : memref<10112x128xf32, #tpu.memory_space<vmem_shared>>)
        tpu.yield
      }) : () -> ()
    }
    %while3A_23 = arith.constant 1 : i32
    scf.for %while3A_36 = %while3A_21 to %while3A_17 step %while3A_23  : i32 {
      %rem3A = arith.constant 2 : i32
      %rem3A_37 = arith.remsi %while3A_36, %rem3A : i32
      %add3A_38 = arith.constant 1 : i32
      %add3A_39 = arith.addi %while3A_36, %add3A_38 : i32
      %rem3A_40 = arith.constant 2 : i32
      %rem3A_41 = arith.remsi %add3A_39, %rem3A_40 : i32
      %add3A_42 = arith.constant 1 : i32
      %add3A_43 = arith.addi %while3A_36, %add3A_42 : i32
      %min3A = arith.constant 9 : i32
      %min3A_44 = arith.minsi %add3A_43, %min3A : i32
      %mul3A_45 = arith.constant 8 : i32
      %mul3A_46 = arith.muli %min3A_44, %mul3A_45 : i32
      %dma_start3A_47 = arith.constant 0 : i32
      %dma_start3A_48 = arith.constant 0 : i32
      %dma_start3A_49 = tpu.memref_slice %arg7[%rem3A_41, %dma_start3A_47, %dma_start3A_48] : memref<2x8x128xi32, #tpu.memory_space<vmem>> -> memref<1x8x128xi32, #tpu.memory_space<vmem>>
      %dma_start3A_50 = tpu.memref_squeeze %dma_start3A_49 : memref<1x8x128xi32, #tpu.memory_space<vmem>> -> memref<8x128xi32, #tpu.memory_space<vmem>>
      %dma_start3A_51 = arith.constant 0 : i32
      %dma_start3A_52 = tpu.memref_slice %arg3[%add3A, %mul3A_46, %dma_start3A_51] : memref<32x80x128xi32, #tpu.memory_space<hbm>> -> memref<1x8x128xi32, #tpu.memory_space<hbm>>
      %dma_start3A_53 = tpu.memref_squeeze %dma_start3A_52 : memref<1x8x128xi32, #tpu.memory_space<hbm>> -> memref<8x128xi32, #tpu.memory_space<hbm>>
      %dma_start3A_54 = arith.constant 0 : i32
      %dma_start3A_55 = arith.constant 0 : i32
      %dma_start3A_56 = tpu.memref_slice %arg7[%rem3A_41, %dma_start3A_54, %dma_start3A_55] : memref<2x8x128xi32, #tpu.memory_space<vmem>> -> memref<1x8x128xi32, #tpu.memory_space<vmem>>
      %dma_start3A_57 = tpu.memref_squeeze %dma_start3A_56 : memref<1x8x128xi32, #tpu.memory_space<vmem>> -> memref<8x128xi32, #tpu.memory_space<vmem>>
      %dma_start3A_58 = arith.constant 0 : i32
      %dma_start3A_59 = tpu.memref_slice %arg3[%add3A, %mul3A_46, %dma_start3A_58] : memref<32x80x128xi32, #tpu.memory_space<hbm>> -> memref<1x8x128xi32, #tpu.memory_space<hbm>>
      %dma_start3A_60 = tpu.memref_squeeze %dma_start3A_59 : memref<1x8x128xi32, #tpu.memory_space<hbm>> -> memref<8x128xi32, #tpu.memory_space<hbm>>
      tpu.enqueue_dma source(%dma_start3A_60 : memref<8x128xi32, #tpu.memory_space<hbm>>) target(%dma_start3A_57 : memref<8x128xi32, #tpu.memory_space<vmem>>) target_semaphore(%arg12 : memref<!tpu.dma_semaphore, #tpu.memory_space<semaphore_mem>>)
      %mul3A_61 = arith.constant 8 : i32
      %mul3A_62 = arith.muli %min3A_44, %mul3A_61 : i32
      %dma_start3A_63 = arith.constant 0 : i32
      %dma_start3A_64 = arith.constant 0 : i32
      %dma_start3A_65 = tpu.memref_slice %arg8[%rem3A_41, %dma_start3A_63, %dma_start3A_64] : memref<2x8x128xi32, #tpu.memory_space<vmem>> -> memref<1x8x128xi32, #tpu.memory_space<vmem>>
      %dma_start3A_66 = tpu.memref_squeeze %dma_start3A_65 : memref<1x8x128xi32, #tpu.memory_space<vmem>> -> memref<8x128xi32, #tpu.memory_space<vmem>>
      %dma_start3A_67 = arith.constant 0 : i32
      %dma_start3A_68 = tpu.memref_slice %arg4[%add3A, %mul3A_62, %dma_start3A_67] : memref<32x80x128xi32, #tpu.memory_space<hbm>> -> memref<1x8x128xi32, #tpu.memory_space<hbm>>
      %dma_start3A_69 = tpu.memref_squeeze %dma_start3A_68 : memref<1x8x128xi32, #tpu.memory_space<hbm>> -> memref<8x128xi32, #tpu.memory_space<hbm>>
      %dma_start3A_70 = arith.constant 0 : i32
      %dma_start3A_71 = arith.constant 0 : i32
      %dma_start3A_72 = tpu.memref_slice %arg8[%rem3A_41, %dma_start3A_70, %dma_start3A_71] : memref<2x8x128xi32, #tpu.memory_space<vmem>> -> memref<1x8x128xi32, #tpu.memory_space<vmem>>
      %dma_start3A_73 = tpu.memref_squeeze %dma_start3A_72 : memref<1x8x128xi32, #tpu.memory_space<vmem>> -> memref<8x128xi32, #tpu.memory_space<vmem>>
      %dma_start3A_74 = arith.constant 0 : i32
      %dma_start3A_75 = tpu.memref_slice %arg4[%add3A, %mul3A_62, %dma_start3A_74] : memref<32x80x128xi32, #tpu.memory_space<hbm>> -> memref<1x8x128xi32, #tpu.memory_space<hbm>>
      %dma_start3A_76 = tpu.memref_squeeze %dma_start3A_75 : memref<1x8x128xi32, #tpu.memory_space<hbm>> -> memref<8x128xi32, #tpu.memory_space<hbm>>
      tpu.enqueue_dma source(%dma_start3A_76 : memref<8x128xi32, #tpu.memory_space<hbm>>) target(%dma_start3A_73 : memref<8x128xi32, #tpu.memory_space<vmem>>) target_semaphore(%arg12 : memref<!tpu.dma_semaphore, #tpu.memory_space<semaphore_mem>>)
      %add3A_77 = arith.constant 0 : i32
      %add3A_78 = arith.constant 1 : i32
      %add3A_79 = arith.addi %add3A_77, %add3A_78 : i32
      %dma_start3A_80 = arith.constant 0 : i32
      %dma_start3A_81 = tpu.memref_slice %arg7[%rem3A_37, %add3A_79, %dma_start3A_80] : memref<2x8x128xi32, #tpu.memory_space<vmem>> -> memref<1x1x128xi32, #tpu.memory_space<vmem>>
      %dma_start3A_82 = tpu.memref_squeeze %dma_start3A_81 : memref<1x1x128xi32, #tpu.memory_space<vmem>> -> memref<128xi32, #tpu.memory_space<vmem>>
      %dma_start3A_83 = arith.constant 0 : i32
      %dma_start3A_84 = arith.constant 0 : i32
      %dma_start3A_85 = tpu.memref_slice %arg2[%dma_start3A_83, %dma_start3A_84] : memref<10000x128xf32, #tpu.memory_space<hbm>> -> memref<10000x128xf32, #tpu.memory_space<hbm>>
      tpu.enqueue_indirect_dma source(%dma_start3A_85 : memref<10000x128xf32, #tpu.memory_space<hbm>>) target(%arg10 : memref<128x128xf32, #tpu.memory_space<vmem>>) offsets(%dma_start3A_82 : memref<128xi32, #tpu.memory_space<vmem>>) semaphore(%arg14 : memref<!tpu.dma_semaphore, #tpu.memory_space<semaphore_mem>>)
      %dma_wait3A_86 = arith.constant 0 : i32
      %dma_wait3A_87 = arith.constant 0 : i32
      %dma_wait3A_88 = tpu.memref_slice %arg7[%rem3A_37, %dma_wait3A_86, %dma_wait3A_87] : memref<2x8x128xi32, #tpu.memory_space<vmem>> -> memref<1x1x128xi32, #tpu.memory_space<vmem>>
      %dma_wait3A_89 = tpu.memref_squeeze %dma_wait3A_88 : memref<1x1x128xi32, #tpu.memory_space<vmem>> -> memref<128xi32, #tpu.memory_space<vmem>>
      %dma_wait3A_90 = arith.constant 0 : i32
      %dma_wait3A_91 = arith.constant 0 : i32
      %dma_wait3A_92 = tpu.memref_slice %arg2[%dma_wait3A_90, %dma_wait3A_91] : memref<10000x128xf32, #tpu.memory_space<hbm>> -> memref<10000x128xf32, #tpu.memory_space<hbm>>
      tpu.wait_indirect_dma semaphore(%arg13 : memref<!tpu.dma_semaphore, #tpu.memory_space<semaphore_mem>>) src(%dma_wait3A_92 : memref<10000x128xf32, #tpu.memory_space<hbm>>) dst(%arg9 : memref<128x128xf32, #tpu.memory_space<vmem>>)
      %run_scoped3A_93 = arith.constant 0 : i32
      "tpu.region"() ({
        %run_scoped3A_258 = tpu.sem_alloc : memref<!tpu.dma_semaphore, #tpu.memory_space<semaphore_mem>>
        %dma_start3A_259 = arith.constant 0 : i32
        %dma_start3A_260 = tpu.memref_slice %arg8[%rem3A_37, %run_scoped3A_93, %dma_start3A_259] : memref<2x8x128xi32, #tpu.memory_space<vmem>> -> memref<1x1x128xi32, #tpu.memory_space<vmem>>
        %dma_start3A_261 = tpu.memref_squeeze %dma_start3A_260 : memref<1x1x128xi32, #tpu.memory_space<vmem>> -> memref<128xi32, #tpu.memory_space<vmem>>
        %dma_start3A_262 = arith.constant 0 : i32
        %dma_start3A_263 = arith.constant 0 : i32
        %dma_start3A_264 = tpu.memref_slice %arg11[%dma_start3A_262, %dma_start3A_263] : memref<10112x128xf32, #tpu.memory_space<vmem_shared>> -> memref<10112x128xf32, #tpu.memory_space<vmem_shared>>
        tpu.enqueue_indirect_dma source(%arg9 : memref<128x128xf32, #tpu.memory_space<vmem>>) target(%dma_start3A_264 : memref<10112x128xf32, #tpu.memory_space<vmem_shared>>) offsets(%dma_start3A_261 : memref<128xi32, #tpu.memory_space<vmem>>) semaphore(%run_scoped3A_258 : memref<!tpu.dma_semaphore, #tpu.memory_space<semaphore_mem>>) {add = true}
        %dma_wait3A_265 = arith.constant 0 : i32
        %dma_wait3A_266 = tpu.memref_slice %arg8[%rem3A_37, %run_scoped3A_93, %dma_wait3A_265] : memref<2x8x128xi32, #tpu.memory_space<vmem>> -> memref<1x1x128xi32, #tpu.memory_space<vmem>>
        %dma_wait3A_267 = tpu.memref_squeeze %dma_wait3A_266 : memref<1x1x128xi32, #tpu.memory_space<vmem>> -> memref<128xi32, #tpu.memory_space<vmem>>
        %dma_wait3A_268 = arith.constant 0 : i32
        %dma_wait3A_269 = arith.constant 0 : i32
        %dma_wait3A_270 = tpu.memref_slice %arg11[%dma_wait3A_268, %dma_wait3A_269] : memref<10112x128xf32, #tpu.memory_space<vmem_shared>> -> memref<10112x128xf32, #tpu.memory_space<vmem_shared>>
        tpu.wait_indirect_dma semaphore(%run_scoped3A_258 : memref<!tpu.dma_semaphore, #tpu.memory_space<semaphore_mem>>) src(%arg9 : memref<128x128xf32, #tpu.memory_space<vmem>>) dst(%dma_wait3A_270 : memref<10112x128xf32, #tpu.memory_space<vmem_shared>>)
        tpu.yield
      }) : () -> ()
      %add3A_94 = arith.constant 0 : i32
      %add3A_95 = arith.constant 2 : i32
      %add3A_96 = arith.addi %add3A_94, %add3A_95 : i32
      %dma_start3A_97 = arith.constant 0 : i32
      %dma_start3A_98 = tpu.memref_slice %arg7[%rem3A_37, %add3A_96, %dma_start3A_97] : memref<2x8x128xi32, #tpu.memory_space<vmem>> -> memref<1x1x128xi32, #tpu.memory_space<vmem>>
      %dma_start3A_99 = tpu.memref_squeeze %dma_start3A_98 : memref<1x1x128xi32, #tpu.memory_space<vmem>> -> memref<128xi32, #tpu.memory_space<vmem>>
      %dma_start3A_100 = arith.constant 0 : i32
      %dma_start3A_101 = arith.constant 0 : i32
      %dma_start3A_102 = tpu.memref_slice %arg2[%dma_start3A_100, %dma_start3A_101] : memref<10000x128xf32, #tpu.memory_space<hbm>> -> memref<10000x128xf32, #tpu.memory_space<hbm>>
      tpu.enqueue_indirect_dma source(%dma_start3A_102 : memref<10000x128xf32, #tpu.memory_space<hbm>>) target(%arg9 : memref<128x128xf32, #tpu.memory_space<vmem>>) offsets(%dma_start3A_99 : memref<128xi32, #tpu.memory_space<vmem>>) semaphore(%arg13 : memref<!tpu.dma_semaphore, #tpu.memory_space<semaphore_mem>>)
      %add3A_103 = arith.constant 0 : i32
      %add3A_104 = arith.constant 1 : i32
      %add3A_105 = arith.addi %add3A_103, %add3A_104 : i32
      %dma_wait3A_106 = arith.constant 0 : i32
      %dma_wait3A_107 = tpu.memref_slice %arg7[%rem3A_37, %add3A_105, %dma_wait3A_106] : memref<2x8x128xi32, #tpu.memory_space<vmem>> -> memref<1x1x128xi32, #tpu.memory_space<vmem>>
      %dma_wait3A_108 = tpu.memref_squeeze %dma_wait3A_107 : memref<1x1x128xi32, #tpu.memory_space<vmem>> -> memref<128xi32, #tpu.memory_space<vmem>>
      %dma_wait3A_109 = arith.constant 0 : i32
      %dma_wait3A_110 = arith.constant 0 : i32
      %dma_wait3A_111 = tpu.memref_slice %arg2[%dma_wait3A_109, %dma_wait3A_110] : memref<10000x128xf32, #tpu.memory_space<hbm>> -> memref<10000x128xf32, #tpu.memory_space<hbm>>
      tpu.wait_indirect_dma semaphore(%arg14 : memref<!tpu.dma_semaphore, #tpu.memory_space<semaphore_mem>>) src(%dma_wait3A_111 : memref<10000x128xf32, #tpu.memory_space<hbm>>) dst(%arg10 : memref<128x128xf32, #tpu.memory_space<vmem>>)
      %add3A_112 = arith.constant 0 : i32
      %add3A_113 = arith.constant 1 : i32
      %add3A_114 = arith.addi %add3A_112, %add3A_113 : i32
      "tpu.region"() ({
        %run_scoped3A_258 = tpu.sem_alloc : memref<!tpu.dma_semaphore, #tpu.memory_space<semaphore_mem>>
        %dma_start3A_259 = arith.constant 0 : i32
        %dma_start3A_260 = tpu.memref_slice %arg8[%rem3A_37, %add3A_114, %dma_start3A_259] : memref<2x8x128xi32, #tpu.memory_space<vmem>> -> memref<1x1x128xi32, #tpu.memory_space<vmem>>
        %dma_start3A_261 = tpu.memref_squeeze %dma_start3A_260 : memref<1x1x128xi32, #tpu.memory_space<vmem>> -> memref<128xi32, #tpu.memory_space<vmem>>
        %dma_start3A_262 = arith.constant 0 : i32
        %dma_start3A_263 = arith.constant 0 : i32
        %dma_start3A_264 = tpu.memref_slice %arg11[%dma_start3A_262, %dma_start3A_263] : memref<10112x128xf32, #tpu.memory_space<vmem_shared>> -> memref<10112x128xf32, #tpu.memory_space<vmem_shared>>
        tpu.enqueue_indirect_dma source(%arg10 : memref<128x128xf32, #tpu.memory_space<vmem>>) target(%dma_start3A_264 : memref<10112x128xf32, #tpu.memory_space<vmem_shared>>) offsets(%dma_start3A_261 : memref<128xi32, #tpu.memory_space<vmem>>) semaphore(%run_scoped3A_258 : memref<!tpu.dma_semaphore, #tpu.memory_space<semaphore_mem>>) {add = true}
        %dma_wait3A_265 = arith.constant 0 : i32
        %dma_wait3A_266 = tpu.memref_slice %arg8[%rem3A_37, %add3A_114, %dma_wait3A_265] : memref<2x8x128xi32, #tpu.memory_space<vmem>> -> memref<1x1x128xi32, #tpu.memory_space<vmem>>
        %dma_wait3A_267 = tpu.memref_squeeze %dma_wait3A_266 : memref<1x1x128xi32, #tpu.memory_space<vmem>> -> memref<128xi32, #tpu.memory_space<vmem>>
        %dma_wait3A_268 = arith.constant 0 : i32
        %dma_wait3A_269 = arith.constant 0 : i32
        %dma_wait3A_270 = tpu.memref_slice %arg11[%dma_wait3A_268, %dma_wait3A_269] : memref<10112x128xf32, #tpu.memory_space<vmem_shared>> -> memref<10112x128xf32, #tpu.memory_space<vmem_shared>>
        tpu.wait_indirect_dma semaphore(%run_scoped3A_258 : memref<!tpu.dma_semaphore, #tpu.memory_space<semaphore_mem>>) src(%arg10 : memref<128x128xf32, #tpu.memory_space<vmem>>) dst(%dma_wait3A_270 : memref<10112x128xf32, #tpu.memory_space<vmem_shared>>)
        tpu.yield
      }) : () -> ()
      %add3A_115 = arith.constant 2 : i32
      %add3A_116 = arith.constant 1 : i32
      %add3A_117 = arith.addi %add3A_115, %add3A_116 : i32
      %dma_start3A_118 = arith.constant 0 : i32
      %dma_start3A_119 = tpu.memref_slice %arg7[%rem3A_37, %add3A_117, %dma_start3A_118] : memref<2x8x128xi32, #tpu.memory_space<vmem>> -> memref<1x1x128xi32, #tpu.memory_space<vmem>>
      %dma_start3A_120 = tpu.memref_squeeze %dma_start3A_119 : memref<1x1x128xi32, #tpu.memory_space<vmem>> -> memref<128xi32, #tpu.memory_space<vmem>>
      %dma_start3A_121 = arith.constant 0 : i32
      %dma_start3A_122 = arith.constant 0 : i32
      %dma_start3A_123 = tpu.memref_slice %arg2[%dma_start3A_121, %dma_start3A_122] : memref<10000x128xf32, #tpu.memory_space<hbm>> -> memref<10000x128xf32, #tpu.memory_space<hbm>>
      tpu.enqueue_indirect_dma source(%dma_start3A_123 : memref<10000x128xf32, #tpu.memory_space<hbm>>) target(%arg10 : memref<128x128xf32, #tpu.memory_space<vmem>>) offsets(%dma_start3A_120 : memref<128xi32, #tpu.memory_space<vmem>>) semaphore(%arg14 : memref<!tpu.dma_semaphore, #tpu.memory_space<semaphore_mem>>)
      %dma_wait3A_124 = arith.constant 2 : i32
      %dma_wait3A_125 = arith.constant 0 : i32
      %dma_wait3A_126 = tpu.memref_slice %arg7[%rem3A_37, %dma_wait3A_124, %dma_wait3A_125] : memref<2x8x128xi32, #tpu.memory_space<vmem>> -> memref<1x1x128xi32, #tpu.memory_space<vmem>>
      %dma_wait3A_127 = tpu.memref_squeeze %dma_wait3A_126 : memref<1x1x128xi32, #tpu.memory_space<vmem>> -> memref<128xi32, #tpu.memory_space<vmem>>
      %dma_wait3A_128 = arith.constant 0 : i32
      %dma_wait3A_129 = arith.constant 0 : i32
      %dma_wait3A_130 = tpu.memref_slice %arg2[%dma_wait3A_128, %dma_wait3A_129] : memref<10000x128xf32, #tpu.memory_space<hbm>> -> memref<10000x128xf32, #tpu.memory_space<hbm>>
      tpu.wait_indirect_dma semaphore(%arg13 : memref<!tpu.dma_semaphore, #tpu.memory_space<semaphore_mem>>) src(%dma_wait3A_130 : memref<10000x128xf32, #tpu.memory_space<hbm>>) dst(%arg9 : memref<128x128xf32, #tpu.memory_space<vmem>>)
      %run_scoped3A_131 = arith.constant 2 : i32
      "tpu.region"() ({
        %run_scoped3A_258 = tpu.sem_alloc : memref<!tpu.dma_semaphore, #tpu.memory_space<semaphore_mem>>
        %dma_start3A_259 = arith.constant 0 : i32
        %dma_start3A_260 = tpu.memref_slice %arg8[%rem3A_37, %run_scoped3A_131, %dma_start3A_259] : memref<2x8x128xi32, #tpu.memory_space<vmem>> -> memref<1x1x128xi32, #tpu.memory_space<vmem>>
        %dma_start3A_261 = tpu.memref_squeeze %dma_start3A_260 : memref<1x1x128xi32, #tpu.memory_space<vmem>> -> memref<128xi32, #tpu.memory_space<vmem>>
        %dma_start3A_262 = arith.constant 0 : i32
        %dma_start3A_263 = arith.constant 0 : i32
        %dma_start3A_264 = tpu.memref_slice %arg11[%dma_start3A_262, %dma_start3A_263] : memref<10112x128xf32, #tpu.memory_space<vmem_shared>> -> memref<10112x128xf32, #tpu.memory_space<vmem_shared>>
        tpu.enqueue_indirect_dma source(%arg9 : memref<128x128xf32, #tpu.memory_space<vmem>>) target(%dma_start3A_264 : memref<10112x128xf32, #tpu.memory_space<vmem_shared>>) offsets(%dma_start3A_261 : memref<128xi32, #tpu.memory_space<vmem>>) semaphore(%run_scoped3A_258 : memref<!tpu.dma_semaphore, #tpu.memory_space<semaphore_mem>>) {add = true}
        %dma_wait3A_265 = arith.constant 0 : i32
        %dma_wait3A_266 = tpu.memref_slice %arg8[%rem3A_37, %run_scoped3A_131, %dma_wait3A_265] : memref<2x8x128xi32, #tpu.memory_space<vmem>> -> memref<1x1x128xi32, #tpu.memory_space<vmem>>
        %dma_wait3A_267 = tpu.memref_squeeze %dma_wait3A_266 : memref<1x1x128xi32, #tpu.memory_space<vmem>> -> memref<128xi32, #tpu.memory_space<vmem>>
        %dma_wait3A_268 = arith.constant 0 : i32
        %dma_wait3A_269 = arith.constant 0 : i32
        %dma_wait3A_270 = tpu.memref_slice %arg11[%dma_wait3A_268, %dma_wait3A_269] : memref<10112x128xf32, #tpu.memory_space<vmem_shared>> -> memref<10112x128xf32, #tpu.memory_space<vmem_shared>>
        tpu.wait_indirect_dma semaphore(%run_scoped3A_258 : memref<!tpu.dma_semaphore, #tpu.memory_space<semaphore_mem>>) src(%arg9 : memref<128x128xf32, #tpu.memory_space<vmem>>) dst(%dma_wait3A_270 : memref<10112x128xf32, #tpu.memory_space<vmem_shared>>)
        tpu.yield
      }) : () -> ()
      %add3A_132 = arith.constant 2 : i32
      %add3A_133 = arith.constant 2 : i32
      %add3A_134 = arith.addi %add3A_132, %add3A_133 : i32
      %dma_start3A_135 = arith.constant 0 : i32
      %dma_start3A_136 = tpu.memref_slice %arg7[%rem3A_37, %add3A_134, %dma_start3A_135] : memref<2x8x128xi32, #tpu.memory_space<vmem>> -> memref<1x1x128xi32, #tpu.memory_space<vmem>>
      %dma_start3A_137 = tpu.memref_squeeze %dma_start3A_136 : memref<1x1x128xi32, #tpu.memory_space<vmem>> -> memref<128xi32, #tpu.memory_space<vmem>>
      %dma_start3A_138 = arith.constant 0 : i32
      %dma_start3A_139 = arith.constant 0 : i32
      %dma_start3A_140 = tpu.memref_slice %arg2[%dma_start3A_138, %dma_start3A_139] : memref<10000x128xf32, #tpu.memory_space<hbm>> -> memref<10000x128xf32, #tpu.memory_space<hbm>>
      tpu.enqueue_indirect_dma source(%dma_start3A_140 : memref<10000x128xf32, #tpu.memory_space<hbm>>) target(%arg9 : memref<128x128xf32, #tpu.memory_space<vmem>>) offsets(%dma_start3A_137 : memref<128xi32, #tpu.memory_space<vmem>>) semaphore(%arg13 : memref<!tpu.dma_semaphore, #tpu.memory_space<semaphore_mem>>)
      %add3A_141 = arith.constant 2 : i32
      %add3A_142 = arith.constant 1 : i32
      %add3A_143 = arith.addi %add3A_141, %add3A_142 : i32
      %dma_wait3A_144 = arith.constant 0 : i32
      %dma_wait3A_145 = tpu.memref_slice %arg7[%rem3A_37, %add3A_143, %dma_wait3A_144] : memref<2x8x128xi32, #tpu.memory_space<vmem>> -> memref<1x1x128xi32, #tpu.memory_space<vmem>>
      %dma_wait3A_146 = tpu.memref_squeeze %dma_wait3A_145 : memref<1x1x128xi32, #tpu.memory_space<vmem>> -> memref<128xi32, #tpu.memory_space<vmem>>
      %dma_wait3A_147 = arith.constant 0 : i32
      %dma_wait3A_148 = arith.constant 0 : i32
      %dma_wait3A_149 = tpu.memref_slice %arg2[%dma_wait3A_147, %dma_wait3A_148] : memref<10000x128xf32, #tpu.memory_space<hbm>> -> memref<10000x128xf32, #tpu.memory_space<hbm>>
      tpu.wait_indirect_dma semaphore(%arg14 : memref<!tpu.dma_semaphore, #tpu.memory_space<semaphore_mem>>) src(%dma_wait3A_149 : memref<10000x128xf32, #tpu.memory_space<hbm>>) dst(%arg10 : memref<128x128xf32, #tpu.memory_space<vmem>>)
      %add3A_150 = arith.constant 2 : i32
      %add3A_151 = arith.constant 1 : i32
      %add3A_152 = arith.addi %add3A_150, %add3A_151 : i32
      "tpu.region"() ({
        %run_scoped3A_258 = tpu.sem_alloc : memref<!tpu.dma_semaphore, #tpu.memory_space<semaphore_mem>>
        %dma_start3A_259 = arith.constant 0 : i32
        %dma_start3A_260 = tpu.memref_slice %arg8[%rem3A_37, %add3A_152, %dma_start3A_259] : memref<2x8x128xi32, #tpu.memory_space<vmem>> -> memref<1x1x128xi32, #tpu.memory_space<vmem>>
        %dma_start3A_261 = tpu.memref_squeeze %dma_start3A_260 : memref<1x1x128xi32, #tpu.memory_space<vmem>> -> memref<128xi32, #tpu.memory_space<vmem>>
        %dma_start3A_262 = arith.constant 0 : i32
        %dma_start3A_263 = arith.constant 0 : i32
        %dma_start3A_264 = tpu.memref_slice %arg11[%dma_start3A_262, %dma_start3A_263] : memref<10112x128xf32, #tpu.memory_space<vmem_shared>> -> memref<10112x128xf32, #tpu.memory_space<vmem_shared>>
        tpu.enqueue_indirect_dma source(%arg10 : memref<128x128xf32, #tpu.memory_space<vmem>>) target(%dma_start3A_264 : memref<10112x128xf32, #tpu.memory_space<vmem_shared>>) offsets(%dma_start3A_261 : memref<128xi32, #tpu.memory_space<vmem>>) semaphore(%run_scoped3A_258 : memref<!tpu.dma_semaphore, #tpu.memory_space<semaphore_mem>>) {add = true}
        %dma_wait3A_265 = arith.constant 0 : i32
        %dma_wait3A_266 = tpu.memref_slice %arg8[%rem3A_37, %add3A_152, %dma_wait3A_265] : memref<2x8x128xi32, #tpu.memory_space<vmem>> -> memref<1x1x128xi32, #tpu.memory_space<vmem>>
        %dma_wait3A_267 = tpu.memref_squeeze %dma_wait3A_266 : memref<1x1x128xi32, #tpu.memory_space<vmem>> -> memref<128xi32, #tpu.memory_space<vmem>>
        %dma_wait3A_268 = arith.constant 0 : i32
        %dma_wait3A_269 = arith.constant 0 : i32
        %dma_wait3A_270 = tpu.memref_slice %arg11[%dma_wait3A_268, %dma_wait3A_269] : memref<10112x128xf32, #tpu.memory_space<vmem_shared>> -> memref<10112x128xf32, #tpu.memory_space<vmem_shared>>
        tpu.wait_indirect_dma semaphore(%run_scoped3A_258 : memref<!tpu.dma_semaphore, #tpu.memory_space<semaphore_mem>>) src(%arg10 : memref<128x128xf32, #tpu.memory_space<vmem>>) dst(%dma_wait3A_270 : memref<10112x128xf32, #tpu.memory_space<vmem_shared>>)
        tpu.yield
      }) : () -> ()
      %add3A_153 = arith.constant 4 : i32
      %add3A_154 = arith.constant 1 : i32
      %add3A_155 = arith.addi %add3A_153, %add3A_154 : i32
      %dma_start3A_156 = arith.constant 0 : i32
      %dma_start3A_157 = tpu.memref_slice %arg7[%rem3A_37, %add3A_155, %dma_start3A_156] : memref<2x8x128xi32, #tpu.memory_space<vmem>> -> memref<1x1x128xi32, #tpu.memory_space<vmem>>
      %dma_start3A_158 = tpu.memref_squeeze %dma_start3A_157 : memref<1x1x128xi32, #tpu.memory_space<vmem>> -> memref<128xi32, #tpu.memory_space<vmem>>
      %dma_start3A_159 = arith.constant 0 : i32
      %dma_start3A_160 = arith.constant 0 : i32
      %dma_start3A_161 = tpu.memref_slice %arg2[%dma_start3A_159, %dma_start3A_160] : memref<10000x128xf32, #tpu.memory_space<hbm>> -> memref<10000x128xf32, #tpu.memory_space<hbm>>
      tpu.enqueue_indirect_dma source(%dma_start3A_161 : memref<10000x128xf32, #tpu.memory_space<hbm>>) target(%arg10 : memref<128x128xf32, #tpu.memory_space<vmem>>) offsets(%dma_start3A_158 : memref<128xi32, #tpu.memory_space<vmem>>) semaphore(%arg14 : memref<!tpu.dma_semaphore, #tpu.memory_space<semaphore_mem>>)
      %dma_wait3A_162 = arith.constant 4 : i32
      %dma_wait3A_163 = arith.constant 0 : i32
      %dma_wait3A_164 = tpu.memref_slice %arg7[%rem3A_37, %dma_wait3A_162, %dma_wait3A_163] : memref<2x8x128xi32, #tpu.memory_space<vmem>> -> memref<1x1x128xi32, #tpu.memory_space<vmem>>
      %dma_wait3A_165 = tpu.memref_squeeze %dma_wait3A_164 : memref<1x1x128xi32, #tpu.memory_space<vmem>> -> memref<128xi32, #tpu.memory_space<vmem>>
      %dma_wait3A_166 = arith.constant 0 : i32
      %dma_wait3A_167 = arith.constant 0 : i32
      %dma_wait3A_168 = tpu.memref_slice %arg2[%dma_wait3A_166, %dma_wait3A_167] : memref<10000x128xf32, #tpu.memory_space<hbm>> -> memref<10000x128xf32, #tpu.memory_space<hbm>>
      tpu.wait_indirect_dma semaphore(%arg13 : memref<!tpu.dma_semaphore, #tpu.memory_space<semaphore_mem>>) src(%dma_wait3A_168 : memref<10000x128xf32, #tpu.memory_space<hbm>>) dst(%arg9 : memref<128x128xf32, #tpu.memory_space<vmem>>)
      %run_scoped3A_169 = arith.constant 4 : i32
      "tpu.region"() ({
        %run_scoped3A_258 = tpu.sem_alloc : memref<!tpu.dma_semaphore, #tpu.memory_space<semaphore_mem>>
        %dma_start3A_259 = arith.constant 0 : i32
        %dma_start3A_260 = tpu.memref_slice %arg8[%rem3A_37, %run_scoped3A_169, %dma_start3A_259] : memref<2x8x128xi32, #tpu.memory_space<vmem>> -> memref<1x1x128xi32, #tpu.memory_space<vmem>>
        %dma_start3A_261 = tpu.memref_squeeze %dma_start3A_260 : memref<1x1x128xi32, #tpu.memory_space<vmem>> -> memref<128xi32, #tpu.memory_space<vmem>>
        %dma_start3A_262 = arith.constant 0 : i32
        %dma_start3A_263 = arith.constant 0 : i32
        %dma_start3A_264 = tpu.memref_slice %arg11[%dma_start3A_262, %dma_start3A_263] : memref<10112x128xf32, #tpu.memory_space<vmem_shared>> -> memref<10112x128xf32, #tpu.memory_space<vmem_shared>>
        tpu.enqueue_indirect_dma source(%arg9 : memref<128x128xf32, #tpu.memory_space<vmem>>) target(%dma_start3A_264 : memref<10112x128xf32, #tpu.memory_space<vmem_shared>>) offsets(%dma_start3A_261 : memref<128xi32, #tpu.memory_space<vmem>>) semaphore(%run_scoped3A_258 : memref<!tpu.dma_semaphore, #tpu.memory_space<semaphore_mem>>) {add = true}
        %dma_wait3A_265 = arith.constant 0 : i32
        %dma_wait3A_266 = tpu.memref_slice %arg8[%rem3A_37, %run_scoped3A_169, %dma_wait3A_265] : memref<2x8x128xi32, #tpu.memory_space<vmem>> -> memref<1x1x128xi32, #tpu.memory_space<vmem>>
        %dma_wait3A_267 = tpu.memref_squeeze %dma_wait3A_266 : memref<1x1x128xi32, #tpu.memory_space<vmem>> -> memref<128xi32, #tpu.memory_space<vmem>>
        %dma_wait3A_268 = arith.constant 0 : i32
        %dma_wait3A_269 = arith.constant 0 : i32
        %dma_wait3A_270 = tpu.memref_slice %arg11[%dma_wait3A_268, %dma_wait3A_269] : memref<10112x128xf32, #tpu.memory_space<vmem_shared>> -> memref<10112x128xf32, #tpu.memory_space<vmem_shared>>
        tpu.wait_indirect_dma semaphore(%run_scoped3A_258 : memref<!tpu.dma_semaphore, #tpu.memory_space<semaphore_mem>>) src(%arg9 : memref<128x128xf32, #tpu.memory_space<vmem>>) dst(%dma_wait3A_270 : memref<10112x128xf32, #tpu.memory_space<vmem_shared>>)
        tpu.yield
      }) : () -> ()
      %add3A_170 = arith.constant 4 : i32
      %add3A_171 = arith.constant 2 : i32
      %add3A_172 = arith.addi %add3A_170, %add3A_171 : i32
      %dma_start3A_173 = arith.constant 0 : i32
      %dma_start3A_174 = tpu.memref_slice %arg7[%rem3A_37, %add3A_172, %dma_start3A_173] : memref<2x8x128xi32, #tpu.memory_space<vmem>> -> memref<1x1x128xi32, #tpu.memory_space<vmem>>
      %dma_start3A_175 = tpu.memref_squeeze %dma_start3A_174 : memref<1x1x128xi32, #tpu.memory_space<vmem>> -> memref<128xi32, #tpu.memory_space<vmem>>
      %dma_start3A_176 = arith.constant 0 : i32
      %dma_start3A_177 = arith.constant 0 : i32
      %dma_start3A_178 = tpu.memref_slice %arg2[%dma_start3A_176, %dma_start3A_177] : memref<10000x128xf32, #tpu.memory_space<hbm>> -> memref<10000x128xf32, #tpu.memory_space<hbm>>
      tpu.enqueue_indirect_dma source(%dma_start3A_178 : memref<10000x128xf32, #tpu.memory_space<hbm>>) target(%arg9 : memref<128x128xf32, #tpu.memory_space<vmem>>) offsets(%dma_start3A_175 : memref<128xi32, #tpu.memory_space<vmem>>) semaphore(%arg13 : memref<!tpu.dma_semaphore, #tpu.memory_space<semaphore_mem>>)
      %add3A_179 = arith.constant 4 : i32
      %add3A_180 = arith.constant 1 : i32
      %add3A_181 = arith.addi %add3A_179, %add3A_180 : i32
      %dma_wait3A_182 = arith.constant 0 : i32
      %dma_wait3A_183 = tpu.memref_slice %arg7[%rem3A_37, %add3A_181, %dma_wait3A_182] : memref<2x8x128xi32, #tpu.memory_space<vmem>> -> memref<1x1x128xi32, #tpu.memory_space<vmem>>
      %dma_wait3A_184 = tpu.memref_squeeze %dma_wait3A_183 : memref<1x1x128xi32, #tpu.memory_space<vmem>> -> memref<128xi32, #tpu.memory_space<vmem>>
      %dma_wait3A_185 = arith.constant 0 : i32
      %dma_wait3A_186 = arith.constant 0 : i32
      %dma_wait3A_187 = tpu.memref_slice %arg2[%dma_wait3A_185, %dma_wait3A_186] : memref<10000x128xf32, #tpu.memory_space<hbm>> -> memref<10000x128xf32, #tpu.memory_space<hbm>>
      tpu.wait_indirect_dma semaphore(%arg14 : memref<!tpu.dma_semaphore, #tpu.memory_space<semaphore_mem>>) src(%dma_wait3A_187 : memref<10000x128xf32, #tpu.memory_space<hbm>>) dst(%arg10 : memref<128x128xf32, #tpu.memory_space<vmem>>)
      %add3A_188 = arith.constant 4 : i32
      %add3A_189 = arith.constant 1 : i32
      %add3A_190 = arith.addi %add3A_188, %add3A_189 : i32
      "tpu.region"() ({
        %run_scoped3A_258 = tpu.sem_alloc : memref<!tpu.dma_semaphore, #tpu.memory_space<semaphore_mem>>
        %dma_start3A_259 = arith.constant 0 : i32
        %dma_start3A_260 = tpu.memref_slice %arg8[%rem3A_37, %add3A_190, %dma_start3A_259] : memref<2x8x128xi32, #tpu.memory_space<vmem>> -> memref<1x1x128xi32, #tpu.memory_space<vmem>>
        %dma_start3A_261 = tpu.memref_squeeze %dma_start3A_260 : memref<1x1x128xi32, #tpu.memory_space<vmem>> -> memref<128xi32, #tpu.memory_space<vmem>>
        %dma_start3A_262 = arith.constant 0 : i32
        %dma_start3A_263 = arith.constant 0 : i32
        %dma_start3A_264 = tpu.memref_slice %arg11[%dma_start3A_262, %dma_start3A_263] : memref<10112x128xf32, #tpu.memory_space<vmem_shared>> -> memref<10112x128xf32, #tpu.memory_space<vmem_shared>>
        tpu.enqueue_indirect_dma source(%arg10 : memref<128x128xf32, #tpu.memory_space<vmem>>) target(%dma_start3A_264 : memref<10112x128xf32, #tpu.memory_space<vmem_shared>>) offsets(%dma_start3A_261 : memref<128xi32, #tpu.memory_space<vmem>>) semaphore(%run_scoped3A_258 : memref<!tpu.dma_semaphore, #tpu.memory_space<semaphore_mem>>) {add = true}
        %dma_wait3A_265 = arith.constant 0 : i32
        %dma_wait3A_266 = tpu.memref_slice %arg8[%rem3A_37, %add3A_190, %dma_wait3A_265] : memref<2x8x128xi32, #tpu.memory_space<vmem>> -> memref<1x1x128xi32, #tpu.memory_space<vmem>>
        %dma_wait3A_267 = tpu.memref_squeeze %dma_wait3A_266 : memref<1x1x128xi32, #tpu.memory_space<vmem>> -> memref<128xi32, #tpu.memory_space<vmem>>
        %dma_wait3A_268 = arith.constant 0 : i32
        %dma_wait3A_269 = arith.constant 0 : i32
        %dma_wait3A_270 = tpu.memref_slice %arg11[%dma_wait3A_268, %dma_wait3A_269] : memref<10112x128xf32, #tpu.memory_space<vmem_shared>> -> memref<10112x128xf32, #tpu.memory_space<vmem_shared>>
        tpu.wait_indirect_dma semaphore(%run_scoped3A_258 : memref<!tpu.dma_semaphore, #tpu.memory_space<semaphore_mem>>) src(%arg10 : memref<128x128xf32, #tpu.memory_space<vmem>>) dst(%dma_wait3A_270 : memref<10112x128xf32, #tpu.memory_space<vmem_shared>>)
        tpu.yield
      }) : () -> ()
      %add3A_191 = arith.constant 6 : i32
      %add3A_192 = arith.constant 1 : i32
      %add3A_193 = arith.addi %add3A_191, %add3A_192 : i32
      %dma_start3A_194 = arith.constant 0 : i32
      %dma_start3A_195 = tpu.memref_slice %arg7[%rem3A_37, %add3A_193, %dma_start3A_194] : memref<2x8x128xi32, #tpu.memory_space<vmem>> -> memref<1x1x128xi32, #tpu.memory_space<vmem>>
      %dma_start3A_196 = tpu.memref_squeeze %dma_start3A_195 : memref<1x1x128xi32, #tpu.memory_space<vmem>> -> memref<128xi32, #tpu.memory_space<vmem>>
      %dma_start3A_197 = arith.constant 0 : i32
      %dma_start3A_198 = arith.constant 0 : i32
      %dma_start3A_199 = tpu.memref_slice %arg2[%dma_start3A_197, %dma_start3A_198] : memref<10000x128xf32, #tpu.memory_space<hbm>> -> memref<10000x128xf32, #tpu.memory_space<hbm>>
      tpu.enqueue_indirect_dma source(%dma_start3A_199 : memref<10000x128xf32, #tpu.memory_space<hbm>>) target(%arg10 : memref<128x128xf32, #tpu.memory_space<vmem>>) offsets(%dma_start3A_196 : memref<128xi32, #tpu.memory_space<vmem>>) semaphore(%arg14 : memref<!tpu.dma_semaphore, #tpu.memory_space<semaphore_mem>>)
      %dma_wait3A_200 = arith.constant 6 : i32
      %dma_wait3A_201 = arith.constant 0 : i32
      %dma_wait3A_202 = tpu.memref_slice %arg7[%rem3A_37, %dma_wait3A_200, %dma_wait3A_201] : memref<2x8x128xi32, #tpu.memory_space<vmem>> -> memref<1x1x128xi32, #tpu.memory_space<vmem>>
      %dma_wait3A_203 = tpu.memref_squeeze %dma_wait3A_202 : memref<1x1x128xi32, #tpu.memory_space<vmem>> -> memref<128xi32, #tpu.memory_space<vmem>>
      %dma_wait3A_204 = arith.constant 0 : i32
      %dma_wait3A_205 = arith.constant 0 : i32
      %dma_wait3A_206 = tpu.memref_slice %arg2[%dma_wait3A_204, %dma_wait3A_205] : memref<10000x128xf32, #tpu.memory_space<hbm>> -> memref<10000x128xf32, #tpu.memory_space<hbm>>
      tpu.wait_indirect_dma semaphore(%arg13 : memref<!tpu.dma_semaphore, #tpu.memory_space<semaphore_mem>>) src(%dma_wait3A_206 : memref<10000x128xf32, #tpu.memory_space<hbm>>) dst(%arg9 : memref<128x128xf32, #tpu.memory_space<vmem>>)
      %run_scoped3A_207 = arith.constant 6 : i32
      "tpu.region"() ({
        %run_scoped3A_258 = tpu.sem_alloc : memref<!tpu.dma_semaphore, #tpu.memory_space<semaphore_mem>>
        %dma_start3A_259 = arith.constant 0 : i32
        %dma_start3A_260 = tpu.memref_slice %arg8[%rem3A_37, %run_scoped3A_207, %dma_start3A_259] : memref<2x8x128xi32, #tpu.memory_space<vmem>> -> memref<1x1x128xi32, #tpu.memory_space<vmem>>
        %dma_start3A_261 = tpu.memref_squeeze %dma_start3A_260 : memref<1x1x128xi32, #tpu.memory_space<vmem>> -> memref<128xi32, #tpu.memory_space<vmem>>
        %dma_start3A_262 = arith.constant 0 : i32
        %dma_start3A_263 = arith.constant 0 : i32
        %dma_start3A_264 = tpu.memref_slice %arg11[%dma_start3A_262, %dma_start3A_263] : memref<10112x128xf32, #tpu.memory_space<vmem_shared>> -> memref<10112x128xf32, #tpu.memory_space<vmem_shared>>
        tpu.enqueue_indirect_dma source(%arg9 : memref<128x128xf32, #tpu.memory_space<vmem>>) target(%dma_start3A_264 : memref<10112x128xf32, #tpu.memory_space<vmem_shared>>) offsets(%dma_start3A_261 : memref<128xi32, #tpu.memory_space<vmem>>) semaphore(%run_scoped3A_258 : memref<!tpu.dma_semaphore, #tpu.memory_space<semaphore_mem>>) {add = true}
        %dma_wait3A_265 = arith.constant 0 : i32
        %dma_wait3A_266 = tpu.memref_slice %arg8[%rem3A_37, %run_scoped3A_207, %dma_wait3A_265] : memref<2x8x128xi32, #tpu.memory_space<vmem>> -> memref<1x1x128xi32, #tpu.memory_space<vmem>>
        %dma_wait3A_267 = tpu.memref_squeeze %dma_wait3A_266 : memref<1x1x128xi32, #tpu.memory_space<vmem>> -> memref<128xi32, #tpu.memory_space<vmem>>
        %dma_wait3A_268 = arith.constant 0 : i32
        %dma_wait3A_269 = arith.constant 0 : i32
        %dma_wait3A_270 = tpu.memref_slice %arg11[%dma_wait3A_268, %dma_wait3A_269] : memref<10112x128xf32, #tpu.memory_space<vmem_shared>> -> memref<10112x128xf32, #tpu.memory_space<vmem_shared>>
        tpu.wait_indirect_dma semaphore(%run_scoped3A_258 : memref<!tpu.dma_semaphore, #tpu.memory_space<semaphore_mem>>) src(%arg9 : memref<128x128xf32, #tpu.memory_space<vmem>>) dst(%dma_wait3A_270 : memref<10112x128xf32, #tpu.memory_space<vmem_shared>>)
        tpu.yield
      }) : () -> ()
      %mul3A_208 = arith.constant 8 : i32
      %mul3A_209 = arith.muli %min3A_44, %mul3A_208 : i32
      %dma_wait3A_210 = arith.constant 0 : i32
      %dma_wait3A_211 = arith.constant 0 : i32
      %dma_wait3A_212 = tpu.memref_slice %arg7[%rem3A_41, %dma_wait3A_210, %dma_wait3A_211] : memref<2x8x128xi32, #tpu.memory_space<vmem>> -> memref<1x8x128xi32, #tpu.memory_space<vmem>>
      %dma_wait3A_213 = tpu.memref_squeeze %dma_wait3A_212 : memref<1x8x128xi32, #tpu.memory_space<vmem>> -> memref<8x128xi32, #tpu.memory_space<vmem>>
      %dma_wait3A_214 = arith.constant 0 : i32
      %dma_wait3A_215 = tpu.memref_slice %arg3[%add3A, %mul3A_209, %dma_wait3A_214] : memref<32x80x128xi32, #tpu.memory_space<hbm>> -> memref<1x8x128xi32, #tpu.memory_space<hbm>>
      %dma_wait3A_216 = tpu.memref_squeeze %dma_wait3A_215 : memref<1x8x128xi32, #tpu.memory_space<hbm>> -> memref<8x128xi32, #tpu.memory_space<hbm>>
      %dma_wait3A_217 = arith.constant 0 : i32
      %dma_wait3A_218 = arith.constant 0 : i32
      %dma_wait3A_219 = tpu.memref_slice %arg7[%rem3A_41, %dma_wait3A_217, %dma_wait3A_218] : memref<2x8x128xi32, #tpu.memory_space<vmem>> -> memref<1x8x128xi32, #tpu.memory_space<vmem>>
      %dma_wait3A_220 = tpu.memref_squeeze %dma_wait3A_219 : memref<1x8x128xi32, #tpu.memory_space<vmem>> -> memref<8x128xi32, #tpu.memory_space<vmem>>
      %dma_wait3A_221 = arith.constant 0 : i32
      %dma_wait3A_222 = tpu.memref_slice %arg3[%add3A, %mul3A_209, %dma_wait3A_221] : memref<32x80x128xi32, #tpu.memory_space<hbm>> -> memref<1x8x128xi32, #tpu.memory_space<hbm>>
      %dma_wait3A_223 = tpu.memref_squeeze %dma_wait3A_222 : memref<1x8x128xi32, #tpu.memory_space<hbm>> -> memref<8x128xi32, #tpu.memory_space<hbm>>
      tpu.wait_dma2 semaphore(%arg12 : memref<!tpu.dma_semaphore, #tpu.memory_space<semaphore_mem>>) src(%dma_wait3A_223 : memref<8x128xi32, #tpu.memory_space<hbm>>) dst(%dma_wait3A_220 : memref<8x128xi32, #tpu.memory_space<vmem>>)
      %mul3A_224 = arith.constant 8 : i32
      %mul3A_225 = arith.muli %min3A_44, %mul3A_224 : i32
      %dma_wait3A_226 = arith.constant 0 : i32
      %dma_wait3A_227 = arith.constant 0 : i32
      %dma_wait3A_228 = tpu.memref_slice %arg8[%rem3A_41, %dma_wait3A_226, %dma_wait3A_227] : memref<2x8x128xi32, #tpu.memory_space<vmem>> -> memref<1x8x128xi32, #tpu.memory_space<vmem>>
      %dma_wait3A_229 = tpu.memref_squeeze %dma_wait3A_228 : memref<1x8x128xi32, #tpu.memory_space<vmem>> -> memref<8x128xi32, #tpu.memory_space<vmem>>
      %dma_wait3A_230 = arith.constant 0 : i32
      %dma_wait3A_231 = tpu.memref_slice %arg4[%add3A, %mul3A_225, %dma_wait3A_230] : memref<32x80x128xi32, #tpu.memory_space<hbm>> -> memref<1x8x128xi32, #tpu.memory_space<hbm>>
      %dma_wait3A_232 = tpu.memref_squeeze %dma_wait3A_231 : memref<1x8x128xi32, #tpu.memory_space<hbm>> -> memref<8x128xi32, #tpu.memory_space<hbm>>
      %dma_wait3A_233 = arith.constant 0 : i32
      %dma_wait3A_234 = arith.constant 0 : i32
      %dma_wait3A_235 = tpu.memref_slice %arg8[%rem3A_41, %dma_wait3A_233, %dma_wait3A_234] : memref<2x8x128xi32, #tpu.memory_space<vmem>> -> memref<1x8x128xi32, #tpu.memory_space<vmem>>
      %dma_wait3A_236 = tpu.memref_squeeze %dma_wait3A_235 : memref<1x8x128xi32, #tpu.memory_space<vmem>> -> memref<8x128xi32, #tpu.memory_space<vmem>>
      %dma_wait3A_237 = arith.constant 0 : i32
      %dma_wait3A_238 = tpu.memref_slice %arg4[%add3A, %mul3A_225, %dma_wait3A_237] : memref<32x80x128xi32, #tpu.memory_space<hbm>> -> memref<1x8x128xi32, #tpu.memory_space<hbm>>
      %dma_wait3A_239 = tpu.memref_squeeze %dma_wait3A_238 : memref<1x8x128xi32, #tpu.memory_space<hbm>> -> memref<8x128xi32, #tpu.memory_space<hbm>>
      tpu.wait_dma2 semaphore(%arg12 : memref<!tpu.dma_semaphore, #tpu.memory_space<semaphore_mem>>) src(%dma_wait3A_239 : memref<8x128xi32, #tpu.memory_space<hbm>>) dst(%dma_wait3A_236 : memref<8x128xi32, #tpu.memory_space<vmem>>)
      %dma_start3A_240 = arith.constant 0 : i32
      %dma_start3A_241 = tpu.memref_slice %arg7[%rem3A_41, %while3A_13, %dma_start3A_240] : memref<2x8x128xi32, #tpu.memory_space<vmem>> -> memref<1x1x128xi32, #tpu.memory_space<vmem>>
      %dma_start3A_242 = tpu.memref_squeeze %dma_start3A_241 : memref<1x1x128xi32, #tpu.memory_space<vmem>> -> memref<128xi32, #tpu.memory_space<vmem>>
      %dma_start3A_243 = arith.constant 0 : i32
      %dma_start3A_244 = arith.constant 0 : i32
      %dma_start3A_245 = tpu.memref_slice %arg2[%dma_start3A_243, %dma_start3A_244] : memref<10000x128xf32, #tpu.memory_space<hbm>> -> memref<10000x128xf32, #tpu.memory_space<hbm>>
      tpu.enqueue_indirect_dma source(%dma_start3A_245 : memref<10000x128xf32, #tpu.memory_space<hbm>>) target(%arg9 : memref<128x128xf32, #tpu.memory_space<vmem>>) offsets(%dma_start3A_242 : memref<128xi32, #tpu.memory_space<vmem>>) semaphore(%arg13 : memref<!tpu.dma_semaphore, #tpu.memory_space<semaphore_mem>>)
      %add3A_246 = arith.constant 6 : i32
      %add3A_247 = arith.constant 1 : i32
      %add3A_248 = arith.addi %add3A_246, %add3A_247 : i32
      %dma_wait3A_249 = arith.constant 0 : i32
      %dma_wait3A_250 = tpu.memref_slice %arg7[%rem3A_37, %add3A_248, %dma_wait3A_249] : memref<2x8x128xi32, #tpu.memory_space<vmem>> -> memref<1x1x128xi32, #tpu.memory_space<vmem>>
      %dma_wait3A_251 = tpu.memref_squeeze %dma_wait3A_250 : memref<1x1x128xi32, #tpu.memory_space<vmem>> -> memref<128xi32, #tpu.memory_space<vmem>>
      %dma_wait3A_252 = arith.constant 0 : i32
      %dma_wait3A_253 = arith.constant 0 : i32
      %dma_wait3A_254 = tpu.memref_slice %arg2[%dma_wait3A_252, %dma_wait3A_253] : memref<10000x128xf32, #tpu.memory_space<hbm>> -> memref<10000x128xf32, #tpu.memory_space<hbm>>
      tpu.wait_indirect_dma semaphore(%arg14 : memref<!tpu.dma_semaphore, #tpu.memory_space<semaphore_mem>>) src(%dma_wait3A_254 : memref<10000x128xf32, #tpu.memory_space<hbm>>) dst(%arg10 : memref<128x128xf32, #tpu.memory_space<vmem>>)
      %add3A_255 = arith.constant 6 : i32
      %add3A_256 = arith.constant 1 : i32
      %add3A_257 = arith.addi %add3A_255, %add3A_256 : i32
      "tpu.region"() ({
        %run_scoped3A_258 = tpu.sem_alloc : memref<!tpu.dma_semaphore, #tpu.memory_space<semaphore_mem>>
        %dma_start3A_259 = arith.constant 0 : i32
        %dma_start3A_260 = tpu.memref_slice %arg8[%rem3A_37, %add3A_257, %dma_start3A_259] : memref<2x8x128xi32, #tpu.memory_space<vmem>> -> memref<1x1x128xi32, #tpu.memory_space<vmem>>
        %dma_start3A_261 = tpu.memref_squeeze %dma_start3A_260 : memref<1x1x128xi32, #tpu.memory_space<vmem>> -> memref<128xi32, #tpu.memory_space<vmem>>
        %dma_start3A_262 = arith.constant 0 : i32
        %dma_start3A_263 = arith.constant 0 : i32
        %dma_start3A_264 = tpu.memref_slice %arg11[%dma_start3A_262, %dma_start3A_263] : memref<10112x128xf32, #tpu.memory_space<vmem_shared>> -> memref<10112x128xf32, #tpu.memory_space<vmem_shared>>
        tpu.enqueue_indirect_dma source(%arg10 : memref<128x128xf32, #tpu.memory_space<vmem>>) target(%dma_start3A_264 : memref<10112x128xf32, #tpu.memory_space<vmem_shared>>) offsets(%dma_start3A_261 : memref<128xi32, #tpu.memory_space<vmem>>) semaphore(%run_scoped3A_258 : memref<!tpu.dma_semaphore, #tpu.memory_space<semaphore_mem>>) {add = true}
        %dma_wait3A_265 = arith.constant 0 : i32
        %dma_wait3A_266 = tpu.memref_slice %arg8[%rem3A_37, %add3A_257, %dma_wait3A_265] : memref<2x8x128xi32, #tpu.memory_space<vmem>> -> memref<1x1x128xi32, #tpu.memory_space<vmem>>
        %dma_wait3A_267 = tpu.memref_squeeze %dma_wait3A_266 : memref<1x1x128xi32, #tpu.memory_space<vmem>> -> memref<128xi32, #tpu.memory_space<vmem>>
        %dma_wait3A_268 = arith.constant 0 : i32
        %dma_wait3A_269 = arith.constant 0 : i32
        %dma_wait3A_270 = tpu.memref_slice %arg11[%dma_wait3A_268, %dma_wait3A_269] : memref<10112x128xf32, #tpu.memory_space<vmem_shared>> -> memref<10112x128xf32, #tpu.memory_space<vmem_shared>>
        tpu.wait_indirect_dma semaphore(%run_scoped3A_258 : memref<!tpu.dma_semaphore, #tpu.memory_space<semaphore_mem>>) src(%arg10 : memref<128x128xf32, #tpu.memory_space<vmem>>) dst(%dma_wait3A_270 : memref<10112x128xf32, #tpu.memory_space<vmem_shared>>)
        tpu.yield
      }) : () -> ()
    }
    %dma_wait3A = arith.constant 0 : i32
    %dma_wait3A_24 = arith.constant 0 : i32
    %dma_wait3A_25 = arith.constant 0 : i32
    %dma_wait3A_26 = tpu.memref_slice %arg7[%dma_wait3A, %dma_wait3A_24, %dma_wait3A_25] : memref<2x8x128xi32, #tpu.memory_space<vmem>> -> memref<1x1x128xi32, #tpu.memory_space<vmem>>
    %dma_wait3A_27 = tpu.memref_squeeze %dma_wait3A_26 : memref<1x1x128xi32, #tpu.memory_space<vmem>> -> memref<128xi32, #tpu.memory_space<vmem>>
    %dma_wait3A_28 = arith.constant 0 : i32
    %dma_wait3A_29 = arith.constant 0 : i32
    %dma_wait3A_30 = tpu.memref_slice %arg2[%dma_wait3A_28, %dma_wait3A_29] : memref<10000x128xf32, #tpu.memory_space<hbm>> -> memref<10000x128xf32, #tpu.memory_space<hbm>>
    tpu.wait_indirect_dma semaphore(%arg13 : memref<!tpu.dma_semaphore, #tpu.memory_space<semaphore_mem>>) src(%dma_wait3A_30 : memref<10000x128xf32, #tpu.memory_space<hbm>>) dst(%arg9 : memref<128x128xf32, #tpu.memory_space<vmem>>)
    %barrier3A_31 = arith.constant 0 : index
    tpu.barrier barrier_id(%barrier3A_31)
    %mul3A_32 = arith.constant 632 : i32
    %mul3A_33 = arith.muli %arg1, %mul3A_32 : i32
    %mul3A_34 = arith.constant 632 : i32
    %mul3A_35 = arith.muli %arg1, %mul3A_34 : i32
    "tpu.region"() ({
      %run_scoped3A_36 = tpu.sem_alloc : memref<!tpu.dma_semaphore, #tpu.memory_space<semaphore_mem>>
      %dma_start3A_37 = arith.constant 0 : i32
      %dma_start3A_38 = tpu.memref_slice %arg6[%arg0, %mul3A_35, %dma_start3A_37] : memref<2x10112x128xf32, #tpu.memory_space<hbm>> -> memref<1x632x128xf32, #tpu.memory_space<hbm>>
      %dma_start3A_39 = tpu.memref_squeeze %dma_start3A_38 : memref<1x632x128xf32, #tpu.memory_space<hbm>> -> memref<632x128xf32, #tpu.memory_space<hbm>>
      %dma_start3A_40 = arith.constant 0 : i32
      %dma_start3A_41 = tpu.memref_slice %arg11[%mul3A_33, %dma_start3A_40] : memref<10112x128xf32, #tpu.memory_space<vmem_shared>> -> memref<632x128xf32, #tpu.memory_space<vmem_shared>>
      tpu.enqueue_dma source(%dma_start3A_41 : memref<632x128xf32, #tpu.memory_space<vmem_shared>>) target(%dma_start3A_39 : memref<632x128xf32, #tpu.memory_space<hbm>>) target_semaphore(%run_scoped3A_36 : memref<!tpu.dma_semaphore, #tpu.memory_space<semaphore_mem>>)
      %dma_wait3A_42 = arith.constant 0 : i32
      %dma_wait3A_43 = tpu.memref_slice %arg6[%arg0, %mul3A_35, %dma_wait3A_42] : memref<2x10112x128xf32, #tpu.memory_space<hbm>> -> memref<1x632x128xf32, #tpu.memory_space<hbm>>
      %dma_wait3A_44 = tpu.memref_squeeze %dma_wait3A_43 : memref<1x632x128xf32, #tpu.memory_space<hbm>> -> memref<632x128xf32, #tpu.memory_space<hbm>>
      %dma_wait3A_45 = arith.constant 0 : i32
      %dma_wait3A_46 = tpu.memref_slice %arg11[%mul3A_33, %dma_wait3A_45] : memref<10112x128xf32, #tpu.memory_space<vmem_shared>> -> memref<632x128xf32, #tpu.memory_space<vmem_shared>>
      tpu.wait_dma2 semaphore(%run_scoped3A_36 : memref<!tpu.dma_semaphore, #tpu.memory_space<semaphore_mem>>) src(%dma_wait3A_46 : memref<632x128xf32, #tpu.memory_space<vmem_shared>>) dst(%dma_wait3A_44 : memref<632x128xf32, #tpu.memory_space<hbm>>)
      tpu.yield
    }) : () -> ()
    return
  }
}

#map = affine_map<(d0, d1) -> (0, 0)>
#map1 = affine_map<(d0, d1) -> (0, 0, 0)>
module attributes {stable_mosaic.version = 14 : i64} {
  func.func @k(%arg0: i32, %arg1: i32, %arg2: memref<10000x128xf32, #tpu.memory_space<hbm>>, %arg3: memref<32x80x128xi32, #tpu.memory_space<hbm>>, %arg4: memref<32x80x128xi32, #tpu.memory_space<hbm>>, %arg5: memref<10112x128xf32, #tpu.memory_space<hbm>>, %arg6: memref<2x10112x128xf32, #tpu.memory_space<hbm>>, %arg7: memref<2x8x128xi32, #tpu.memory_space<vmem>>, %arg8: memref<2x8x128xi32, #tpu.memory_space<vmem>>, %arg9: memref<128x128xf32, #tpu.memory_space<vmem>>, %arg10: memref<128x128xf32, #tpu.memory_space<vmem>>, %arg11: memref<10112x128xf32, #tpu.memory_space<vmem_shared>>, %arg12: memref<!tpu.dma_semaphore, #tpu.memory_space<semaphore_mem>>, %arg13: memref<!tpu.dma_semaphore, #tpu.memory_space<semaphore_mem>>, %arg14: memref<!tpu.dma_semaphore, #tpu.memory_space<semaphore_mem>>) attributes {dimension_semantics = [#tpu.dimension_semantics<core_parallel>, #tpu.dimension_semantics<subcore_parallel>], iteration_bounds = array<i64: 2, 16>, scalar_prefetch = 0 : i64, scratch_operands = 8 : i64, tpu.core_type = #tpu.core_type<sc_vector_subcore>, window_params = [{transform_indices = #map}, {transform_indices = #map1}, {transform_indices = #map1}, {transform_indices = #map}, {transform_indices = #map1}]} {
    %mul3A = arith.constant 16 : i32
    %mul3A_0 = arith.muli %arg0, %mul3A : i32
    %add3A = arith.addi %mul3A_0, %arg1 : i32
    %mul3A_1 = arith.constant 632 : i32
    %mul3A_2 = arith.muli %arg1, %mul3A_1 : i32
    %mul3A_3 = arith.constant 632 : i32
    %mul3A_4 = arith.muli %arg1, %mul3A_3 : i32
    "tpu.region"() ({
      %run_scoped3A_36 = tpu.sem_alloc : memref<!tpu.dma_semaphore, #tpu.memory_space<semaphore_mem>>
      %dma_start3A_37 = arith.constant 0 : i32
      %dma_start3A_38 = tpu.memref_slice %arg11[%mul3A_4, %dma_start3A_37] : memref<10112x128xf32, #tpu.memory_space<vmem_shared>> -> memref<632x128xf32, #tpu.memory_space<vmem_shared>>
      %dma_start3A_39 = arith.constant 0 : i32
      %dma_start3A_40 = tpu.memref_slice %arg5[%mul3A_2, %dma_start3A_39] : memref<10112x128xf32, #tpu.memory_space<hbm>> -> memref<632x128xf32, #tpu.memory_space<hbm>>
      tpu.enqueue_dma source(%dma_start3A_40 : memref<632x128xf32, #tpu.memory_space<hbm>>) target(%dma_start3A_38 : memref<632x128xf32, #tpu.memory_space<vmem_shared>>) target_semaphore(%run_scoped3A_36 : memref<!tpu.dma_semaphore, #tpu.memory_space<semaphore_mem>>)
      %dma_wait3A_41 = arith.constant 0 : i32
      %dma_wait3A_42 = tpu.memref_slice %arg11[%mul3A_4, %dma_wait3A_41] : memref<10112x128xf32, #tpu.memory_space<vmem_shared>> -> memref<632x128xf32, #tpu.memory_space<vmem_shared>>
      %dma_wait3A_43 = arith.constant 0 : i32
      %dma_wait3A_44 = tpu.memref_slice %arg5[%mul3A_2, %dma_wait3A_43] : memref<10112x128xf32, #tpu.memory_space<hbm>> -> memref<632x128xf32, #tpu.memory_space<hbm>>
      tpu.wait_dma2 semaphore(%run_scoped3A_36 : memref<!tpu.dma_semaphore, #tpu.memory_space<semaphore_mem>>) src(%dma_wait3A_44 : memref<632x128xf32, #tpu.memory_space<hbm>>) dst(%dma_wait3A_42 : memref<632x128xf32, #tpu.memory_space<vmem_shared>>)
      tpu.yield
    }) : () -> ()
    %run_scoped3A = arith.constant 0 : i32
    "tpu.region"() ({
      %run_scoped3A_36 = tpu.sem_alloc : memref<!tpu.dma_semaphore, #tpu.memory_space<semaphore_mem>>
      %dma_start3A_37 = arith.constant 0 : i32
      %dma_start3A_38 = arith.constant 0 : i32
      %dma_start3A_39 = tpu.memref_slice %arg7[%run_scoped3A, %dma_start3A_37, %dma_start3A_38] : memref<2x8x128xi32, #tpu.memory_space<vmem>> -> memref<1x8x128xi32, #tpu.memory_space<vmem>>
      %dma_start3A_40 = tpu.memref_squeeze %dma_start3A_39 : memref<1x8x128xi32, #tpu.memory_space<vmem>> -> memref<8x128xi32, #tpu.memory_space<vmem>>
      %dma_start3A_41 = arith.constant 0 : i32
      %dma_start3A_42 = tpu.memref_slice %arg3[%add3A, %run_scoped3A, %dma_start3A_41] : memref<32x80x128xi32, #tpu.memory_space<hbm>> -> memref<1x8x128xi32, #tpu.memory_space<hbm>>
      %dma_start3A_43 = tpu.memref_squeeze %dma_start3A_42 : memref<1x8x128xi32, #tpu.memory_space<hbm>> -> memref<8x128xi32, #tpu.memory_space<hbm>>
      %dma_start3A_44 = arith.constant 0 : i32
      %dma_start3A_45 = arith.constant 0 : i32
      %dma_start3A_46 = tpu.memref_slice %arg7[%run_scoped3A, %dma_start3A_44, %dma_start3A_45] : memref<2x8x128xi32, #tpu.memory_space<vmem>> -> memref<1x8x128xi32, #tpu.memory_space<vmem>>
      %dma_start3A_47 = tpu.memref_squeeze %dma_start3A_46 : memref<1x8x128xi32, #tpu.memory_space<vmem>> -> memref<8x128xi32, #tpu.memory_space<vmem>>
      %dma_start3A_48 = arith.constant 0 : i32
      %dma_start3A_49 = tpu.memref_slice %arg3[%add3A, %run_scoped3A, %dma_start3A_48] : memref<32x80x128xi32, #tpu.memory_space<hbm>> -> memref<1x8x128xi32, #tpu.memory_space<hbm>>
      %dma_start3A_50 = tpu.memref_squeeze %dma_start3A_49 : memref<1x8x128xi32, #tpu.memory_space<hbm>> -> memref<8x128xi32, #tpu.memory_space<hbm>>
      tpu.enqueue_dma source(%dma_start3A_50 : memref<8x128xi32, #tpu.memory_space<hbm>>) target(%dma_start3A_47 : memref<8x128xi32, #tpu.memory_space<vmem>>) target_semaphore(%run_scoped3A_36 : memref<!tpu.dma_semaphore, #tpu.memory_space<semaphore_mem>>)
      %dma_wait3A_51 = arith.constant 0 : i32
      %dma_wait3A_52 = arith.constant 0 : i32
      %dma_wait3A_53 = tpu.memref_slice %arg7[%run_scoped3A, %dma_wait3A_51, %dma_wait3A_52] : memref<2x8x128xi32, #tpu.memory_space<vmem>> -> memref<1x8x128xi32, #tpu.memory_space<vmem>>
      %dma_wait3A_54 = tpu.memref_squeeze %dma_wait3A_53 : memref<1x8x128xi32, #tpu.memory_space<vmem>> -> memref<8x128xi32, #tpu.memory_space<vmem>>
      %dma_wait3A_55 = arith.constant 0 : i32
      %dma_wait3A_56 = tpu.memref_slice %arg3[%add3A, %run_scoped3A, %dma_wait3A_55] : memref<32x80x128xi32, #tpu.memory_space<hbm>> -> memref<1x8x128xi32, #tpu.memory_space<hbm>>
      %dma_wait3A_57 = tpu.memref_squeeze %dma_wait3A_56 : memref<1x8x128xi32, #tpu.memory_space<hbm>> -> memref<8x128xi32, #tpu.memory_space<hbm>>
      %dma_wait3A_58 = arith.constant 0 : i32
      %dma_wait3A_59 = arith.constant 0 : i32
      %dma_wait3A_60 = tpu.memref_slice %arg7[%run_scoped3A, %dma_wait3A_58, %dma_wait3A_59] : memref<2x8x128xi32, #tpu.memory_space<vmem>> -> memref<1x8x128xi32, #tpu.memory_space<vmem>>
      %dma_wait3A_61 = tpu.memref_squeeze %dma_wait3A_60 : memref<1x8x128xi32, #tpu.memory_space<vmem>> -> memref<8x128xi32, #tpu.memory_space<vmem>>
      %dma_wait3A_62 = arith.constant 0 : i32
      %dma_wait3A_63 = tpu.memref_slice %arg3[%add3A, %run_scoped3A, %dma_wait3A_62] : memref<32x80x128xi32, #tpu.memory_space<hbm>> -> memref<1x8x128xi32, #tpu.memory_space<hbm>>
      %dma_wait3A_64 = tpu.memref_squeeze %dma_wait3A_63 : memref<1x8x128xi32, #tpu.memory_space<hbm>> -> memref<8x128xi32, #tpu.memory_space<hbm>>
      tpu.wait_dma2 semaphore(%run_scoped3A_36 : memref<!tpu.dma_semaphore, #tpu.memory_space<semaphore_mem>>) src(%dma_wait3A_64 : memref<8x128xi32, #tpu.memory_space<hbm>>) dst(%dma_wait3A_61 : memref<8x128xi32, #tpu.memory_space<vmem>>)
      tpu.yield
    }) : () -> ()
    %run_scoped3A_5 = arith.constant 0 : i32
    "tpu.region"() ({
      %run_scoped3A_36 = tpu.sem_alloc : memref<!tpu.dma_semaphore, #tpu.memory_space<semaphore_mem>>
      %dma_start3A_37 = arith.constant 0 : i32
      %dma_start3A_38 = arith.constant 0 : i32
      %dma_start3A_39 = tpu.memref_slice %arg8[%run_scoped3A_5, %dma_start3A_37, %dma_start3A_38] : memref<2x8x128xi32, #tpu.memory_space<vmem>> -> memref<1x8x128xi32, #tpu.memory_space<vmem>>
      %dma_start3A_40 = tpu.memref_squeeze %dma_start3A_39 : memref<1x8x128xi32, #tpu.memory_space<vmem>> -> memref<8x128xi32, #tpu.memory_space<vmem>>
      %dma_start3A_41 = arith.constant 0 : i32
      %dma_start3A_42 = tpu.memref_slice %arg4[%add3A, %run_scoped3A_5, %dma_start3A_41] : memref<32x80x128xi32, #tpu.memory_space<hbm>> -> memref<1x8x128xi32, #tpu.memory_space<hbm>>
      %dma_start3A_43 = tpu.memref_squeeze %dma_start3A_42 : memref<1x8x128xi32, #tpu.memory_space<hbm>> -> memref<8x128xi32, #tpu.memory_space<hbm>>
      %dma_start3A_44 = arith.constant 0 : i32
      %dma_start3A_45 = arith.constant 0 : i32
      %dma_start3A_46 = tpu.memref_slice %arg8[%run_scoped3A_5, %dma_start3A_44, %dma_start3A_45] : memref<2x8x128xi32, #tpu.memory_space<vmem>> -> memref<1x8x128xi32, #tpu.memory_space<vmem>>
      %dma_start3A_47 = tpu.memref_squeeze %dma_start3A_46 : memref<1x8x128xi32, #tpu.memory_space<vmem>> -> memref<8x128xi32, #tpu.memory_space<vmem>>
      %dma_start3A_48 = arith.constant 0 : i32
      %dma_start3A_49 = tpu.memref_slice %arg4[%add3A, %run_scoped3A_5, %dma_start3A_48] : memref<32x80x128xi32, #tpu.memory_space<hbm>> -> memref<1x8x128xi32, #tpu.memory_space<hbm>>
      %dma_start3A_50 = tpu.memref_squeeze %dma_start3A_49 : memref<1x8x128xi32, #tpu.memory_space<hbm>> -> memref<8x128xi32, #tpu.memory_space<hbm>>
      tpu.enqueue_dma source(%dma_start3A_50 : memref<8x128xi32, #tpu.memory_space<hbm>>) target(%dma_start3A_47 : memref<8x128xi32, #tpu.memory_space<vmem>>) target_semaphore(%run_scoped3A_36 : memref<!tpu.dma_semaphore, #tpu.memory_space<semaphore_mem>>)
      %dma_wait3A_51 = arith.constant 0 : i32
      %dma_wait3A_52 = arith.constant 0 : i32
      %dma_wait3A_53 = tpu.memref_slice %arg8[%run_scoped3A_5, %dma_wait3A_51, %dma_wait3A_52] : memref<2x8x128xi32, #tpu.memory_space<vmem>> -> memref<1x8x128xi32, #tpu.memory_space<vmem>>
      %dma_wait3A_54 = tpu.memref_squeeze %dma_wait3A_53 : memref<1x8x128xi32, #tpu.memory_space<vmem>> -> memref<8x128xi32, #tpu.memory_space<vmem>>
      %dma_wait3A_55 = arith.constant 0 : i32
      %dma_wait3A_56 = tpu.memref_slice %arg4[%add3A, %run_scoped3A_5, %dma_wait3A_55] : memref<32x80x128xi32, #tpu.memory_space<hbm>> -> memref<1x8x128xi32, #tpu.memory_space<hbm>>
      %dma_wait3A_57 = tpu.memref_squeeze %dma_wait3A_56 : memref<1x8x128xi32, #tpu.memory_space<hbm>> -> memref<8x128xi32, #tpu.memory_space<hbm>>
      %dma_wait3A_58 = arith.constant 0 : i32
      %dma_wait3A_59 = arith.constant 0 : i32
      %dma_wait3A_60 = tpu.memref_slice %arg8[%run_scoped3A_5, %dma_wait3A_58, %dma_wait3A_59] : memref<2x8x128xi32, #tpu.memory_space<vmem>> -> memref<1x8x128xi32, #tpu.memory_space<vmem>>
      %dma_wait3A_61 = tpu.memref_squeeze %dma_wait3A_60 : memref<1x8x128xi32, #tpu.memory_space<vmem>> -> memref<8x128xi32, #tpu.memory_space<vmem>>
      %dma_wait3A_62 = arith.constant 0 : i32
      %dma_wait3A_63 = tpu.memref_slice %arg4[%add3A, %run_scoped3A_5, %dma_wait3A_62] : memref<32x80x128xi32, #tpu.memory_space<hbm>> -> memref<1x8x128xi32, #tpu.memory_space<hbm>>
      %dma_wait3A_64 = tpu.memref_squeeze %dma_wait3A_63 : memref<1x8x128xi32, #tpu.memory_space<hbm>> -> memref<8x128xi32, #tpu.memory_space<hbm>>
      tpu.wait_dma2 semaphore(%run_scoped3A_36 : memref<!tpu.dma_semaphore, #tpu.memory_space<semaphore_mem>>) src(%dma_wait3A_64 : memref<8x128xi32, #tpu.memory_space<hbm>>) dst(%dma_wait3A_61 : memref<8x128xi32, #tpu.memory_space<vmem>>)
      tpu.yield
    }) : () -> ()
    %barrier3A = arith.constant 0 : index
    tpu.barrier barrier_id(%barrier3A)
    %dma_start3A = arith.constant 0 : i32
    %dma_start3A_6 = arith.constant 0 : i32
    %dma_start3A_7 = arith.constant 0 : i32
    %dma_start3A_8 = tpu.memref_slice %arg7[%dma_start3A, %dma_start3A_6, %dma_start3A_7] : memref<2x8x128xi32, #tpu.memory_space<vmem>> -> memref<1x1x128xi32, #tpu.memory_space<vmem>>
    %dma_start3A_9 = tpu.memref_squeeze %dma_start3A_8 : memref<1x1x128xi32, #tpu.memory_space<vmem>> -> memref<128xi32, #tpu.memory_space<vmem>>
    %dma_start3A_10 = arith.constant 0 : i32
    %dma_start3A_11 = arith.constant 0 : i32
    %dma_start3A_12 = tpu.memref_slice %arg2[%dma_start3A_10, %dma_start3A_11] : memref<10000x128xf32, #tpu.memory_space<hbm>> -> memref<10000x128xf32, #tpu.memory_space<hbm>>
    tpu.enqueue_indirect_dma source(%dma_start3A_12 : memref<10000x128xf32, #tpu.memory_space<hbm>>) target(%arg9 : memref<128x128xf32, #tpu.memory_space<vmem>>) offsets(%dma_start3A_9 : memref<128xi32, #tpu.memory_space<vmem>>) semaphore(%arg13 : memref<!tpu.dma_semaphore, #tpu.memory_space<semaphore_mem>>)
    %while3A = arith.constant 0 : i32
    %while3A_13 = arith.constant 0 : i32
    %while3A_14 = arith.constant 0 : i32
    %while3A_15 = arith.constant 10 : i32
    %while3A_16 = arith.subi %while3A_15, %while3A_14 : i32
    %while3A_17 = arith.addi %while3A_14, %while3A_16 : i32
    %while3A_18 = arith.constant 1 : i32
    %while3A_19 = arith.divsi %while3A_16, %while3A_18 : i32
    %while3A_20 = arith.muli %while3A_19, %while3A_18 : i32
    %while3A_21 = arith.addi %while3A_14, %while3A_20 : i32
    %while3A_22 = arith.constant 1 : i32
    scf.for %while3A_36 = %while3A_14 to %while3A_21 step %while3A_22  : i32 {
      %rem3A = arith.constant 2 : i32
      %rem3A_37 = arith.remsi %while3A_36, %rem3A : i32
      %add3A_38 = arith.constant 1 : i32
      %add3A_39 = arith.addi %while3A_36, %add3A_38 : i32
      %rem3A_40 = arith.constant 2 : i32
      %rem3A_41 = arith.remsi %add3A_39, %rem3A_40 : i32
      %add3A_42 = arith.constant 1 : i32
      %add3A_43 = arith.addi %while3A_36, %add3A_42 : i32
      %min3A = arith.constant 9 : i32
      %min3A_44 = arith.minsi %add3A_43, %min3A : i32
      %mul3A_45 = arith.constant 8 : i32
      %mul3A_46 = arith.muli %min3A_44, %mul3A_45 : i32
      %dma_start3A_47 = arith.constant 0 : i32
      %dma_start3A_48 = arith.constant 0 : i32
      %dma_start3A_49 = tpu.memref_slice %arg7[%rem3A_41, %dma_start3A_47, %dma_start3A_48] : memref<2x8x128xi32, #tpu.memory_space<vmem>> -> memref<1x8x128xi32, #tpu.memory_space<vmem>>
      %dma_start3A_50 = tpu.memref_squeeze %dma_start3A_49 : memref<1x8x128xi32, #tpu.memory_space<vmem>> -> memref<8x128xi32, #tpu.memory_space<vmem>>
      %dma_start3A_51 = arith.constant 0 : i32
      %dma_start3A_52 = tpu.memref_slice %arg3[%add3A, %mul3A_46, %dma_start3A_51] : memref<32x80x128xi32, #tpu.memory_space<hbm>> -> memref<1x8x128xi32, #tpu.memory_space<hbm>>
      %dma_start3A_53 = tpu.memref_squeeze %dma_start3A_52 : memref<1x8x128xi32, #tpu.memory_space<hbm>> -> memref<8x128xi32, #tpu.memory_space<hbm>>
      %dma_start3A_54 = arith.constant 0 : i32
      %dma_start3A_55 = arith.constant 0 : i32
      %dma_start3A_56 = tpu.memref_slice %arg7[%rem3A_41, %dma_start3A_54, %dma_start3A_55] : memref<2x8x128xi32, #tpu.memory_space<vmem>> -> memref<1x8x128xi32, #tpu.memory_space<vmem>>
      %dma_start3A_57 = tpu.memref_squeeze %dma_start3A_56 : memref<1x8x128xi32, #tpu.memory_space<vmem>> -> memref<8x128xi32, #tpu.memory_space<vmem>>
      %dma_start3A_58 = arith.constant 0 : i32
      %dma_start3A_59 = tpu.memref_slice %arg3[%add3A, %mul3A_46, %dma_start3A_58] : memref<32x80x128xi32, #tpu.memory_space<hbm>> -> memref<1x8x128xi32, #tpu.memory_space<hbm>>
      %dma_start3A_60 = tpu.memref_squeeze %dma_start3A_59 : memref<1x8x128xi32, #tpu.memory_space<hbm>> -> memref<8x128xi32, #tpu.memory_space<hbm>>
      tpu.enqueue_dma source(%dma_start3A_60 : memref<8x128xi32, #tpu.memory_space<hbm>>) target(%dma_start3A_57 : memref<8x128xi32, #tpu.memory_space<vmem>>) target_semaphore(%arg12 : memref<!tpu.dma_semaphore, #tpu.memory_space<semaphore_mem>>)
      %mul3A_61 = arith.constant 8 : i32
      %mul3A_62 = arith.muli %min3A_44, %mul3A_61 : i32
      %dma_start3A_63 = arith.constant 0 : i32
      %dma_start3A_64 = arith.constant 0 : i32
      %dma_start3A_65 = tpu.memref_slice %arg8[%rem3A_41, %dma_start3A_63, %dma_start3A_64] : memref<2x8x128xi32, #tpu.memory_space<vmem>> -> memref<1x8x128xi32, #tpu.memory_space<vmem>>
      %dma_start3A_66 = tpu.memref_squeeze %dma_start3A_65 : memref<1x8x128xi32, #tpu.memory_space<vmem>> -> memref<8x128xi32, #tpu.memory_space<vmem>>
      %dma_start3A_67 = arith.constant 0 : i32
      %dma_start3A_68 = tpu.memref_slice %arg4[%add3A, %mul3A_62, %dma_start3A_67] : memref<32x80x128xi32, #tpu.memory_space<hbm>> -> memref<1x8x128xi32, #tpu.memory_space<hbm>>
      %dma_start3A_69 = tpu.memref_squeeze %dma_start3A_68 : memref<1x8x128xi32, #tpu.memory_space<hbm>> -> memref<8x128xi32, #tpu.memory_space<hbm>>
      %dma_start3A_70 = arith.constant 0 : i32
      %dma_start3A_71 = arith.constant 0 : i32
      %dma_start3A_72 = tpu.memref_slice %arg8[%rem3A_41, %dma_start3A_70, %dma_start3A_71] : memref<2x8x128xi32, #tpu.memory_space<vmem>> -> memref<1x8x128xi32, #tpu.memory_space<vmem>>
      %dma_start3A_73 = tpu.memref_squeeze %dma_start3A_72 : memref<1x8x128xi32, #tpu.memory_space<vmem>> -> memref<8x128xi32, #tpu.memory_space<vmem>>
      %dma_start3A_74 = arith.constant 0 : i32
      %dma_start3A_75 = tpu.memref_slice %arg4[%add3A, %mul3A_62, %dma_start3A_74] : memref<32x80x128xi32, #tpu.memory_space<hbm>> -> memref<1x8x128xi32, #tpu.memory_space<hbm>>
      %dma_start3A_76 = tpu.memref_squeeze %dma_start3A_75 : memref<1x8x128xi32, #tpu.memory_space<hbm>> -> memref<8x128xi32, #tpu.memory_space<hbm>>
      tpu.enqueue_dma source(%dma_start3A_76 : memref<8x128xi32, #tpu.memory_space<hbm>>) target(%dma_start3A_73 : memref<8x128xi32, #tpu.memory_space<vmem>>) target_semaphore(%arg12 : memref<!tpu.dma_semaphore, #tpu.memory_space<semaphore_mem>>)
      %add3A_77 = arith.constant 0 : i32
      %add3A_78 = arith.constant 1 : i32
      %add3A_79 = arith.addi %add3A_77, %add3A_78 : i32
      %dma_start3A_80 = arith.constant 0 : i32
      %dma_start3A_81 = tpu.memref_slice %arg7[%rem3A_37, %add3A_79, %dma_start3A_80] : memref<2x8x128xi32, #tpu.memory_space<vmem>> -> memref<1x1x128xi32, #tpu.memory_space<vmem>>
      %dma_start3A_82 = tpu.memref_squeeze %dma_start3A_81 : memref<1x1x128xi32, #tpu.memory_space<vmem>> -> memref<128xi32, #tpu.memory_space<vmem>>
      %dma_start3A_83 = arith.constant 0 : i32
      %dma_start3A_84 = arith.constant 0 : i32
      %dma_start3A_85 = tpu.memref_slice %arg2[%dma_start3A_83, %dma_start3A_84] : memref<10000x128xf32, #tpu.memory_space<hbm>> -> memref<10000x128xf32, #tpu.memory_space<hbm>>
      tpu.enqueue_indirect_dma source(%dma_start3A_85 : memref<10000x128xf32, #tpu.memory_space<hbm>>) target(%arg10 : memref<128x128xf32, #tpu.memory_space<vmem>>) offsets(%dma_start3A_82 : memref<128xi32, #tpu.memory_space<vmem>>) semaphore(%arg14 : memref<!tpu.dma_semaphore, #tpu.memory_space<semaphore_mem>>)
      %dma_wait3A_86 = arith.constant 0 : i32
      %dma_wait3A_87 = arith.constant 0 : i32
      %dma_wait3A_88 = tpu.memref_slice %arg7[%rem3A_37, %dma_wait3A_86, %dma_wait3A_87] : memref<2x8x128xi32, #tpu.memory_space<vmem>> -> memref<1x1x128xi32, #tpu.memory_space<vmem>>
      %dma_wait3A_89 = tpu.memref_squeeze %dma_wait3A_88 : memref<1x1x128xi32, #tpu.memory_space<vmem>> -> memref<128xi32, #tpu.memory_space<vmem>>
      %dma_wait3A_90 = arith.constant 0 : i32
      %dma_wait3A_91 = arith.constant 0 : i32
      %dma_wait3A_92 = tpu.memref_slice %arg2[%dma_wait3A_90, %dma_wait3A_91] : memref<10000x128xf32, #tpu.memory_space<hbm>> -> memref<10000x128xf32, #tpu.memory_space<hbm>>
      tpu.wait_indirect_dma semaphore(%arg13 : memref<!tpu.dma_semaphore, #tpu.memory_space<semaphore_mem>>) src(%dma_wait3A_92 : memref<10000x128xf32, #tpu.memory_space<hbm>>) dst(%arg9 : memref<128x128xf32, #tpu.memory_space<vmem>>)
      %run_scoped3A_93 = arith.constant 0 : i32
      "tpu.region"() ({
        %run_scoped3A_258 = tpu.sem_alloc : memref<!tpu.dma_semaphore, #tpu.memory_space<semaphore_mem>>
        %dma_start3A_259 = arith.constant 0 : i32
        %dma_start3A_260 = tpu.memref_slice %arg8[%rem3A_37, %run_scoped3A_93, %dma_start3A_259] : memref<2x8x128xi32, #tpu.memory_space<vmem>> -> memref<1x1x128xi32, #tpu.memory_space<vmem>>
        %dma_start3A_261 = tpu.memref_squeeze %dma_start3A_260 : memref<1x1x128xi32, #tpu.memory_space<vmem>> -> memref<128xi32, #tpu.memory_space<vmem>>
        %dma_start3A_262 = arith.constant 0 : i32
        %dma_start3A_263 = arith.constant 0 : i32
        %dma_start3A_264 = tpu.memref_slice %arg11[%dma_start3A_262, %dma_start3A_263] : memref<10112x128xf32, #tpu.memory_space<vmem_shared>> -> memref<10112x128xf32, #tpu.memory_space<vmem_shared>>
        tpu.enqueue_indirect_dma source(%arg9 : memref<128x128xf32, #tpu.memory_space<vmem>>) target(%dma_start3A_264 : memref<10112x128xf32, #tpu.memory_space<vmem_shared>>) offsets(%dma_start3A_261 : memref<128xi32, #tpu.memory_space<vmem>>) semaphore(%run_scoped3A_258 : memref<!tpu.dma_semaphore, #tpu.memory_space<semaphore_mem>>) {add = true}
        %dma_wait3A_265 = arith.constant 0 : i32
        %dma_wait3A_266 = tpu.memref_slice %arg8[%rem3A_37, %run_scoped3A_93, %dma_wait3A_265] : memref<2x8x128xi32, #tpu.memory_space<vmem>> -> memref<1x1x128xi32, #tpu.memory_space<vmem>>
        %dma_wait3A_267 = tpu.memref_squeeze %dma_wait3A_266 : memref<1x1x128xi32, #tpu.memory_space<vmem>> -> memref<128xi32, #tpu.memory_space<vmem>>
        %dma_wait3A_268 = arith.constant 0 : i32
        %dma_wait3A_269 = arith.constant 0 : i32
        %dma_wait3A_270 = tpu.memref_slice %arg11[%dma_wait3A_268, %dma_wait3A_269] : memref<10112x128xf32, #tpu.memory_space<vmem_shared>> -> memref<10112x128xf32, #tpu.memory_space<vmem_shared>>
        tpu.wait_indirect_dma semaphore(%run_scoped3A_258 : memref<!tpu.dma_semaphore, #tpu.memory_space<semaphore_mem>>) src(%arg9 : memref<128x128xf32, #tpu.memory_space<vmem>>) dst(%dma_wait3A_270 : memref<10112x128xf32, #tpu.memory_space<vmem_shared>>)
        tpu.yield
      }) : () -> ()
      %add3A_94 = arith.constant 0 : i32
      %add3A_95 = arith.constant 2 : i32
      %add3A_96 = arith.addi %add3A_94, %add3A_95 : i32
      %dma_start3A_97 = arith.constant 0 : i32
      %dma_start3A_98 = tpu.memref_slice %arg7[%rem3A_37, %add3A_96, %dma_start3A_97] : memref<2x8x128xi32, #tpu.memory_space<vmem>> -> memref<1x1x128xi32, #tpu.memory_space<vmem>>
      %dma_start3A_99 = tpu.memref_squeeze %dma_start3A_98 : memref<1x1x128xi32, #tpu.memory_space<vmem>> -> memref<128xi32, #tpu.memory_space<vmem>>
      %dma_start3A_100 = arith.constant 0 : i32
      %dma_start3A_101 = arith.constant 0 : i32
      %dma_start3A_102 = tpu.memref_slice %arg2[%dma_start3A_100, %dma_start3A_101] : memref<10000x128xf32, #tpu.memory_space<hbm>> -> memref<10000x128xf32, #tpu.memory_space<hbm>>
      tpu.enqueue_indirect_dma source(%dma_start3A_102 : memref<10000x128xf32, #tpu.memory_space<hbm>>) target(%arg9 : memref<128x128xf32, #tpu.memory_space<vmem>>) offsets(%dma_start3A_99 : memref<128xi32, #tpu.memory_space<vmem>>) semaphore(%arg13 : memref<!tpu.dma_semaphore, #tpu.memory_space<semaphore_mem>>)
      %add3A_103 = arith.constant 0 : i32
      %add3A_104 = arith.constant 1 : i32
      %add3A_105 = arith.addi %add3A_103, %add3A_104 : i32
      %dma_wait3A_106 = arith.constant 0 : i32
      %dma_wait3A_107 = tpu.memref_slice %arg7[%rem3A_37, %add3A_105, %dma_wait3A_106] : memref<2x8x128xi32, #tpu.memory_space<vmem>> -> memref<1x1x128xi32, #tpu.memory_space<vmem>>
      %dma_wait3A_108 = tpu.memref_squeeze %dma_wait3A_107 : memref<1x1x128xi32, #tpu.memory_space<vmem>> -> memref<128xi32, #tpu.memory_space<vmem>>
      %dma_wait3A_109 = arith.constant 0 : i32
      %dma_wait3A_110 = arith.constant 0 : i32
      %dma_wait3A_111 = tpu.memref_slice %arg2[%dma_wait3A_109, %dma_wait3A_110] : memref<10000x128xf32, #tpu.memory_space<hbm>> -> memref<10000x128xf32, #tpu.memory_space<hbm>>
      tpu.wait_indirect_dma semaphore(%arg14 : memref<!tpu.dma_semaphore, #tpu.memory_space<semaphore_mem>>) src(%dma_wait3A_111 : memref<10000x128xf32, #tpu.memory_space<hbm>>) dst(%arg10 : memref<128x128xf32, #tpu.memory_space<vmem>>)
      %add3A_112 = arith.constant 0 : i32
      %add3A_113 = arith.constant 1 : i32
      %add3A_114 = arith.addi %add3A_112, %add3A_113 : i32
      "tpu.region"() ({
        %run_scoped3A_258 = tpu.sem_alloc : memref<!tpu.dma_semaphore, #tpu.memory_space<semaphore_mem>>
        %dma_start3A_259 = arith.constant 0 : i32
        %dma_start3A_260 = tpu.memref_slice %arg8[%rem3A_37, %add3A_114, %dma_start3A_259] : memref<2x8x128xi32, #tpu.memory_space<vmem>> -> memref<1x1x128xi32, #tpu.memory_space<vmem>>
        %dma_start3A_261 = tpu.memref_squeeze %dma_start3A_260 : memref<1x1x128xi32, #tpu.memory_space<vmem>> -> memref<128xi32, #tpu.memory_space<vmem>>
        %dma_start3A_262 = arith.constant 0 : i32
        %dma_start3A_263 = arith.constant 0 : i32
        %dma_start3A_264 = tpu.memref_slice %arg11[%dma_start3A_262, %dma_start3A_263] : memref<10112x128xf32, #tpu.memory_space<vmem_shared>> -> memref<10112x128xf32, #tpu.memory_space<vmem_shared>>
        tpu.enqueue_indirect_dma source(%arg10 : memref<128x128xf32, #tpu.memory_space<vmem>>) target(%dma_start3A_264 : memref<10112x128xf32, #tpu.memory_space<vmem_shared>>) offsets(%dma_start3A_261 : memref<128xi32, #tpu.memory_space<vmem>>) semaphore(%run_scoped3A_258 : memref<!tpu.dma_semaphore, #tpu.memory_space<semaphore_mem>>) {add = true}
        %dma_wait3A_265 = arith.constant 0 : i32
        %dma_wait3A_266 = tpu.memref_slice %arg8[%rem3A_37, %add3A_114, %dma_wait3A_265] : memref<2x8x128xi32, #tpu.memory_space<vmem>> -> memref<1x1x128xi32, #tpu.memory_space<vmem>>
        %dma_wait3A_267 = tpu.memref_squeeze %dma_wait3A_266 : memref<1x1x128xi32, #tpu.memory_space<vmem>> -> memref<128xi32, #tpu.memory_space<vmem>>
        %dma_wait3A_268 = arith.constant 0 : i32
        %dma_wait3A_269 = arith.constant 0 : i32
        %dma_wait3A_270 = tpu.memref_slice %arg11[%dma_wait3A_268, %dma_wait3A_269] : memref<10112x128xf32, #tpu.memory_space<vmem_shared>> -> memref<10112x128xf32, #tpu.memory_space<vmem_shared>>
        tpu.wait_indirect_dma semaphore(%run_scoped3A_258 : memref<!tpu.dma_semaphore, #tpu.memory_space<semaphore_mem>>) src(%arg10 : memref<128x128xf32, #tpu.memory_space<vmem>>) dst(%dma_wait3A_270 : memref<10112x128xf32, #tpu.memory_space<vmem_shared>>)
        tpu.yield
      }) : () -> ()
      %add3A_115 = arith.constant 2 : i32
      %add3A_116 = arith.constant 1 : i32
      %add3A_117 = arith.addi %add3A_115, %add3A_116 : i32
      %dma_start3A_118 = arith.constant 0 : i32
      %dma_start3A_119 = tpu.memref_slice %arg7[%rem3A_37, %add3A_117, %dma_start3A_118] : memref<2x8x128xi32, #tpu.memory_space<vmem>> -> memref<1x1x128xi32, #tpu.memory_space<vmem>>
      %dma_start3A_120 = tpu.memref_squeeze %dma_start3A_119 : memref<1x1x128xi32, #tpu.memory_space<vmem>> -> memref<128xi32, #tpu.memory_space<vmem>>
      %dma_start3A_121 = arith.constant 0 : i32
      %dma_start3A_122 = arith.constant 0 : i32
      %dma_start3A_123 = tpu.memref_slice %arg2[%dma_start3A_121, %dma_start3A_122] : memref<10000x128xf32, #tpu.memory_space<hbm>> -> memref<10000x128xf32, #tpu.memory_space<hbm>>
      tpu.enqueue_indirect_dma source(%dma_start3A_123 : memref<10000x128xf32, #tpu.memory_space<hbm>>) target(%arg10 : memref<128x128xf32, #tpu.memory_space<vmem>>) offsets(%dma_start3A_120 : memref<128xi32, #tpu.memory_space<vmem>>) semaphore(%arg14 : memref<!tpu.dma_semaphore, #tpu.memory_space<semaphore_mem>>)
      %dma_wait3A_124 = arith.constant 2 : i32
      %dma_wait3A_125 = arith.constant 0 : i32
      %dma_wait3A_126 = tpu.memref_slice %arg7[%rem3A_37, %dma_wait3A_124, %dma_wait3A_125] : memref<2x8x128xi32, #tpu.memory_space<vmem>> -> memref<1x1x128xi32, #tpu.memory_space<vmem>>
      %dma_wait3A_127 = tpu.memref_squeeze %dma_wait3A_126 : memref<1x1x128xi32, #tpu.memory_space<vmem>> -> memref<128xi32, #tpu.memory_space<vmem>>
      %dma_wait3A_128 = arith.constant 0 : i32
      %dma_wait3A_129 = arith.constant 0 : i32
      %dma_wait3A_130 = tpu.memref_slice %arg2[%dma_wait3A_128, %dma_wait3A_129] : memref<10000x128xf32, #tpu.memory_space<hbm>> -> memref<10000x128xf32, #tpu.memory_space<hbm>>
      tpu.wait_indirect_dma semaphore(%arg13 : memref<!tpu.dma_semaphore, #tpu.memory_space<semaphore_mem>>) src(%dma_wait3A_130 : memref<10000x128xf32, #tpu.memory_space<hbm>>) dst(%arg9 : memref<128x128xf32, #tpu.memory_space<vmem>>)
      %run_scoped3A_131 = arith.constant 2 : i32
      "tpu.region"() ({
        %run_scoped3A_258 = tpu.sem_alloc : memref<!tpu.dma_semaphore, #tpu.memory_space<semaphore_mem>>
        %dma_start3A_259 = arith.constant 0 : i32
        %dma_start3A_260 = tpu.memref_slice %arg8[%rem3A_37, %run_scoped3A_131, %dma_start3A_259] : memref<2x8x128xi32, #tpu.memory_space<vmem>> -> memref<1x1x128xi32, #tpu.memory_space<vmem>>
        %dma_start3A_261 = tpu.memref_squeeze %dma_start3A_260 : memref<1x1x128xi32, #tpu.memory_space<vmem>> -> memref<128xi32, #tpu.memory_space<vmem>>
        %dma_start3A_262 = arith.constant 0 : i32
        %dma_start3A_263 = arith.constant 0 : i32
        %dma_start3A_264 = tpu.memref_slice %arg11[%dma_start3A_262, %dma_start3A_263] : memref<10112x128xf32, #tpu.memory_space<vmem_shared>> -> memref<10112x128xf32, #tpu.memory_space<vmem_shared>>
        tpu.enqueue_indirect_dma source(%arg9 : memref<128x128xf32, #tpu.memory_space<vmem>>) target(%dma_start3A_264 : memref<10112x128xf32, #tpu.memory_space<vmem_shared>>) offsets(%dma_start3A_261 : memref<128xi32, #tpu.memory_space<vmem>>) semaphore(%run_scoped3A_258 : memref<!tpu.dma_semaphore, #tpu.memory_space<semaphore_mem>>) {add = true}
        %dma_wait3A_265 = arith.constant 0 : i32
        %dma_wait3A_266 = tpu.memref_slice %arg8[%rem3A_37, %run_scoped3A_131, %dma_wait3A_265] : memref<2x8x128xi32, #tpu.memory_space<vmem>> -> memref<1x1x128xi32, #tpu.memory_space<vmem>>
        %dma_wait3A_267 = tpu.memref_squeeze %dma_wait3A_266 : memref<1x1x128xi32, #tpu.memory_space<vmem>> -> memref<128xi32, #tpu.memory_space<vmem>>
        %dma_wait3A_268 = arith.constant 0 : i32
        %dma_wait3A_269 = arith.constant 0 : i32
        %dma_wait3A_270 = tpu.memref_slice %arg11[%dma_wait3A_268, %dma_wait3A_269] : memref<10112x128xf32, #tpu.memory_space<vmem_shared>> -> memref<10112x128xf32, #tpu.memory_space<vmem_shared>>
        tpu.wait_indirect_dma semaphore(%run_scoped3A_258 : memref<!tpu.dma_semaphore, #tpu.memory_space<semaphore_mem>>) src(%arg9 : memref<128x128xf32, #tpu.memory_space<vmem>>) dst(%dma_wait3A_270 : memref<10112x128xf32, #tpu.memory_space<vmem_shared>>)
        tpu.yield
      }) : () -> ()
      %add3A_132 = arith.constant 2 : i32
      %add3A_133 = arith.constant 2 : i32
      %add3A_134 = arith.addi %add3A_132, %add3A_133 : i32
      %dma_start3A_135 = arith.constant 0 : i32
      %dma_start3A_136 = tpu.memref_slice %arg7[%rem3A_37, %add3A_134, %dma_start3A_135] : memref<2x8x128xi32, #tpu.memory_space<vmem>> -> memref<1x1x128xi32, #tpu.memory_space<vmem>>
      %dma_start3A_137 = tpu.memref_squeeze %dma_start3A_136 : memref<1x1x128xi32, #tpu.memory_space<vmem>> -> memref<128xi32, #tpu.memory_space<vmem>>
      %dma_start3A_138 = arith.constant 0 : i32
      %dma_start3A_139 = arith.constant 0 : i32
      %dma_start3A_140 = tpu.memref_slice %arg2[%dma_start3A_138, %dma_start3A_139] : memref<10000x128xf32, #tpu.memory_space<hbm>> -> memref<10000x128xf32, #tpu.memory_space<hbm>>
      tpu.enqueue_indirect_dma source(%dma_start3A_140 : memref<10000x128xf32, #tpu.memory_space<hbm>>) target(%arg9 : memref<128x128xf32, #tpu.memory_space<vmem>>) offsets(%dma_start3A_137 : memref<128xi32, #tpu.memory_space<vmem>>) semaphore(%arg13 : memref<!tpu.dma_semaphore, #tpu.memory_space<semaphore_mem>>)
      %add3A_141 = arith.constant 2 : i32
      %add3A_142 = arith.constant 1 : i32
      %add3A_143 = arith.addi %add3A_141, %add3A_142 : i32
      %dma_wait3A_144 = arith.constant 0 : i32
      %dma_wait3A_145 = tpu.memref_slice %arg7[%rem3A_37, %add3A_143, %dma_wait3A_144] : memref<2x8x128xi32, #tpu.memory_space<vmem>> -> memref<1x1x128xi32, #tpu.memory_space<vmem>>
      %dma_wait3A_146 = tpu.memref_squeeze %dma_wait3A_145 : memref<1x1x128xi32, #tpu.memory_space<vmem>> -> memref<128xi32, #tpu.memory_space<vmem>>
      %dma_wait3A_147 = arith.constant 0 : i32
      %dma_wait3A_148 = arith.constant 0 : i32
      %dma_wait3A_149 = tpu.memref_slice %arg2[%dma_wait3A_147, %dma_wait3A_148] : memref<10000x128xf32, #tpu.memory_space<hbm>> -> memref<10000x128xf32, #tpu.memory_space<hbm>>
      tpu.wait_indirect_dma semaphore(%arg14 : memref<!tpu.dma_semaphore, #tpu.memory_space<semaphore_mem>>) src(%dma_wait3A_149 : memref<10000x128xf32, #tpu.memory_space<hbm>>) dst(%arg10 : memref<128x128xf32, #tpu.memory_space<vmem>>)
      %add3A_150 = arith.constant 2 : i32
      %add3A_151 = arith.constant 1 : i32
      %add3A_152 = arith.addi %add3A_150, %add3A_151 : i32
      "tpu.region"() ({
        %run_scoped3A_258 = tpu.sem_alloc : memref<!tpu.dma_semaphore, #tpu.memory_space<semaphore_mem>>
        %dma_start3A_259 = arith.constant 0 : i32
        %dma_start3A_260 = tpu.memref_slice %arg8[%rem3A_37, %add3A_152, %dma_start3A_259] : memref<2x8x128xi32, #tpu.memory_space<vmem>> -> memref<1x1x128xi32, #tpu.memory_space<vmem>>
        %dma_start3A_261 = tpu.memref_squeeze %dma_start3A_260 : memref<1x1x128xi32, #tpu.memory_space<vmem>> -> memref<128xi32, #tpu.memory_space<vmem>>
        %dma_start3A_262 = arith.constant 0 : i32
        %dma_start3A_263 = arith.constant 0 : i32
        %dma_start3A_264 = tpu.memref_slice %arg11[%dma_start3A_262, %dma_start3A_263] : memref<10112x128xf32, #tpu.memory_space<vmem_shared>> -> memref<10112x128xf32, #tpu.memory_space<vmem_shared>>
        tpu.enqueue_indirect_dma source(%arg10 : memref<128x128xf32, #tpu.memory_space<vmem>>) target(%dma_start3A_264 : memref<10112x128xf32, #tpu.memory_space<vmem_shared>>) offsets(%dma_start3A_261 : memref<128xi32, #tpu.memory_space<vmem>>) semaphore(%run_scoped3A_258 : memref<!tpu.dma_semaphore, #tpu.memory_space<semaphore_mem>>) {add = true}
        %dma_wait3A_265 = arith.constant 0 : i32
        %dma_wait3A_266 = tpu.memref_slice %arg8[%rem3A_37, %add3A_152, %dma_wait3A_265] : memref<2x8x128xi32, #tpu.memory_space<vmem>> -> memref<1x1x128xi32, #tpu.memory_space<vmem>>
        %dma_wait3A_267 = tpu.memref_squeeze %dma_wait3A_266 : memref<1x1x128xi32, #tpu.memory_space<vmem>> -> memref<128xi32, #tpu.memory_space<vmem>>
        %dma_wait3A_268 = arith.constant 0 : i32
        %dma_wait3A_269 = arith.constant 0 : i32
        %dma_wait3A_270 = tpu.memref_slice %arg11[%dma_wait3A_268, %dma_wait3A_269] : memref<10112x128xf32, #tpu.memory_space<vmem_shared>> -> memref<10112x128xf32, #tpu.memory_space<vmem_shared>>
        tpu.wait_indirect_dma semaphore(%run_scoped3A_258 : memref<!tpu.dma_semaphore, #tpu.memory_space<semaphore_mem>>) src(%arg10 : memref<128x128xf32, #tpu.memory_space<vmem>>) dst(%dma_wait3A_270 : memref<10112x128xf32, #tpu.memory_space<vmem_shared>>)
        tpu.yield
      }) : () -> ()
      %add3A_153 = arith.constant 4 : i32
      %add3A_154 = arith.constant 1 : i32
      %add3A_155 = arith.addi %add3A_153, %add3A_154 : i32
      %dma_start3A_156 = arith.constant 0 : i32
      %dma_start3A_157 = tpu.memref_slice %arg7[%rem3A_37, %add3A_155, %dma_start3A_156] : memref<2x8x128xi32, #tpu.memory_space<vmem>> -> memref<1x1x128xi32, #tpu.memory_space<vmem>>
      %dma_start3A_158 = tpu.memref_squeeze %dma_start3A_157 : memref<1x1x128xi32, #tpu.memory_space<vmem>> -> memref<128xi32, #tpu.memory_space<vmem>>
      %dma_start3A_159 = arith.constant 0 : i32
      %dma_start3A_160 = arith.constant 0 : i32
      %dma_start3A_161 = tpu.memref_slice %arg2[%dma_start3A_159, %dma_start3A_160] : memref<10000x128xf32, #tpu.memory_space<hbm>> -> memref<10000x128xf32, #tpu.memory_space<hbm>>
      tpu.enqueue_indirect_dma source(%dma_start3A_161 : memref<10000x128xf32, #tpu.memory_space<hbm>>) target(%arg10 : memref<128x128xf32, #tpu.memory_space<vmem>>) offsets(%dma_start3A_158 : memref<128xi32, #tpu.memory_space<vmem>>) semaphore(%arg14 : memref<!tpu.dma_semaphore, #tpu.memory_space<semaphore_mem>>)
      %dma_wait3A_162 = arith.constant 4 : i32
      %dma_wait3A_163 = arith.constant 0 : i32
      %dma_wait3A_164 = tpu.memref_slice %arg7[%rem3A_37, %dma_wait3A_162, %dma_wait3A_163] : memref<2x8x128xi32, #tpu.memory_space<vmem>> -> memref<1x1x128xi32, #tpu.memory_space<vmem>>
      %dma_wait3A_165 = tpu.memref_squeeze %dma_wait3A_164 : memref<1x1x128xi32, #tpu.memory_space<vmem>> -> memref<128xi32, #tpu.memory_space<vmem>>
      %dma_wait3A_166 = arith.constant 0 : i32
      %dma_wait3A_167 = arith.constant 0 : i32
      %dma_wait3A_168 = tpu.memref_slice %arg2[%dma_wait3A_166, %dma_wait3A_167] : memref<10000x128xf32, #tpu.memory_space<hbm>> -> memref<10000x128xf32, #tpu.memory_space<hbm>>
      tpu.wait_indirect_dma semaphore(%arg13 : memref<!tpu.dma_semaphore, #tpu.memory_space<semaphore_mem>>) src(%dma_wait3A_168 : memref<10000x128xf32, #tpu.memory_space<hbm>>) dst(%arg9 : memref<128x128xf32, #tpu.memory_space<vmem>>)
      %run_scoped3A_169 = arith.constant 4 : i32
      "tpu.region"() ({
        %run_scoped3A_258 = tpu.sem_alloc : memref<!tpu.dma_semaphore, #tpu.memory_space<semaphore_mem>>
        %dma_start3A_259 = arith.constant 0 : i32
        %dma_start3A_260 = tpu.memref_slice %arg8[%rem3A_37, %run_scoped3A_169, %dma_start3A_259] : memref<2x8x128xi32, #tpu.memory_space<vmem>> -> memref<1x1x128xi32, #tpu.memory_space<vmem>>
        %dma_start3A_261 = tpu.memref_squeeze %dma_start3A_260 : memref<1x1x128xi32, #tpu.memory_space<vmem>> -> memref<128xi32, #tpu.memory_space<vmem>>
        %dma_start3A_262 = arith.constant 0 : i32
        %dma_start3A_263 = arith.constant 0 : i32
        %dma_start3A_264 = tpu.memref_slice %arg11[%dma_start3A_262, %dma_start3A_263] : memref<10112x128xf32, #tpu.memory_space<vmem_shared>> -> memref<10112x128xf32, #tpu.memory_space<vmem_shared>>
        tpu.enqueue_indirect_dma source(%arg9 : memref<128x128xf32, #tpu.memory_space<vmem>>) target(%dma_start3A_264 : memref<10112x128xf32, #tpu.memory_space<vmem_shared>>) offsets(%dma_start3A_261 : memref<128xi32, #tpu.memory_space<vmem>>) semaphore(%run_scoped3A_258 : memref<!tpu.dma_semaphore, #tpu.memory_space<semaphore_mem>>) {add = true}
        %dma_wait3A_265 = arith.constant 0 : i32
        %dma_wait3A_266 = tpu.memref_slice %arg8[%rem3A_37, %run_scoped3A_169, %dma_wait3A_265] : memref<2x8x128xi32, #tpu.memory_space<vmem>> -> memref<1x1x128xi32, #tpu.memory_space<vmem>>
        %dma_wait3A_267 = tpu.memref_squeeze %dma_wait3A_266 : memref<1x1x128xi32, #tpu.memory_space<vmem>> -> memref<128xi32, #tpu.memory_space<vmem>>
        %dma_wait3A_268 = arith.constant 0 : i32
        %dma_wait3A_269 = arith.constant 0 : i32
        %dma_wait3A_270 = tpu.memref_slice %arg11[%dma_wait3A_268, %dma_wait3A_269] : memref<10112x128xf32, #tpu.memory_space<vmem_shared>> -> memref<10112x128xf32, #tpu.memory_space<vmem_shared>>
        tpu.wait_indirect_dma semaphore(%run_scoped3A_258 : memref<!tpu.dma_semaphore, #tpu.memory_space<semaphore_mem>>) src(%arg9 : memref<128x128xf32, #tpu.memory_space<vmem>>) dst(%dma_wait3A_270 : memref<10112x128xf32, #tpu.memory_space<vmem_shared>>)
        tpu.yield
      }) : () -> ()
      %add3A_170 = arith.constant 4 : i32
      %add3A_171 = arith.constant 2 : i32
      %add3A_172 = arith.addi %add3A_170, %add3A_171 : i32
      %dma_start3A_173 = arith.constant 0 : i32
      %dma_start3A_174 = tpu.memref_slice %arg7[%rem3A_37, %add3A_172, %dma_start3A_173] : memref<2x8x128xi32, #tpu.memory_space<vmem>> -> memref<1x1x128xi32, #tpu.memory_space<vmem>>
      %dma_start3A_175 = tpu.memref_squeeze %dma_start3A_174 : memref<1x1x128xi32, #tpu.memory_space<vmem>> -> memref<128xi32, #tpu.memory_space<vmem>>
      %dma_start3A_176 = arith.constant 0 : i32
      %dma_start3A_177 = arith.constant 0 : i32
      %dma_start3A_178 = tpu.memref_slice %arg2[%dma_start3A_176, %dma_start3A_177] : memref<10000x128xf32, #tpu.memory_space<hbm>> -> memref<10000x128xf32, #tpu.memory_space<hbm>>
      tpu.enqueue_indirect_dma source(%dma_start3A_178 : memref<10000x128xf32, #tpu.memory_space<hbm>>) target(%arg9 : memref<128x128xf32, #tpu.memory_space<vmem>>) offsets(%dma_start3A_175 : memref<128xi32, #tpu.memory_space<vmem>>) semaphore(%arg13 : memref<!tpu.dma_semaphore, #tpu.memory_space<semaphore_mem>>)
      %add3A_179 = arith.constant 4 : i32
      %add3A_180 = arith.constant 1 : i32
      %add3A_181 = arith.addi %add3A_179, %add3A_180 : i32
      %dma_wait3A_182 = arith.constant 0 : i32
      %dma_wait3A_183 = tpu.memref_slice %arg7[%rem3A_37, %add3A_181, %dma_wait3A_182] : memref<2x8x128xi32, #tpu.memory_space<vmem>> -> memref<1x1x128xi32, #tpu.memory_space<vmem>>
      %dma_wait3A_184 = tpu.memref_squeeze %dma_wait3A_183 : memref<1x1x128xi32, #tpu.memory_space<vmem>> -> memref<128xi32, #tpu.memory_space<vmem>>
      %dma_wait3A_185 = arith.constant 0 : i32
      %dma_wait3A_186 = arith.constant 0 : i32
      %dma_wait3A_187 = tpu.memref_slice %arg2[%dma_wait3A_185, %dma_wait3A_186] : memref<10000x128xf32, #tpu.memory_space<hbm>> -> memref<10000x128xf32, #tpu.memory_space<hbm>>
      tpu.wait_indirect_dma semaphore(%arg14 : memref<!tpu.dma_semaphore, #tpu.memory_space<semaphore_mem>>) src(%dma_wait3A_187 : memref<10000x128xf32, #tpu.memory_space<hbm>>) dst(%arg10 : memref<128x128xf32, #tpu.memory_space<vmem>>)
      %add3A_188 = arith.constant 4 : i32
      %add3A_189 = arith.constant 1 : i32
      %add3A_190 = arith.addi %add3A_188, %add3A_189 : i32
      "tpu.region"() ({
        %run_scoped3A_258 = tpu.sem_alloc : memref<!tpu.dma_semaphore, #tpu.memory_space<semaphore_mem>>
        %dma_start3A_259 = arith.constant 0 : i32
        %dma_start3A_260 = tpu.memref_slice %arg8[%rem3A_37, %add3A_190, %dma_start3A_259] : memref<2x8x128xi32, #tpu.memory_space<vmem>> -> memref<1x1x128xi32, #tpu.memory_space<vmem>>
        %dma_start3A_261 = tpu.memref_squeeze %dma_start3A_260 : memref<1x1x128xi32, #tpu.memory_space<vmem>> -> memref<128xi32, #tpu.memory_space<vmem>>
        %dma_start3A_262 = arith.constant 0 : i32
        %dma_start3A_263 = arith.constant 0 : i32
        %dma_start3A_264 = tpu.memref_slice %arg11[%dma_start3A_262, %dma_start3A_263] : memref<10112x128xf32, #tpu.memory_space<vmem_shared>> -> memref<10112x128xf32, #tpu.memory_space<vmem_shared>>
        tpu.enqueue_indirect_dma source(%arg10 : memref<128x128xf32, #tpu.memory_space<vmem>>) target(%dma_start3A_264 : memref<10112x128xf32, #tpu.memory_space<vmem_shared>>) offsets(%dma_start3A_261 : memref<128xi32, #tpu.memory_space<vmem>>) semaphore(%run_scoped3A_258 : memref<!tpu.dma_semaphore, #tpu.memory_space<semaphore_mem>>) {add = true}
        %dma_wait3A_265 = arith.constant 0 : i32
        %dma_wait3A_266 = tpu.memref_slice %arg8[%rem3A_37, %add3A_190, %dma_wait3A_265] : memref<2x8x128xi32, #tpu.memory_space<vmem>> -> memref<1x1x128xi32, #tpu.memory_space<vmem>>
        %dma_wait3A_267 = tpu.memref_squeeze %dma_wait3A_266 : memref<1x1x128xi32, #tpu.memory_space<vmem>> -> memref<128xi32, #tpu.memory_space<vmem>>
        %dma_wait3A_268 = arith.constant 0 : i32
        %dma_wait3A_269 = arith.constant 0 : i32
        %dma_wait3A_270 = tpu.memref_slice %arg11[%dma_wait3A_268, %dma_wait3A_269] : memref<10112x128xf32, #tpu.memory_space<vmem_shared>> -> memref<10112x128xf32, #tpu.memory_space<vmem_shared>>
        tpu.wait_indirect_dma semaphore(%run_scoped3A_258 : memref<!tpu.dma_semaphore, #tpu.memory_space<semaphore_mem>>) src(%arg10 : memref<128x128xf32, #tpu.memory_space<vmem>>) dst(%dma_wait3A_270 : memref<10112x128xf32, #tpu.memory_space<vmem_shared>>)
        tpu.yield
      }) : () -> ()
      %add3A_191 = arith.constant 6 : i32
      %add3A_192 = arith.constant 1 : i32
      %add3A_193 = arith.addi %add3A_191, %add3A_192 : i32
      %dma_start3A_194 = arith.constant 0 : i32
      %dma_start3A_195 = tpu.memref_slice %arg7[%rem3A_37, %add3A_193, %dma_start3A_194] : memref<2x8x128xi32, #tpu.memory_space<vmem>> -> memref<1x1x128xi32, #tpu.memory_space<vmem>>
      %dma_start3A_196 = tpu.memref_squeeze %dma_start3A_195 : memref<1x1x128xi32, #tpu.memory_space<vmem>> -> memref<128xi32, #tpu.memory_space<vmem>>
      %dma_start3A_197 = arith.constant 0 : i32
      %dma_start3A_198 = arith.constant 0 : i32
      %dma_start3A_199 = tpu.memref_slice %arg2[%dma_start3A_197, %dma_start3A_198] : memref<10000x128xf32, #tpu.memory_space<hbm>> -> memref<10000x128xf32, #tpu.memory_space<hbm>>
      tpu.enqueue_indirect_dma source(%dma_start3A_199 : memref<10000x128xf32, #tpu.memory_space<hbm>>) target(%arg10 : memref<128x128xf32, #tpu.memory_space<vmem>>) offsets(%dma_start3A_196 : memref<128xi32, #tpu.memory_space<vmem>>) semaphore(%arg14 : memref<!tpu.dma_semaphore, #tpu.memory_space<semaphore_mem>>)
      %dma_wait3A_200 = arith.constant 6 : i32
      %dma_wait3A_201 = arith.constant 0 : i32
      %dma_wait3A_202 = tpu.memref_slice %arg7[%rem3A_37, %dma_wait3A_200, %dma_wait3A_201] : memref<2x8x128xi32, #tpu.memory_space<vmem>> -> memref<1x1x128xi32, #tpu.memory_space<vmem>>
      %dma_wait3A_203 = tpu.memref_squeeze %dma_wait3A_202 : memref<1x1x128xi32, #tpu.memory_space<vmem>> -> memref<128xi32, #tpu.memory_space<vmem>>
      %dma_wait3A_204 = arith.constant 0 : i32
      %dma_wait3A_205 = arith.constant 0 : i32
      %dma_wait3A_206 = tpu.memref_slice %arg2[%dma_wait3A_204, %dma_wait3A_205] : memref<10000x128xf32, #tpu.memory_space<hbm>> -> memref<10000x128xf32, #tpu.memory_space<hbm>>
      tpu.wait_indirect_dma semaphore(%arg13 : memref<!tpu.dma_semaphore, #tpu.memory_space<semaphore_mem>>) src(%dma_wait3A_206 : memref<10000x128xf32, #tpu.memory_space<hbm>>) dst(%arg9 : memref<128x128xf32, #tpu.memory_space<vmem>>)
      %run_scoped3A_207 = arith.constant 6 : i32
      "tpu.region"() ({
        %run_scoped3A_258 = tpu.sem_alloc : memref<!tpu.dma_semaphore, #tpu.memory_space<semaphore_mem>>
        %dma_start3A_259 = arith.constant 0 : i32
        %dma_start3A_260 = tpu.memref_slice %arg8[%rem3A_37, %run_scoped3A_207, %dma_start3A_259] : memref<2x8x128xi32, #tpu.memory_space<vmem>> -> memref<1x1x128xi32, #tpu.memory_space<vmem>>
        %dma_start3A_261 = tpu.memref_squeeze %dma_start3A_260 : memref<1x1x128xi32, #tpu.memory_space<vmem>> -> memref<128xi32, #tpu.memory_space<vmem>>
        %dma_start3A_262 = arith.constant 0 : i32
        %dma_start3A_263 = arith.constant 0 : i32
        %dma_start3A_264 = tpu.memref_slice %arg11[%dma_start3A_262, %dma_start3A_263] : memref<10112x128xf32, #tpu.memory_space<vmem_shared>> -> memref<10112x128xf32, #tpu.memory_space<vmem_shared>>
        tpu.enqueue_indirect_dma source(%arg9 : memref<128x128xf32, #tpu.memory_space<vmem>>) target(%dma_start3A_264 : memref<10112x128xf32, #tpu.memory_space<vmem_shared>>) offsets(%dma_start3A_261 : memref<128xi32, #tpu.memory_space<vmem>>) semaphore(%run_scoped3A_258 : memref<!tpu.dma_semaphore, #tpu.memory_space<semaphore_mem>>) {add = true}
        %dma_wait3A_265 = arith.constant 0 : i32
        %dma_wait3A_266 = tpu.memref_slice %arg8[%rem3A_37, %run_scoped3A_207, %dma_wait3A_265] : memref<2x8x128xi32, #tpu.memory_space<vmem>> -> memref<1x1x128xi32, #tpu.memory_space<vmem>>
        %dma_wait3A_267 = tpu.memref_squeeze %dma_wait3A_266 : memref<1x1x128xi32, #tpu.memory_space<vmem>> -> memref<128xi32, #tpu.memory_space<vmem>>
        %dma_wait3A_268 = arith.constant 0 : i32
        %dma_wait3A_269 = arith.constant 0 : i32
        %dma_wait3A_270 = tpu.memref_slice %arg11[%dma_wait3A_268, %dma_wait3A_269] : memref<10112x128xf32, #tpu.memory_space<vmem_shared>> -> memref<10112x128xf32, #tpu.memory_space<vmem_shared>>
        tpu.wait_indirect_dma semaphore(%run_scoped3A_258 : memref<!tpu.dma_semaphore, #tpu.memory_space<semaphore_mem>>) src(%arg9 : memref<128x128xf32, #tpu.memory_space<vmem>>) dst(%dma_wait3A_270 : memref<10112x128xf32, #tpu.memory_space<vmem_shared>>)
        tpu.yield
      }) : () -> ()
      %mul3A_208 = arith.constant 8 : i32
      %mul3A_209 = arith.muli %min3A_44, %mul3A_208 : i32
      %dma_wait3A_210 = arith.constant 0 : i32
      %dma_wait3A_211 = arith.constant 0 : i32
      %dma_wait3A_212 = tpu.memref_slice %arg7[%rem3A_41, %dma_wait3A_210, %dma_wait3A_211] : memref<2x8x128xi32, #tpu.memory_space<vmem>> -> memref<1x8x128xi32, #tpu.memory_space<vmem>>
      %dma_wait3A_213 = tpu.memref_squeeze %dma_wait3A_212 : memref<1x8x128xi32, #tpu.memory_space<vmem>> -> memref<8x128xi32, #tpu.memory_space<vmem>>
      %dma_wait3A_214 = arith.constant 0 : i32
      %dma_wait3A_215 = tpu.memref_slice %arg3[%add3A, %mul3A_209, %dma_wait3A_214] : memref<32x80x128xi32, #tpu.memory_space<hbm>> -> memref<1x8x128xi32, #tpu.memory_space<hbm>>
      %dma_wait3A_216 = tpu.memref_squeeze %dma_wait3A_215 : memref<1x8x128xi32, #tpu.memory_space<hbm>> -> memref<8x128xi32, #tpu.memory_space<hbm>>
      %dma_wait3A_217 = arith.constant 0 : i32
      %dma_wait3A_218 = arith.constant 0 : i32
      %dma_wait3A_219 = tpu.memref_slice %arg7[%rem3A_41, %dma_wait3A_217, %dma_wait3A_218] : memref<2x8x128xi32, #tpu.memory_space<vmem>> -> memref<1x8x128xi32, #tpu.memory_space<vmem>>
      %dma_wait3A_220 = tpu.memref_squeeze %dma_wait3A_219 : memref<1x8x128xi32, #tpu.memory_space<vmem>> -> memref<8x128xi32, #tpu.memory_space<vmem>>
      %dma_wait3A_221 = arith.constant 0 : i32
      %dma_wait3A_222 = tpu.memref_slice %arg3[%add3A, %mul3A_209, %dma_wait3A_221] : memref<32x80x128xi32, #tpu.memory_space<hbm>> -> memref<1x8x128xi32, #tpu.memory_space<hbm>>
      %dma_wait3A_223 = tpu.memref_squeeze %dma_wait3A_222 : memref<1x8x128xi32, #tpu.memory_space<hbm>> -> memref<8x128xi32, #tpu.memory_space<hbm>>
      tpu.wait_dma2 semaphore(%arg12 : memref<!tpu.dma_semaphore, #tpu.memory_space<semaphore_mem>>) src(%dma_wait3A_223 : memref<8x128xi32, #tpu.memory_space<hbm>>) dst(%dma_wait3A_220 : memref<8x128xi32, #tpu.memory_space<vmem>>)
      %mul3A_224 = arith.constant 8 : i32
      %mul3A_225 = arith.muli %min3A_44, %mul3A_224 : i32
      %dma_wait3A_226 = arith.constant 0 : i32
      %dma_wait3A_227 = arith.constant 0 : i32
      %dma_wait3A_228 = tpu.memref_slice %arg8[%rem3A_41, %dma_wait3A_226, %dma_wait3A_227] : memref<2x8x128xi32, #tpu.memory_space<vmem>> -> memref<1x8x128xi32, #tpu.memory_space<vmem>>
      %dma_wait3A_229 = tpu.memref_squeeze %dma_wait3A_228 : memref<1x8x128xi32, #tpu.memory_space<vmem>> -> memref<8x128xi32, #tpu.memory_space<vmem>>
      %dma_wait3A_230 = arith.constant 0 : i32
      %dma_wait3A_231 = tpu.memref_slice %arg4[%add3A, %mul3A_225, %dma_wait3A_230] : memref<32x80x128xi32, #tpu.memory_space<hbm>> -> memref<1x8x128xi32, #tpu.memory_space<hbm>>
      %dma_wait3A_232 = tpu.memref_squeeze %dma_wait3A_231 : memref<1x8x128xi32, #tpu.memory_space<hbm>> -> memref<8x128xi32, #tpu.memory_space<hbm>>
      %dma_wait3A_233 = arith.constant 0 : i32
      %dma_wait3A_234 = arith.constant 0 : i32
      %dma_wait3A_235 = tpu.memref_slice %arg8[%rem3A_41, %dma_wait3A_233, %dma_wait3A_234] : memref<2x8x128xi32, #tpu.memory_space<vmem>> -> memref<1x8x128xi32, #tpu.memory_space<vmem>>
      %dma_wait3A_236 = tpu.memref_squeeze %dma_wait3A_235 : memref<1x8x128xi32, #tpu.memory_space<vmem>> -> memref<8x128xi32, #tpu.memory_space<vmem>>
      %dma_wait3A_237 = arith.constant 0 : i32
      %dma_wait3A_238 = tpu.memref_slice %arg4[%add3A, %mul3A_225, %dma_wait3A_237] : memref<32x80x128xi32, #tpu.memory_space<hbm>> -> memref<1x8x128xi32, #tpu.memory_space<hbm>>
      %dma_wait3A_239 = tpu.memref_squeeze %dma_wait3A_238 : memref<1x8x128xi32, #tpu.memory_space<hbm>> -> memref<8x128xi32, #tpu.memory_space<hbm>>
      tpu.wait_dma2 semaphore(%arg12 : memref<!tpu.dma_semaphore, #tpu.memory_space<semaphore_mem>>) src(%dma_wait3A_239 : memref<8x128xi32, #tpu.memory_space<hbm>>) dst(%dma_wait3A_236 : memref<8x128xi32, #tpu.memory_space<vmem>>)
      %dma_start3A_240 = arith.constant 0 : i32
      %dma_start3A_241 = tpu.memref_slice %arg7[%rem3A_41, %while3A_13, %dma_start3A_240] : memref<2x8x128xi32, #tpu.memory_space<vmem>> -> memref<1x1x128xi32, #tpu.memory_space<vmem>>
      %dma_start3A_242 = tpu.memref_squeeze %dma_start3A_241 : memref<1x1x128xi32, #tpu.memory_space<vmem>> -> memref<128xi32, #tpu.memory_space<vmem>>
      %dma_start3A_243 = arith.constant 0 : i32
      %dma_start3A_244 = arith.constant 0 : i32
      %dma_start3A_245 = tpu.memref_slice %arg2[%dma_start3A_243, %dma_start3A_244] : memref<10000x128xf32, #tpu.memory_space<hbm>> -> memref<10000x128xf32, #tpu.memory_space<hbm>>
      tpu.enqueue_indirect_dma source(%dma_start3A_245 : memref<10000x128xf32, #tpu.memory_space<hbm>>) target(%arg9 : memref<128x128xf32, #tpu.memory_space<vmem>>) offsets(%dma_start3A_242 : memref<128xi32, #tpu.memory_space<vmem>>) semaphore(%arg13 : memref<!tpu.dma_semaphore, #tpu.memory_space<semaphore_mem>>)
      %add3A_246 = arith.constant 6 : i32
      %add3A_247 = arith.constant 1 : i32
      %add3A_248 = arith.addi %add3A_246, %add3A_247 : i32
      %dma_wait3A_249 = arith.constant 0 : i32
      %dma_wait3A_250 = tpu.memref_slice %arg7[%rem3A_37, %add3A_248, %dma_wait3A_249] : memref<2x8x128xi32, #tpu.memory_space<vmem>> -> memref<1x1x128xi32, #tpu.memory_space<vmem>>
      %dma_wait3A_251 = tpu.memref_squeeze %dma_wait3A_250 : memref<1x1x128xi32, #tpu.memory_space<vmem>> -> memref<128xi32, #tpu.memory_space<vmem>>
      %dma_wait3A_252 = arith.constant 0 : i32
      %dma_wait3A_253 = arith.constant 0 : i32
      %dma_wait3A_254 = tpu.memref_slice %arg2[%dma_wait3A_252, %dma_wait3A_253] : memref<10000x128xf32, #tpu.memory_space<hbm>> -> memref<10000x128xf32, #tpu.memory_space<hbm>>
      tpu.wait_indirect_dma semaphore(%arg14 : memref<!tpu.dma_semaphore, #tpu.memory_space<semaphore_mem>>) src(%dma_wait3A_254 : memref<10000x128xf32, #tpu.memory_space<hbm>>) dst(%arg10 : memref<128x128xf32, #tpu.memory_space<vmem>>)
      %add3A_255 = arith.constant 6 : i32
      %add3A_256 = arith.constant 1 : i32
      %add3A_257 = arith.addi %add3A_255, %add3A_256 : i32
      "tpu.region"() ({
        %run_scoped3A_258 = tpu.sem_alloc : memref<!tpu.dma_semaphore, #tpu.memory_space<semaphore_mem>>
        %dma_start3A_259 = arith.constant 0 : i32
        %dma_start3A_260 = tpu.memref_slice %arg8[%rem3A_37, %add3A_257, %dma_start3A_259] : memref<2x8x128xi32, #tpu.memory_space<vmem>> -> memref<1x1x128xi32, #tpu.memory_space<vmem>>
        %dma_start3A_261 = tpu.memref_squeeze %dma_start3A_260 : memref<1x1x128xi32, #tpu.memory_space<vmem>> -> memref<128xi32, #tpu.memory_space<vmem>>
        %dma_start3A_262 = arith.constant 0 : i32
        %dma_start3A_263 = arith.constant 0 : i32
        %dma_start3A_264 = tpu.memref_slice %arg11[%dma_start3A_262, %dma_start3A_263] : memref<10112x128xf32, #tpu.memory_space<vmem_shared>> -> memref<10112x128xf32, #tpu.memory_space<vmem_shared>>
        tpu.enqueue_indirect_dma source(%arg10 : memref<128x128xf32, #tpu.memory_space<vmem>>) target(%dma_start3A_264 : memref<10112x128xf32, #tpu.memory_space<vmem_shared>>) offsets(%dma_start3A_261 : memref<128xi32, #tpu.memory_space<vmem>>) semaphore(%run_scoped3A_258 : memref<!tpu.dma_semaphore, #tpu.memory_space<semaphore_mem>>) {add = true}
        %dma_wait3A_265 = arith.constant 0 : i32
        %dma_wait3A_266 = tpu.memref_slice %arg8[%rem3A_37, %add3A_257, %dma_wait3A_265] : memref<2x8x128xi32, #tpu.memory_space<vmem>> -> memref<1x1x128xi32, #tpu.memory_space<vmem>>
        %dma_wait3A_267 = tpu.memref_squeeze %dma_wait3A_266 : memref<1x1x128xi32, #tpu.memory_space<vmem>> -> memref<128xi32, #tpu.memory_space<vmem>>
        %dma_wait3A_268 = arith.constant 0 : i32
        %dma_wait3A_269 = arith.constant 0 : i32
        %dma_wait3A_270 = tpu.memref_slice %arg11[%dma_wait3A_268, %dma_wait3A_269] : memref<10112x128xf32, #tpu.memory_space<vmem_shared>> -> memref<10112x128xf32, #tpu.memory_space<vmem_shared>>
        tpu.wait_indirect_dma semaphore(%run_scoped3A_258 : memref<!tpu.dma_semaphore, #tpu.memory_space<semaphore_mem>>) src(%arg10 : memref<128x128xf32, #tpu.memory_space<vmem>>) dst(%dma_wait3A_270 : memref<10112x128xf32, #tpu.memory_space<vmem_shared>>)
        tpu.yield
      }) : () -> ()
    }
    %while3A_23 = arith.constant 1 : i32
    scf.for %while3A_36 = %while3A_21 to %while3A_17 step %while3A_23  : i32 {
      %rem3A = arith.constant 2 : i32
      %rem3A_37 = arith.remsi %while3A_36, %rem3A : i32
      %add3A_38 = arith.constant 1 : i32
      %add3A_39 = arith.addi %while3A_36, %add3A_38 : i32
      %rem3A_40 = arith.constant 2 : i32
      %rem3A_41 = arith.remsi %add3A_39, %rem3A_40 : i32
      %add3A_42 = arith.constant 1 : i32
      %add3A_43 = arith.addi %while3A_36, %add3A_42 : i32
      %min3A = arith.constant 9 : i32
      %min3A_44 = arith.minsi %add3A_43, %min3A : i32
      %mul3A_45 = arith.constant 8 : i32
      %mul3A_46 = arith.muli %min3A_44, %mul3A_45 : i32
      %dma_start3A_47 = arith.constant 0 : i32
      %dma_start3A_48 = arith.constant 0 : i32
      %dma_start3A_49 = tpu.memref_slice %arg7[%rem3A_41, %dma_start3A_47, %dma_start3A_48] : memref<2x8x128xi32, #tpu.memory_space<vmem>> -> memref<1x8x128xi32, #tpu.memory_space<vmem>>
      %dma_start3A_50 = tpu.memref_squeeze %dma_start3A_49 : memref<1x8x128xi32, #tpu.memory_space<vmem>> -> memref<8x128xi32, #tpu.memory_space<vmem>>
      %dma_start3A_51 = arith.constant 0 : i32
      %dma_start3A_52 = tpu.memref_slice %arg3[%add3A, %mul3A_46, %dma_start3A_51] : memref<32x80x128xi32, #tpu.memory_space<hbm>> -> memref<1x8x128xi32, #tpu.memory_space<hbm>>
      %dma_start3A_53 = tpu.memref_squeeze %dma_start3A_52 : memref<1x8x128xi32, #tpu.memory_space<hbm>> -> memref<8x128xi32, #tpu.memory_space<hbm>>
      %dma_start3A_54 = arith.constant 0 : i32
      %dma_start3A_55 = arith.constant 0 : i32
      %dma_start3A_56 = tpu.memref_slice %arg7[%rem3A_41, %dma_start3A_54, %dma_start3A_55] : memref<2x8x128xi32, #tpu.memory_space<vmem>> -> memref<1x8x128xi32, #tpu.memory_space<vmem>>
      %dma_start3A_57 = tpu.memref_squeeze %dma_start3A_56 : memref<1x8x128xi32, #tpu.memory_space<vmem>> -> memref<8x128xi32, #tpu.memory_space<vmem>>
      %dma_start3A_58 = arith.constant 0 : i32
      %dma_start3A_59 = tpu.memref_slice %arg3[%add3A, %mul3A_46, %dma_start3A_58] : memref<32x80x128xi32, #tpu.memory_space<hbm>> -> memref<1x8x128xi32, #tpu.memory_space<hbm>>
      %dma_start3A_60 = tpu.memref_squeeze %dma_start3A_59 : memref<1x8x128xi32, #tpu.memory_space<hbm>> -> memref<8x128xi32, #tpu.memory_space<hbm>>
      tpu.enqueue_dma source(%dma_start3A_60 : memref<8x128xi32, #tpu.memory_space<hbm>>) target(%dma_start3A_57 : memref<8x128xi32, #tpu.memory_space<vmem>>) target_semaphore(%arg12 : memref<!tpu.dma_semaphore, #tpu.memory_space<semaphore_mem>>)
      %mul3A_61 = arith.constant 8 : i32
      %mul3A_62 = arith.muli %min3A_44, %mul3A_61 : i32
      %dma_start3A_63 = arith.constant 0 : i32
      %dma_start3A_64 = arith.constant 0 : i32
      %dma_start3A_65 = tpu.memref_slice %arg8[%rem3A_41, %dma_start3A_63, %dma_start3A_64] : memref<2x8x128xi32, #tpu.memory_space<vmem>> -> memref<1x8x128xi32, #tpu.memory_space<vmem>>
      %dma_start3A_66 = tpu.memref_squeeze %dma_start3A_65 : memref<1x8x128xi32, #tpu.memory_space<vmem>> -> memref<8x128xi32, #tpu.memory_space<vmem>>
      %dma_start3A_67 = arith.constant 0 : i32
      %dma_start3A_68 = tpu.memref_slice %arg4[%add3A, %mul3A_62, %dma_start3A_67] : memref<32x80x128xi32, #tpu.memory_space<hbm>> -> memref<1x8x128xi32, #tpu.memory_space<hbm>>
      %dma_start3A_69 = tpu.memref_squeeze %dma_start3A_68 : memref<1x8x128xi32, #tpu.memory_space<hbm>> -> memref<8x128xi32, #tpu.memory_space<hbm>>
      %dma_start3A_70 = arith.constant 0 : i32
      %dma_start3A_71 = arith.constant 0 : i32
      %dma_start3A_72 = tpu.memref_slice %arg8[%rem3A_41, %dma_start3A_70, %dma_start3A_71] : memref<2x8x128xi32, #tpu.memory_space<vmem>> -> memref<1x8x128xi32, #tpu.memory_space<vmem>>
      %dma_start3A_73 = tpu.memref_squeeze %dma_start3A_72 : memref<1x8x128xi32, #tpu.memory_space<vmem>> -> memref<8x128xi32, #tpu.memory_space<vmem>>
      %dma_start3A_74 = arith.constant 0 : i32
      %dma_start3A_75 = tpu.memref_slice %arg4[%add3A, %mul3A_62, %dma_start3A_74] : memref<32x80x128xi32, #tpu.memory_space<hbm>> -> memref<1x8x128xi32, #tpu.memory_space<hbm>>
      %dma_start3A_76 = tpu.memref_squeeze %dma_start3A_75 : memref<1x8x128xi32, #tpu.memory_space<hbm>> -> memref<8x128xi32, #tpu.memory_space<hbm>>
      tpu.enqueue_dma source(%dma_start3A_76 : memref<8x128xi32, #tpu.memory_space<hbm>>) target(%dma_start3A_73 : memref<8x128xi32, #tpu.memory_space<vmem>>) target_semaphore(%arg12 : memref<!tpu.dma_semaphore, #tpu.memory_space<semaphore_mem>>)
      %add3A_77 = arith.constant 0 : i32
      %add3A_78 = arith.constant 1 : i32
      %add3A_79 = arith.addi %add3A_77, %add3A_78 : i32
      %dma_start3A_80 = arith.constant 0 : i32
      %dma_start3A_81 = tpu.memref_slice %arg7[%rem3A_37, %add3A_79, %dma_start3A_80] : memref<2x8x128xi32, #tpu.memory_space<vmem>> -> memref<1x1x128xi32, #tpu.memory_space<vmem>>
      %dma_start3A_82 = tpu.memref_squeeze %dma_start3A_81 : memref<1x1x128xi32, #tpu.memory_space<vmem>> -> memref<128xi32, #tpu.memory_space<vmem>>
      %dma_start3A_83 = arith.constant 0 : i32
      %dma_start3A_84 = arith.constant 0 : i32
      %dma_start3A_85 = tpu.memref_slice %arg2[%dma_start3A_83, %dma_start3A_84] : memref<10000x128xf32, #tpu.memory_space<hbm>> -> memref<10000x128xf32, #tpu.memory_space<hbm>>
      tpu.enqueue_indirect_dma source(%dma_start3A_85 : memref<10000x128xf32, #tpu.memory_space<hbm>>) target(%arg10 : memref<128x128xf32, #tpu.memory_space<vmem>>) offsets(%dma_start3A_82 : memref<128xi32, #tpu.memory_space<vmem>>) semaphore(%arg14 : memref<!tpu.dma_semaphore, #tpu.memory_space<semaphore_mem>>)
      %dma_wait3A_86 = arith.constant 0 : i32
      %dma_wait3A_87 = arith.constant 0 : i32
      %dma_wait3A_88 = tpu.memref_slice %arg7[%rem3A_37, %dma_wait3A_86, %dma_wait3A_87] : memref<2x8x128xi32, #tpu.memory_space<vmem>> -> memref<1x1x128xi32, #tpu.memory_space<vmem>>
      %dma_wait3A_89 = tpu.memref_squeeze %dma_wait3A_88 : memref<1x1x128xi32, #tpu.memory_space<vmem>> -> memref<128xi32, #tpu.memory_space<vmem>>
      %dma_wait3A_90 = arith.constant 0 : i32
      %dma_wait3A_91 = arith.constant 0 : i32
      %dma_wait3A_92 = tpu.memref_slice %arg2[%dma_wait3A_90, %dma_wait3A_91] : memref<10000x128xf32, #tpu.memory_space<hbm>> -> memref<10000x128xf32, #tpu.memory_space<hbm>>
      tpu.wait_indirect_dma semaphore(%arg13 : memref<!tpu.dma_semaphore, #tpu.memory_space<semaphore_mem>>) src(%dma_wait3A_92 : memref<10000x128xf32, #tpu.memory_space<hbm>>) dst(%arg9 : memref<128x128xf32, #tpu.memory_space<vmem>>)
      %run_scoped3A_93 = arith.constant 0 : i32
      "tpu.region"() ({
        %run_scoped3A_258 = tpu.sem_alloc : memref<!tpu.dma_semaphore, #tpu.memory_space<semaphore_mem>>
        %dma_start3A_259 = arith.constant 0 : i32
        %dma_start3A_260 = tpu.memref_slice %arg8[%rem3A_37, %run_scoped3A_93, %dma_start3A_259] : memref<2x8x128xi32, #tpu.memory_space<vmem>> -> memref<1x1x128xi32, #tpu.memory_space<vmem>>
        %dma_start3A_261 = tpu.memref_squeeze %dma_start3A_260 : memref<1x1x128xi32, #tpu.memory_space<vmem>> -> memref<128xi32, #tpu.memory_space<vmem>>
        %dma_start3A_262 = arith.constant 0 : i32
        %dma_start3A_263 = arith.constant 0 : i32
        %dma_start3A_264 = tpu.memref_slice %arg11[%dma_start3A_262, %dma_start3A_263] : memref<10112x128xf32, #tpu.memory_space<vmem_shared>> -> memref<10112x128xf32, #tpu.memory_space<vmem_shared>>
        tpu.enqueue_indirect_dma source(%arg9 : memref<128x128xf32, #tpu.memory_space<vmem>>) target(%dma_start3A_264 : memref<10112x128xf32, #tpu.memory_space<vmem_shared>>) offsets(%dma_start3A_261 : memref<128xi32, #tpu.memory_space<vmem>>) semaphore(%run_scoped3A_258 : memref<!tpu.dma_semaphore, #tpu.memory_space<semaphore_mem>>) {add = true}
        %dma_wait3A_265 = arith.constant 0 : i32
        %dma_wait3A_266 = tpu.memref_slice %arg8[%rem3A_37, %run_scoped3A_93, %dma_wait3A_265] : memref<2x8x128xi32, #tpu.memory_space<vmem>> -> memref<1x1x128xi32, #tpu.memory_space<vmem>>
        %dma_wait3A_267 = tpu.memref_squeeze %dma_wait3A_266 : memref<1x1x128xi32, #tpu.memory_space<vmem>> -> memref<128xi32, #tpu.memory_space<vmem>>
        %dma_wait3A_268 = arith.constant 0 : i32
        %dma_wait3A_269 = arith.constant 0 : i32
        %dma_wait3A_270 = tpu.memref_slice %arg11[%dma_wait3A_268, %dma_wait3A_269] : memref<10112x128xf32, #tpu.memory_space<vmem_shared>> -> memref<10112x128xf32, #tpu.memory_space<vmem_shared>>
        tpu.wait_indirect_dma semaphore(%run_scoped3A_258 : memref<!tpu.dma_semaphore, #tpu.memory_space<semaphore_mem>>) src(%arg9 : memref<128x128xf32, #tpu.memory_space<vmem>>) dst(%dma_wait3A_270 : memref<10112x128xf32, #tpu.memory_space<vmem_shared>>)
        tpu.yield
      }) : () -> ()
      %add3A_94 = arith.constant 0 : i32
      %add3A_95 = arith.constant 2 : i32
      %add3A_96 = arith.addi %add3A_94, %add3A_95 : i32
      %dma_start3A_97 = arith.constant 0 : i32
      %dma_start3A_98 = tpu.memref_slice %arg7[%rem3A_37, %add3A_96, %dma_start3A_97] : memref<2x8x128xi32, #tpu.memory_space<vmem>> -> memref<1x1x128xi32, #tpu.memory_space<vmem>>
      %dma_start3A_99 = tpu.memref_squeeze %dma_start3A_98 : memref<1x1x128xi32, #tpu.memory_space<vmem>> -> memref<128xi32, #tpu.memory_space<vmem>>
      %dma_start3A_100 = arith.constant 0 : i32
      %dma_start3A_101 = arith.constant 0 : i32
      %dma_start3A_102 = tpu.memref_slice %arg2[%dma_start3A_100, %dma_start3A_101] : memref<10000x128xf32, #tpu.memory_space<hbm>> -> memref<10000x128xf32, #tpu.memory_space<hbm>>
      tpu.enqueue_indirect_dma source(%dma_start3A_102 : memref<10000x128xf32, #tpu.memory_space<hbm>>) target(%arg9 : memref<128x128xf32, #tpu.memory_space<vmem>>) offsets(%dma_start3A_99 : memref<128xi32, #tpu.memory_space<vmem>>) semaphore(%arg13 : memref<!tpu.dma_semaphore, #tpu.memory_space<semaphore_mem>>)
      %add3A_103 = arith.constant 0 : i32
      %add3A_104 = arith.constant 1 : i32
      %add3A_105 = arith.addi %add3A_103, %add3A_104 : i32
      %dma_wait3A_106 = arith.constant 0 : i32
      %dma_wait3A_107 = tpu.memref_slice %arg7[%rem3A_37, %add3A_105, %dma_wait3A_106] : memref<2x8x128xi32, #tpu.memory_space<vmem>> -> memref<1x1x128xi32, #tpu.memory_space<vmem>>
      %dma_wait3A_108 = tpu.memref_squeeze %dma_wait3A_107 : memref<1x1x128xi32, #tpu.memory_space<vmem>> -> memref<128xi32, #tpu.memory_space<vmem>>
      %dma_wait3A_109 = arith.constant 0 : i32
      %dma_wait3A_110 = arith.constant 0 : i32
      %dma_wait3A_111 = tpu.memref_slice %arg2[%dma_wait3A_109, %dma_wait3A_110] : memref<10000x128xf32, #tpu.memory_space<hbm>> -> memref<10000x128xf32, #tpu.memory_space<hbm>>
      tpu.wait_indirect_dma semaphore(%arg14 : memref<!tpu.dma_semaphore, #tpu.memory_space<semaphore_mem>>) src(%dma_wait3A_111 : memref<10000x128xf32, #tpu.memory_space<hbm>>) dst(%arg10 : memref<128x128xf32, #tpu.memory_space<vmem>>)
      %add3A_112 = arith.constant 0 : i32
      %add3A_113 = arith.constant 1 : i32
      %add3A_114 = arith.addi %add3A_112, %add3A_113 : i32
      "tpu.region"() ({
        %run_scoped3A_258 = tpu.sem_alloc : memref<!tpu.dma_semaphore, #tpu.memory_space<semaphore_mem>>
        %dma_start3A_259 = arith.constant 0 : i32
        %dma_start3A_260 = tpu.memref_slice %arg8[%rem3A_37, %add3A_114, %dma_start3A_259] : memref<2x8x128xi32, #tpu.memory_space<vmem>> -> memref<1x1x128xi32, #tpu.memory_space<vmem>>
        %dma_start3A_261 = tpu.memref_squeeze %dma_start3A_260 : memref<1x1x128xi32, #tpu.memory_space<vmem>> -> memref<128xi32, #tpu.memory_space<vmem>>
        %dma_start3A_262 = arith.constant 0 : i32
        %dma_start3A_263 = arith.constant 0 : i32
        %dma_start3A_264 = tpu.memref_slice %arg11[%dma_start3A_262, %dma_start3A_263] : memref<10112x128xf32, #tpu.memory_space<vmem_shared>> -> memref<10112x128xf32, #tpu.memory_space<vmem_shared>>
        tpu.enqueue_indirect_dma source(%arg10 : memref<128x128xf32, #tpu.memory_space<vmem>>) target(%dma_start3A_264 : memref<10112x128xf32, #tpu.memory_space<vmem_shared>>) offsets(%dma_start3A_261 : memref<128xi32, #tpu.memory_space<vmem>>) semaphore(%run_scoped3A_258 : memref<!tpu.dma_semaphore, #tpu.memory_space<semaphore_mem>>) {add = true}
        %dma_wait3A_265 = arith.constant 0 : i32
        %dma_wait3A_266 = tpu.memref_slice %arg8[%rem3A_37, %add3A_114, %dma_wait3A_265] : memref<2x8x128xi32, #tpu.memory_space<vmem>> -> memref<1x1x128xi32, #tpu.memory_space<vmem>>
        %dma_wait3A_267 = tpu.memref_squeeze %dma_wait3A_266 : memref<1x1x128xi32, #tpu.memory_space<vmem>> -> memref<128xi32, #tpu.memory_space<vmem>>
        %dma_wait3A_268 = arith.constant 0 : i32
        %dma_wait3A_269 = arith.constant 0 : i32
        %dma_wait3A_270 = tpu.memref_slice %arg11[%dma_wait3A_268, %dma_wait3A_269] : memref<10112x128xf32, #tpu.memory_space<vmem_shared>> -> memref<10112x128xf32, #tpu.memory_space<vmem_shared>>
        tpu.wait_indirect_dma semaphore(%run_scoped3A_258 : memref<!tpu.dma_semaphore, #tpu.memory_space<semaphore_mem>>) src(%arg10 : memref<128x128xf32, #tpu.memory_space<vmem>>) dst(%dma_wait3A_270 : memref<10112x128xf32, #tpu.memory_space<vmem_shared>>)
        tpu.yield
      }) : () -> ()
      %add3A_115 = arith.constant 2 : i32
      %add3A_116 = arith.constant 1 : i32
      %add3A_117 = arith.addi %add3A_115, %add3A_116 : i32
      %dma_start3A_118 = arith.constant 0 : i32
      %dma_start3A_119 = tpu.memref_slice %arg7[%rem3A_37, %add3A_117, %dma_start3A_118] : memref<2x8x128xi32, #tpu.memory_space<vmem>> -> memref<1x1x128xi32, #tpu.memory_space<vmem>>
      %dma_start3A_120 = tpu.memref_squeeze %dma_start3A_119 : memref<1x1x128xi32, #tpu.memory_space<vmem>> -> memref<128xi32, #tpu.memory_space<vmem>>
      %dma_start3A_121 = arith.constant 0 : i32
      %dma_start3A_122 = arith.constant 0 : i32
      %dma_start3A_123 = tpu.memref_slice %arg2[%dma_start3A_121, %dma_start3A_122] : memref<10000x128xf32, #tpu.memory_space<hbm>> -> memref<10000x128xf32, #tpu.memory_space<hbm>>
      tpu.enqueue_indirect_dma source(%dma_start3A_123 : memref<10000x128xf32, #tpu.memory_space<hbm>>) target(%arg10 : memref<128x128xf32, #tpu.memory_space<vmem>>) offsets(%dma_start3A_120 : memref<128xi32, #tpu.memory_space<vmem>>) semaphore(%arg14 : memref<!tpu.dma_semaphore, #tpu.memory_space<semaphore_mem>>)
      %dma_wait3A_124 = arith.constant 2 : i32
      %dma_wait3A_125 = arith.constant 0 : i32
      %dma_wait3A_126 = tpu.memref_slice %arg7[%rem3A_37, %dma_wait3A_124, %dma_wait3A_125] : memref<2x8x128xi32, #tpu.memory_space<vmem>> -> memref<1x1x128xi32, #tpu.memory_space<vmem>>
      %dma_wait3A_127 = tpu.memref_squeeze %dma_wait3A_126 : memref<1x1x128xi32, #tpu.memory_space<vmem>> -> memref<128xi32, #tpu.memory_space<vmem>>
      %dma_wait3A_128 = arith.constant 0 : i32
      %dma_wait3A_129 = arith.constant 0 : i32
      %dma_wait3A_130 = tpu.memref_slice %arg2[%dma_wait3A_128, %dma_wait3A_129] : memref<10000x128xf32, #tpu.memory_space<hbm>> -> memref<10000x128xf32, #tpu.memory_space<hbm>>
      tpu.wait_indirect_dma semaphore(%arg13 : memref<!tpu.dma_semaphore, #tpu.memory_space<semaphore_mem>>) src(%dma_wait3A_130 : memref<10000x128xf32, #tpu.memory_space<hbm>>) dst(%arg9 : memref<128x128xf32, #tpu.memory_space<vmem>>)
      %run_scoped3A_131 = arith.constant 2 : i32
      "tpu.region"() ({
        %run_scoped3A_258 = tpu.sem_alloc : memref<!tpu.dma_semaphore, #tpu.memory_space<semaphore_mem>>
        %dma_start3A_259 = arith.constant 0 : i32
        %dma_start3A_260 = tpu.memref_slice %arg8[%rem3A_37, %run_scoped3A_131, %dma_start3A_259] : memref<2x8x128xi32, #tpu.memory_space<vmem>> -> memref<1x1x128xi32, #tpu.memory_space<vmem>>
        %dma_start3A_261 = tpu.memref_squeeze %dma_start3A_260 : memref<1x1x128xi32, #tpu.memory_space<vmem>> -> memref<128xi32, #tpu.memory_space<vmem>>
        %dma_start3A_262 = arith.constant 0 : i32
        %dma_start3A_263 = arith.constant 0 : i32
        %dma_start3A_264 = tpu.memref_slice %arg11[%dma_start3A_262, %dma_start3A_263] : memref<10112x128xf32, #tpu.memory_space<vmem_shared>> -> memref<10112x128xf32, #tpu.memory_space<vmem_shared>>
        tpu.enqueue_indirect_dma source(%arg9 : memref<128x128xf32, #tpu.memory_space<vmem>>) target(%dma_start3A_264 : memref<10112x128xf32, #tpu.memory_space<vmem_shared>>) offsets(%dma_start3A_261 : memref<128xi32, #tpu.memory_space<vmem>>) semaphore(%run_scoped3A_258 : memref<!tpu.dma_semaphore, #tpu.memory_space<semaphore_mem>>) {add = true}
        %dma_wait3A_265 = arith.constant 0 : i32
        %dma_wait3A_266 = tpu.memref_slice %arg8[%rem3A_37, %run_scoped3A_131, %dma_wait3A_265] : memref<2x8x128xi32, #tpu.memory_space<vmem>> -> memref<1x1x128xi32, #tpu.memory_space<vmem>>
        %dma_wait3A_267 = tpu.memref_squeeze %dma_wait3A_266 : memref<1x1x128xi32, #tpu.memory_space<vmem>> -> memref<128xi32, #tpu.memory_space<vmem>>
        %dma_wait3A_268 = arith.constant 0 : i32
        %dma_wait3A_269 = arith.constant 0 : i32
        %dma_wait3A_270 = tpu.memref_slice %arg11[%dma_wait3A_268, %dma_wait3A_269] : memref<10112x128xf32, #tpu.memory_space<vmem_shared>> -> memref<10112x128xf32, #tpu.memory_space<vmem_shared>>
        tpu.wait_indirect_dma semaphore(%run_scoped3A_258 : memref<!tpu.dma_semaphore, #tpu.memory_space<semaphore_mem>>) src(%arg9 : memref<128x128xf32, #tpu.memory_space<vmem>>) dst(%dma_wait3A_270 : memref<10112x128xf32, #tpu.memory_space<vmem_shared>>)
        tpu.yield
      }) : () -> ()
      %add3A_132 = arith.constant 2 : i32
      %add3A_133 = arith.constant 2 : i32
      %add3A_134 = arith.addi %add3A_132, %add3A_133 : i32
      %dma_start3A_135 = arith.constant 0 : i32
      %dma_start3A_136 = tpu.memref_slice %arg7[%rem3A_37, %add3A_134, %dma_start3A_135] : memref<2x8x128xi32, #tpu.memory_space<vmem>> -> memref<1x1x128xi32, #tpu.memory_space<vmem>>
      %dma_start3A_137 = tpu.memref_squeeze %dma_start3A_136 : memref<1x1x128xi32, #tpu.memory_space<vmem>> -> memref<128xi32, #tpu.memory_space<vmem>>
      %dma_start3A_138 = arith.constant 0 : i32
      %dma_start3A_139 = arith.constant 0 : i32
      %dma_start3A_140 = tpu.memref_slice %arg2[%dma_start3A_138, %dma_start3A_139] : memref<10000x128xf32, #tpu.memory_space<hbm>> -> memref<10000x128xf32, #tpu.memory_space<hbm>>
      tpu.enqueue_indirect_dma source(%dma_start3A_140 : memref<10000x128xf32, #tpu.memory_space<hbm>>) target(%arg9 : memref<128x128xf32, #tpu.memory_space<vmem>>) offsets(%dma_start3A_137 : memref<128xi32, #tpu.memory_space<vmem>>) semaphore(%arg13 : memref<!tpu.dma_semaphore, #tpu.memory_space<semaphore_mem>>)
      %add3A_141 = arith.constant 2 : i32
      %add3A_142 = arith.constant 1 : i32
      %add3A_143 = arith.addi %add3A_141, %add3A_142 : i32
      %dma_wait3A_144 = arith.constant 0 : i32
      %dma_wait3A_145 = tpu.memref_slice %arg7[%rem3A_37, %add3A_143, %dma_wait3A_144] : memref<2x8x128xi32, #tpu.memory_space<vmem>> -> memref<1x1x128xi32, #tpu.memory_space<vmem>>
      %dma_wait3A_146 = tpu.memref_squeeze %dma_wait3A_145 : memref<1x1x128xi32, #tpu.memory_space<vmem>> -> memref<128xi32, #tpu.memory_space<vmem>>
      %dma_wait3A_147 = arith.constant 0 : i32
      %dma_wait3A_148 = arith.constant 0 : i32
      %dma_wait3A_149 = tpu.memref_slice %arg2[%dma_wait3A_147, %dma_wait3A_148] : memref<10000x128xf32, #tpu.memory_space<hbm>> -> memref<10000x128xf32, #tpu.memory_space<hbm>>
      tpu.wait_indirect_dma semaphore(%arg14 : memref<!tpu.dma_semaphore, #tpu.memory_space<semaphore_mem>>) src(%dma_wait3A_149 : memref<10000x128xf32, #tpu.memory_space<hbm>>) dst(%arg10 : memref<128x128xf32, #tpu.memory_space<vmem>>)
      %add3A_150 = arith.constant 2 : i32
      %add3A_151 = arith.constant 1 : i32
      %add3A_152 = arith.addi %add3A_150, %add3A_151 : i32
      "tpu.region"() ({
        %run_scoped3A_258 = tpu.sem_alloc : memref<!tpu.dma_semaphore, #tpu.memory_space<semaphore_mem>>
        %dma_start3A_259 = arith.constant 0 : i32
        %dma_start3A_260 = tpu.memref_slice %arg8[%rem3A_37, %add3A_152, %dma_start3A_259] : memref<2x8x128xi32, #tpu.memory_space<vmem>> -> memref<1x1x128xi32, #tpu.memory_space<vmem>>
        %dma_start3A_261 = tpu.memref_squeeze %dma_start3A_260 : memref<1x1x128xi32, #tpu.memory_space<vmem>> -> memref<128xi32, #tpu.memory_space<vmem>>
        %dma_start3A_262 = arith.constant 0 : i32
        %dma_start3A_263 = arith.constant 0 : i32
        %dma_start3A_264 = tpu.memref_slice %arg11[%dma_start3A_262, %dma_start3A_263] : memref<10112x128xf32, #tpu.memory_space<vmem_shared>> -> memref<10112x128xf32, #tpu.memory_space<vmem_shared>>
        tpu.enqueue_indirect_dma source(%arg10 : memref<128x128xf32, #tpu.memory_space<vmem>>) target(%dma_start3A_264 : memref<10112x128xf32, #tpu.memory_space<vmem_shared>>) offsets(%dma_start3A_261 : memref<128xi32, #tpu.memory_space<vmem>>) semaphore(%run_scoped3A_258 : memref<!tpu.dma_semaphore, #tpu.memory_space<semaphore_mem>>) {add = true}
        %dma_wait3A_265 = arith.constant 0 : i32
        %dma_wait3A_266 = tpu.memref_slice %arg8[%rem3A_37, %add3A_152, %dma_wait3A_265] : memref<2x8x128xi32, #tpu.memory_space<vmem>> -> memref<1x1x128xi32, #tpu.memory_space<vmem>>
        %dma_wait3A_267 = tpu.memref_squeeze %dma_wait3A_266 : memref<1x1x128xi32, #tpu.memory_space<vmem>> -> memref<128xi32, #tpu.memory_space<vmem>>
        %dma_wait3A_268 = arith.constant 0 : i32
        %dma_wait3A_269 = arith.constant 0 : i32
        %dma_wait3A_270 = tpu.memref_slice %arg11[%dma_wait3A_268, %dma_wait3A_269] : memref<10112x128xf32, #tpu.memory_space<vmem_shared>> -> memref<10112x128xf32, #tpu.memory_space<vmem_shared>>
        tpu.wait_indirect_dma semaphore(%run_scoped3A_258 : memref<!tpu.dma_semaphore, #tpu.memory_space<semaphore_mem>>) src(%arg10 : memref<128x128xf32, #tpu.memory_space<vmem>>) dst(%dma_wait3A_270 : memref<10112x128xf32, #tpu.memory_space<vmem_shared>>)
        tpu.yield
      }) : () -> ()
      %add3A_153 = arith.constant 4 : i32
      %add3A_154 = arith.constant 1 : i32
      %add3A_155 = arith.addi %add3A_153, %add3A_154 : i32
      %dma_start3A_156 = arith.constant 0 : i32
      %dma_start3A_157 = tpu.memref_slice %arg7[%rem3A_37, %add3A_155, %dma_start3A_156] : memref<2x8x128xi32, #tpu.memory_space<vmem>> -> memref<1x1x128xi32, #tpu.memory_space<vmem>>
      %dma_start3A_158 = tpu.memref_squeeze %dma_start3A_157 : memref<1x1x128xi32, #tpu.memory_space<vmem>> -> memref<128xi32, #tpu.memory_space<vmem>>
      %dma_start3A_159 = arith.constant 0 : i32
      %dma_start3A_160 = arith.constant 0 : i32
      %dma_start3A_161 = tpu.memref_slice %arg2[%dma_start3A_159, %dma_start3A_160] : memref<10000x128xf32, #tpu.memory_space<hbm>> -> memref<10000x128xf32, #tpu.memory_space<hbm>>
      tpu.enqueue_indirect_dma source(%dma_start3A_161 : memref<10000x128xf32, #tpu.memory_space<hbm>>) target(%arg10 : memref<128x128xf32, #tpu.memory_space<vmem>>) offsets(%dma_start3A_158 : memref<128xi32, #tpu.memory_space<vmem>>) semaphore(%arg14 : memref<!tpu.dma_semaphore, #tpu.memory_space<semaphore_mem>>)
      %dma_wait3A_162 = arith.constant 4 : i32
      %dma_wait3A_163 = arith.constant 0 : i32
      %dma_wait3A_164 = tpu.memref_slice %arg7[%rem3A_37, %dma_wait3A_162, %dma_wait3A_163] : memref<2x8x128xi32, #tpu.memory_space<vmem>> -> memref<1x1x128xi32, #tpu.memory_space<vmem>>
      %dma_wait3A_165 = tpu.memref_squeeze %dma_wait3A_164 : memref<1x1x128xi32, #tpu.memory_space<vmem>> -> memref<128xi32, #tpu.memory_space<vmem>>
      %dma_wait3A_166 = arith.constant 0 : i32
      %dma_wait3A_167 = arith.constant 0 : i32
      %dma_wait3A_168 = tpu.memref_slice %arg2[%dma_wait3A_166, %dma_wait3A_167] : memref<10000x128xf32, #tpu.memory_space<hbm>> -> memref<10000x128xf32, #tpu.memory_space<hbm>>
      tpu.wait_indirect_dma semaphore(%arg13 : memref<!tpu.dma_semaphore, #tpu.memory_space<semaphore_mem>>) src(%dma_wait3A_168 : memref<10000x128xf32, #tpu.memory_space<hbm>>) dst(%arg9 : memref<128x128xf32, #tpu.memory_space<vmem>>)
      %run_scoped3A_169 = arith.constant 4 : i32
      "tpu.region"() ({
        %run_scoped3A_258 = tpu.sem_alloc : memref<!tpu.dma_semaphore, #tpu.memory_space<semaphore_mem>>
        %dma_start3A_259 = arith.constant 0 : i32
        %dma_start3A_260 = tpu.memref_slice %arg8[%rem3A_37, %run_scoped3A_169, %dma_start3A_259] : memref<2x8x128xi32, #tpu.memory_space<vmem>> -> memref<1x1x128xi32, #tpu.memory_space<vmem>>
        %dma_start3A_261 = tpu.memref_squeeze %dma_start3A_260 : memref<1x1x128xi32, #tpu.memory_space<vmem>> -> memref<128xi32, #tpu.memory_space<vmem>>
        %dma_start3A_262 = arith.constant 0 : i32
        %dma_start3A_263 = arith.constant 0 : i32
        %dma_start3A_264 = tpu.memref_slice %arg11[%dma_start3A_262, %dma_start3A_263] : memref<10112x128xf32, #tpu.memory_space<vmem_shared>> -> memref<10112x128xf32, #tpu.memory_space<vmem_shared>>
        tpu.enqueue_indirect_dma source(%arg9 : memref<128x128xf32, #tpu.memory_space<vmem>>) target(%dma_start3A_264 : memref<10112x128xf32, #tpu.memory_space<vmem_shared>>) offsets(%dma_start3A_261 : memref<128xi32, #tpu.memory_space<vmem>>) semaphore(%run_scoped3A_258 : memref<!tpu.dma_semaphore, #tpu.memory_space<semaphore_mem>>) {add = true}
        %dma_wait3A_265 = arith.constant 0 : i32
        %dma_wait3A_266 = tpu.memref_slice %arg8[%rem3A_37, %run_scoped3A_169, %dma_wait3A_265] : memref<2x8x128xi32, #tpu.memory_space<vmem>> -> memref<1x1x128xi32, #tpu.memory_space<vmem>>
        %dma_wait3A_267 = tpu.memref_squeeze %dma_wait3A_266 : memref<1x1x128xi32, #tpu.memory_space<vmem>> -> memref<128xi32, #tpu.memory_space<vmem>>
        %dma_wait3A_268 = arith.constant 0 : i32
        %dma_wait3A_269 = arith.constant 0 : i32
        %dma_wait3A_270 = tpu.memref_slice %arg11[%dma_wait3A_268, %dma_wait3A_269] : memref<10112x128xf32, #tpu.memory_space<vmem_shared>> -> memref<10112x128xf32, #tpu.memory_space<vmem_shared>>
        tpu.wait_indirect_dma semaphore(%run_scoped3A_258 : memref<!tpu.dma_semaphore, #tpu.memory_space<semaphore_mem>>) src(%arg9 : memref<128x128xf32, #tpu.memory_space<vmem>>) dst(%dma_wait3A_270 : memref<10112x128xf32, #tpu.memory_space<vmem_shared>>)
        tpu.yield
      }) : () -> ()
      %add3A_170 = arith.constant 4 : i32
      %add3A_171 = arith.constant 2 : i32
      %add3A_172 = arith.addi %add3A_170, %add3A_171 : i32
      %dma_start3A_173 = arith.constant 0 : i32
      %dma_start3A_174 = tpu.memref_slice %arg7[%rem3A_37, %add3A_172, %dma_start3A_173] : memref<2x8x128xi32, #tpu.memory_space<vmem>> -> memref<1x1x128xi32, #tpu.memory_space<vmem>>
      %dma_start3A_175 = tpu.memref_squeeze %dma_start3A_174 : memref<1x1x128xi32, #tpu.memory_space<vmem>> -> memref<128xi32, #tpu.memory_space<vmem>>
      %dma_start3A_176 = arith.constant 0 : i32
      %dma_start3A_177 = arith.constant 0 : i32
      %dma_start3A_178 = tpu.memref_slice %arg2[%dma_start3A_176, %dma_start3A_177] : memref<10000x128xf32, #tpu.memory_space<hbm>> -> memref<10000x128xf32, #tpu.memory_space<hbm>>
      tpu.enqueue_indirect_dma source(%dma_start3A_178 : memref<10000x128xf32, #tpu.memory_space<hbm>>) target(%arg9 : memref<128x128xf32, #tpu.memory_space<vmem>>) offsets(%dma_start3A_175 : memref<128xi32, #tpu.memory_space<vmem>>) semaphore(%arg13 : memref<!tpu.dma_semaphore, #tpu.memory_space<semaphore_mem>>)
      %add3A_179 = arith.constant 4 : i32
      %add3A_180 = arith.constant 1 : i32
      %add3A_181 = arith.addi %add3A_179, %add3A_180 : i32
      %dma_wait3A_182 = arith.constant 0 : i32
      %dma_wait3A_183 = tpu.memref_slice %arg7[%rem3A_37, %add3A_181, %dma_wait3A_182] : memref<2x8x128xi32, #tpu.memory_space<vmem>> -> memref<1x1x128xi32, #tpu.memory_space<vmem>>
      %dma_wait3A_184 = tpu.memref_squeeze %dma_wait3A_183 : memref<1x1x128xi32, #tpu.memory_space<vmem>> -> memref<128xi32, #tpu.memory_space<vmem>>
      %dma_wait3A_185 = arith.constant 0 : i32
      %dma_wait3A_186 = arith.constant 0 : i32
      %dma_wait3A_187 = tpu.memref_slice %arg2[%dma_wait3A_185, %dma_wait3A_186] : memref<10000x128xf32, #tpu.memory_space<hbm>> -> memref<10000x128xf32, #tpu.memory_space<hbm>>
      tpu.wait_indirect_dma semaphore(%arg14 : memref<!tpu.dma_semaphore, #tpu.memory_space<semaphore_mem>>) src(%dma_wait3A_187 : memref<10000x128xf32, #tpu.memory_space<hbm>>) dst(%arg10 : memref<128x128xf32, #tpu.memory_space<vmem>>)
      %add3A_188 = arith.constant 4 : i32
      %add3A_189 = arith.constant 1 : i32
      %add3A_190 = arith.addi %add3A_188, %add3A_189 : i32
      "tpu.region"() ({
        %run_scoped3A_258 = tpu.sem_alloc : memref<!tpu.dma_semaphore, #tpu.memory_space<semaphore_mem>>
        %dma_start3A_259 = arith.constant 0 : i32
        %dma_start3A_260 = tpu.memref_slice %arg8[%rem3A_37, %add3A_190, %dma_start3A_259] : memref<2x8x128xi32, #tpu.memory_space<vmem>> -> memref<1x1x128xi32, #tpu.memory_space<vmem>>
        %dma_start3A_261 = tpu.memref_squeeze %dma_start3A_260 : memref<1x1x128xi32, #tpu.memory_space<vmem>> -> memref<128xi32, #tpu.memory_space<vmem>>
        %dma_start3A_262 = arith.constant 0 : i32
        %dma_start3A_263 = arith.constant 0 : i32
        %dma_start3A_264 = tpu.memref_slice %arg11[%dma_start3A_262, %dma_start3A_263] : memref<10112x128xf32, #tpu.memory_space<vmem_shared>> -> memref<10112x128xf32, #tpu.memory_space<vmem_shared>>
        tpu.enqueue_indirect_dma source(%arg10 : memref<128x128xf32, #tpu.memory_space<vmem>>) target(%dma_start3A_264 : memref<10112x128xf32, #tpu.memory_space<vmem_shared>>) offsets(%dma_start3A_261 : memref<128xi32, #tpu.memory_space<vmem>>) semaphore(%run_scoped3A_258 : memref<!tpu.dma_semaphore, #tpu.memory_space<semaphore_mem>>) {add = true}
        %dma_wait3A_265 = arith.constant 0 : i32
        %dma_wait3A_266 = tpu.memref_slice %arg8[%rem3A_37, %add3A_190, %dma_wait3A_265] : memref<2x8x128xi32, #tpu.memory_space<vmem>> -> memref<1x1x128xi32, #tpu.memory_space<vmem>>
        %dma_wait3A_267 = tpu.memref_squeeze %dma_wait3A_266 : memref<1x1x128xi32, #tpu.memory_space<vmem>> -> memref<128xi32, #tpu.memory_space<vmem>>
        %dma_wait3A_268 = arith.constant 0 : i32
        %dma_wait3A_269 = arith.constant 0 : i32
        %dma_wait3A_270 = tpu.memref_slice %arg11[%dma_wait3A_268, %dma_wait3A_269] : memref<10112x128xf32, #tpu.memory_space<vmem_shared>> -> memref<10112x128xf32, #tpu.memory_space<vmem_shared>>
        tpu.wait_indirect_dma semaphore(%run_scoped3A_258 : memref<!tpu.dma_semaphore, #tpu.memory_space<semaphore_mem>>) src(%arg10 : memref<128x128xf32, #tpu.memory_space<vmem>>) dst(%dma_wait3A_270 : memref<10112x128xf32, #tpu.memory_space<vmem_shared>>)
        tpu.yield
      }) : () -> ()
      %add3A_191 = arith.constant 6 : i32
      %add3A_192 = arith.constant 1 : i32
      %add3A_193 = arith.addi %add3A_191, %add3A_192 : i32
      %dma_start3A_194 = arith.constant 0 : i32
      %dma_start3A_195 = tpu.memref_slice %arg7[%rem3A_37, %add3A_193, %dma_start3A_194] : memref<2x8x128xi32, #tpu.memory_space<vmem>> -> memref<1x1x128xi32, #tpu.memory_space<vmem>>
      %dma_start3A_196 = tpu.memref_squeeze %dma_start3A_195 : memref<1x1x128xi32, #tpu.memory_space<vmem>> -> memref<128xi32, #tpu.memory_space<vmem>>
      %dma_start3A_197 = arith.constant 0 : i32
      %dma_start3A_198 = arith.constant 0 : i32
      %dma_start3A_199 = tpu.memref_slice %arg2[%dma_start3A_197, %dma_start3A_198] : memref<10000x128xf32, #tpu.memory_space<hbm>> -> memref<10000x128xf32, #tpu.memory_space<hbm>>
      tpu.enqueue_indirect_dma source(%dma_start3A_199 : memref<10000x128xf32, #tpu.memory_space<hbm>>) target(%arg10 : memref<128x128xf32, #tpu.memory_space<vmem>>) offsets(%dma_start3A_196 : memref<128xi32, #tpu.memory_space<vmem>>) semaphore(%arg14 : memref<!tpu.dma_semaphore, #tpu.memory_space<semaphore_mem>>)
      %dma_wait3A_200 = arith.constant 6 : i32
      %dma_wait3A_201 = arith.constant 0 : i32
      %dma_wait3A_202 = tpu.memref_slice %arg7[%rem3A_37, %dma_wait3A_200, %dma_wait3A_201] : memref<2x8x128xi32, #tpu.memory_space<vmem>> -> memref<1x1x128xi32, #tpu.memory_space<vmem>>
      %dma_wait3A_203 = tpu.memref_squeeze %dma_wait3A_202 : memref<1x1x128xi32, #tpu.memory_space<vmem>> -> memref<128xi32, #tpu.memory_space<vmem>>
      %dma_wait3A_204 = arith.constant 0 : i32
      %dma_wait3A_205 = arith.constant 0 : i32
      %dma_wait3A_206 = tpu.memref_slice %arg2[%dma_wait3A_204, %dma_wait3A_205] : memref<10000x128xf32, #tpu.memory_space<hbm>> -> memref<10000x128xf32, #tpu.memory_space<hbm>>
      tpu.wait_indirect_dma semaphore(%arg13 : memref<!tpu.dma_semaphore, #tpu.memory_space<semaphore_mem>>) src(%dma_wait3A_206 : memref<10000x128xf32, #tpu.memory_space<hbm>>) dst(%arg9 : memref<128x128xf32, #tpu.memory_space<vmem>>)
      %run_scoped3A_207 = arith.constant 6 : i32
      "tpu.region"() ({
        %run_scoped3A_258 = tpu.sem_alloc : memref<!tpu.dma_semaphore, #tpu.memory_space<semaphore_mem>>
        %dma_start3A_259 = arith.constant 0 : i32
        %dma_start3A_260 = tpu.memref_slice %arg8[%rem3A_37, %run_scoped3A_207, %dma_start3A_259] : memref<2x8x128xi32, #tpu.memory_space<vmem>> -> memref<1x1x128xi32, #tpu.memory_space<vmem>>
        %dma_start3A_261 = tpu.memref_squeeze %dma_start3A_260 : memref<1x1x128xi32, #tpu.memory_space<vmem>> -> memref<128xi32, #tpu.memory_space<vmem>>
        %dma_start3A_262 = arith.constant 0 : i32
        %dma_start3A_263 = arith.constant 0 : i32
        %dma_start3A_264 = tpu.memref_slice %arg11[%dma_start3A_262, %dma_start3A_263] : memref<10112x128xf32, #tpu.memory_space<vmem_shared>> -> memref<10112x128xf32, #tpu.memory_space<vmem_shared>>
        tpu.enqueue_indirect_dma source(%arg9 : memref<128x128xf32, #tpu.memory_space<vmem>>) target(%dma_start3A_264 : memref<10112x128xf32, #tpu.memory_space<vmem_shared>>) offsets(%dma_start3A_261 : memref<128xi32, #tpu.memory_space<vmem>>) semaphore(%run_scoped3A_258 : memref<!tpu.dma_semaphore, #tpu.memory_space<semaphore_mem>>) {add = true}
        %dma_wait3A_265 = arith.constant 0 : i32
        %dma_wait3A_266 = tpu.memref_slice %arg8[%rem3A_37, %run_scoped3A_207, %dma_wait3A_265] : memref<2x8x128xi32, #tpu.memory_space<vmem>> -> memref<1x1x128xi32, #tpu.memory_space<vmem>>
        %dma_wait3A_267 = tpu.memref_squeeze %dma_wait3A_266 : memref<1x1x128xi32, #tpu.memory_space<vmem>> -> memref<128xi32, #tpu.memory_space<vmem>>
        %dma_wait3A_268 = arith.constant 0 : i32
        %dma_wait3A_269 = arith.constant 0 : i32
        %dma_wait3A_270 = tpu.memref_slice %arg11[%dma_wait3A_268, %dma_wait3A_269] : memref<10112x128xf32, #tpu.memory_space<vmem_shared>> -> memref<10112x128xf32, #tpu.memory_space<vmem_shared>>
        tpu.wait_indirect_dma semaphore(%run_scoped3A_258 : memref<!tpu.dma_semaphore, #tpu.memory_space<semaphore_mem>>) src(%arg9 : memref<128x128xf32, #tpu.memory_space<vmem>>) dst(%dma_wait3A_270 : memref<10112x128xf32, #tpu.memory_space<vmem_shared>>)
        tpu.yield
      }) : () -> ()
      %mul3A_208 = arith.constant 8 : i32
      %mul3A_209 = arith.muli %min3A_44, %mul3A_208 : i32
      %dma_wait3A_210 = arith.constant 0 : i32
      %dma_wait3A_211 = arith.constant 0 : i32
      %dma_wait3A_212 = tpu.memref_slice %arg7[%rem3A_41, %dma_wait3A_210, %dma_wait3A_211] : memref<2x8x128xi32, #tpu.memory_space<vmem>> -> memref<1x8x128xi32, #tpu.memory_space<vmem>>
      %dma_wait3A_213 = tpu.memref_squeeze %dma_wait3A_212 : memref<1x8x128xi32, #tpu.memory_space<vmem>> -> memref<8x128xi32, #tpu.memory_space<vmem>>
      %dma_wait3A_214 = arith.constant 0 : i32
      %dma_wait3A_215 = tpu.memref_slice %arg3[%add3A, %mul3A_209, %dma_wait3A_214] : memref<32x80x128xi32, #tpu.memory_space<hbm>> -> memref<1x8x128xi32, #tpu.memory_space<hbm>>
      %dma_wait3A_216 = tpu.memref_squeeze %dma_wait3A_215 : memref<1x8x128xi32, #tpu.memory_space<hbm>> -> memref<8x128xi32, #tpu.memory_space<hbm>>
      %dma_wait3A_217 = arith.constant 0 : i32
      %dma_wait3A_218 = arith.constant 0 : i32
      %dma_wait3A_219 = tpu.memref_slice %arg7[%rem3A_41, %dma_wait3A_217, %dma_wait3A_218] : memref<2x8x128xi32, #tpu.memory_space<vmem>> -> memref<1x8x128xi32, #tpu.memory_space<vmem>>
      %dma_wait3A_220 = tpu.memref_squeeze %dma_wait3A_219 : memref<1x8x128xi32, #tpu.memory_space<vmem>> -> memref<8x128xi32, #tpu.memory_space<vmem>>
      %dma_wait3A_221 = arith.constant 0 : i32
      %dma_wait3A_222 = tpu.memref_slice %arg3[%add3A, %mul3A_209, %dma_wait3A_221] : memref<32x80x128xi32, #tpu.memory_space<hbm>> -> memref<1x8x128xi32, #tpu.memory_space<hbm>>
      %dma_wait3A_223 = tpu.memref_squeeze %dma_wait3A_222 : memref<1x8x128xi32, #tpu.memory_space<hbm>> -> memref<8x128xi32, #tpu.memory_space<hbm>>
      tpu.wait_dma2 semaphore(%arg12 : memref<!tpu.dma_semaphore, #tpu.memory_space<semaphore_mem>>) src(%dma_wait3A_223 : memref<8x128xi32, #tpu.memory_space<hbm>>) dst(%dma_wait3A_220 : memref<8x128xi32, #tpu.memory_space<vmem>>)
      %mul3A_224 = arith.constant 8 : i32
      %mul3A_225 = arith.muli %min3A_44, %mul3A_224 : i32
      %dma_wait3A_226 = arith.constant 0 : i32
      %dma_wait3A_227 = arith.constant 0 : i32
      %dma_wait3A_228 = tpu.memref_slice %arg8[%rem3A_41, %dma_wait3A_226, %dma_wait3A_227] : memref<2x8x128xi32, #tpu.memory_space<vmem>> -> memref<1x8x128xi32, #tpu.memory_space<vmem>>
      %dma_wait3A_229 = tpu.memref_squeeze %dma_wait3A_228 : memref<1x8x128xi32, #tpu.memory_space<vmem>> -> memref<8x128xi32, #tpu.memory_space<vmem>>
      %dma_wait3A_230 = arith.constant 0 : i32
      %dma_wait3A_231 = tpu.memref_slice %arg4[%add3A, %mul3A_225, %dma_wait3A_230] : memref<32x80x128xi32, #tpu.memory_space<hbm>> -> memref<1x8x128xi32, #tpu.memory_space<hbm>>
      %dma_wait3A_232 = tpu.memref_squeeze %dma_wait3A_231 : memref<1x8x128xi32, #tpu.memory_space<hbm>> -> memref<8x128xi32, #tpu.memory_space<hbm>>
      %dma_wait3A_233 = arith.constant 0 : i32
      %dma_wait3A_234 = arith.constant 0 : i32
      %dma_wait3A_235 = tpu.memref_slice %arg8[%rem3A_41, %dma_wait3A_233, %dma_wait3A_234] : memref<2x8x128xi32, #tpu.memory_space<vmem>> -> memref<1x8x128xi32, #tpu.memory_space<vmem>>
      %dma_wait3A_236 = tpu.memref_squeeze %dma_wait3A_235 : memref<1x8x128xi32, #tpu.memory_space<vmem>> -> memref<8x128xi32, #tpu.memory_space<vmem>>
      %dma_wait3A_237 = arith.constant 0 : i32
      %dma_wait3A_238 = tpu.memref_slice %arg4[%add3A, %mul3A_225, %dma_wait3A_237] : memref<32x80x128xi32, #tpu.memory_space<hbm>> -> memref<1x8x128xi32, #tpu.memory_space<hbm>>
      %dma_wait3A_239 = tpu.memref_squeeze %dma_wait3A_238 : memref<1x8x128xi32, #tpu.memory_space<hbm>> -> memref<8x128xi32, #tpu.memory_space<hbm>>
      tpu.wait_dma2 semaphore(%arg12 : memref<!tpu.dma_semaphore, #tpu.memory_space<semaphore_mem>>) src(%dma_wait3A_239 : memref<8x128xi32, #tpu.memory_space<hbm>>) dst(%dma_wait3A_236 : memref<8x128xi32, #tpu.memory_space<vmem>>)
      %dma_start3A_240 = arith.constant 0 : i32
      %dma_start3A_241 = tpu.memref_slice %arg7[%rem3A_41, %while3A_13, %dma_start3A_240] : memref<2x8x128xi32, #tpu.memory_space<vmem>> -> memref<1x1x128xi32, #tpu.memory_space<vmem>>
      %dma_start3A_242 = tpu.memref_squeeze %dma_start3A_241 : memref<1x1x128xi32, #tpu.memory_space<vmem>> -> memref<128xi32, #tpu.memory_space<vmem>>
      %dma_start3A_243 = arith.constant 0 : i32
      %dma_start3A_244 = arith.constant 0 : i32
      %dma_start3A_245 = tpu.memref_slice %arg2[%dma_start3A_243, %dma_start3A_244] : memref<10000x128xf32, #tpu.memory_space<hbm>> -> memref<10000x128xf32, #tpu.memory_space<hbm>>
      tpu.enqueue_indirect_dma source(%dma_start3A_245 : memref<10000x128xf32, #tpu.memory_space<hbm>>) target(%arg9 : memref<128x128xf32, #tpu.memory_space<vmem>>) offsets(%dma_start3A_242 : memref<128xi32, #tpu.memory_space<vmem>>) semaphore(%arg13 : memref<!tpu.dma_semaphore, #tpu.memory_space<semaphore_mem>>)
      %add3A_246 = arith.constant 6 : i32
      %add3A_247 = arith.constant 1 : i32
      %add3A_248 = arith.addi %add3A_246, %add3A_247 : i32
      %dma_wait3A_249 = arith.constant 0 : i32
      %dma_wait3A_250 = tpu.memref_slice %arg7[%rem3A_37, %add3A_248, %dma_wait3A_249] : memref<2x8x128xi32, #tpu.memory_space<vmem>> -> memref<1x1x128xi32, #tpu.memory_space<vmem>>
      %dma_wait3A_251 = tpu.memref_squeeze %dma_wait3A_250 : memref<1x1x128xi32, #tpu.memory_space<vmem>> -> memref<128xi32, #tpu.memory_space<vmem>>
      %dma_wait3A_252 = arith.constant 0 : i32
      %dma_wait3A_253 = arith.constant 0 : i32
      %dma_wait3A_254 = tpu.memref_slice %arg2[%dma_wait3A_252, %dma_wait3A_253] : memref<10000x128xf32, #tpu.memory_space<hbm>> -> memref<10000x128xf32, #tpu.memory_space<hbm>>
      tpu.wait_indirect_dma semaphore(%arg14 : memref<!tpu.dma_semaphore, #tpu.memory_space<semaphore_mem>>) src(%dma_wait3A_254 : memref<10000x128xf32, #tpu.memory_space<hbm>>) dst(%arg10 : memref<128x128xf32, #tpu.memory_space<vmem>>)
      %add3A_255 = arith.constant 6 : i32
      %add3A_256 = arith.constant 1 : i32
      %add3A_257 = arith.addi %add3A_255, %add3A_256 : i32
      "tpu.region"() ({
        %run_scoped3A_258 = tpu.sem_alloc : memref<!tpu.dma_semaphore, #tpu.memory_space<semaphore_mem>>
        %dma_start3A_259 = arith.constant 0 : i32
        %dma_start3A_260 = tpu.memref_slice %arg8[%rem3A_37, %add3A_257, %dma_start3A_259] : memref<2x8x128xi32, #tpu.memory_space<vmem>> -> memref<1x1x128xi32, #tpu.memory_space<vmem>>
        %dma_start3A_261 = tpu.memref_squeeze %dma_start3A_260 : memref<1x1x128xi32, #tpu.memory_space<vmem>> -> memref<128xi32, #tpu.memory_space<vmem>>
        %dma_start3A_262 = arith.constant 0 : i32
        %dma_start3A_263 = arith.constant 0 : i32
        %dma_start3A_264 = tpu.memref_slice %arg11[%dma_start3A_262, %dma_start3A_263] : memref<10112x128xf32, #tpu.memory_space<vmem_shared>> -> memref<10112x128xf32, #tpu.memory_space<vmem_shared>>
        tpu.enqueue_indirect_dma source(%arg10 : memref<128x128xf32, #tpu.memory_space<vmem>>) target(%dma_start3A_264 : memref<10112x128xf32, #tpu.memory_space<vmem_shared>>) offsets(%dma_start3A_261 : memref<128xi32, #tpu.memory_space<vmem>>) semaphore(%run_scoped3A_258 : memref<!tpu.dma_semaphore, #tpu.memory_space<semaphore_mem>>) {add = true}
        %dma_wait3A_265 = arith.constant 0 : i32
        %dma_wait3A_266 = tpu.memref_slice %arg8[%rem3A_37, %add3A_257, %dma_wait3A_265] : memref<2x8x128xi32, #tpu.memory_space<vmem>> -> memref<1x1x128xi32, #tpu.memory_space<vmem>>
        %dma_wait3A_267 = tpu.memref_squeeze %dma_wait3A_266 : memref<1x1x128xi32, #tpu.memory_space<vmem>> -> memref<128xi32, #tpu.memory_space<vmem>>
        %dma_wait3A_268 = arith.constant 0 : i32
        %dma_wait3A_269 = arith.constant 0 : i32
        %dma_wait3A_270 = tpu.memref_slice %arg11[%dma_wait3A_268, %dma_wait3A_269] : memref<10112x128xf32, #tpu.memory_space<vmem_shared>> -> memref<10112x128xf32, #tpu.memory_space<vmem_shared>>
        tpu.wait_indirect_dma semaphore(%run_scoped3A_258 : memref<!tpu.dma_semaphore, #tpu.memory_space<semaphore_mem>>) src(%arg10 : memref<128x128xf32, #tpu.memory_space<vmem>>) dst(%dma_wait3A_270 : memref<10112x128xf32, #tpu.memory_space<vmem_shared>>)
        tpu.yield
      }) : () -> ()
    }
    %dma_wait3A = arith.constant 0 : i32
    %dma_wait3A_24 = arith.constant 0 : i32
    %dma_wait3A_25 = arith.constant 0 : i32
    %dma_wait3A_26 = tpu.memref_slice %arg7[%dma_wait3A, %dma_wait3A_24, %dma_wait3A_25] : memref<2x8x128xi32, #tpu.memory_space<vmem>> -> memref<1x1x128xi32, #tpu.memory_space<vmem>>
    %dma_wait3A_27 = tpu.memref_squeeze %dma_wait3A_26 : memref<1x1x128xi32, #tpu.memory_space<vmem>> -> memref<128xi32, #tpu.memory_space<vmem>>
    %dma_wait3A_28 = arith.constant 0 : i32
    %dma_wait3A_29 = arith.constant 0 : i32
    %dma_wait3A_30 = tpu.memref_slice %arg2[%dma_wait3A_28, %dma_wait3A_29] : memref<10000x128xf32, #tpu.memory_space<hbm>> -> memref<10000x128xf32, #tpu.memory_space<hbm>>
    tpu.wait_indirect_dma semaphore(%arg13 : memref<!tpu.dma_semaphore, #tpu.memory_space<semaphore_mem>>) src(%dma_wait3A_30 : memref<10000x128xf32, #tpu.memory_space<hbm>>) dst(%arg9 : memref<128x128xf32, #tpu.memory_space<vmem>>)
    %barrier3A_31 = arith.constant 0 : index
    tpu.barrier barrier_id(%barrier3A_31)
    %mul3A_32 = arith.constant 632 : i32
    %mul3A_33 = arith.muli %arg1, %mul3A_32 : i32
    %mul3A_34 = arith.constant 632 : i32
    %mul3A_35 = arith.muli %arg1, %mul3A_34 : i32
    "tpu.region"() ({
      %run_scoped3A_36 = tpu.sem_alloc : memref<!tpu.dma_semaphore, #tpu.memory_space<semaphore_mem>>
      %dma_start3A_37 = arith.constant 0 : i32
      %dma_start3A_38 = tpu.memref_slice %arg6[%arg0, %mul3A_35, %dma_start3A_37] : memref<2x10112x128xf32, #tpu.memory_space<hbm>> -> memref<1x632x128xf32, #tpu.memory_space<hbm>>
      %dma_start3A_39 = tpu.memref_squeeze %dma_start3A_38 : memref<1x632x128xf32, #tpu.memory_space<hbm>> -> memref<632x128xf32, #tpu.memory_space<hbm>>
      %dma_start3A_40 = arith.constant 0 : i32
      %dma_start3A_41 = tpu.memref_slice %arg11[%mul3A_33, %dma_start3A_40] : memref<10112x128xf32, #tpu.memory_space<vmem_shared>> -> memref<632x128xf32, #tpu.memory_space<vmem_shared>>
      tpu.enqueue_dma source(%dma_start3A_41 : memref<632x128xf32, #tpu.memory_space<vmem_shared>>) target(%dma_start3A_39 : memref<632x128xf32, #tpu.memory_space<hbm>>) target_semaphore(%run_scoped3A_36 : memref<!tpu.dma_semaphore, #tpu.memory_space<semaphore_mem>>)
      %dma_wait3A_42 = arith.constant 0 : i32
      %dma_wait3A_43 = tpu.memref_slice %arg6[%arg0, %mul3A_35, %dma_wait3A_42] : memref<2x10112x128xf32, #tpu.memory_space<hbm>> -> memref<1x632x128xf32, #tpu.memory_space<hbm>>
      %dma_wait3A_44 = tpu.memref_squeeze %dma_wait3A_43 : memref<1x632x128xf32, #tpu.memory_space<hbm>> -> memref<632x128xf32, #tpu.memory_space<hbm>>
      %dma_wait3A_45 = arith.constant 0 : i32
      %dma_wait3A_46 = tpu.memref_slice %arg11[%mul3A_33, %dma_wait3A_45] : memref<10112x128xf32, #tpu.memory_space<vmem_shared>> -> memref<632x128xf32, #tpu.memory_space<vmem_shared>>
      tpu.wait_dma2 semaphore(%run_scoped3A_36 : memref<!tpu.dma_semaphore, #tpu.memory_space<semaphore_mem>>) src(%dma_wait3A_46 : memref<632x128xf32, #tpu.memory_space<vmem_shared>>) dst(%dma_wait3A_44 : memref<632x128xf32, #tpu.memory_space<hbm>>)
      tpu.yield
    }) : () -> ()
    return
  }
}

module attributes {stable_mosaic.version = 14 : i64} {
  func.func @body(%arg0: i32, %arg1: memref<1024x128xf32, #tpu.memory_space<vmem>>, %arg2: memref<128x128xf32, #tpu.memory_space<vmem>>, %arg3: memref<2x1024x128xf32, #tpu.memory_space<vmem>>, %arg4: memref<1024x128xf32, #tpu.memory_space<vmem>>, %arg5: memref<1024x16xf32, #tpu.memory_space<vmem>>) attributes {dimension_semantics = [#tpu.dimension_semantics<arbitrary>], iteration_bounds = array<i64: 10>, scalar_prefetch = 0 : i64, scratch_operands = 0 : i64, tpu.core_type = #tpu.core_type<tc>, window_params = [{transform_indices = @transform_0, window_bounds = array<i64: 1024, 128>}, {pipeline_mode = #tpu.pipeline_mode<synchronous>, transform_indices = @transform_1, window_bounds = array<i64: 128, 128>}, {transform_indices = @transform_2, window_bounds = array<i64: 2, 1024, 128>}, {transform_indices = @transform_3, window_bounds = array<i64: 1024, 128>}, {transform_indices = @transform_4, window_bounds = array<i64: 1024, 16>}]} {
    %get3A = arith.constant 0 : index
    %get3A_0 = arith.constant 0 : index
    %get3A_1 = arith.constant 0 : index
    %get3A_2 = vector.load %arg3[%get3A, %get3A_0, %get3A_1] : memref<2x1024x128xf32, #tpu.memory_space<vmem>>, vector<1x1024x128xf32>
    %get3A_3 = vector.shape_cast %get3A_2 : vector<1x1024x128xf32> to vector<1024x128xf32>
    %slice3A = vector.extract_strided_slice %get3A_3 {offsets = [0, 0], sizes = [1024, 1], strides = [1, 1]} : vector<1024x128xf32> to vector<1024x1xf32>
    %add3A = arith.constant 1.000000e+00 : f32
    %add3A_4 = vector.broadcast %add3A : f32 to vector<1024x1xf32>
    %add3A_5 = arith.addf %add3A_4, %slice3A : vector<1024x1xf32>
    %get3A_6 = arith.constant 1 : index
    %get3A_7 = arith.constant 0 : index
    %get3A_8 = arith.constant 0 : index
    %get3A_9 = vector.load %arg3[%get3A_6, %get3A_7, %get3A_8] : memref<2x1024x128xf32, #tpu.memory_space<vmem>>, vector<1x1024x128xf32>
    %get3A_10 = vector.shape_cast %get3A_9 : vector<1x1024x128xf32> to vector<1024x128xf32>
    %slice3A_11 = vector.extract_strided_slice %get3A_10 {offsets = [0, 0], sizes = [1024, 1], strides = [1, 1]} : vector<1024x128xf32> to vector<1024x1xf32>
    %add3A_12 = arith.addf %add3A_5, %slice3A_11 : vector<1024x1xf32>
    %rsqrt3A = math.rsqrt %add3A_12 : vector<1024x1xf32>
    %get3A_13 = arith.constant 0 : index
    %get3A_14 = arith.constant 0 : index
    %get3A_15 = vector.load %arg1[%get3A_13, %get3A_14] : memref<1024x128xf32, #tpu.memory_space<vmem>>, vector<1024x128xf32>
    %get3A_16 = arith.constant 0 : index
    %get3A_17 = arith.constant 0 : index
    %get3A_18 = vector.load %arg2[%get3A_16, %get3A_17] : memref<128x128xf32, #tpu.memory_space<vmem>>, vector<128x128xf32>
    %dot_general3A = arith.constant dense<0.000000e+00> : vector<1024x128xf32>
    %dot_general3A_19 = tpu.matmul %get3A_15, %get3A_18, %dot_general3A {dimension_numbers = #tpu.dot_dimension_numbers<[1], [0], [0], [1], [0, 0, 1, 1], [], []>, transpose_lhs_hint = false} : vector<1024x128xf32>, vector<128x128xf32>, vector<1024x128xf32> -> vector<1024x128xf32>
    %mul3A = vector.broadcast %rsqrt3A : vector<1024x1xf32> to vector<1024x128xf32>
    %mul3A_20 = arith.mulf %dot_general3A_19, %mul3A : vector<1024x128xf32>
    %swap3A = arith.constant 0 : index
    %swap3A_21 = arith.constant 0 : index
    %swap3A_22 = vector.load %arg4[%swap3A, %swap3A_21] : memref<1024x128xf32, #tpu.memory_space<vmem>>, vector<1024x128xf32>
    tpu.vector_store %arg4[%swap3A, %swap3A_21], %mul3A_20 {strides = array<i32>} : memref<1024x128xf32, #tpu.memory_space<vmem>>, vector<1024x128xf32>,
    %broadcast_in_dim3A = vector.shape_cast %rsqrt3A : vector<1024x1xf32> to vector<1024x1xf32>
    %broadcast_in_dim3A_23 = vector.broadcast %broadcast_in_dim3A : vector<1024x1xf32> to vector<1024x16xf32>
    %swap3A_24 = arith.constant 0 : index
    %swap3A_25 = arith.constant 0 : index
    %swap3A_26 = vector.load %arg5[%swap3A_24, %swap3A_25] : memref<1024x16xf32, #tpu.memory_space<vmem>>, vector<1024x16xf32>
    tpu.vector_store %arg5[%swap3A_24, %swap3A_25], %broadcast_in_dim3A_23 {strides = array<i32>} : memref<1024x16xf32, #tpu.memory_space<vmem>>, vector<1024x16xf32>,
    return
  }
  func.func @transform_0(%arg0: i32) -> (i32, i32) {
    %c0_i32 = arith.constant 0 : i32
    %c0_i32_0 = arith.constant 0 : i32
    return %arg0, %c0_i32 : i32, i32
  }
  func.func @transform_1(%arg0: i32) -> (i32, i32) {
    %c0_i32 = arith.constant 0 : i32
    %c0_i32_0 = arith.constant 0 : i32
    %c0_i32_1 = arith.constant 0 : i32
    return %c0_i32, %c0_i32_0 : i32, i32
  }
  func.func @transform_2(%arg0: i32) -> (i32, i32, i32) {
    %c0_i32 = arith.constant 0 : i32
    %c0_i32_0 = arith.constant 0 : i32
    %c0_i32_1 = arith.constant 0 : i32
    return %c0_i32, %arg0, %c0_i32_0 : i32, i32, i32
  }
  func.func @transform_3(%arg0: i32) -> (i32, i32) {
    %c0_i32 = arith.constant 0 : i32
    %c0_i32_0 = arith.constant 0 : i32
    return %arg0, %c0_i32 : i32, i32
  }
  func.func @transform_4(%arg0: i32) -> (i32, i32) {
    %c0_i32 = arith.constant 0 : i32
    %c0_i32_0 = arith.constant 0 : i32
    return %arg0, %c0_i32 : i32, i32
  }
}

module attributes {stable_mosaic.version = 14 : i64} {
  func.func @body(%arg0: i32, %arg1: memref<2x1024x128xf32, #tpu.memory_space<vmem>>, %arg2: memref<1024x128xf32, #tpu.memory_space<vmem>>, %arg3: memref<1024x16xf32, #tpu.memory_space<vmem>>, %arg4: memref<1x128xf32, #tpu.memory_space<vmem>>, %arg5: memref<1x128xf32, #tpu.memory_space<vmem>>, %arg6: memref<1x128xf32, #tpu.memory_space<vmem>>, %arg7: memref<128x128xf32, #tpu.memory_space<vmem>>, %arg8: memref<1024x128xf32, #tpu.memory_space<vmem>>) attributes {dimension_semantics = [#tpu.dimension_semantics<arbitrary>], iteration_bounds = array<i64: 10>, scalar_prefetch = 0 : i64, scratch_operands = 0 : i64, tpu.core_type = #tpu.core_type<tc>, window_params = [{transform_indices = @transform_0, window_bounds = array<i64: 2, 1024, 128>}, {transform_indices = @transform_1, window_bounds = array<i64: 1024, 128>}, {transform_indices = @transform_2, window_bounds = array<i64: 1024, 16>}, {pipeline_mode = #tpu.pipeline_mode<synchronous>, transform_indices = @transform_3, window_bounds = array<i64: 1, 128>}, {pipeline_mode = #tpu.pipeline_mode<synchronous>, transform_indices = @transform_4, window_bounds = array<i64: 1, 128>}, {pipeline_mode = #tpu.pipeline_mode<synchronous>, transform_indices = @transform_5, window_bounds = array<i64: 1, 128>}, {pipeline_mode = #tpu.pipeline_mode<synchronous>, transform_indices = @transform_6, window_bounds = array<i64: 128, 128>}, {transform_indices = @transform_7, window_bounds = array<i64: 1024, 128>}]} {
    %get3A = arith.constant 0 : index
    %get3A_0 = arith.constant 0 : index
    %get3A_1 = vector.load %arg3[%get3A, %get3A_0] : memref<1024x16xf32, #tpu.memory_space<vmem>>, vector<1024x1xf32>
    %get3A_2 = arith.constant 0 : index
    %get3A_3 = arith.constant 0 : index
    %get3A_4 = arith.constant 0 : index
    %get3A_5 = vector.load %arg1[%get3A_2, %get3A_3, %get3A_4] : memref<2x1024x128xf32, #tpu.memory_space<vmem>>, vector<1x1024x128xf32>
    %get3A_6 = vector.shape_cast %get3A_5 : vector<1x1024x128xf32> to vector<1024x128xf32>
    %get3A_7 = arith.constant 1 : index
    %get3A_8 = arith.constant 0 : index
    %get3A_9 = arith.constant 0 : index
    %get3A_10 = vector.load %arg1[%get3A_7, %get3A_8, %get3A_9] : memref<2x1024x128xf32, #tpu.memory_space<vmem>>, vector<1x1024x128xf32>
    %get3A_11 = vector.shape_cast %get3A_10 : vector<1x1024x128xf32> to vector<1024x128xf32>
    %add3A = arith.addf %get3A_6, %get3A_11 : vector<1024x128xf32>
    %get3A_12 = arith.constant 0 : index
    %get3A_13 = arith.constant 0 : index
    %get3A_14 = vector.load %arg2[%get3A_12, %get3A_13] : memref<1024x128xf32, #tpu.memory_space<vmem>>, vector<1024x128xf32>
    %add3A_15 = arith.addf %add3A, %get3A_14 : vector<1024x128xf32>
    %mul3A = vector.broadcast %get3A_1 : vector<1024x1xf32> to vector<1024x128xf32>
    %mul3A_16 = arith.mulf %mul3A, %add3A_15 : vector<1024x128xf32>
    %get3A_17 = arith.constant 0 : index
    %get3A_18 = arith.constant 0 : index
    %get3A_19 = vector.load %arg4[%get3A_17, %get3A_18] : memref<1x128xf32, #tpu.memory_space<vmem>>, vector<1x128xf32>
    %add3A_20 = vector.broadcast %get3A_19 : vector<1x128xf32> to vector<1024x128xf32>
    %add3A_21 = arith.addf %mul3A_16, %add3A_20 : vector<1024x128xf32>
    %get3A_22 = arith.constant 0 : index
    %get3A_23 = arith.constant 0 : index
    %get3A_24 = vector.load %arg5[%get3A_22, %get3A_23] : memref<1x128xf32, #tpu.memory_space<vmem>>, vector<1x128xf32>
    %mul3A_25 = vector.broadcast %get3A_24 : vector<1x128xf32> to vector<1024x128xf32>
    %mul3A_26 = arith.mulf %add3A_21, %mul3A_25 : vector<1024x128xf32>
    %get3A_27 = arith.constant 0 : index
    %get3A_28 = arith.constant 0 : index
    %get3A_29 = vector.load %arg6[%get3A_27, %get3A_28] : memref<1x128xf32, #tpu.memory_space<vmem>>, vector<1x128xf32>
    %add3A_30 = vector.broadcast %get3A_29 : vector<1x128xf32> to vector<1024x128xf32>
    %add3A_31 = arith.addf %mul3A_26, %add3A_30 : vector<1024x128xf32>
    %max3A = arith.constant 0.000000e+00 : f32
    %max3A_32 = vector.broadcast %max3A : f32 to vector<1024x128xf32>
    %max3A_33 = arith.maximumf %add3A_31, %max3A_32 : vector<1024x128xf32>
    %get3A_34 = arith.constant 0 : index
    %get3A_35 = arith.constant 0 : index
    %get3A_36 = vector.load %arg7[%get3A_34, %get3A_35] : memref<128x128xf32, #tpu.memory_space<vmem>>, vector<128x128xf32>
    %dot_general3A = arith.constant dense<0.000000e+00> : vector<1024x128xf32>
    %dot_general3A_37 = tpu.matmul %max3A_33, %get3A_36, %dot_general3A {dimension_numbers = #tpu.dot_dimension_numbers<[1], [0], [0], [1], [0, 0, 1, 1], [], []>, transpose_lhs_hint = false} : vector<1024x128xf32>, vector<128x128xf32>, vector<1024x128xf32> -> vector<1024x128xf32>
    %mul3A_38 = vector.broadcast %get3A_1 : vector<1024x1xf32> to vector<1024x128xf32>
    %mul3A_39 = arith.mulf %dot_general3A_37, %mul3A_38 : vector<1024x128xf32>
    %swap3A = arith.constant 0 : index
    %swap3A_40 = arith.constant 0 : index
    %swap3A_41 = vector.load %arg8[%swap3A, %swap3A_40] : memref<1024x128xf32, #tpu.memory_space<vmem>>, vector<1024x128xf32>
    tpu.vector_store %arg8[%swap3A, %swap3A_40], %mul3A_39 {strides = array<i32>} : memref<1024x128xf32, #tpu.memory_space<vmem>>, vector<1024x128xf32>,
    return
  }
  func.func @transform_0(%arg0: i32) -> (i32, i32, i32) {
    %c0_i32 = arith.constant 0 : i32
    %c0_i32_0 = arith.constant 0 : i32
    %c0_i32_1 = arith.constant 0 : i32
    return %c0_i32, %arg0, %c0_i32_0 : i32, i32, i32
  }
  func.func @transform_1(%arg0: i32) -> (i32, i32) {
    %c0_i32 = arith.constant 0 : i32
    %c0_i32_0 = arith.constant 0 : i32
    return %arg0, %c0_i32 : i32, i32
  }
  func.func @transform_2(%arg0: i32) -> (i32, i32) {
    %c0_i32 = arith.constant 0 : i32
    %c0_i32_0 = arith.constant 0 : i32
    return %arg0, %c0_i32 : i32, i32
  }
  func.func @transform_3(%arg0: i32) -> (i32, i32) {
    %c0_i32 = arith.constant 0 : i32
    %c0_i32_0 = arith.constant 0 : i32
    %c0_i32_1 = arith.constant 0 : i32
    return %c0_i32, %c0_i32_0 : i32, i32
  }
  func.func @transform_4(%arg0: i32) -> (i32, i32) {
    %c0_i32 = arith.constant 0 : i32
    %c0_i32_0 = arith.constant 0 : i32
    %c0_i32_1 = arith.constant 0 : i32
    return %c0_i32, %c0_i32_0 : i32, i32
  }
  func.func @transform_5(%arg0: i32) -> (i32, i32) {
    %c0_i32 = arith.constant 0 : i32
    %c0_i32_0 = arith.constant 0 : i32
    %c0_i32_1 = arith.constant 0 : i32
    return %c0_i32, %c0_i32_0 : i32, i32
  }
  func.func @transform_6(%arg0: i32) -> (i32, i32) {
    %c0_i32 = arith.constant 0 : i32
    %c0_i32_0 = arith.constant 0 : i32
    %c0_i32_1 = arith.constant 0 : i32
    return %c0_i32, %c0_i32_0 : i32, i32
  }
  func.func @transform_7(%arg0: i32) -> (i32, i32) {
    %c0_i32 = arith.constant 0 : i32
    %c0_i32_0 = arith.constant 0 : i32
    return %arg0, %c0_i32 : i32, i32
  }
}

module attributes {stable_mosaic.version = 14 : i64} {
  func.func @body(%arg0: i32, %arg1: memref<2x1024x128xf32, #tpu.memory_space<vmem>>, %arg2: memref<1024x128xf32, #tpu.memory_space<vmem>>, %arg3: memref<1024x16xf32, #tpu.memory_space<vmem>>, %arg4: memref<1x128xf32, #tpu.memory_space<vmem>>, %arg5: memref<1024x40xf32, #tpu.memory_space<vmem>>) attributes {dimension_semantics = [#tpu.dimension_semantics<arbitrary>], iteration_bounds = array<i64: 10>, scalar_prefetch = 0 : i64, scratch_operands = 0 : i64, tpu.core_type = #tpu.core_type<tc>, window_params = [{transform_indices = @transform_0, window_bounds = array<i64: 2, 1024, 128>}, {transform_indices = @transform_1, window_bounds = array<i64: 1024, 128>}, {transform_indices = @transform_2, window_bounds = array<i64: 1024, 16>}, {pipeline_mode = #tpu.pipeline_mode<synchronous>, transform_indices = @transform_3, window_bounds = array<i64: 1, 128>}, {transform_indices = @transform_4, window_bounds = array<i64: 1024, 40>}]} {
    %get3A = arith.constant 0 : index
    %get3A_0 = arith.constant 0 : index
    %get3A_1 = vector.load %arg3[%get3A, %get3A_0] : memref<1024x16xf32, #tpu.memory_space<vmem>>, vector<1024x1xf32>
    %get3A_2 = arith.constant 0 : index
    %get3A_3 = arith.constant 0 : index
    %get3A_4 = arith.constant 0 : index
    %get3A_5 = vector.load %arg1[%get3A_2, %get3A_3, %get3A_4] : memref<2x1024x128xf32, #tpu.memory_space<vmem>>, vector<1x1024x128xf32>
    %get3A_6 = vector.shape_cast %get3A_5 : vector<1x1024x128xf32> to vector<1024x128xf32>
    %get3A_7 = arith.constant 1 : index
    %get3A_8 = arith.constant 0 : index
    %get3A_9 = arith.constant 0 : index
    %get3A_10 = vector.load %arg1[%get3A_7, %get3A_8, %get3A_9] : memref<2x1024x128xf32, #tpu.memory_space<vmem>>, vector<1x1024x128xf32>
    %get3A_11 = vector.shape_cast %get3A_10 : vector<1x1024x128xf32> to vector<1024x128xf32>
    %add3A = arith.addf %get3A_6, %get3A_11 : vector<1024x128xf32>
    %get3A_12 = arith.constant 0 : index
    %get3A_13 = arith.constant 0 : index
    %get3A_14 = vector.load %arg2[%get3A_12, %get3A_13] : memref<1024x128xf32, #tpu.memory_space<vmem>>, vector<1024x128xf32>
    %add3A_15 = arith.addf %add3A, %get3A_14 : vector<1024x128xf32>
    %mul3A = vector.broadcast %get3A_1 : vector<1024x1xf32> to vector<1024x128xf32>
    %mul3A_16 = arith.mulf %mul3A, %add3A_15 : vector<1024x128xf32>
    %get3A_17 = arith.constant 0 : index
    %get3A_18 = arith.constant 0 : index
    %get3A_19 = vector.load %arg4[%get3A_17, %get3A_18] : memref<1x128xf32, #tpu.memory_space<vmem>>, vector<1x128xf32>
    %add3A_20 = vector.broadcast %get3A_19 : vector<1x128xf32> to vector<1024x128xf32>
    %add3A_21 = arith.addf %mul3A_16, %add3A_20 : vector<1024x128xf32>
    %iota3A = tpu.iota {dimensions = array<i32: 1>} : vector<1x128xi32>
    %lt3A = arith.constant 40 : i32
    %lt3A_22 = vector.broadcast %lt3A : i32 to vector<1x128xi32>
    %lt3A_23 = arith.cmpi slt, %iota3A, %lt3A_22 : vector<1x128xi32>
    %jit3A = arith.constant 0xFF800000 : f32
    %broadcast_in_dim3A = vector.shape_cast %lt3A_23 : vector<1x128xi1> to vector<1x128xi1>
    %broadcast_in_dim3A_24 = vector.broadcast %broadcast_in_dim3A : vector<1x128xi1> to vector<1024x128xi1>
    %broadcast_in_dim3A_25 = vector.broadcast %jit3A : f32 to vector<1024x128xf32>
    %select_n3A = arith.select %broadcast_in_dim3A_24, %add3A_21, %broadcast_in_dim3A_25 : vector<1024x128xi1>, vector<1024x128xf32>
    %reduce_max3A = arith.constant dense<0xFF800000> : vector<1024xf32>
    %reduce_max3A_26 = vector.multi_reduction <maximumf>, %select_n3A, %reduce_max3A [1] : vector<1024x128xf32> to vector<1024xf32>
    %broadcast_in_dim3A_27 = vector.shape_cast %reduce_max3A_26 : vector<1024xf32> to vector<1024x1xf32>
    %sub3A = vector.broadcast %broadcast_in_dim3A_27 : vector<1024x1xf32> to vector<1024x128xf32>
    %sub3A_28 = arith.subf %select_n3A, %sub3A : vector<1024x128xf32>
    %exp3A = math.exp %sub3A_28 : vector<1024x128xf32>
    %jit3A_29 = arith.constant 0.000000e+00 : f64
    %convert_element_type3A = arith.truncf %jit3A_29 : f64 to f32
    %broadcast_in_dim3A_30 = vector.shape_cast %lt3A_23 : vector<1x128xi1> to vector<1x128xi1>
    %broadcast_in_dim3A_31 = vector.broadcast %broadcast_in_dim3A_30 : vector<1x128xi1> to vector<1024x128xi1>
    %broadcast_in_dim3A_32 = vector.broadcast %convert_element_type3A : f32 to vector<1024x128xf32>
    %select_n3A_33 = arith.select %broadcast_in_dim3A_31, %exp3A, %broadcast_in_dim3A_32 : vector<1024x128xi1>, vector<1024x128xf32>
    %reduce_sum3A = arith.constant dense<0.000000e+00> : vector<1024xf32>
    %reduce_sum3A_34 = vector.multi_reduction <add>, %select_n3A_33, %reduce_sum3A [1] : vector<1024x128xf32> to vector<1024xf32>
    %broadcast_in_dim3A_35 = vector.shape_cast %reduce_sum3A_34 : vector<1024xf32> to vector<1024x1xf32>
    %div3A = vector.broadcast %broadcast_in_dim3A_35 : vector<1024x1xf32> to vector<1024x128xf32>
    %div3A_36 = arith.divf %select_n3A_33, %div3A : vector<1024x128xf32>
    %slice3A = vector.extract_strided_slice %div3A_36 {offsets = [0, 0], sizes = [1024, 40], strides = [1, 1]} : vector<1024x128xf32> to vector<1024x40xf32>
    %swap3A = arith.constant 0 : index
    %swap3A_37 = arith.constant 0 : index
    %swap3A_38 = vector.load %arg5[%swap3A, %swap3A_37] : memref<1024x40xf32, #tpu.memory_space<vmem>>, vector<1024x40xf32>
    tpu.vector_store %arg5[%swap3A, %swap3A_37], %slice3A {strides = array<i32>} : memref<1024x40xf32, #tpu.memory_space<vmem>>, vector<1024x40xf32>,
    return
  }
  func.func @transform_0(%arg0: i32) -> (i32, i32, i32) {
    %c0_i32 = arith.constant 0 : i32
    %c0_i32_0 = arith.constant 0 : i32
    %c0_i32_1 = arith.constant 0 : i32
    return %c0_i32, %arg0, %c0_i32_0 : i32, i32, i32
  }
  func.func @transform_1(%arg0: i32) -> (i32, i32) {
    %c0_i32 = arith.constant 0 : i32
    %c0_i32_0 = arith.constant 0 : i32
    return %arg0, %c0_i32 : i32, i32
  }
  func.func @transform_2(%arg0: i32) -> (i32, i32) {
    %c0_i32 = arith.constant 0 : i32
    %c0_i32_0 = arith.constant 0 : i32
    return %arg0, %c0_i32 : i32, i32
  }
  func.func @transform_3(%arg0: i32) -> (i32, i32) {
    %c0_i32 = arith.constant 0 : i32
    %c0_i32_0 = arith.constant 0 : i32
    %c0_i32_1 = arith.constant 0 : i32
    return %c0_i32, %c0_i32_0 : i32, i32
  }
  func.func @transform_4(%arg0: i32) -> (i32, i32) {
    %c0_i32 = arith.constant 0 : i32
    %c0_i32_0 = arith.constant 0 : i32
    return %arg0, %c0_i32 : i32, i32
  }
}

</mosaic_0001>

<sc_bundles>
// kernel: kernel.10.cloned.1.call-start
scs
__scs_entry_jumppad:
0x0: {  	(pc) =	sbr.rel $0x88, $3  }
0x1: {  	(tag) =	ssettag $0x0;
	lr =	simm.s32 $0x1  }
0x2: {  	[smem:$0x3F95] =	sst lr;
	_ =	strace $0xD0000000  }
0x3: {  	_ = 	snop  }
0x4: {  	_ = 	snop  }
0x5: {  	_ = 	snop  }
0x6: {  	_ = 	snop  }
0x7: {  	_ = 	snop  }
__scs_overlays_trampoline_lowered:
0x8: {  	[smem:$0x3FA4] =	sst s0  }
0x9: {  	[smem:$0x3FA5] =	sst s1  }
0xa: {  	[smem:$0x3FA6] =	sst s2  }
0xb: {  	[smem:$0x3FA7] =	sst s3  }
0xc: {  	[smem:$0x3FA8] =	sst s4  }
0xd: {  	[smem:$0x3FA9] =	sst s5  }
0xe: {  	[smem:$0x3FAA] =	sst s6  }
0xf: {  	[smem:$0x3FAB] =	sst s7  }
0x10: {  	[smem:$0x3FAC] =	sst s8  }
0x11: {  	[smem:$0x3FAD] =	sst s9;
	s0 =	simm.s32 @!p0 $0x0  }
0x12: {  	s1 =	sld [smem:$0x3F93];
	s0 =	simm.s32 @p0 $0x1  }
0x13: {  	[smem:$0x3FAE] =	sst s0;
	s0 =	simm.s32 @!p1 $0x0  }
0x14: {  	s2 =	sld [smem:$0x3F92];
	s0 =	simm.s32 @p1 $0x1  }
0x15: {  	[smem:$0x3FAF] =	sst s0;
	s0 =	simm.s32 @!p2 $0x0  }
0x16: {  	s3 =	sld [smem:$0x3FDB];
	s0 =	simm.s32 @p2 $0x1  }
0x17: {  	s4 =	simm.s32 $0x1BF5;
	[smem:$0x3FB1] =	sst s0  }
0x18: {  	s0 =	sld [smem:$0x3F94];
	_ =	swait.ge [sflag:s4], $0x0  }
0x19: {  	s7 =	sld [smem:$0x3F95]  }
0x1a: {  	s8 =	sadd.s32 $0xFFFFE003, lr  }
0x1b: {  	s9 =	sadd.s32 $0xFFFFFEF7, lr;
	s5 =	simm.s32 $0xFFFFFFFF;
	p2 =	slt.u32 s8, $0xFFFFF086  }
0x1c: {  	p1 =	slt.u32 s9, $0xF7A;
	s5 =	simm.s32 @!p2 $0x0  }
0x1d: {  	s5 =	simm.s32 @p1 $0x1;
	p0 =	seq.s32 s7, s2  }
0x1e: {  	s7 =	smul.u32 @!p0 $0xF7A, s2;
	p2 =	seq.s32 @!p0 s5, $0x0  }
0x1f: {  	s9 =	smul.u32 $0xF7A, s1;
	s8 =	simm.s32 @!p0 $0x1BF5;
	p2 =	por !p2, p0  }
0x20: {  	[sflag:s8] =	ssyncset.s32 @!p0 $0xFFFFF086;
	s6 =	sadd.s32 @!p0 s3, s7;
	s7 =	simm.s32 @!p0 $0x108  }
0x21: {  	s3 =	sadd.s32 s3, s9;
	s6 =	sadd.s32 @!p0 $0x88, s6;
	s7 =	simm.s32 @p2 $0x1082  }
0x22: {  	[simem:s7], [sflag:s8] =	dma.local @!p0 [hbm:s6], $0xF7A  }
0x23: {  	s9 =	sor.u32 $0xD0000000, s2;
	s6 =	simm.s32 $0x108;
	_ =	swait.ge @!p0 [sflag:s8], $0x0  }
0x24: {  	s3 =	sadd.s32 $0x88, s3;
	s6 =	simm.s32 @!p1 $0x1082;
	[sflag:s4] =	ssyncset.s32 $0xFFFFF086  }
0x25: {  	[simem:s6], [sflag:s4] =	dma.local [hbm:s3], $0xF7A  }
0x26: {  	[smem:$0x3F95] =	sst s1;
	(tag) =	ssettag s2;
	_ =	strace s9  }
0x27: {  	s1 =	sld [smem:$0x3FA5]  }
0x28: {  	s2 =	sld [smem:$0x3FA6]  }
0x29: {  	s4 =	sld [smem:$0x3FA8]  }
0x2a: {  	p0 =	seq.s32 s5, $0x0;
	s5 =	sld [smem:$0x3FA9]  }
0x2b: {  	s6 =	sld [smem:$0x3FAA]  }
0x2c: {  	s7 =	sld [smem:$0x3FAB]  }
0x2d: {  	s3 =	simm.s32 $0x108;
	s8 =	sld [smem:$0x3FAC]  }
0x2e: {  	s3 =	simm.s32 @!p0 $0x1082;
	s9 =	sld [smem:$0x3FAD]  }
0x2f: {  	lr =	sadd.s32 s0, s3;
	s0 =	sld [smem:$0x3FA4]  }
0x30: {  	s3 =	sld [smem:$0x3FA7]  }
0x31: {  	[smem:$0x3FB0] =	sst s10  }
0x32: {  	s10 =	sld [smem:$0x3FAE];
	_ =	sdelay $0x3  }
0x33: {  	p0 =	seq.s32 s10, $0x1;
	s10 =	sld [smem:$0x3FB0];
	_ =	sdelay $0x3  }
0x34: {  	[smem:$0x3FB0] =	sst s10  }
0x35: {  	s10 =	sld [smem:$0x3FAF];
	_ =	sdelay $0x3  }
0x36: {  	p1 =	seq.s32 s10, $0x1;
	s10 =	sld [smem:$0x3FB0];
	_ =	sdelay $0x3  }
0x37: {  	[smem:$0x3FB0] =	sst s10  }
0x38: {  	s10 =	sld [smem:$0x3FB1]  }
0x39: {  	_ = 	snop;
	(pc) =	sbr.ind lr, $3  }
0x3a: {  	_ = 	snop  }
0x3b: {  	_ = 	snop  }
0x3c: {  	p2 =	seq.s32 s10, $0x1;
	s10 =	sld [smem:$0x3FB0]  }
0x3d: {  	_ =	shalt  }
0x3e: {  	_ =	shalt  }
0x3f: {  	_ =	shalt  }
0x40: {  	_ =	shalt  }
0x41: {  	_ =	shalt  }
0x42: {  	_ =	shalt  }
0x43: {  	_ =	shalt  }
0x44: {  	_ =	shalt  }
0x45: {  	_ =	shalt  }
0x46: {  	_ =	shalt  }
0x47: {  	_ =	shalt  }
0x48: {  	_ =	shalt  }
0x49: {  	_ =	shalt  }
0x4a: {  	_ =	shalt  }
0x4b: {  	_ =	shalt  }
0x4c: {  	_ =	shalt  }
0x4d: {  	_ =	shalt  }
0x4e: {  	_ =	shalt  }
0x4f: {  	_ =	shalt  }
0x50: {  	_ =	shalt  }
0x51: {  	_ =	shalt  }
0x52: {  	_ =	shalt  }
0x53: {  	_ =	shalt  }
0x54: {  	_ =	shalt  }
0x55: {  	_ =	shalt  }
0x56: {  	_ =	shalt  }
0x57: {  	_ =	shalt  }
0x58: {  	_ =	shalt  }
0x59: {  	_ =	shalt  }
0x5a: {  	_ =	shalt  }
0x5b: {  	_ =	shalt  }
0x5c: {  	_ =	shalt  }
0x5d: {  	_ =	shalt  }
0x5e: {  	_ =	shalt  }
0x5f: {  	_ =	shalt  }
0x60: {  	_ =	shalt  }
0x61: {  	_ =	shalt  }
0x62: {  	_ =	shalt  }
0x63: {  	_ =	shalt  }
0x64: {  	_ =	shalt  }
0x65: {  	_ =	shalt  }
0x66: {  	_ =	shalt  }
0x67: {  	_ =	shalt  }
0x68: {  	_ =	shalt  }
0x69: {  	_ =	shalt  }
0x6a: {  	_ =	shalt  }
0x6b: {  	_ =	shalt  }
0x6c: {  	_ =	shalt  }
0x6d: {  	_ =	shalt  }
0x6e: {  	_ =	shalt  }
0x6f: {  	_ =	shalt  }
0x70: {  	_ =	shalt  }
0x71: {  	_ =	shalt  }
0x72: {  	_ =	shalt  }
0x73: {  	_ =	shalt  }
0x74: {  	_ =	shalt  }
0x75: {  	_ =	shalt  }
0x76: {  	_ =	shalt  }
0x77: {  	_ =	shalt  }
0x78: {  	_ =	shalt  }
0x79: {  	_ =	shalt  }
0x7a: {  	_ =	shalt  }
0x7b: {  	_ =	shalt  }
0x7c: {  	_ =	shalt  }
0x7d: {  	_ =	shalt  }
0x7e: {  	_ =	shalt  }
0x7f: {  	_ =	shalt  }
0x80: {  	_ =	shalt  }
0x81: {  	_ =	shalt  }
0x82: {  	_ =	shalt  }
0x83: {  	_ =	shalt  }
0x84: {  	_ =	shalt  }
0x85: {  	_ =	shalt  }
0x86: {  	_ =	shalt  }
0x87: {  	_ =	shalt  }
.Lfunc_end0:
.L_simem_size_0:
called_computation_lowered:
.L_overlay_start_0:
0x88: {  	s2 =	sld [smem:$0x3FD9]  }
0x89: {  	s3 =	sld [smem:$0x3FFE];
	_ =	sdelay $0x1  }
0x8a: {  	s1 =	srdreg.scid  }
0x8b: {  	s0 =	sand.u32 $0x1, s1  }
0x8c: {  	s17 =	sshll.u32 s0, $0xA;
	s2 =	sadd.s32 s3, s2  }
0x8d: {  	s2 =	sadd.s32 s2, s17  }
0x8e: {  	[smem:$0x3FBC] =	sst s2  }
0x8f: {  	_ = 	snop  }
0x90: {  	s2 =	sld [smem:$0x3FD0];
	(tm) =	ssettm $0x1  }
0x91: {  	s18 =	sld [smem:$0x3FFB];
	_ =	sdelay $0x3  }
0x92: {  	_ =	strace s18  }
0x93: {  	s3 =	sld [smem:$0x3FFC];
	_ =	sdelay $0x3  }
0x94: {  	_ =	strace s3  }
0x95: {  	s3 =	sld [smem:$0x3FFD];
	_ =	sdelay $0x3  }
0x96: {  	_ =	strace s3  }
0x97: {  	_ =	strace $0x8FFFFFFF  }
0x98: {  	s19 =	sld [smem:$0x3FDB];
	_ =	sdelay $0x1  }
0x99: {  	s4 =	simm.s32 $_scs_section_size  }
0x9a: {  	s5 =	simm.s32 $_size__tile_overlayer_lowered;
	s6 =	simm.s32 $_tile_overlayer_lowered  }
0x9b: {  	s22 =	simm.s32 $0x1BFF;
	s21 =	sshll.u32 s6, $0x1;
	s3 =	sadd.s32 s4, s19  }
0x9c: {  	s7 =	simm.s32 $0x0;
	s20 =	sshll.u32 s5, $0x1;
	s5 =	sadd.s32 s21, s3  }
0x9d: {  	[timem:s7], [sflag:s22] =	dma.local [hbm:s5], s20  }
0x9e: {  	_ =	swait.ge [sflag:s22], s20  }
0x9f: {  	s4 =	ssub.s32 $0x0, s20;
	[sflag:s22] =	ssyncset.done $0x0  }
0xa0: {  	[sflag:s22] =	ssyncadd.s32 s4;
	_ =	sdelay $0x1  }
0xa1: {  	s23 =	simm.s32 $0x1B8B  }
0xa2: {  	_ =	swait.ge [sflag:s23], $0x1  }
0xa3: {  	[sflag:s23] =	ssyncset.done $0x0  }
0xa4: {  	s25 =	simm.s32 $0x1B8E;
	s24 =	sld [smem:$0x3FFE];
	[sflag:s23] =	ssyncadd.s32 $0xFFFFFFFF  }
0xa5: {  	s26 =	simm.s32 $execute0_lowered;
	[smem:$0x3FD2] =	sst s25  }
0xa6: {  	s5 =	sshll.u32 s26, $0x1;
	_ =	strace $0x80000046;
	[dreg:$0x1] =	wrdreg $0xFFFFFFFF  }
0xa7: {  	s28 =	simm.s32 $_size_execute0_lowered;
	s3 =	sadd.s32 s3, s5;
	[dreg:$0x0] =	wrdreg $0x0  }
0xa8: {  	s5 =	sshll.u32 s28, $0x1;
	[dreg:$0x2] =	wrdreg s3  }
0xa9: {  	[dreg:$0x3] =	wrdreg s5  }
0xaa: {  	[dreg:$0x4] =	wrdreg $0xC0  }
0xab: {  	_ =	task [dreg:s7], $0x5FFFF  }
0xac: {  	[dreg:$0x1] =	wrdreg $0xFFFFFFFF  }
0xad: {  	[dreg:$0x0] =	wrdreg $0x60  }
0xae: {  	[dreg:$0x2] =	wrdreg s2  }
0xaf: {  	[dreg:$0x3] =	wrdreg s24  }
0xb0: {  	[dreg:$0x4] =	wrdreg $0x68000  }
0xb1: {  	[dreg:$0x5] =	wrdreg $0x9  }
0xb2: {  	_ =	task.clear_ibuf [dreg:s7], $0x6FFFF;
	_ =	strace $0x90000046  }
0xb3: {  	s29 =	simm.s32 $0x9;
	_ =	strace $0x80000048  }
0xb4: {  	_ =	swait.ge [sflag:s29], $0x1  }
0xb5: {  	[sflag:s29] =	ssyncadd.s32 $0xFFFFFFFF  }
0xb6: {  	_ =	strace $0x90000048  }
0xb7: {  	_ =	sfence  }
0xb8: {  	s30 =	sld [smem:$0x0];
	_ =	sdelay $0x2  }
0xb9: {  	s31 =	sshll.u32 s1, $0xD;
	s1 =	sshrl.u32 s1, $0x2  }
0xba: {  	s3 =	sand.u32 $0x4000, s31;
	s1 =	sadd.s32 s1, s30  }
0xbb: {  	s0 =	sor.u32 s3, s0;
	s1 =	sshll.u32 s1, $0x11  }
0xbc: {  	s0 =	sor.u32 s1, s0  }
0xbd: {  	s0 =	sadd.s32 $0x8F2B, s0  }
0xbe: {  	[sflag:s0] =	ssyncadd.remote.s32 $0x1  }
0xbf: {  	_ =	sfence.sel $0xFFFF  }
0xc0: {  	[dreg:$0x0] =	wrdreg $0xFFFFFFFF;
	(pc) =	sbr.abs _section_cstart, $3  }
0xc1: {  	[dreg:$0x1] =	wrdreg $0xFFFFFFFF  }
0xc2: {  	_ =	task.clear_ibuf [dreg:s7], $0x2FFFF;
	_ =	strace $0x9FFFFFFF  }
0xc3: {  	(tm) =	ssettm $0x7FFFFFFF  }
tec
execute0_lowered:
.L_overlay_start_1:
0x0: {  	(tag) =	ssettag $0x1  }
0x1: {  	s7 =	rddreg [dreg:$0x0]  }
0x2: {  	s5 =	rddreg [dreg:$0x1];
	s0 =	stileid.u32  }
0x3: {  	s1 =	srdreg.scid;
	s2 =	rddreg [dreg:$0x2]  }
0x4: {  	s3 =	simm.s32 $0x0;
	s13 =	simm.s32 $0x80;
	s14 =	simm.s32 $0x0  }
0x5: {  	s4 =	smul.u32 $0x13C00, s0;
	s6 =	sand.u32 $0x1, s1;
	s1 =	rddreg [dreg:$0x3]  }
0x6: {  	[smem:$0x7FF] =	sst s3;
	s11 =	smul.u32 $0x4F000, s0;
	s31 =	sshll.u32 s0, $0x6  }
0x7: {  	s8 =	smul.u32 $0x13C000, s6;
	_ =	strace $0x80000047;
	s10 =	ssub.s32 $0x2, s6  }
0x8: {  	s6 =	sshll.u32 s6, $0x4;
	s9 =	sshrl.u32 s4, $0x3;
	s28 =	sshrl.u32 s10, $0x1  }
0x9: {  	s6 =	sor.u32 s0, s6;
	s29 =	sshrl.u32 s11, $0x2;
	s11 =	simm.s32 $0x1  }
0xa: {  	s8 =	sadd.s32 s4, s8;
	s4 =	sadd.s32 $0x2A600, s5;
	s9 =	sadd.s32 s9, s5  }
0xb: {  	s10 =	ssub.s32 s10, s28;
	s30 =	smul.u32 $0x500, s6;
	s8 =	sshrl.u32 s8, $0x3  }
0xc: {  	s12 =	sadd.s32 s29, s2;
	s6 =	sor.u32 $0x1C01, s31;
	s8 =	sadd.s32 s8, s5  }
0xd: {  	s5 =	sadd.s32 $0x2E00, s9;
	s7 =	sadd.s32 s7, s30;
	s9 =	smax.u32 s10, $0x1  }
0xe: {  	s10 =	sshrl.u32 s12, $0x3;
	s12 =	simm.s32 $0x2800;
	s8 =	sadd.s32 $0x2AE00, s8  }
.LBB2_1:
0xf: {  	[spmem:s10], [sflag:s6] =	dma.local [hbm:s5], $0x2780  }
0x10: {  	_ =	swait.ge [sflag:s11], $0x2780  }
0x11: {  	[sflag:s11] =	ssyncset.done $0x0  }
0x12: {  	[sflag:s11] =	ssyncadd.s32 $0xFFFFD880  }
0x13: {  	[tilespmem:s3], [sflag:$0x1] =	stream.linear.gather [hbm4b:s7+s3], $0x2800, $0x38;
	[tilespmem:$0x1A400] =	vst v63  }
0x14: {  	_ =	swait.ge [sflag:s11], $0x2800  }
0x15: {  	[sflag:s11] =	ssyncset.done $0x0  }
0x16: {  	[sflag:s11] =	ssyncadd.s32 $0xFFFFD800  }
0x17: {  	[tilespmem:s12], [sflag:$0x1] =	stream.linear.gather [hbm4b:s4+s3], $0x4000, $0x38;
	[tilespmem:$0x1A400] =	vst v63  }
0x18: {  	_ =	swait.ge [sflag:s11], $0x4000  }
0x19: {  	[sflag:s11] =	ssyncset.done $0x0  }
0x1a: {  	[sflag:s11] =	ssyncadd.s32 $0xFFFFC000  }
0x1b: {  	s15 =	simm.s32 $0x0;
	[bflag:$0x0] =	sbarrier.arrive $0xFFFF  }
0x1c: {  	[spmem:s2] =	stream.indirect.scatter.add.f32 [tilespmem:s12], [sflag:$0x1], $0x80, s15, s13, $0xb8;
	[tilespmem:$0x1A400] =	vst v63  }
0x1d: {  	_ =	swait.ge [sflag:s11], $0x4000  }
0x1e: {  	s15 =	simm.s32 $0x200;
	[sflag:s11] =	ssyncset.done $0x0  }
.LBB2_2:
0x1f: {  	s16 =	sshra.s32 s15, $0x2;
	[sflag:s11] =	ssyncadd.s32 $0xFFFFC000;
	p0 =	sne.s32 s15, $0x9E00  }
0x20: {  	[spmem:s2] =	stream.indirect.scatter.add.f32 [tilespmem:s12], [sflag:$0x1], $0x80, s16, s13, $0xb8;
	[tilespmem:$0x1A400] =	vst v63  }
.Ltmp0:
0x21: {  	_ = 	snop;
	(pc) =	sbr.rel @p0 .LBB2_2-.Ltmp0, $4  }
0x22: {  	_ = 	snop  }
0x23: {  	s15 =	sadd.s32 $0x200, s15  }
0x24: {  	_ =	swait.ge [sflag:s11], $0x4000  }
0x25: {  	[sflag:s11] =	ssyncset.done $0x0  }
0x26: {  	s14 =	sadd.s32 $0x1, s14  }
0x27: {  	[sflag:s11] =	ssyncadd.s32 $0xFFFFC000;
	p0 =	sne.s32 s14, s9  }
.Ltmp1:
0x28: {  	[bflag:$0x0] =	sbarrier.arrive $0xFFFF;
	(pc) =	sbr.rel @p0 .LBB2_1-.Ltmp1, $4  }
0x29: {  	[hbm:s8], [sflag:s6] =	dma.local [spmem:s10], $0x2780  }
0x2a: {  	_ =	swait.ge [sflag:s11], $0x2780  }
0x2b: {  	[sflag:s11] =	ssyncset.done $0x0  }
0x2c: {  	[sflag:s11] =	ssyncadd.s32 $0xFFFFD880  }
0x2d: {  	_ =	sfence.sel $0x180000  }
0x2e: {  	[bflag:$0x0] =	sbarrier.arrive $0xFFFF  }
0x2f: {  	p0 =	sne.s32 s0, $0x0;
	_ =	strace $0x90000047  }
0x30: {  	s0 =	sadd.s32 @!p0 $0x100000, s1;
	[bflag:$0x2] =	sbarrier.arrive $0xFFFF  }
0x31: {  	[sflag:s0] =	ssyncadd.tile.s32 @!p0 $0x1;
	_ =	shalt  }
.Lfunc_end2:
_tile_overlayer_lowered:
.L_overlay_start_2:
0x32: {  	(tag) =	ssettag $0x2  }
0x33: {  	s0 =	rddreg [dreg:$0x0];
	s2 =	stileid.u32  }
0x34: {  	s1 =	rddreg [dreg:$0x1];
	p0 =	sne.s32 s2, $0x0  }
0x35: {  	s3 =	rddreg [dreg:$0x2];
	[bflag:$0x3] =	sbarrier.arrive $0xFFFF;
	s2 =	simm.s32 @!p0 $0x1C01  }
0x36: {  	[timem:s3], [sflag:s2] =	dma.local @!p0 [hbm:s0], s1  }
0x37: {  	s0 =	simm.s32 @!p0 $0x1  }
0x38: {  	_ =	swait.ge @!p0 [sflag:s0], s1  }
0x39: {  	s1 =	ssub.s32 @!p0 $0x0, s1;
	[sflag:s0] =	ssyncset.done @!p0 $0x0  }
0x3a: {  	[sflag:s0] =	ssyncadd.s32 @!p0 s1  }
0x3b: {  	[bflag:$0x3] =	sbarrier.arrive $0xFFFF  }
0x3c: {  	_ =	shalt  }

// kernel: kernel.13.cloned.1.call-start
scs
__scs_entry_jumppad:
0x0: {  	(pc) =	sbr.rel $0x88, $3  }
0x1: {  	(tag) =	ssettag $0x0;
	lr =	simm.s32 $0x1  }
0x2: {  	[smem:$0x3F95] =	sst lr;
	_ =	strace $0xD0000000  }
0x3: {  	_ = 	snop  }
0x4: {  	_ = 	snop  }
0x5: {  	_ = 	snop  }
0x6: {  	_ = 	snop  }
0x7: {  	_ = 	snop  }
__scs_overlays_trampoline_lowered:
0x8: {  	[smem:$0x3FA4] =	sst s0  }
0x9: {  	[smem:$0x3FA5] =	sst s1  }
0xa: {  	[smem:$0x3FA6] =	sst s2  }
0xb: {  	[smem:$0x3FA7] =	sst s3  }
0xc: {  	[smem:$0x3FA8] =	sst s4  }
0xd: {  	[smem:$0x3FA9] =	sst s5  }
0xe: {  	[smem:$0x3FAA] =	sst s6  }
0xf: {  	[smem:$0x3FAB] =	sst s7  }
0x10: {  	[smem:$0x3FAC] =	sst s8  }
0x11: {  	[smem:$0x3FAD] =	sst s9;
	s0 =	simm.s32 @!p0 $0x0  }
0x12: {  	s1 =	sld [smem:$0x3F93];
	s0 =	simm.s32 @p0 $0x1  }
0x13: {  	[smem:$0x3FAE] =	sst s0;
	s0 =	simm.s32 @!p1 $0x0  }
0x14: {  	s2 =	sld [smem:$0x3F92];
	s0 =	simm.s32 @p1 $0x1  }
0x15: {  	[smem:$0x3FAF] =	sst s0;
	s0 =	simm.s32 @!p2 $0x0  }
0x16: {  	s3 =	sld [smem:$0x3FDB];
	s0 =	simm.s32 @p2 $0x1  }
0x17: {  	s4 =	simm.s32 $0x1BF5;
	[smem:$0x3FB1] =	sst s0  }
0x18: {  	s0 =	sld [smem:$0x3F94];
	_ =	swait.ge [sflag:s4], $0x0  }
0x19: {  	s7 =	sld [smem:$0x3F95]  }
0x1a: {  	s8 =	sadd.s32 $0xFFFFE003, lr  }
0x1b: {  	s9 =	sadd.s32 $0xFFFFFEF7, lr;
	s5 =	simm.s32 $0xFFFFFFFF;
	p2 =	slt.u32 s8, $0xFFFFF086  }
0x1c: {  	p1 =	slt.u32 s9, $0xF7A;
	s5 =	simm.s32 @!p2 $0x0  }
0x1d: {  	s5 =	simm.s32 @p1 $0x1;
	p0 =	seq.s32 s7, s2  }
0x1e: {  	s7 =	smul.u32 @!p0 $0xF7A, s2;
	p2 =	seq.s32 @!p0 s5, $0x0  }
0x1f: {  	s9 =	smul.u32 $0xF7A, s1;
	s8 =	simm.s32 @!p0 $0x1BF5;
	p2 =	por !p2, p0  }
0x20: {  	[sflag:s8] =	ssyncset.s32 @!p0 $0xFFFFF086;
	s6 =	sadd.s32 @!p0 s3, s7;
	s7 =	simm.s32 @!p0 $0x108  }
0x21: {  	s3 =	sadd.s32 s3, s9;
	s6 =	sadd.s32 @!p0 $0x88, s6;
	s7 =	simm.s32 @p2 $0x1082  }
0x22: {  	[simem:s7], [sflag:s8] =	dma.local @!p0 [hbm:s6], $0xF7A  }
0x23: {  	s9 =	sor.u32 $0xD0000000, s2;
	s6 =	simm.s32 $0x108;
	_ =	swait.ge @!p0 [sflag:s8], $0x0  }
0x24: {  	s3 =	sadd.s32 $0x88, s3;
	s6 =	simm.s32 @!p1 $0x1082;
	[sflag:s4] =	ssyncset.s32 $0xFFFFF086  }
0x25: {  	[simem:s6], [sflag:s4] =	dma.local [hbm:s3], $0xF7A  }
0x26: {  	[smem:$0x3F95] =	sst s1;
	(tag) =	ssettag s2;
	_ =	strace s9  }
0x27: {  	s1 =	sld [smem:$0x3FA5]  }
0x28: {  	s2 =	sld [smem:$0x3FA6]  }
0x29: {  	s4 =	sld [smem:$0x3FA8]  }
0x2a: {  	p0 =	seq.s32 s5, $0x0;
	s5 =	sld [smem:$0x3FA9]  }
0x2b: {  	s6 =	sld [smem:$0x3FAA]  }
0x2c: {  	s7 =	sld [smem:$0x3FAB]  }
0x2d: {  	s3 =	simm.s32 $0x108;
	s8 =	sld [smem:$0x3FAC]  }
0x2e: {  	s3 =	simm.s32 @!p0 $0x1082;
	s9 =	sld [smem:$0x3FAD]  }
0x2f: {  	lr =	sadd.s32 s0, s3;
	s0 =	sld [smem:$0x3FA4]  }
0x30: {  	s3 =	sld [smem:$0x3FA7]  }
0x31: {  	[smem:$0x3FB0] =	sst s10  }
0x32: {  	s10 =	sld [smem:$0x3FAE];
	_ =	sdelay $0x3  }
0x33: {  	p0 =	seq.s32 s10, $0x1;
	s10 =	sld [smem:$0x3FB0];
	_ =	sdelay $0x3  }
0x34: {  	[smem:$0x3FB0] =	sst s10  }
0x35: {  	s10 =	sld [smem:$0x3FAF];
	_ =	sdelay $0x3  }
0x36: {  	p1 =	seq.s32 s10, $0x1;
	s10 =	sld [smem:$0x3FB0];
	_ =	sdelay $0x3  }
0x37: {  	[smem:$0x3FB0] =	sst s10  }
0x38: {  	s10 =	sld [smem:$0x3FB1]  }
0x39: {  	_ = 	snop;
	(pc) =	sbr.ind lr, $3  }
0x3a: {  	_ = 	snop  }
0x3b: {  	_ = 	snop  }
0x3c: {  	p2 =	seq.s32 s10, $0x1;
	s10 =	sld [smem:$0x3FB0]  }
0x3d: {  	_ =	shalt  }
0x3e: {  	_ =	shalt  }
0x3f: {  	_ =	shalt  }
0x40: {  	_ =	shalt  }
0x41: {  	_ =	shalt  }
0x42: {  	_ =	shalt  }
0x43: {  	_ =	shalt  }
0x44: {  	_ =	shalt  }
0x45: {  	_ =	shalt  }
0x46: {  	_ =	shalt  }
0x47: {  	_ =	shalt  }
0x48: {  	_ =	shalt  }
0x49: {  	_ =	shalt  }
0x4a: {  	_ =	shalt  }
0x4b: {  	_ =	shalt  }
0x4c: {  	_ =	shalt  }
0x4d: {  	_ =	shalt  }
0x4e: {  	_ =	shalt  }
0x4f: {  	_ =	shalt  }
0x50: {  	_ =	shalt  }
0x51: {  	_ =	shalt  }
0x52: {  	_ =	shalt  }
0x53: {  	_ =	shalt  }
0x54: {  	_ =	shalt  }
0x55: {  	_ =	shalt  }
0x56: {  	_ =	shalt  }
0x57: {  	_ =	shalt  }
0x58: {  	_ =	shalt  }
0x59: {  	_ =	shalt  }
0x5a: {  	_ =	shalt  }
0x5b: {  	_ =	shalt  }
0x5c: {  	_ =	shalt  }
0x5d: {  	_ =	shalt  }
0x5e: {  	_ =	shalt  }
0x5f: {  	_ =	shalt  }
0x60: {  	_ =	shalt  }
0x61: {  	_ =	shalt  }
0x62: {  	_ =	shalt  }
0x63: {  	_ =	shalt  }
0x64: {  	_ =	shalt  }
0x65: {  	_ =	shalt  }
0x66: {  	_ =	shalt  }
0x67: {  	_ =	shalt  }
0x68: {  	_ =	shalt  }
0x69: {  	_ =	shalt  }
0x6a: {  	_ =	shalt  }
0x6b: {  	_ =	shalt  }
0x6c: {  	_ =	shalt  }
0x6d: {  	_ =	shalt  }
0x6e: {  	_ =	shalt  }
0x6f: {  	_ =	shalt  }
0x70: {  	_ =	shalt  }
0x71: {  	_ =	shalt  }
0x72: {  	_ =	shalt  }
0x73: {  	_ =	shalt  }
0x74: {  	_ =	shalt  }
0x75: {  	_ =	shalt  }
0x76: {  	_ =	shalt  }
0x77: {  	_ =	shalt  }
0x78: {  	_ =	shalt  }
0x79: {  	_ =	shalt  }
0x7a: {  	_ =	shalt  }
0x7b: {  	_ =	shalt  }
0x7c: {  	_ =	shalt  }
0x7d: {  	_ =	shalt  }
0x7e: {  	_ =	shalt  }
0x7f: {  	_ =	shalt  }
0x80: {  	_ =	shalt  }
0x81: {  	_ =	shalt  }
0x82: {  	_ =	shalt  }
0x83: {  	_ =	shalt  }
0x84: {  	_ =	shalt  }
0x85: {  	_ =	shalt  }
0x86: {  	_ =	shalt  }
0x87: {  	_ =	shalt  }
.Lfunc_end0:
.L_simem_size_0:
called_computation.1_lowered:
.L_overlay_start_0:
0x88: {  	s2 =	sld [smem:$0x3FD9]  }
0x89: {  	s3 =	sld [smem:$0x3FFE];
	_ =	sdelay $0x1  }
0x8a: {  	s1 =	srdreg.scid  }
0x8b: {  	s0 =	sand.u32 $0x1, s1  }
0x8c: {  	s17 =	sshll.u32 s0, $0xA;
	s2 =	sadd.s32 s3, s2  }
0x8d: {  	s2 =	sadd.s32 s2, s17  }
0x8e: {  	[smem:$0x3FBC] =	sst s2  }
0x8f: {  	_ = 	snop  }
0x90: {  	s2 =	sld [smem:$0x3FD0];
	(tm) =	ssettm $0x1  }
0x91: {  	s18 =	sld [smem:$0x3FFB];
	_ =	sdelay $0x3  }
0x92: {  	_ =	strace s18  }
0x93: {  	s3 =	sld [smem:$0x3FFC];
	_ =	sdelay $0x3  }
0x94: {  	_ =	strace s3  }
0x95: {  	s3 =	sld [smem:$0x3FFD];
	_ =	sdelay $0x3  }
0x96: {  	_ =	strace s3  }
0x97: {  	_ =	strace $0x8FFFFFFF  }
0x98: {  	s19 =	sld [smem:$0x3FDB];
	_ =	sdelay $0x1  }
0x99: {  	s4 =	simm.s32 $_scs_section_size  }
0x9a: {  	s5 =	simm.s32 $_size__tile_overlayer_lowered;
	s6 =	simm.s32 $_tile_overlayer_lowered  }
0x9b: {  	s22 =	simm.s32 $0x1BFF;
	s21 =	sshll.u32 s6, $0x1;
	s3 =	sadd.s32 s4, s19  }
0x9c: {  	s7 =	simm.s32 $0x0;
	s20 =	sshll.u32 s5, $0x1;
	s5 =	sadd.s32 s21, s3  }
0x9d: {  	[timem:s7], [sflag:s22] =	dma.local [hbm:s5], s20  }
0x9e: {  	_ =	swait.ge [sflag:s22], s20  }
0x9f: {  	s4 =	ssub.s32 $0x0, s20;
	[sflag:s22] =	ssyncset.done $0x0  }
0xa0: {  	[sflag:s22] =	ssyncadd.s32 s4;
	_ =	sdelay $0x1  }
0xa1: {  	s23 =	simm.s32 $0x1B8B  }
0xa2: {  	_ =	swait.ge [sflag:s23], $0x1  }
0xa3: {  	[sflag:s23] =	ssyncset.done $0x0  }
0xa4: {  	s25 =	simm.s32 $0x1B8E;
	s24 =	sld [smem:$0x3FFE];
	[sflag:s23] =	ssyncadd.s32 $0xFFFFFFFF  }
0xa5: {  	s26 =	simm.s32 $execute0_lowered;
	[smem:$0x3FD2] =	sst s25  }
0xa6: {  	s5 =	sshll.u32 s26, $0x1;
	_ =	strace $0x80000049;
	[dreg:$0x1] =	wrdreg $0xFFFFFFFF  }
0xa7: {  	s28 =	simm.s32 $_size_execute0_lowered;
	s3 =	sadd.s32 s3, s5;
	[dreg:$0x0] =	wrdreg $0x0  }
0xa8: {  	s5 =	sshll.u32 s28, $0x1;
	[dreg:$0x2] =	wrdreg s3  }
0xa9: {  	[dreg:$0x3] =	wrdreg s5  }
0xaa: {  	[dreg:$0x4] =	wrdreg $0xC0  }
0xab: {  	_ =	task [dreg:s7], $0x5FFFF  }
0xac: {  	[dreg:$0x1] =	wrdreg $0xFFFFFFFF  }
0xad: {  	[dreg:$0x0] =	wrdreg $0x60  }
0xae: {  	[dreg:$0x2] =	wrdreg s24  }
0xaf: {  	[dreg:$0x3] =	wrdreg s2  }
0xb0: {  	[dreg:$0x4] =	wrdreg $0x90000  }
0xb1: {  	[dreg:$0x5] =	wrdreg $0x9  }
0xb2: {  	_ =	task.clear_ibuf [dreg:s7], $0x6FFFF;
	_ =	strace $0x90000049  }
0xb3: {  	s29 =	simm.s32 $0x9;
	_ =	strace $0x8000004B  }
0xb4: {  	_ =	swait.ge [sflag:s29], $0x1  }
0xb5: {  	[sflag:s29] =	ssyncadd.s32 $0xFFFFFFFF  }
0xb6: {  	_ =	strace $0x9000004B  }
0xb7: {  	_ =	sfence  }
0xb8: {  	s30 =	sld [smem:$0x0];
	_ =	sdelay $0x2  }
0xb9: {  	s31 =	sshll.u32 s1, $0xD;
	s1 =	sshrl.u32 s1, $0x2  }
0xba: {  	s3 =	sand.u32 $0x4000, s31;
	s1 =	sadd.s32 s1, s30  }
0xbb: {  	s0 =	sor.u32 s3, s0;
	s1 =	sshll.u32 s1, $0x11  }
0xbc: {  	s0 =	sor.u32 s1, s0  }
0xbd: {  	s0 =	sadd.s32 $0x8F2B, s0  }
0xbe: {  	[sflag:s0] =	ssyncadd.remote.s32 $0x1  }
0xbf: {  	_ =	sfence.sel $0xFFFF  }
0xc0: {  	[dreg:$0x0] =	wrdreg $0xFFFFFFFF;
	(pc) =	sbr.abs _section_cstart, $3  }
0xc1: {  	[dreg:$0x1] =	wrdreg $0xFFFFFFFF  }
0xc2: {  	_ =	task.clear_ibuf [dreg:s7], $0x2FFFF;
	_ =	strace $0x9FFFFFFF  }
0xc3: {  	(tm) =	ssettm $0x7FFFFFFF  }
tec
execute0_lowered:
.L_overlay_start_1:
0x0: {  	(tag) =	ssettag $0x1  }
0x1: {  	s8 =	rddreg [dreg:$0x0]  }
0x2: {  	s2 =	rddreg [dreg:$0x1]  }
0x3: {  	s3 =	rddreg [dreg:$0x2]  }
0x4: {  	s1 =	stileid.u32;
	s4 =	simm.s32 $0x0;
	s5 =	srdreg.scid  }
0x5: {  	s16 =	simm.s32 $0x800;
	s17 =	simm.s32 $0x80;
	s18 =	simm.s32 $0x1000  }
0x6: {  	s19 =	simm.s32 $0x5000;
	s20 =	simm.s32 $0x2;
	s21 =	simm.s32 $0x3  }
0x7: {  	s22 =	simm.s32 $0x1;
	s23 =	simm.s32 $0x0;
	s7 =	smul.u32 $0x13C00, s1  }
0x8: {  	[smem:$0x7FF] =	sst s4;
	s9 =	sand.u32 $0x1, s5;
	s5 =	sadd.s32 $0x2A600, s8  }
0x9: {  	s6 =	sadd.s32 $0x79E00, s8;
	s26 =	smul.u32 $0x4F000, s1;
	s30 =	sshll.u32 s1, $0x6  }
0xa: {  	_ =	strace $0x8000004A;
	s11 =	smul.u32 $0x13C000, s9;
	s12 =	sshll.u32 s9, $0x4  }
0xb: {  	s9 =	ssub.s32 $0x2, s9;
	s10 =	sshrl.u32 s7, $0x3;
	s28 =	sor.u32 s1, s12  }
0xc: {  	s29 =	sshrl.u32 s9, $0x1;
	s10 =	sadd.s32 s10, s8;
	s7 =	sadd.s32 s7, s11  }
0xd: {  	s11 =	sshrl.u32 s26, $0x2;
	s13 =	sshrl.u32 s7, $0x3;
	s7 =	smul.u32 $0x2800, s28  }
0xe: {  	s14 =	ssub.s32 s9, s29;
	s9 =	sor.u32 $0x1C04, s30;
	s15 =	sadd.s32 s11, s3  }
0xf: {  	s13 =	sadd.s32 s13, s8;
	s8 =	sadd.s32 $0x2E00, s10;
	s31 =	sshrl.u32 s7, $0x3  }
0x10: {  	s12 =	sadd.s32 $0x83E00, s13;
	s13 =	smax.u32 s14, $0x1;
	s14 =	sshrl.u32 s15, $0x3  }
0x11: {  	s15 =	simm.s32 $0x4;
	s10 =	sadd.s32 s6, s31;
	s11 =	sadd.s32 s2, s31  }
.LBB2_1:
0x12: {  	[spmem:s14], [sflag:s9] =	dma.local [hbm:s8], $0x2780  }
0x13: {  	_ =	swait.ge [sflag:s15], $0x2780  }
0x14: {  	[sflag:s15] =	ssyncset.done $0x0  }
0x15: {  	[sflag:s15] =	ssyncadd.s32 $0xFFFFD880  }
0x16: {  	[tilespmem:s4], [sflag:$0x4] =	stream.linear.gather [hbm4b:s10+s4], $0x400, $0x38;
	[tilespmem:$0x1CC00] =	vst v63  }
0x17: {  	_ =	swait.ge [sflag:s15], $0x400  }
0x18: {  	[sflag:s15] =	ssyncset.done $0x0  }
0x19: {  	[sflag:s15] =	ssyncadd.s32 $0xFFFFFC00  }
0x1a: {  	[tilespmem:s16], [sflag:$0x4] =	stream.linear.gather [hbm4b:s11+s4], $0x400, $0x38;
	[tilespmem:$0x1CC00] =	vst v63  }
0x1b: {  	s24 =	smin.u32 s22, $0x9;
	_ =	swait.ge [sflag:s15], $0x400  }
0x1c: {  	s24 =	sshll.u32 s24, $0xA;
	[sflag:s15] =	ssyncset.done $0x0  }
0x1d: {  	s24 =	sadd.s32 s7, s24;
	[sflag:s15] =	ssyncadd.s32 $0xFFFFFC00  }
0x1e: {  	s25 =	simm.s32 $0x400;
	s28 =	sshrl.u32 s24, $0x3;
	[bflag:$0x0] =	sbarrier.arrive $0xFFFF  }
0x1f: {  	[tilespmem:s18], [sflag:$0x2] =	stream.indirect.gather [hbm4b:s5+s17], $0x80, s4, s17, $0xb8;
	[tilespmem:$0x1CC00] =	vst v63  }
0x20: {  	s24 =	sand.u32 $0x400, s25;
	s26 =	sadd.s32 s6, s28  }
0x21: {  	[tilespmem:s24], [sflag:$0x1] =	stream.linear.gather [hbm4b:s26+s4], $0x400, $0x38;
	[tilespmem:$0x1CC00] =	vst v63  }
0x22: {  	s29 =	sor.u32 $0x800, s24;
	s28 =	sadd.s32 s2, s28;
	s26 =	sand.u32 $0x400, s4  }
0x23: {  	[tilespmem:s29], [sflag:$0x1] =	stream.linear.gather [hbm4b:s28+s4], $0x400, $0x38;
	[tilespmem:$0x1CC00] =	vst v63  }
0x24: {  	s31 =	sor.u32 $0x80, s26  }
0x25: {  	[tilespmem:s19], [sflag:$0x3] =	stream.indirect.gather [hbm4b:s5+s17], $0x80, s31, s17, $0xb8;
	[tilespmem:$0x1CC00] =	vst v63  }
0x26: {  	_ =	swait.ge [sflag:s20], $0x4000  }
0x27: {  	[sflag:s20] =	ssyncset.done $0x0  }
0x28: {  	s0 =	sor.u32 $0x800, s26;
	[sflag:s20] =	ssyncadd.s32 $0xFFFFC000  }
0x29: {  	[spmem:s3] =	stream.indirect.scatter.add.f32 [tilespmem:s18], [sflag:$0x4], $0x80, s0, s17, $0xb8;
	[tilespmem:$0x1CC00] =	vst v63  }
0x2a: {  	_ =	swait.ge [sflag:s15], $0x4000  }
0x2b: {  	[sflag:s15] =	ssyncset.done $0x0  }
0x2c: {  	s29 =	sor.u32 $0x100, s26;
	[sflag:s15] =	ssyncadd.s32 $0xFFFFC000  }
0x2d: {  	[tilespmem:s18], [sflag:$0x2] =	stream.indirect.gather [hbm4b:s5+s17], $0x80, s29, s17, $0xb8;
	[tilespmem:$0x1CC00] =	vst v63  }
0x2e: {  	_ =	swait.ge [sflag:s21], $0x4000  }
0x2f: {  	[sflag:s21] =	ssyncset.done $0x0  }
0x30: {  	s31 =	sor.u32 $0x880, s26;
	[sflag:s21] =	ssyncadd.s32 $0xFFFFC000  }
0x31: {  	[spmem:s3] =	stream.indirect.scatter.add.f32 [tilespmem:s19], [sflag:$0x4], $0x80, s31, s17, $0xb8;
	[tilespmem:$0x1CC00] =	vst v63  }
0x32: {  	_ =	swait.ge [sflag:s15], $0x4000  }
0x33: {  	[sflag:s15] =	ssyncset.done $0x0  }
0x34: {  	s0 =	sor.u32 $0x180, s26;
	[sflag:s15] =	ssyncadd.s32 $0xFFFFC000  }
0x35: {  	[tilespmem:s19], [sflag:$0x3] =	stream.indirect.gather [hbm4b:s5+s17], $0x80, s0, s17, $0xb8;
	[tilespmem:$0x1CC00] =	vst v63  }
0x36: {  	_ =	swait.ge [sflag:s20], $0x4000  }
0x37: {  	[sflag:s20] =	ssyncset.done $0x0  }
0x38: {  	s29 =	sor.u32 $0x900, s26;
	[sflag:s20] =	ssyncadd.s32 $0xFFFFC000  }
0x39: {  	[spmem:s3] =	stream.indirect.scatter.add.f32 [tilespmem:s18], [sflag:$0x4], $0x80, s29, s17, $0xb8;
	[tilespmem:$0x1CC00] =	vst v63  }
0x3a: {  	_ =	swait.ge [sflag:s15], $0x4000  }
0x3b: {  	[sflag:s15] =	ssyncset.done $0x0  }
0x3c: {  	s31 =	sor.u32 $0x200, s26;
	[sflag:s15] =	ssyncadd.s32 $0xFFFFC000  }
0x3d: {  	[tilespmem:s18], [sflag:$0x2] =	stream.indirect.gather [hbm4b:s5+s17], $0x80, s31, s17, $0xb8;
	[tilespmem:$0x1CC00] =	vst v63  }
0x3e: {  	_ =	swait.ge [sflag:s21], $0x4000  }
0x3f: {  	[sflag:s21] =	ssyncset.done $0x0  }
0x40: {  	s0 =	sor.u32 $0x980, s26;
	[sflag:s21] =	ssyncadd.s32 $0xFFFFC000  }
0x41: {  	[spmem:s3] =	stream.indirect.scatter.add.f32 [tilespmem:s19], [sflag:$0x4], $0x80, s0, s17, $0xb8;
	[tilespmem:$0x1CC00] =	vst v63  }
0x42: {  	_ =	swait.ge [sflag:s15], $0x4000  }
0x43: {  	[sflag:s15] =	ssyncset.done $0x0  }
0x44: {  	s29 =	sor.u32 $0x280, s26;
	[sflag:s15] =	ssyncadd.s32 $0xFFFFC000  }
0x45: {  	[tilespmem:s19], [sflag:$0x3] =	stream.indirect.gather [hbm4b:s5+s17], $0x80, s29, s17, $0xb8;
	[tilespmem:$0x1CC00] =	vst v63  }
0x46: {  	_ =	swait.ge [sflag:s20], $0x4000  }
0x47: {  	[sflag:s20] =	ssyncset.done $0x0  }
0x48: {  	s31 =	sor.u32 $0xA00, s26;
	[sflag:s20] =	ssyncadd.s32 $0xFFFFC000  }
0x49: {  	[spmem:s3] =	stream.indirect.scatter.add.f32 [tilespmem:s18], [sflag:$0x4], $0x80, s31, s17, $0xb8;
	[tilespmem:$0x1CC00] =	vst v63  }
0x4a: {  	_ =	swait.ge [sflag:s15], $0x4000  }
0x4b: {  	[sflag:s15] =	ssyncset.done $0x0  }
0x4c: {  	s0 =	sor.u32 $0x300, s26;
	[sflag:s15] =	ssyncadd.s32 $0xFFFFC000  }
0x4d: {  	[tilespmem:s18], [sflag:$0x2] =	stream.indirect.gather [hbm4b:s5+s17], $0x80, s0, s17, $0xb8;
	[tilespmem:$0x1CC00] =	vst v63  }
0x4e: {  	_ =	swait.ge [sflag:s21], $0x4000  }
0x4f: {  	[sflag:s21] =	ssyncset.done $0x0  }
0x50: {  	s29 =	sor.u32 $0xA80, s26;
	[sflag:s21] =	ssyncadd.s32 $0xFFFFC000  }
0x51: {  	[spmem:s3] =	stream.indirect.scatter.add.f32 [tilespmem:s19], [sflag:$0x4], $0x80, s29, s17, $0xb8;
	[tilespmem:$0x1CC00] =	vst v63  }
0x52: {  	_ =	swait.ge [sflag:s15], $0x4000  }
0x53: {  	[sflag:s15] =	ssyncset.done $0x0  }
0x54: {  	s31 =	sor.u32 $0x380, s26;
	[sflag:s15] =	ssyncadd.s32 $0xFFFFC000  }
0x55: {  	[tilespmem:s19], [sflag:$0x3] =	stream.indirect.gather [hbm4b:s5+s17], $0x80, s31, s17, $0xb8;
	[tilespmem:$0x1CC00] =	vst v63  }
0x56: {  	_ =	swait.ge [sflag:s20], $0x4000  }
0x57: {  	[sflag:s20] =	ssyncset.done $0x0  }
0x58: {  	s0 =	sor.u32 $0xB00, s26;
	[sflag:s20] =	ssyncadd.s32 $0xFFFFC000  }
0x59: {  	[spmem:s3] =	stream.indirect.scatter.add.f32 [tilespmem:s18], [sflag:$0x4], $0x80, s0, s17, $0xb8;
	[tilespmem:$0x1CC00] =	vst v63  }
0x5a: {  	_ =	swait.ge [sflag:s15], $0x4000  }
0x5b: {  	[sflag:s15] =	ssyncset.done $0x0  }
0x5c: {  	[sflag:s15] =	ssyncadd.s32 $0xFFFFC000  }
0x5d: {  	_ =	swait.ge [sflag:s22], $0x400  }
0x5e: {  	[sflag:s22] =	ssyncset.done $0x0  }
0x5f: {  	[sflag:s22] =	ssyncadd.s32 $0xFFFFFC00  }
0x60: {  	_ =	swait.ge [sflag:s22], $0x400  }
0x61: {  	[sflag:s22] =	ssyncset.done $0x0  }
0x62: {  	[sflag:s22] =	ssyncadd.s32 $0xFFFFFC00  }
0x63: {  	[tilespmem:s18], [sflag:$0x2] =	stream.indirect.gather [hbm4b:s5+s17], $0x80, s24, s17, $0xb8;
	[tilespmem:$0x1CC00] =	vst v63  }
0x64: {  	_ =	swait.ge [sflag:s21], $0x4000  }
0x65: {  	s29 =	simm.s32 $0x2;
	[sflag:s21] =	ssyncset.done $0x0  }
0x66: {  	s26 =	sor.u32 $0xB80, s26;
	s28 =	smin.u32 s29, $0x9;
	[sflag:s21] =	ssyncadd.s32 $0xFFFFC000  }
0x67: {  	[spmem:s3] =	stream.indirect.scatter.add.f32 [tilespmem:s19], [sflag:$0x4], $0x80, s26, s17, $0xb8;
	[tilespmem:$0x1CC00] =	vst v63  }
0x68: {  	s31 =	sshll.u32 s28, $0xA;
	_ =	swait.ge [sflag:s15], $0x4000  }
0x69: {  	s30 =	simm.s32 $0x3;
	s26 =	sadd.s32 s7, s31;
	[sflag:s15] =	ssyncset.done $0x0  }
.LBB2_2:
0x6a: {  	s25 =	sadd.s32 $0x400, s25  }
0x6b: {  	s31 =	sshrl.u32 s26, $0x3;
	[sflag:s15] =	ssyncadd.s32 $0xFFFFC000;
	s29 =	smov.u32 s30  }
0x6c: {  	s26 =	sand.u32 $0x400, s25;
	s28 =	sadd.s32 s6, s31  }
0x6d: {  	[tilespmem:s26], [sflag:$0x1] =	stream.linear.gather [hbm4b:s28+s4], $0x400, $0x38;
	[tilespmem:$0x1CC00] =	vst v63  }
0x6e: {  	s31 =	sadd.s32 s2, s31;
	s28 =	sadd.s32 $0x1, s30;
	s0 =	sor.u32 $0x800, s26  }
0x6f: {  	[tilespmem:s0], [sflag:$0x1] =	stream.linear.gather [hbm4b:s31+s4], $0x400, $0x38;
	[tilespmem:$0x1CC00] =	vst v63  }
0x70: {  	p0 =	sne.s32 s30, $0xA;
	s0 =	sor.u32 $0x80, s24  }
0x71: {  	[tilespmem:s19], [sflag:$0x3] =	stream.indirect.gather [hbm4b:s5+s17], $0x80, s0, s17, $0xb8;
	[tilespmem:$0x1CC00] =	vst v63  }
0x72: {  	_ =	swait.ge [sflag:s20], $0x4000  }
0x73: {  	[sflag:s20] =	ssyncset.done $0x0  }
0x74: {  	s0 =	sor.u32 $0x800, s24;
	[sflag:s20] =	ssyncadd.s32 $0xFFFFC000  }
0x75: {  	[spmem:s3] =	stream.indirect.scatter.add.f32 [tilespmem:s18], [sflag:$0x4], $0x80, s0, s17, $0xb8;
	[tilespmem:$0x1CC00] =	vst v63  }
0x76: {  	_ =	swait.ge [sflag:s15], $0x4000  }
0x77: {  	[sflag:s15] =	ssyncset.done $0x0  }
0x78: {  	s0 =	sor.u32 $0x100, s24;
	[sflag:s15] =	ssyncadd.s32 $0xFFFFC000  }
0x79: {  	[tilespmem:s18], [sflag:$0x2] =	stream.indirect.gather [hbm4b:s5+s17], $0x80, s0, s17, $0xb8;
	[tilespmem:$0x1CC00] =	vst v63  }
0x7a: {  	_ =	swait.ge [sflag:s21], $0x4000  }
0x7b: {  	[sflag:s21] =	ssyncset.done $0x0  }
0x7c: {  	s0 =	sor.u32 $0x880, s24;
	[sflag:s21] =	ssyncadd.s32 $0xFFFFC000  }
0x7d: {  	[spmem:s3] =	stream.indirect.scatter.add.f32 [tilespmem:s19], [sflag:$0x4], $0x80, s0, s17, $0xb8;
	[tilespmem:$0x1CC00] =	vst v63  }
0x7e: {  	_ =	swait.ge [sflag:s15], $0x4000  }
0x7f: {  	[sflag:s15] =	ssyncset.done $0x0  }
0x80: {  	s0 =	sor.u32 $0x180, s24;
	[sflag:s15] =	ssyncadd.s32 $0xFFFFC000  }
0x81: {  	[tilespmem:s19], [sflag:$0x3] =	stream.indirect.gather [hbm4b:s5+s17], $0x80, s0, s17, $0xb8;
	[tilespmem:$0x1CC00] =	vst v63  }
0x82: {  	_ =	swait.ge [sflag:s20], $0x4000  }
0x83: {  	[sflag:s20] =	ssyncset.done $0x0  }
0x84: {  	s0 =	sor.u32 $0x900, s24;
	[sflag:s20] =	ssyncadd.s32 $0xFFFFC000  }
0x85: {  	[spmem:s3] =	stream.indirect.scatter.add.f32 [tilespmem:s18], [sflag:$0x4], $0x80, s0, s17, $0xb8;
	[tilespmem:$0x1CC00] =	vst v63  }
0x86: {  	_ =	swait.ge [sflag:s15], $0x4000  }
0x87: {  	[sflag:s15] =	ssyncset.done $0x0  }
0x88: {  	s0 =	sor.u32 $0x200, s24;
	[sflag:s15] =	ssyncadd.s32 $0xFFFFC000  }
0x89: {  	[tilespmem:s18], [sflag:$0x2] =	stream.indirect.gather [hbm4b:s5+s17], $0x80, s0, s17, $0xb8;
	[tilespmem:$0x1CC00] =	vst v63  }
0x8a: {  	_ =	swait.ge [sflag:s21], $0x4000  }
0x8b: {  	[sflag:s21] =	ssyncset.done $0x0  }
0x8c: {  	s0 =	sor.u32 $0x980, s24;
	[sflag:s21] =	ssyncadd.s32 $0xFFFFC000  }
0x8d: {  	[spmem:s3] =	stream.indirect.scatter.add.f32 [tilespmem:s19], [sflag:$0x4], $0x80, s0, s17, $0xb8;
	[tilespmem:$0x1CC00] =	vst v63  }
0x8e: {  	_ =	swait.ge [sflag:s15], $0x4000  }
0x8f: {  	[sflag:s15] =	ssyncset.done $0x0  }
0x90: {  	s0 =	sor.u32 $0x280, s24;
	[sflag:s15] =	ssyncadd.s32 $0xFFFFC000  }
0x91: {  	[tilespmem:s19], [sflag:$0x3] =	stream.indirect.gather [hbm4b:s5+s17], $0x80, s0, s17, $0xb8;
	[tilespmem:$0x1CC00] =	vst v63  }
0x92: {  	_ =	swait.ge [sflag:s20], $0x4000  }
0x93: {  	[sflag:s20] =	ssyncset.done $0x0  }
0x94: {  	s0 =	sor.u32 $0xA00, s24;
	[sflag:s20] =	ssyncadd.s32 $0xFFFFC000  }
0x95: {  	[spmem:s3] =	stream.indirect.scatter.add.f32 [tilespmem:s18], [sflag:$0x4], $0x80, s0, s17, $0xb8;
	[tilespmem:$0x1CC00] =	vst v63  }
0x96: {  	_ =	swait.ge [sflag:s15], $0x4000  }
0x97: {  	[sflag:s15] =	ssyncset.done $0x0  }
0x98: {  	s0 =	sor.u32 $0x300, s24;
	[sflag:s15] =	ssyncadd.s32 $0xFFFFC000  }
0x99: {  	[tilespmem:s18], [sflag:$0x2] =	stream.indirect.gather [hbm4b:s5+s17], $0x80, s0, s17, $0xb8;
	[tilespmem:$0x1CC00] =	vst v63  }
0x9a: {  	_ =	swait.ge [sflag:s21], $0x4000  }
0x9b: {  	[sflag:s21] =	ssyncset.done $0x0  }
0x9c: {  	s0 =	sor.u32 $0xA80, s24;
	[sflag:s21] =	ssyncadd.s32 $0xFFFFC000  }
0x9d: {  	[spmem:s3] =	stream.indirect.scatter.add.f32 [tilespmem:s19], [sflag:$0x4], $0x80, s0, s17, $0xb8;
	[tilespmem:$0x1CC00] =	vst v63  }
0x9e: {  	_ =	swait.ge [sflag:s15], $0x4000  }
0x9f: {  	[sflag:s15] =	ssyncset.done $0x0  }
0xa0: {  	s0 =	sor.u32 $0x380, s24;
	[sflag:s15] =	ssyncadd.s32 $0xFFFFC000  }
0xa1: {  	[tilespmem:s19], [sflag:$0x3] =	stream.indirect.gather [hbm4b:s5+s17], $0x80, s0, s17, $0xb8;
	[tilespmem:$0x1CC00] =	vst v63  }
0xa2: {  	_ =	swait.ge [sflag:s20], $0x4000  }
0xa3: {  	[sflag:s20] =	ssyncset.done $0x0  }
0xa4: {  	s0 =	sor.u32 $0xB00, s24;
	[sflag:s20] =	ssyncadd.s32 $0xFFFFC000  }
0xa5: {  	[spmem:s3] =	stream.indirect.scatter.add.f32 [tilespmem:s18], [sflag:$0x4], $0x80, s0, s17, $0xb8;
	[tilespmem:$0x1CC00] =	vst v63  }
0xa6: {  	_ =	swait.ge [sflag:s15], $0x4000  }
0xa7: {  	[sflag:s15] =	ssyncset.done $0x0  }
0xa8: {  	[sflag:s15] =	ssyncadd.s32 $0xFFFFC000  }
0xa9: {  	_ =	swait.ge [sflag:s22], $0x400  }
0xaa: {  	[sflag:s22] =	ssyncset.done $0x0  }
0xab: {  	[sflag:s22] =	ssyncadd.s32 $0xFFFFFC00  }
0xac: {  	_ =	swait.ge [sflag:s22], $0x400  }
0xad: {  	[sflag:s22] =	ssyncset.done $0x0  }
0xae: {  	[sflag:s22] =	ssyncadd.s32 $0xFFFFFC00  }
0xaf: {  	[tilespmem:s18], [sflag:$0x2] =	stream.indirect.gather [hbm4b:s5+s17], $0x80, s26, s17, $0xb8;
	[tilespmem:$0x1CC00] =	vst v63  }
0xb0: {  	_ =	swait.ge [sflag:s21], $0x4000  }
.Ltmp0:
0xb1: {  	[sflag:s21] =	ssyncset.done $0x0;
	(pc) =	sbr.rel @p0 .LBB2_2-.Ltmp0, $4  }
0xb2: {  	s24 =	sor.u32 $0xB80, s24;
	s0 =	smin.u32 s29, $0x9;
	[sflag:s21] =	ssyncadd.s32 $0xFFFFC000  }
0xb3: {  	[spmem:s3] =	stream.indirect.scatter.add.f32 [tilespmem:s19], [sflag:$0x4], $0x80, s24, s17, $0xb8;
	[tilespmem:$0x1CC00] =	vst v63  }
0xb4: {  	s0 =	sshll.u32 s0, $0xA;
	s24 =	smov.u32 s26;
	_ =	swait.ge [sflag:s15], $0x4000  }
0xb5: {  	s30 =	smov.u32 s28;
	s26 =	sadd.s32 s7, s0;
	[sflag:s15] =	ssyncset.done $0x0  }
0xb6: {  	s0 =	sadd.s32 $0x400, s25;
	s26 =	sshrl.u32 s26, $0x3  }
0xb7: {  	[sflag:s15] =	ssyncadd.s32 $0xFFFFC000;
	s25 =	sand.u32 $0x400, s0;
	s30 =	sadd.s32 s6, s26  }
0xb8: {  	[tilespmem:s25], [sflag:$0x1] =	stream.linear.gather [hbm4b:s30+s4], $0x400, $0x38;
	[tilespmem:$0x1CC00] =	vst v63  }
0xb9: {  	s26 =	sadd.s32 s2, s26;
	s31 =	sor.u32 $0x800, s25  }
0xba: {  	[tilespmem:s31], [sflag:$0x1] =	stream.linear.gather [hbm4b:s26+s4], $0x400, $0x38;
	[tilespmem:$0x1CC00] =	vst v63  }
0xbb: {  	s26 =	sor.u32 $0x80, s24  }
0xbc: {  	[tilespmem:s19], [sflag:$0x3] =	stream.indirect.gather [hbm4b:s5+s17], $0x80, s26, s17, $0xb8;
	[tilespmem:$0x1CC00] =	vst v63  }
0xbd: {  	_ =	swait.ge [sflag:s20], $0x4000  }
0xbe: {  	[sflag:s20] =	ssyncset.done $0x0  }
0xbf: {  	s28 =	sor.u32 $0x800, s24;
	[sflag:s20] =	ssyncadd.s32 $0xFFFFC000  }
0xc0: {  	[spmem:s3] =	stream.indirect.scatter.add.f32 [tilespmem:s18], [sflag:$0x4], $0x80, s28, s17, $0xb8;
	[tilespmem:$0x1CC00] =	vst v63  }
0xc1: {  	_ =	swait.ge [sflag:s15], $0x4000  }
0xc2: {  	[sflag:s15] =	ssyncset.done $0x0  }
0xc3: {  	s29 =	sor.u32 $0x100, s24;
	[sflag:s15] =	ssyncadd.s32 $0xFFFFC000  }
0xc4: {  	[tilespmem:s18], [sflag:$0x2] =	stream.indirect.gather [hbm4b:s5+s17], $0x80, s29, s17, $0xb8;
	[tilespmem:$0x1CC00] =	vst v63  }
0xc5: {  	_ =	swait.ge [sflag:s21], $0x4000  }
0xc6: {  	[sflag:s21] =	ssyncset.done $0x0  }
0xc7: {  	s30 =	sor.u32 $0x880, s24;
	[sflag:s21] =	ssyncadd.s32 $0xFFFFC000  }
0xc8: {  	[spmem:s3] =	stream.indirect.scatter.add.f32 [tilespmem:s19], [sflag:$0x4], $0x80, s30, s17, $0xb8;
	[tilespmem:$0x1CC00] =	vst v63  }
0xc9: {  	_ =	swait.ge [sflag:s15], $0x4000  }
0xca: {  	[sflag:s15] =	ssyncset.done $0x0  }
0xcb: {  	s31 =	sor.u32 $0x180, s24;
	[sflag:s15] =	ssyncadd.s32 $0xFFFFC000  }
0xcc: {  	[tilespmem:s19], [sflag:$0x3] =	stream.indirect.gather [hbm4b:s5+s17], $0x80, s31, s17, $0xb8;
	[tilespmem:$0x1CC00] =	vst v63  }
0xcd: {  	_ =	swait.ge [sflag:s20], $0x4000  }
0xce: {  	[sflag:s20] =	ssyncset.done $0x0  }
0xcf: {  	s26 =	sor.u32 $0x900, s24;
	[sflag:s20] =	ssyncadd.s32 $0xFFFFC000  }
0xd0: {  	[spmem:s3] =	stream.indirect.scatter.add.f32 [tilespmem:s18], [sflag:$0x4], $0x80, s26, s17, $0xb8;
	[tilespmem:$0x1CC00] =	vst v63  }
0xd1: {  	_ =	swait.ge [sflag:s15], $0x4000  }
0xd2: {  	[sflag:s15] =	ssyncset.done $0x0  }
0xd3: {  	s28 =	sor.u32 $0x200, s24;
	[sflag:s15] =	ssyncadd.s32 $0xFFFFC000  }
0xd4: {  	[tilespmem:s18], [sflag:$0x2] =	stream.indirect.gather [hbm4b:s5+s17], $0x80, s28, s17, $0xb8;
	[tilespmem:$0x1CC00] =	vst v63  }
0xd5: {  	_ =	swait.ge [sflag:s21], $0x4000  }
0xd6: {  	[sflag:s21] =	ssyncset.done $0x0  }
0xd7: {  	s29 =	sor.u32 $0x980, s24;
	[sflag:s21] =	ssyncadd.s32 $0xFFFFC000  }
0xd8: {  	[spmem:s3] =	stream.indirect.scatter.add.f32 [tilespmem:s19], [sflag:$0x4], $0x80, s29, s17, $0xb8;
	[tilespmem:$0x1CC00] =	vst v63  }
0xd9: {  	_ =	swait.ge [sflag:s15], $0x4000  }
0xda: {  	[sflag:s15] =	ssyncset.done $0x0  }
0xdb: {  	s30 =	sor.u32 $0x280, s24;
	[sflag:s15] =	ssyncadd.s32 $0xFFFFC000  }
0xdc: {  	[tilespmem:s19], [sflag:$0x3] =	stream.indirect.gather [hbm4b:s5+s17], $0x80, s30, s17, $0xb8;
	[tilespmem:$0x1CC00] =	vst v63  }
0xdd: {  	_ =	swait.ge [sflag:s20], $0x4000  }
0xde: {  	[sflag:s20] =	ssyncset.done $0x0  }
0xdf: {  	s31 =	sor.u32 $0xA00, s24;
	[sflag:s20] =	ssyncadd.s32 $0xFFFFC000  }
0xe0: {  	[spmem:s3] =	stream.indirect.scatter.add.f32 [tilespmem:s18], [sflag:$0x4], $0x80, s31, s17, $0xb8;
	[tilespmem:$0x1CC00] =	vst v63  }
0xe1: {  	_ =	swait.ge [sflag:s15], $0x4000  }
0xe2: {  	[sflag:s15] =	ssyncset.done $0x0  }
0xe3: {  	s26 =	sor.u32 $0x300, s24;
	[sflag:s15] =	ssyncadd.s32 $0xFFFFC000  }
0xe4: {  	[tilespmem:s18], [sflag:$0x2] =	stream.indirect.gather [hbm4b:s5+s17], $0x80, s26, s17, $0xb8;
	[tilespmem:$0x1CC00] =	vst v63  }
0xe5: {  	_ =	swait.ge [sflag:s21], $0x4000  }
0xe6: {  	[sflag:s21] =	ssyncset.done $0x0  }
0xe7: {  	s28 =	sor.u32 $0xA80, s24;
	[sflag:s21] =	ssyncadd.s32 $0xFFFFC000  }
0xe8: {  	[spmem:s3] =	stream.indirect.scatter.add.f32 [tilespmem:s19], [sflag:$0x4], $0x80, s28, s17, $0xb8;
	[tilespmem:$0x1CC00] =	vst v63  }
0xe9: {  	_ =	swait.ge [sflag:s15], $0x4000  }
0xea: {  	[sflag:s15] =	ssyncset.done $0x0  }
0xeb: {  	s29 =	sor.u32 $0x380, s24;
	[sflag:s15] =	ssyncadd.s32 $0xFFFFC000  }
0xec: {  	[tilespmem:s19], [sflag:$0x3] =	stream.indirect.gather [hbm4b:s5+s17], $0x80, s29, s17, $0xb8;
	[tilespmem:$0x1CC00] =	vst v63  }
0xed: {  	_ =	swait.ge [sflag:s20], $0x4000  }
0xee: {  	[sflag:s20] =	ssyncset.done $0x0  }
0xef: {  	s30 =	sor.u32 $0xB00, s24;
	[sflag:s20] =	ssyncadd.s32 $0xFFFFC000  }
0xf0: {  	[spmem:s3] =	stream.indirect.scatter.add.f32 [tilespmem:s18], [sflag:$0x4], $0x80, s30, s17, $0xb8;
	[tilespmem:$0x1CC00] =	vst v63  }
0xf1: {  	_ =	swait.ge [sflag:s15], $0x4000  }
0xf2: {  	[sflag:s15] =	ssyncset.done $0x0  }
0xf3: {  	[sflag:s15] =	ssyncadd.s32 $0xFFFFC000  }
0xf4: {  	_ =	swait.ge [sflag:s22], $0x400  }
0xf5: {  	[sflag:s22] =	ssyncset.done $0x0  }
0xf6: {  	[sflag:s22] =	ssyncadd.s32 $0xFFFFFC00  }
0xf7: {  	_ =	swait.ge [sflag:s22], $0x400  }
0xf8: {  	[sflag:s22] =	ssyncset.done $0x0  }
0xf9: {  	[sflag:s22] =	ssyncadd.s32 $0xFFFFFC00  }
0xfa: {  	[tilespmem:s18], [sflag:$0x2] =	stream.indirect.gather [hbm4b:s5+s17], $0x80, s25, s17, $0xb8;
	[tilespmem:$0x1CC00] =	vst v63  }
0xfb: {  	_ =	swait.ge [sflag:s21], $0x4000  }
0xfc: {  	[sflag:s21] =	ssyncset.done $0x0  }
0xfd: {  	s31 =	sor.u32 $0xB80, s24;
	[sflag:s21] =	ssyncadd.s32 $0xFFFFC000  }
0xfe: {  	[spmem:s3] =	stream.indirect.scatter.add.f32 [tilespmem:s19], [sflag:$0x4], $0x80, s31, s17, $0xb8;
	[tilespmem:$0x1CC00] =	vst v63  }
0xff: {  	_ =	swait.ge [sflag:s15], $0x4000  }
0x100: {  	[sflag:s15] =	ssyncset.done $0x0  }
0x101: {  	[sflag:s15] =	ssyncadd.s32 $0xFFFFC000  }
0x102: {  	_ =	swait.ge [sflag:s20], $0x4000  }
0x103: {  	s23 =	sadd.s32 $0x1, s23;
	[sflag:s20] =	ssyncset.done $0x0  }
0x104: {  	p0 =	sne.s32 s23, s13;
	[sflag:s20] =	ssyncadd.s32 $0xFFFFC000  }
.Ltmp1:
0x105: {  	[bflag:$0x0] =	sbarrier.arrive $0xFFFF;
	(pc) =	sbr.rel @p0 .LBB2_1-.Ltmp1, $4  }
0x106: {  	[hbm:s12], [sflag:s9] =	dma.local [spmem:s14], $0x2780  }
0x107: {  	_ =	swait.ge [sflag:s15], $0x2780  }
0x108: {  	[sflag:s15] =	ssyncset.done $0x0  }
0x109: {  	[sflag:s15] =	ssyncadd.s32 $0xFFFFD880  }
0x10a: {  	_ =	sfence.sel $0x180000  }
0x10b: {  	[bflag:$0x0] =	sbarrier.arrive $0xFFFF  }
0x10c: {  	_ =	strace $0x9000004A  }
0x10d: {  	[bflag:$0x2] =	sbarrier.arrive $0xFFFF  }
0x10e: {  	p0 =	sne.s32 s1, $0x0;
	s0 =	rddreg [dreg:$0x3]  }
0x10f: {  	s0 =	sadd.s32 @!p0 $0x100000, s0  }
0x110: {  	[sflag:s0] =	ssyncadd.tile.s32 @!p0 $0x1;
	_ =	shalt  }
.Lfunc_end2:
_tile_overlayer_lowered:
.L_overlay_start_2:
0x111: {  	(tag) =	ssettag $0x2  }
0x112: {  	s0 =	rddreg [dreg:$0x0];
	s2 =	stileid.u32  }
0x113: {  	s1 =	rddreg [dreg:$0x1];
	p0 =	sne.s32 s2, $0x0  }
0x114: {  	s3 =	rddreg [dreg:$0x2];
	[bflag:$0x3] =	sbarrier.arrive $0xFFFF;
	s2 =	simm.s32 @!p0 $0x1C04  }
0x115: {  	[timem:s3], [sflag:s2] =	dma.local @!p0 [hbm:s0], s1  }
0x116: {  	s0 =	simm.s32 @!p0 $0x4  }
0x117: {  	_ =	swait.ge @!p0 [sflag:s0], s1  }
0x118: {  	s1 =	ssub.s32 @!p0 $0x0, s1;
	[sflag:s0] =	ssyncset.done @!p0 $0x0  }
0x119: {  	[sflag:s0] =	ssyncadd.s32 @!p0 s1  }
0x11a: {  	[bflag:$0x3] =	sbarrier.arrive $0xFFFF  }
0x11b: {  	_ =	shalt  }

// kernel: kernel.16.cloned.1.call-start
scs
__scs_entry_jumppad:
0x0: {  	(pc) =	sbr.rel $0x88, $3  }
0x1: {  	(tag) =	ssettag $0x0;
	lr =	simm.s32 $0x1  }
0x2: {  	[smem:$0x3F95] =	sst lr;
	_ =	strace $0xD0000000  }
0x3: {  	_ = 	snop  }
0x4: {  	_ = 	snop  }
0x5: {  	_ = 	snop  }
0x6: {  	_ = 	snop  }
0x7: {  	_ = 	snop  }
__scs_overlays_trampoline_lowered:
0x8: {  	[smem:$0x3FA4] =	sst s0  }
0x9: {  	[smem:$0x3FA5] =	sst s1  }
0xa: {  	[smem:$0x3FA6] =	sst s2  }
0xb: {  	[smem:$0x3FA7] =	sst s3  }
0xc: {  	[smem:$0x3FA8] =	sst s4  }
0xd: {  	[smem:$0x3FA9] =	sst s5  }
0xe: {  	[smem:$0x3FAA] =	sst s6  }
0xf: {  	[smem:$0x3FAB] =	sst s7  }
0x10: {  	[smem:$0x3FAC] =	sst s8  }
0x11: {  	[smem:$0x3FAD] =	sst s9;
	s0 =	simm.s32 @!p0 $0x0  }
0x12: {  	s1 =	sld [smem:$0x3F93];
	s0 =	simm.s32 @p0 $0x1  }
0x13: {  	[smem:$0x3FAE] =	sst s0;
	s0 =	simm.s32 @!p1 $0x0  }
0x14: {  	s2 =	sld [smem:$0x3F92];
	s0 =	simm.s32 @p1 $0x1  }
0x15: {  	[smem:$0x3FAF] =	sst s0;
	s0 =	simm.s32 @!p2 $0x0  }
0x16: {  	s3 =	sld [smem:$0x3FDB];
	s0 =	simm.s32 @p2 $0x1  }
0x17: {  	s4 =	simm.s32 $0x1BF5;
	[smem:$0x3FB1] =	sst s0  }
0x18: {  	s0 =	sld [smem:$0x3F94];
	_ =	swait.ge [sflag:s4], $0x0  }
0x19: {  	s7 =	sld [smem:$0x3F95]  }
0x1a: {  	s8 =	sadd.s32 $0xFFFFE003, lr  }
0x1b: {  	s9 =	sadd.s32 $0xFFFFFEF7, lr;
	s5 =	simm.s32 $0xFFFFFFFF;
	p2 =	slt.u32 s8, $0xFFFFF086  }
0x1c: {  	p1 =	slt.u32 s9, $0xF7A;
	s5 =	simm.s32 @!p2 $0x0  }
0x1d: {  	s5 =	simm.s32 @p1 $0x1;
	p0 =	seq.s32 s7, s2  }
0x1e: {  	s7 =	smul.u32 @!p0 $0xF7A, s2;
	p2 =	seq.s32 @!p0 s5, $0x0  }
0x1f: {  	s9 =	smul.u32 $0xF7A, s1;
	s8 =	simm.s32 @!p0 $0x1BF5;
	p2 =	por !p2, p0  }
0x20: {  	[sflag:s8] =	ssyncset.s32 @!p0 $0xFFFFF086;
	s6 =	sadd.s32 @!p0 s3, s7;
	s7 =	simm.s32 @!p0 $0x108  }
0x21: {  	s3 =	sadd.s32 s3, s9;
	s6 =	sadd.s32 @!p0 $0x88, s6;
	s7 =	simm.s32 @p2 $0x1082  }
0x22: {  	[simem:s7], [sflag:s8] =	dma.local @!p0 [hbm:s6], $0xF7A  }
0x23: {  	s9 =	sor.u32 $0xD0000000, s2;
	s6 =	simm.s32 $0x108;
	_ =	swait.ge @!p0 [sflag:s8], $0x0  }
0x24: {  	s3 =	sadd.s32 $0x88, s3;
	s6 =	simm.s32 @!p1 $0x1082;
	[sflag:s4] =	ssyncset.s32 $0xFFFFF086  }
0x25: {  	[simem:s6], [sflag:s4] =	dma.local [hbm:s3], $0xF7A  }
0x26: {  	[smem:$0x3F95] =	sst s1;
	(tag) =	ssettag s2;
	_ =	strace s9  }
0x27: {  	s1 =	sld [smem:$0x3FA5]  }
0x28: {  	s2 =	sld [smem:$0x3FA6]  }
0x29: {  	s4 =	sld [smem:$0x3FA8]  }
0x2a: {  	p0 =	seq.s32 s5, $0x0;
	s5 =	sld [smem:$0x3FA9]  }
0x2b: {  	s6 =	sld [smem:$0x3FAA]  }
0x2c: {  	s7 =	sld [smem:$0x3FAB]  }
0x2d: {  	s3 =	simm.s32 $0x108;
	s8 =	sld [smem:$0x3FAC]  }
0x2e: {  	s3 =	simm.s32 @!p0 $0x1082;
	s9 =	sld [smem:$0x3FAD]  }
0x2f: {  	lr =	sadd.s32 s0, s3;
	s0 =	sld [smem:$0x3FA4]  }
0x30: {  	s3 =	sld [smem:$0x3FA7]  }
0x31: {  	[smem:$0x3FB0] =	sst s10  }
0x32: {  	s10 =	sld [smem:$0x3FAE];
	_ =	sdelay $0x3  }
0x33: {  	p0 =	seq.s32 s10, $0x1;
	s10 =	sld [smem:$0x3FB0];
	_ =	sdelay $0x3  }
0x34: {  	[smem:$0x3FB0] =	sst s10  }
0x35: {  	s10 =	sld [smem:$0x3FAF];
	_ =	sdelay $0x3  }
0x36: {  	p1 =	seq.s32 s10, $0x1;
	s10 =	sld [smem:$0x3FB0];
	_ =	sdelay $0x3  }
0x37: {  	[smem:$0x3FB0] =	sst s10  }
0x38: {  	s10 =	sld [smem:$0x3FB1]  }
0x39: {  	_ = 	snop;
	(pc) =	sbr.ind lr, $3  }
0x3a: {  	_ = 	snop  }
0x3b: {  	_ = 	snop  }
0x3c: {  	p2 =	seq.s32 s10, $0x1;
	s10 =	sld [smem:$0x3FB0]  }
0x3d: {  	_ =	shalt  }
0x3e: {  	_ =	shalt  }
0x3f: {  	_ =	shalt  }
0x40: {  	_ =	shalt  }
0x41: {  	_ =	shalt  }
0x42: {  	_ =	shalt  }
0x43: {  	_ =	shalt  }
0x44: {  	_ =	shalt  }
0x45: {  	_ =	shalt  }
0x46: {  	_ =	shalt  }
0x47: {  	_ =	shalt  }
0x48: {  	_ =	shalt  }
0x49: {  	_ =	shalt  }
0x4a: {  	_ =	shalt  }
0x4b: {  	_ =	shalt  }
0x4c: {  	_ =	shalt  }
0x4d: {  	_ =	shalt  }
0x4e: {  	_ =	shalt  }
0x4f: {  	_ =	shalt  }
0x50: {  	_ =	shalt  }
0x51: {  	_ =	shalt  }
0x52: {  	_ =	shalt  }
0x53: {  	_ =	shalt  }
0x54: {  	_ =	shalt  }
0x55: {  	_ =	shalt  }
0x56: {  	_ =	shalt  }
0x57: {  	_ =	shalt  }
0x58: {  	_ =	shalt  }
0x59: {  	_ =	shalt  }
0x5a: {  	_ =	shalt  }
0x5b: {  	_ =	shalt  }
0x5c: {  	_ =	shalt  }
0x5d: {  	_ =	shalt  }
0x5e: {  	_ =	shalt  }
0x5f: {  	_ =	shalt  }
0x60: {  	_ =	shalt  }
0x61: {  	_ =	shalt  }
0x62: {  	_ =	shalt  }
0x63: {  	_ =	shalt  }
0x64: {  	_ =	shalt  }
0x65: {  	_ =	shalt  }
0x66: {  	_ =	shalt  }
0x67: {  	_ =	shalt  }
0x68: {  	_ =	shalt  }
0x69: {  	_ =	shalt  }
0x6a: {  	_ =	shalt  }
0x6b: {  	_ =	shalt  }
0x6c: {  	_ =	shalt  }
0x6d: {  	_ =	shalt  }
0x6e: {  	_ =	shalt  }
0x6f: {  	_ =	shalt  }
0x70: {  	_ =	shalt  }
0x71: {  	_ =	shalt  }
0x72: {  	_ =	shalt  }
0x73: {  	_ =	shalt  }
0x74: {  	_ =	shalt  }
0x75: {  	_ =	shalt  }
0x76: {  	_ =	shalt  }
0x77: {  	_ =	shalt  }
0x78: {  	_ =	shalt  }
0x79: {  	_ =	shalt  }
0x7a: {  	_ =	shalt  }
0x7b: {  	_ =	shalt  }
0x7c: {  	_ =	shalt  }
0x7d: {  	_ =	shalt  }
0x7e: {  	_ =	shalt  }
0x7f: {  	_ =	shalt  }
0x80: {  	_ =	shalt  }
0x81: {  	_ =	shalt  }
0x82: {  	_ =	shalt  }
0x83: {  	_ =	shalt  }
0x84: {  	_ =	shalt  }
0x85: {  	_ =	shalt  }
0x86: {  	_ =	shalt  }
0x87: {  	_ =	shalt  }
.Lfunc_end0:
.L_simem_size_0:
called_computation.2_lowered:
.L_overlay_start_0:
0x88: {  	s2 =	sld [smem:$0x3FD9]  }
0x89: {  	s3 =	sld [smem:$0x3FFE];
	_ =	sdelay $0x1  }
0x8a: {  	s1 =	srdreg.scid  }
0x8b: {  	s0 =	sand.u32 $0x1, s1  }
0x8c: {  	s17 =	sshll.u32 s0, $0xA;
	s2 =	sadd.s32 s3, s2  }
0x8d: {  	s2 =	sadd.s32 s2, s17  }
0x8e: {  	[smem:$0x3FBC] =	sst s2  }
0x8f: {  	_ = 	snop  }
0x90: {  	s2 =	sld [smem:$0x3FD0];
	(tm) =	ssettm $0x1  }
0x91: {  	s18 =	sld [smem:$0x3FFB];
	_ =	sdelay $0x3  }
0x92: {  	_ =	strace s18  }
0x93: {  	s3 =	sld [smem:$0x3FFC];
	_ =	sdelay $0x3  }
0x94: {  	_ =	strace s3  }
0x95: {  	s3 =	sld [smem:$0x3FFD];
	_ =	sdelay $0x3  }
0x96: {  	_ =	strace s3  }
0x97: {  	_ =	strace $0x8FFFFFFF  }
0x98: {  	s19 =	sld [smem:$0x3FDB];
	_ =	sdelay $0x1  }
0x99: {  	s4 =	simm.s32 $_scs_section_size  }
0x9a: {  	s5 =	simm.s32 $_size__tile_overlayer_lowered;
	s6 =	simm.s32 $_tile_overlayer_lowered  }
0x9b: {  	s22 =	simm.s32 $0x1BFF;
	s21 =	sshll.u32 s6, $0x1;
	s3 =	sadd.s32 s4, s19  }
0x9c: {  	s7 =	simm.s32 $0x0;
	s20 =	sshll.u32 s5, $0x1;
	s5 =	sadd.s32 s21, s3  }
0x9d: {  	[timem:s7], [sflag:s22] =	dma.local [hbm:s5], s20  }
0x9e: {  	_ =	swait.ge [sflag:s22], s20  }
0x9f: {  	s4 =	ssub.s32 $0x0, s20;
	[sflag:s22] =	ssyncset.done $0x0  }
0xa0: {  	[sflag:s22] =	ssyncadd.s32 s4;
	_ =	sdelay $0x1  }
0xa1: {  	s23 =	simm.s32 $0x1B8B  }
0xa2: {  	_ =	swait.ge [sflag:s23], $0x1  }
0xa3: {  	[sflag:s23] =	ssyncset.done $0x0  }
0xa4: {  	s25 =	simm.s32 $0x1B8E;
	s24 =	sld [smem:$0x3FFE];
	[sflag:s23] =	ssyncadd.s32 $0xFFFFFFFF  }
0xa5: {  	s26 =	simm.s32 $execute0_lowered;
	[smem:$0x3FD2] =	sst s25  }
0xa6: {  	s5 =	sshll.u32 s26, $0x1;
	_ =	strace $0x8000004C;
	[dreg:$0x1] =	wrdreg $0xFFFFFFFF  }
0xa7: {  	s28 =	simm.s32 $_size_execute0_lowered;
	s3 =	sadd.s32 s3, s5;
	[dreg:$0x0] =	wrdreg $0x0  }
0xa8: {  	s5 =	sshll.u32 s28, $0x1;
	[dreg:$0x2] =	wrdreg s3  }
0xa9: {  	[dreg:$0x3] =	wrdreg s5  }
0xaa: {  	[dreg:$0x4] =	wrdreg $0xC0  }
0xab: {  	_ =	task [dreg:s7], $0x5FFFF  }
0xac: {  	[dreg:$0x1] =	wrdreg $0xFFFFFFFF  }
0xad: {  	[dreg:$0x0] =	wrdreg $0x60  }
0xae: {  	[dreg:$0x2] =	wrdreg s24  }
0xaf: {  	[dreg:$0x3] =	wrdreg s2  }
0xb0: {  	[dreg:$0x4] =	wrdreg $0x90000  }
0xb1: {  	[dreg:$0x5] =	wrdreg $0x9  }
0xb2: {  	_ =	task.clear_ibuf [dreg:s7], $0x6FFFF;
	_ =	strace $0x9000004C  }
0xb3: {  	s29 =	simm.s32 $0x9;
	_ =	strace $0x8000004E  }
0xb4: {  	_ =	swait.ge [sflag:s29], $0x1  }
0xb5: {  	[sflag:s29] =	ssyncadd.s32 $0xFFFFFFFF  }
0xb6: {  	_ =	strace $0x9000004E  }
0xb7: {  	_ =	sfence  }
0xb8: {  	s30 =	sld [smem:$0x0];
	_ =	sdelay $0x2  }
0xb9: {  	s31 =	sshll.u32 s1, $0xD;
	s1 =	sshrl.u32 s1, $0x2  }
0xba: {  	s3 =	sand.u32 $0x4000, s31;
	s1 =	sadd.s32 s1, s30  }
0xbb: {  	s0 =	sor.u32 s3, s0;
	s1 =	sshll.u32 s1, $0x11  }
0xbc: {  	s0 =	sor.u32 s1, s0  }
0xbd: {  	s0 =	sadd.s32 $0x8F2B, s0  }
0xbe: {  	[sflag:s0] =	ssyncadd.remote.s32 $0x1  }
0xbf: {  	_ =	sfence.sel $0xFFFF  }
0xc0: {  	[dreg:$0x0] =	wrdreg $0xFFFFFFFF;
	(pc) =	sbr.abs _section_cstart, $3  }
0xc1: {  	[dreg:$0x1] =	wrdreg $0xFFFFFFFF  }
0xc2: {  	_ =	task.clear_ibuf [dreg:s7], $0x2FFFF;
	_ =	strace $0x9FFFFFFF  }
0xc3: {  	(tm) =	ssettm $0x7FFFFFFF  }
tec
execute0_lowered:
.L_overlay_start_1:
0x0: {  	(tag) =	ssettag $0x1  }
0x1: {  	s8 =	rddreg [dreg:$0x0]  }
0x2: {  	s2 =	rddreg [dreg:$0x1]  }
0x3: {  	s3 =	rddreg [dreg:$0x2]  }
0x4: {  	s1 =	stileid.u32;
	s4 =	simm.s32 $0x0;
	s5 =	srdreg.scid  }
0x5: {  	s16 =	simm.s32 $0x800;
	s17 =	simm.s32 $0x80;
	s18 =	simm.s32 $0x1000  }
0x6: {  	s19 =	simm.s32 $0x5000;
	s20 =	simm.s32 $0x2;
	s21 =	simm.s32 $0x3  }
0x7: {  	s22 =	simm.s32 $0x1;
	s23 =	simm.s32 $0x0;
	s7 =	smul.u32 $0x13C00, s1  }
0x8: {  	[smem:$0x7FF] =	sst s4;
	s9 =	sand.u32 $0x1, s5;
	s5 =	sadd.s32 $0x2A600, s8  }
0x9: {  	s6 =	sadd.s32 $0x79E00, s8;
	s26 =	smul.u32 $0x4F000, s1;
	s30 =	sshll.u32 s1, $0x6  }
0xa: {  	_ =	strace $0x8000004D;
	s11 =	smul.u32 $0x13C000, s9;
	s12 =	sshll.u32 s9, $0x4  }
0xb: {  	s9 =	ssub.s32 $0x2, s9;
	s10 =	sshrl.u32 s7, $0x3;
	s28 =	sor.u32 s1, s12  }
0xc: {  	s29 =	sshrl.u32 s9, $0x1;
	s10 =	sadd.s32 s10, s8;
	s7 =	sadd.s32 s7, s11  }
0xd: {  	s11 =	sshrl.u32 s26, $0x2;
	s13 =	sshrl.u32 s7, $0x3;
	s7 =	smul.u32 $0x2800, s28  }
0xe: {  	s14 =	ssub.s32 s9, s29;
	s9 =	sor.u32 $0x1C04, s30;
	s15 =	sadd.s32 s11, s3  }
0xf: {  	s13 =	sadd.s32 s13, s8;
	s8 =	sadd.s32 $0x2E00, s10;
	s31 =	sshrl.u32 s7, $0x3  }
0x10: {  	s12 =	sadd.s32 $0x83E00, s13;
	s13 =	smax.u32 s14, $0x1;
	s14 =	sshrl.u32 s15, $0x3  }
0x11: {  	s15 =	simm.s32 $0x4;
	s10 =	sadd.s32 s6, s31;
	s11 =	sadd.s32 s2, s31  }
.LBB2_1:
0x12: {  	[spmem:s14], [sflag:s9] =	dma.local [hbm:s8], $0x2780  }
0x13: {  	_ =	swait.ge [sflag:s15], $0x2780  }
0x14: {  	[sflag:s15] =	ssyncset.done $0x0  }
0x15: {  	[sflag:s15] =	ssyncadd.s32 $0xFFFFD880  }
0x16: {  	[tilespmem:s4], [sflag:$0x4] =	stream.linear.gather [hbm4b:s10+s4], $0x400, $0x38;
	[tilespmem:$0x1CC00] =	vst v63  }
0x17: {  	_ =	swait.ge [sflag:s15], $0x400  }
0x18: {  	[sflag:s15] =	ssyncset.done $0x0  }
0x19: {  	[sflag:s15] =	ssyncadd.s32 $0xFFFFFC00  }
0x1a: {  	[tilespmem:s16], [sflag:$0x4] =	stream.linear.gather [hbm4b:s11+s4], $0x400, $0x38;
	[tilespmem:$0x1CC00] =	vst v63  }
0x1b: {  	s24 =	smin.u32 s22, $0x9;
	_ =	swait.ge [sflag:s15], $0x400  }
0x1c: {  	s24 =	sshll.u32 s24, $0xA;
	[sflag:s15] =	ssyncset.done $0x0  }
0x1d: {  	s24 =	sadd.s32 s7, s24;
	[sflag:s15] =	ssyncadd.s32 $0xFFFFFC00  }
0x1e: {  	s25 =	simm.s32 $0x400;
	s28 =	sshrl.u32 s24, $0x3;
	[bflag:$0x0] =	sbarrier.arrive $0xFFFF  }
0x1f: {  	[tilespmem:s18], [sflag:$0x2] =	stream.indirect.gather [hbm4b:s5+s17], $0x80, s4, s17, $0xb8;
	[tilespmem:$0x1CC00] =	vst v63  }
0x20: {  	s24 =	sand.u32 $0x400, s25;
	s26 =	sadd.s32 s6, s28  }
0x21: {  	[tilespmem:s24], [sflag:$0x1] =	stream.linear.gather [hbm4b:s26+s4], $0x400, $0x38;
	[tilespmem:$0x1CC00] =	vst v63  }
0x22: {  	s29 =	sor.u32 $0x800, s24;
	s28 =	sadd.s32 s2, s28;
	s26 =	sand.u32 $0x400, s4  }
0x23: {  	[tilespmem:s29], [sflag:$0x1] =	stream.linear.gather [hbm4b:s28+s4], $0x400, $0x38;
	[tilespmem:$0x1CC00] =	vst v63  }
0x24: {  	s31 =	sor.u32 $0x80, s26  }
0x25: {  	[tilespmem:s19], [sflag:$0x3] =	stream.indirect.gather [hbm4b:s5+s17], $0x80, s31, s17, $0xb8;
	[tilespmem:$0x1CC00] =	vst v63  }
0x26: {  	_ =	swait.ge [sflag:s20], $0x4000  }
0x27: {  	[sflag:s20] =	ssyncset.done $0x0  }
0x28: {  	s0 =	sor.u32 $0x800, s26;
	[sflag:s20] =	ssyncadd.s32 $0xFFFFC000  }
0x29: {  	[spmem:s3] =	stream.indirect.scatter.add.f32 [tilespmem:s18], [sflag:$0x4], $0x80, s0, s17, $0xb8;
	[tilespmem:$0x1CC00] =	vst v63  }
0x2a: {  	_ =	swait.ge [sflag:s15], $0x4000  }
0x2b: {  	[sflag:s15] =	ssyncset.done $0x0  }
0x2c: {  	s29 =	sor.u32 $0x100, s26;
	[sflag:s15] =	ssyncadd.s32 $0xFFFFC000  }
0x2d: {  	[tilespmem:s18], [sflag:$0x2] =	stream.indirect.gather [hbm4b:s5+s17], $0x80, s29, s17, $0xb8;
	[tilespmem:$0x1CC00] =	vst v63  }
0x2e: {  	_ =	swait.ge [sflag:s21], $0x4000  }
0x2f: {  	[sflag:s21] =	ssyncset.done $0x0  }
0x30: {  	s31 =	sor.u32 $0x880, s26;
	[sflag:s21] =	ssyncadd.s32 $0xFFFFC000  }
0x31: {  	[spmem:s3] =	stream.indirect.scatter.add.f32 [tilespmem:s19], [sflag:$0x4], $0x80, s31, s17, $0xb8;
	[tilespmem:$0x1CC00] =	vst v63  }
0x32: {  	_ =	swait.ge [sflag:s15], $0x4000  }
0x33: {  	[sflag:s15] =	ssyncset.done $0x0  }
0x34: {  	s0 =	sor.u32 $0x180, s26;
	[sflag:s15] =	ssyncadd.s32 $0xFFFFC000  }
0x35: {  	[tilespmem:s19], [sflag:$0x3] =	stream.indirect.gather [hbm4b:s5+s17], $0x80, s0, s17, $0xb8;
	[tilespmem:$0x1CC00] =	vst v63  }
0x36: {  	_ =	swait.ge [sflag:s20], $0x4000  }
0x37: {  	[sflag:s20] =	ssyncset.done $0x0  }
0x38: {  	s29 =	sor.u32 $0x900, s26;
	[sflag:s20] =	ssyncadd.s32 $0xFFFFC000  }
0x39: {  	[spmem:s3] =	stream.indirect.scatter.add.f32 [tilespmem:s18], [sflag:$0x4], $0x80, s29, s17, $0xb8;
	[tilespmem:$0x1CC00] =	vst v63  }
0x3a: {  	_ =	swait.ge [sflag:s15], $0x4000  }
0x3b: {  	[sflag:s15] =	ssyncset.done $0x0  }
0x3c: {  	s31 =	sor.u32 $0x200, s26;
	[sflag:s15] =	ssyncadd.s32 $0xFFFFC000  }
0x3d: {  	[tilespmem:s18], [sflag:$0x2] =	stream.indirect.gather [hbm4b:s5+s17], $0x80, s31, s17, $0xb8;
	[tilespmem:$0x1CC00] =	vst v63  }
0x3e: {  	_ =	swait.ge [sflag:s21], $0x4000  }
0x3f: {  	[sflag:s21] =	ssyncset.done $0x0  }
0x40: {  	s0 =	sor.u32 $0x980, s26;
	[sflag:s21] =	ssyncadd.s32 $0xFFFFC000  }
0x41: {  	[spmem:s3] =	stream.indirect.scatter.add.f32 [tilespmem:s19], [sflag:$0x4], $0x80, s0, s17, $0xb8;
	[tilespmem:$0x1CC00] =	vst v63  }
0x42: {  	_ =	swait.ge [sflag:s15], $0x4000  }
0x43: {  	[sflag:s15] =	ssyncset.done $0x0  }
0x44: {  	s29 =	sor.u32 $0x280, s26;
	[sflag:s15] =	ssyncadd.s32 $0xFFFFC000  }
0x45: {  	[tilespmem:s19], [sflag:$0x3] =	stream.indirect.gather [hbm4b:s5+s17], $0x80, s29, s17, $0xb8;
	[tilespmem:$0x1CC00] =	vst v63  }
0x46: {  	_ =	swait.ge [sflag:s20], $0x4000  }
0x47: {  	[sflag:s20] =	ssyncset.done $0x0  }
0x48: {  	s31 =	sor.u32 $0xA00, s26;
	[sflag:s20] =	ssyncadd.s32 $0xFFFFC000  }
0x49: {  	[spmem:s3] =	stream.indirect.scatter.add.f32 [tilespmem:s18], [sflag:$0x4], $0x80, s31, s17, $0xb8;
	[tilespmem:$0x1CC00] =	vst v63  }
0x4a: {  	_ =	swait.ge [sflag:s15], $0x4000  }
0x4b: {  	[sflag:s15] =	ssyncset.done $0x0  }
0x4c: {  	s0 =	sor.u32 $0x300, s26;
	[sflag:s15] =	ssyncadd.s32 $0xFFFFC000  }
0x4d: {  	[tilespmem:s18], [sflag:$0x2] =	stream.indirect.gather [hbm4b:s5+s17], $0x80, s0, s17, $0xb8;
	[tilespmem:$0x1CC00] =	vst v63  }
0x4e: {  	_ =	swait.ge [sflag:s21], $0x4000  }
0x4f: {  	[sflag:s21] =	ssyncset.done $0x0  }
0x50: {  	s29 =	sor.u32 $0xA80, s26;
	[sflag:s21] =	ssyncadd.s32 $0xFFFFC000  }
0x51: {  	[spmem:s3] =	stream.indirect.scatter.add.f32 [tilespmem:s19], [sflag:$0x4], $0x80, s29, s17, $0xb8;
	[tilespmem:$0x1CC00] =	vst v63  }
0x52: {  	_ =	swait.ge [sflag:s15], $0x4000  }
0x53: {  	[sflag:s15] =	ssyncset.done $0x0  }
0x54: {  	s31 =	sor.u32 $0x380, s26;
	[sflag:s15] =	ssyncadd.s32 $0xFFFFC000  }
0x55: {  	[tilespmem:s19], [sflag:$0x3] =	stream.indirect.gather [hbm4b:s5+s17], $0x80, s31, s17, $0xb8;
	[tilespmem:$0x1CC00] =	vst v63  }
0x56: {  	_ =	swait.ge [sflag:s20], $0x4000  }
0x57: {  	[sflag:s20] =	ssyncset.done $0x0  }
0x58: {  	s0 =	sor.u32 $0xB00, s26;
	[sflag:s20] =	ssyncadd.s32 $0xFFFFC000  }
0x59: {  	[spmem:s3] =	stream.indirect.scatter.add.f32 [tilespmem:s18], [sflag:$0x4], $0x80, s0, s17, $0xb8;
	[tilespmem:$0x1CC00] =	vst v63  }
0x5a: {  	_ =	swait.ge [sflag:s15], $0x4000  }
0x5b: {  	[sflag:s15] =	ssyncset.done $0x0  }
0x5c: {  	[sflag:s15] =	ssyncadd.s32 $0xFFFFC000  }
0x5d: {  	_ =	swait.ge [sflag:s22], $0x400  }
0x5e: {  	[sflag:s22] =	ssyncset.done $0x0  }
0x5f: {  	[sflag:s22] =	ssyncadd.s32 $0xFFFFFC00  }
0x60: {  	_ =	swait.ge [sflag:s22], $0x400  }
0x61: {  	[sflag:s22] =	ssyncset.done $0x0  }
0x62: {  	[sflag:s22] =	ssyncadd.s32 $0xFFFFFC00  }
0x63: {  	[tilespmem:s18], [sflag:$0x2] =	stream.indirect.gather [hbm4b:s5+s17], $0x80, s24, s17, $0xb8;
	[tilespmem:$0x1CC00] =	vst v63  }
0x64: {  	_ =	swait.ge [sflag:s21], $0x4000  }
0x65: {  	s29 =	simm.s32 $0x2;
	[sflag:s21] =	ssyncset.done $0x0  }
0x66: {  	s26 =	sor.u32 $0xB80, s26;
	s28 =	smin.u32 s29, $0x9;
	[sflag:s21] =	ssyncadd.s32 $0xFFFFC000  }
0x67: {  	[spmem:s3] =	stream.indirect.scatter.add.f32 [tilespmem:s19], [sflag:$0x4], $0x80, s26, s17, $0xb8;
	[tilespmem:$0x1CC00] =	vst v63  }
0x68: {  	s31 =	sshll.u32 s28, $0xA;
	_ =	swait.ge [sflag:s15], $0x4000  }
0x69: {  	s30 =	simm.s32 $0x3;
	s26 =	sadd.s32 s7, s31;
	[sflag:s15] =	ssyncset.done $0x0  }
.LBB2_2:
0x6a: {  	s25 =	sadd.s32 $0x400, s25  }
0x6b: {  	s31 =	sshrl.u32 s26, $0x3;
	[sflag:s15] =	ssyncadd.s32 $0xFFFFC000;
	s29 =	smov.u32 s30  }
0x6c: {  	s26 =	sand.u32 $0x400, s25;
	s28 =	sadd.s32 s6, s31  }
0x6d: {  	[tilespmem:s26], [sflag:$0x1] =	stream.linear.gather [hbm4b:s28+s4], $0x400, $0x38;
	[tilespmem:$0x1CC00] =	vst v63  }
0x6e: {  	s31 =	sadd.s32 s2, s31;
	s28 =	sadd.s32 $0x1, s30;
	s0 =	sor.u32 $0x800, s26  }
0x6f: {  	[tilespmem:s0], [sflag:$0x1] =	stream.linear.gather [hbm4b:s31+s4], $0x400, $0x38;
	[tilespmem:$0x1CC00] =	vst v63  }
0x70: {  	p0 =	sne.s32 s30, $0xA;
	s0 =	sor.u32 $0x80, s24  }
0x71: {  	[tilespmem:s19], [sflag:$0x3] =	stream.indirect.gather [hbm4b:s5+s17], $0x80, s0, s17, $0xb8;
	[tilespmem:$0x1CC00] =	vst v63  }
0x72: {  	_ =	swait.ge [sflag:s20], $0x4000  }
0x73: {  	[sflag:s20] =	ssyncset.done $0x0  }
0x74: {  	s0 =	sor.u32 $0x800, s24;
	[sflag:s20] =	ssyncadd.s32 $0xFFFFC000  }
0x75: {  	[spmem:s3] =	stream.indirect.scatter.add.f32 [tilespmem:s18], [sflag:$0x4], $0x80, s0, s17, $0xb8;
	[tilespmem:$0x1CC00] =	vst v63  }
0x76: {  	_ =	swait.ge [sflag:s15], $0x4000  }
0x77: {  	[sflag:s15] =	ssyncset.done $0x0  }
0x78: {  	s0 =	sor.u32 $0x100, s24;
	[sflag:s15] =	ssyncadd.s32 $0xFFFFC000  }
0x79: {  	[tilespmem:s18], [sflag:$0x2] =	stream.indirect.gather [hbm4b:s5+s17], $0x80, s0, s17, $0xb8;
	[tilespmem:$0x1CC00] =	vst v63  }
0x7a: {  	_ =	swait.ge [sflag:s21], $0x4000  }
0x7b: {  	[sflag:s21] =	ssyncset.done $0x0  }
0x7c: {  	s0 =	sor.u32 $0x880, s24;
	[sflag:s21] =	ssyncadd.s32 $0xFFFFC000  }
0x7d: {  	[spmem:s3] =	stream.indirect.scatter.add.f32 [tilespmem:s19], [sflag:$0x4], $0x80, s0, s17, $0xb8;
	[tilespmem:$0x1CC00] =	vst v63  }
0x7e: {  	_ =	swait.ge [sflag:s15], $0x4000  }
0x7f: {  	[sflag:s15] =	ssyncset.done $0x0  }
0x80: {  	s0 =	sor.u32 $0x180, s24;
	[sflag:s15] =	ssyncadd.s32 $0xFFFFC000  }
0x81: {  	[tilespmem:s19], [sflag:$0x3] =	stream.indirect.gather [hbm4b:s5+s17], $0x80, s0, s17, $0xb8;
	[tilespmem:$0x1CC00] =	vst v63  }
0x82: {  	_ =	swait.ge [sflag:s20], $0x4000  }
0x83: {  	[sflag:s20] =	ssyncset.done $0x0  }
0x84: {  	s0 =	sor.u32 $0x900, s24;
	[sflag:s20] =	ssyncadd.s32 $0xFFFFC000  }
0x85: {  	[spmem:s3] =	stream.indirect.scatter.add.f32 [tilespmem:s18], [sflag:$0x4], $0x80, s0, s17, $0xb8;
	[tilespmem:$0x1CC00] =	vst v63  }
0x86: {  	_ =	swait.ge [sflag:s15], $0x4000  }
0x87: {  	[sflag:s15] =	ssyncset.done $0x0  }
0x88: {  	s0 =	sor.u32 $0x200, s24;
	[sflag:s15] =	ssyncadd.s32 $0xFFFFC000  }
0x89: {  	[tilespmem:s18], [sflag:$0x2] =	stream.indirect.gather [hbm4b:s5+s17], $0x80, s0, s17, $0xb8;
	[tilespmem:$0x1CC00] =	vst v63  }
0x8a: {  	_ =	swait.ge [sflag:s21], $0x4000  }
0x8b: {  	[sflag:s21] =	ssyncset.done $0x0  }
0x8c: {  	s0 =	sor.u32 $0x980, s24;
	[sflag:s21] =	ssyncadd.s32 $0xFFFFC000  }
0x8d: {  	[spmem:s3] =	stream.indirect.scatter.add.f32 [tilespmem:s19], [sflag:$0x4], $0x80, s0, s17, $0xb8;
	[tilespmem:$0x1CC00] =	vst v63  }
0x8e: {  	_ =	swait.ge [sflag:s15], $0x4000  }
0x8f: {  	[sflag:s15] =	ssyncset.done $0x0  }
0x90: {  	s0 =	sor.u32 $0x280, s24;
	[sflag:s15] =	ssyncadd.s32 $0xFFFFC000  }
0x91: {  	[tilespmem:s19], [sflag:$0x3] =	stream.indirect.gather [hbm4b:s5+s17], $0x80, s0, s17, $0xb8;
	[tilespmem:$0x1CC00] =	vst v63  }
0x92: {  	_ =	swait.ge [sflag:s20], $0x4000  }
0x93: {  	[sflag:s20] =	ssyncset.done $0x0  }
0x94: {  	s0 =	sor.u32 $0xA00, s24;
	[sflag:s20] =	ssyncadd.s32 $0xFFFFC000  }
0x95: {  	[spmem:s3] =	stream.indirect.scatter.add.f32 [tilespmem:s18], [sflag:$0x4], $0x80, s0, s17, $0xb8;
	[tilespmem:$0x1CC00] =	vst v63  }
0x96: {  	_ =	swait.ge [sflag:s15], $0x4000  }
0x97: {  	[sflag:s15] =	ssyncset.done $0x0  }
0x98: {  	s0 =	sor.u32 $0x300, s24;
	[sflag:s15] =	ssyncadd.s32 $0xFFFFC000  }
0x99: {  	[tilespmem:s18], [sflag:$0x2] =	stream.indirect.gather [hbm4b:s5+s17], $0x80, s0, s17, $0xb8;
	[tilespmem:$0x1CC00] =	vst v63  }
0x9a: {  	_ =	swait.ge [sflag:s21], $0x4000  }
0x9b: {  	[sflag:s21] =	ssyncset.done $0x0  }
0x9c: {  	s0 =	sor.u32 $0xA80, s24;
	[sflag:s21] =	ssyncadd.s32 $0xFFFFC000  }
0x9d: {  	[spmem:s3] =	stream.indirect.scatter.add.f32 [tilespmem:s19], [sflag:$0x4], $0x80, s0, s17, $0xb8;
	[tilespmem:$0x1CC00] =	vst v63  }
0x9e: {  	_ =	swait.ge [sflag:s15], $0x4000  }
0x9f: {  	[sflag:s15] =	ssyncset.done $0x0  }
0xa0: {  	s0 =	sor.u32 $0x380, s24;
	[sflag:s15] =	ssyncadd.s32 $0xFFFFC000  }
0xa1: {  	[tilespmem:s19], [sflag:$0x3] =	stream.indirect.gather [hbm4b:s5+s17], $0x80, s0, s17, $0xb8;
	[tilespmem:$0x1CC00] =	vst v63  }
0xa2: {  	_ =	swait.ge [sflag:s20], $0x4000  }
0xa3: {  	[sflag:s20] =	ssyncset.done $0x0  }
0xa4: {  	s0 =	sor.u32 $0xB00, s24;
	[sflag:s20] =	ssyncadd.s32 $0xFFFFC000  }
0xa5: {  	[spmem:s3] =	stream.indirect.scatter.add.f32 [tilespmem:s18], [sflag:$0x4], $0x80, s0, s17, $0xb8;
	[tilespmem:$0x1CC00] =	vst v63  }
0xa6: {  	_ =	swait.ge [sflag:s15], $0x4000  }
0xa7: {  	[sflag:s15] =	ssyncset.done $0x0  }
0xa8: {  	[sflag:s15] =	ssyncadd.s32 $0xFFFFC000  }
0xa9: {  	_ =	swait.ge [sflag:s22], $0x400  }
0xaa: {  	[sflag:s22] =	ssyncset.done $0x0  }
0xab: {  	[sflag:s22] =	ssyncadd.s32 $0xFFFFFC00  }
0xac: {  	_ =	swait.ge [sflag:s22], $0x400  }
0xad: {  	[sflag:s22] =	ssyncset.done $0x0  }
0xae: {  	[sflag:s22] =	ssyncadd.s32 $0xFFFFFC00  }
0xaf: {  	[tilespmem:s18], [sflag:$0x2] =	stream.indirect.gather [hbm4b:s5+s17], $0x80, s26, s17, $0xb8;
	[tilespmem:$0x1CC00] =	vst v63  }
0xb0: {  	_ =	swait.ge [sflag:s21], $0x4000  }
.Ltmp0:
0xb1: {  	[sflag:s21] =	ssyncset.done $0x0;
	(pc) =	sbr.rel @p0 .LBB2_2-.Ltmp0, $4  }
0xb2: {  	s24 =	sor.u32 $0xB80, s24;
	s0 =	smin.u32 s29, $0x9;
	[sflag:s21] =	ssyncadd.s32 $0xFFFFC000  }
0xb3: {  	[spmem:s3] =	stream.indirect.scatter.add.f32 [tilespmem:s19], [sflag:$0x4], $0x80, s24, s17, $0xb8;
	[tilespmem:$0x1CC00] =	vst v63  }
0xb4: {  	s0 =	sshll.u32 s0, $0xA;
	s24 =	smov.u32 s26;
	_ =	swait.ge [sflag:s15], $0x4000  }
0xb5: {  	s30 =	smov.u32 s28;
	s26 =	sadd.s32 s7, s0;
	[sflag:s15] =	ssyncset.done $0x0  }
0xb6: {  	s0 =	sadd.s32 $0x400, s25;
	s26 =	sshrl.u32 s26, $0x3  }
0xb7: {  	[sflag:s15] =	ssyncadd.s32 $0xFFFFC000;
	s25 =	sand.u32 $0x400, s0;
	s30 =	sadd.s32 s6, s26  }
0xb8: {  	[tilespmem:s25], [sflag:$0x1] =	stream.linear.gather [hbm4b:s30+s4], $0x400, $0x38;
	[tilespmem:$0x1CC00] =	vst v63  }
0xb9: {  	s26 =	sadd.s32 s2, s26;
	s31 =	sor.u32 $0x800, s25  }
0xba: {  	[tilespmem:s31], [sflag:$0x1] =	stream.linear.gather [hbm4b:s26+s4], $0x400, $0x38;
	[tilespmem:$0x1CC00] =	vst v63  }
0xbb: {  	s26 =	sor.u32 $0x80, s24  }
0xbc: {  	[tilespmem:s19], [sflag:$0x3] =	stream.indirect.gather [hbm4b:s5+s17], $0x80, s26, s17, $0xb8;
	[tilespmem:$0x1CC00] =	vst v63  }
0xbd: {  	_ =	swait.ge [sflag:s20], $0x4000  }
0xbe: {  	[sflag:s20] =	ssyncset.done $0x0  }
0xbf: {  	s28 =	sor.u32 $0x800, s24;
	[sflag:s20] =	ssyncadd.s32 $0xFFFFC000  }
0xc0: {  	[spmem:s3] =	stream.indirect.scatter.add.f32 [tilespmem:s18], [sflag:$0x4], $0x80, s28, s17, $0xb8;
	[tilespmem:$0x1CC00] =	vst v63  }
0xc1: {  	_ =	swait.ge [sflag:s15], $0x4000  }
0xc2: {  	[sflag:s15] =	ssyncset.done $0x0  }
0xc3: {  	s29 =	sor.u32 $0x100, s24;
	[sflag:s15] =	ssyncadd.s32 $0xFFFFC000  }
0xc4: {  	[tilespmem:s18], [sflag:$0x2] =	stream.indirect.gather [hbm4b:s5+s17], $0x80, s29, s17, $0xb8;
	[tilespmem:$0x1CC00] =	vst v63  }
0xc5: {  	_ =	swait.ge [sflag:s21], $0x4000  }
0xc6: {  	[sflag:s21] =	ssyncset.done $0x0  }
0xc7: {  	s30 =	sor.u32 $0x880, s24;
	[sflag:s21] =	ssyncadd.s32 $0xFFFFC000  }
0xc8: {  	[spmem:s3] =	stream.indirect.scatter.add.f32 [tilespmem:s19], [sflag:$0x4], $0x80, s30, s17, $0xb8;
	[tilespmem:$0x1CC00] =	vst v63  }
0xc9: {  	_ =	swait.ge [sflag:s15], $0x4000  }
0xca: {  	[sflag:s15] =	ssyncset.done $0x0  }
0xcb: {  	s31 =	sor.u32 $0x180, s24;
	[sflag:s15] =	ssyncadd.s32 $0xFFFFC000  }
0xcc: {  	[tilespmem:s19], [sflag:$0x3] =	stream.indirect.gather [hbm4b:s5+s17], $0x80, s31, s17, $0xb8;
	[tilespmem:$0x1CC00] =	vst v63  }
0xcd: {  	_ =	swait.ge [sflag:s20], $0x4000  }
0xce: {  	[sflag:s20] =	ssyncset.done $0x0  }
0xcf: {  	s26 =	sor.u32 $0x900, s24;
	[sflag:s20] =	ssyncadd.s32 $0xFFFFC000  }
0xd0: {  	[spmem:s3] =	stream.indirect.scatter.add.f32 [tilespmem:s18], [sflag:$0x4], $0x80, s26, s17, $0xb8;
	[tilespmem:$0x1CC00] =	vst v63  }
0xd1: {  	_ =	swait.ge [sflag:s15], $0x4000  }
0xd2: {  	[sflag:s15] =	ssyncset.done $0x0  }
0xd3: {  	s28 =	sor.u32 $0x200, s24;
	[sflag:s15] =	ssyncadd.s32 $0xFFFFC000  }
0xd4: {  	[tilespmem:s18], [sflag:$0x2] =	stream.indirect.gather [hbm4b:s5+s17], $0x80, s28, s17, $0xb8;
	[tilespmem:$0x1CC00] =	vst v63  }
0xd5: {  	_ =	swait.ge [sflag:s21], $0x4000  }
0xd6: {  	[sflag:s21] =	ssyncset.done $0x0  }
0xd7: {  	s29 =	sor.u32 $0x980, s24;
	[sflag:s21] =	ssyncadd.s32 $0xFFFFC000  }
0xd8: {  	[spmem:s3] =	stream.indirect.scatter.add.f32 [tilespmem:s19], [sflag:$0x4], $0x80, s29, s17, $0xb8;
	[tilespmem:$0x1CC00] =	vst v63  }
0xd9: {  	_ =	swait.ge [sflag:s15], $0x4000  }
0xda: {  	[sflag:s15] =	ssyncset.done $0x0  }
0xdb: {  	s30 =	sor.u32 $0x280, s24;
	[sflag:s15] =	ssyncadd.s32 $0xFFFFC000  }
0xdc: {  	[tilespmem:s19], [sflag:$0x3] =	stream.indirect.gather [hbm4b:s5+s17], $0x80, s30, s17, $0xb8;
	[tilespmem:$0x1CC00] =	vst v63  }
0xdd: {  	_ =	swait.ge [sflag:s20], $0x4000  }
0xde: {  	[sflag:s20] =	ssyncset.done $0x0  }
0xdf: {  	s31 =	sor.u32 $0xA00, s24;
	[sflag:s20] =	ssyncadd.s32 $0xFFFFC000  }
0xe0: {  	[spmem:s3] =	stream.indirect.scatter.add.f32 [tilespmem:s18], [sflag:$0x4], $0x80, s31, s17, $0xb8;
	[tilespmem:$0x1CC00] =	vst v63  }
0xe1: {  	_ =	swait.ge [sflag:s15], $0x4000  }
0xe2: {  	[sflag:s15] =	ssyncset.done $0x0  }
0xe3: {  	s26 =	sor.u32 $0x300, s24;
	[sflag:s15] =	ssyncadd.s32 $0xFFFFC000  }
0xe4: {  	[tilespmem:s18], [sflag:$0x2] =	stream.indirect.gather [hbm4b:s5+s17], $0x80, s26, s17, $0xb8;
	[tilespmem:$0x1CC00] =	vst v63  }
0xe5: {  	_ =	swait.ge [sflag:s21], $0x4000  }
0xe6: {  	[sflag:s21] =	ssyncset.done $0x0  }
0xe7: {  	s28 =	sor.u32 $0xA80, s24;
	[sflag:s21] =	ssyncadd.s32 $0xFFFFC000  }
0xe8: {  	[spmem:s3] =	stream.indirect.scatter.add.f32 [tilespmem:s19], [sflag:$0x4], $0x80, s28, s17, $0xb8;
	[tilespmem:$0x1CC00] =	vst v63  }
0xe9: {  	_ =	swait.ge [sflag:s15], $0x4000  }
0xea: {  	[sflag:s15] =	ssyncset.done $0x0  }
0xeb: {  	s29 =	sor.u32 $0x380, s24;
	[sflag:s15] =	ssyncadd.s32 $0xFFFFC000  }
0xec: {  	[tilespmem:s19], [sflag:$0x3] =	stream.indirect.gather [hbm4b:s5+s17], $0x80, s29, s17, $0xb8;
	[tilespmem:$0x1CC00] =	vst v63  }
0xed: {  	_ =	swait.ge [sflag:s20], $0x4000  }
0xee: {  	[sflag:s20] =	ssyncset.done $0x0  }
0xef: {  	s30 =	sor.u32 $0xB00, s24;
	[sflag:s20] =	ssyncadd.s32 $0xFFFFC000  }
0xf0: {  	[spmem:s3] =	stream.indirect.scatter.add.f32 [tilespmem:s18], [sflag:$0x4], $0x80, s30, s17, $0xb8;
	[tilespmem:$0x1CC00] =	vst v63  }
0xf1: {  	_ =	swait.ge [sflag:s15], $0x4000  }
0xf2: {  	[sflag:s15] =	ssyncset.done $0x0  }
0xf3: {  	[sflag:s15] =	ssyncadd.s32 $0xFFFFC000  }
0xf4: {  	_ =	swait.ge [sflag:s22], $0x400  }
0xf5: {  	[sflag:s22] =	ssyncset.done $0x0  }
0xf6: {  	[sflag:s22] =	ssyncadd.s32 $0xFFFFFC00  }
0xf7: {  	_ =	swait.ge [sflag:s22], $0x400  }
0xf8: {  	[sflag:s22] =	ssyncset.done $0x0  }
0xf9: {  	[sflag:s22] =	ssyncadd.s32 $0xFFFFFC00  }
0xfa: {  	[tilespmem:s18], [sflag:$0x2] =	stream.indirect.gather [hbm4b:s5+s17], $0x80, s25, s17, $0xb8;
	[tilespmem:$0x1CC00] =	vst v63  }
0xfb: {  	_ =	swait.ge [sflag:s21], $0x4000  }
0xfc: {  	[sflag:s21] =	ssyncset.done $0x0  }
0xfd: {  	s31 =	sor.u32 $0xB80, s24;
	[sflag:s21] =	ssyncadd.s32 $0xFFFFC000  }
0xfe: {  	[spmem:s3] =	stream.indirect.scatter.add.f32 [tilespmem:s19], [sflag:$0x4], $0x80, s31, s17, $0xb8;
	[tilespmem:$0x1CC00] =	vst v63  }
0xff: {  	_ =	swait.ge [sflag:s15], $0x4000  }
0x100: {  	[sflag:s15] =	ssyncset.done $0x0  }
0x101: {  	[sflag:s15] =	ssyncadd.s32 $0xFFFFC000  }
0x102: {  	_ =	swait.ge [sflag:s20], $0x4000  }
0x103: {  	s23 =	sadd.s32 $0x1, s23;
	[sflag:s20] =	ssyncset.done $0x0  }
0x104: {  	p0 =	sne.s32 s23, s13;
	[sflag:s20] =	ssyncadd.s32 $0xFFFFC000  }
.Ltmp1:
0x105: {  	[bflag:$0x0] =	sbarrier.arrive $0xFFFF;
	(pc) =	sbr.rel @p0 .LBB2_1-.Ltmp1, $4  }
0x106: {  	[hbm:s12], [sflag:s9] =	dma.local [spmem:s14], $0x2780  }
0x107: {  	_ =	swait.ge [sflag:s15], $0x2780  }
0x108: {  	[sflag:s15] =	ssyncset.done $0x0  }
0x109: {  	[sflag:s15] =	ssyncadd.s32 $0xFFFFD880  }
0x10a: {  	_ =	sfence.sel $0x180000  }
0x10b: {  	[bflag:$0x0] =	sbarrier.arrive $0xFFFF  }
0x10c: {  	_ =	strace $0x9000004D  }
0x10d: {  	[bflag:$0x2] =	sbarrier.arrive $0xFFFF  }
0x10e: {  	p0 =	sne.s32 s1, $0x0;
	s0 =	rddreg [dreg:$0x3]  }
0x10f: {  	s0 =	sadd.s32 @!p0 $0x100000, s0  }
0x110: {  	[sflag:s0] =	ssyncadd.tile.s32 @!p0 $0x1;
	_ =	shalt  }
.Lfunc_end2:
_tile_overlayer_lowered:
.L_overlay_start_2:
0x111: {  	(tag) =	ssettag $0x2  }
0x112: {  	s0 =	rddreg [dreg:$0x0];
	s2 =	stileid.u32  }
0x113: {  	s1 =	rddreg [dreg:$0x1];
	p0 =	sne.s32 s2, $0x0  }
0x114: {  	s3 =	rddreg [dreg:$0x2];
	[bflag:$0x3] =	sbarrier.arrive $0xFFFF;
	s2 =	simm.s32 @!p0 $0x1C04  }
0x115: {  	[timem:s3], [sflag:s2] =	dma.local @!p0 [hbm:s0], s1  }
0x116: {  	s0 =	simm.s32 @!p0 $0x4  }
0x117: {  	_ =	swait.ge @!p0 [sflag:s0], s1  }
0x118: {  	s1 =	ssub.s32 @!p0 $0x0, s1;
	[sflag:s0] =	ssyncset.done @!p0 $0x0  }
0x119: {  	[sflag:s0] =	ssyncadd.s32 @!p0 s1  }
0x11a: {  	[bflag:$0x3] =	sbarrier.arrive $0xFFFF  }
0x11b: {  	_ =	shalt  }

// kernel: kernel.19.cloned.1.call-start
scs
__scs_entry_jumppad:
0x0: {  	(pc) =	sbr.rel $0x88, $3  }
0x1: {  	(tag) =	ssettag $0x0;
	lr =	simm.s32 $0x1  }
0x2: {  	[smem:$0x3F95] =	sst lr;
	_ =	strace $0xD0000000  }
0x3: {  	_ = 	snop  }
0x4: {  	_ = 	snop  }
0x5: {  	_ = 	snop  }
0x6: {  	_ = 	snop  }
0x7: {  	_ = 	snop  }
__scs_overlays_trampoline_lowered:
0x8: {  	[smem:$0x3FA4] =	sst s0  }
0x9: {  	[smem:$0x3FA5] =	sst s1  }
0xa: {  	[smem:$0x3FA6] =	sst s2  }
0xb: {  	[smem:$0x3FA7] =	sst s3  }
0xc: {  	[smem:$0x3FA8] =	sst s4  }
0xd: {  	[smem:$0x3FA9] =	sst s5  }
0xe: {  	[smem:$0x3FAA] =	sst s6  }
0xf: {  	[smem:$0x3FAB] =	sst s7  }
0x10: {  	[smem:$0x3FAC] =	sst s8  }
0x11: {  	[smem:$0x3FAD] =	sst s9;
	s0 =	simm.s32 @!p0 $0x0  }
0x12: {  	s1 =	sld [smem:$0x3F93];
	s0 =	simm.s32 @p0 $0x1  }
0x13: {  	[smem:$0x3FAE] =	sst s0;
	s0 =	simm.s32 @!p1 $0x0  }
0x14: {  	s2 =	sld [smem:$0x3F92];
	s0 =	simm.s32 @p1 $0x1  }
0x15: {  	[smem:$0x3FAF] =	sst s0;
	s0 =	simm.s32 @!p2 $0x0  }
0x16: {  	s3 =	sld [smem:$0x3FDB];
	s0 =	simm.s32 @p2 $0x1  }
0x17: {  	s4 =	simm.s32 $0x1BF5;
	[smem:$0x3FB1] =	sst s0  }
0x18: {  	s0 =	sld [smem:$0x3F94];
	_ =	swait.ge [sflag:s4], $0x0  }
0x19: {  	s7 =	sld [smem:$0x3F95]  }
0x1a: {  	s8 =	sadd.s32 $0xFFFFE003, lr  }
0x1b: {  	s9 =	sadd.s32 $0xFFFFFEF7, lr;
	s5 =	simm.s32 $0xFFFFFFFF;
	p2 =	slt.u32 s8, $0xFFFFF086  }
0x1c: {  	p1 =	slt.u32 s9, $0xF7A;
	s5 =	simm.s32 @!p2 $0x0  }
0x1d: {  	s5 =	simm.s32 @p1 $0x1;
	p0 =	seq.s32 s7, s2  }
0x1e: {  	s7 =	smul.u32 @!p0 $0xF7A, s2;
	p2 =	seq.s32 @!p0 s5, $0x0  }
0x1f: {  	s9 =	smul.u32 $0xF7A, s1;
	s8 =	simm.s32 @!p0 $0x1BF5;
	p2 =	por !p2, p0  }
0x20: {  	[sflag:s8] =	ssyncset.s32 @!p0 $0xFFFFF086;
	s6 =	sadd.s32 @!p0 s3, s7;
	s7 =	simm.s32 @!p0 $0x108  }
0x21: {  	s3 =	sadd.s32 s3, s9;
	s6 =	sadd.s32 @!p0 $0x88, s6;
	s7 =	simm.s32 @p2 $0x1082  }
0x22: {  	[simem:s7], [sflag:s8] =	dma.local @!p0 [hbm:s6], $0xF7A  }
0x23: {  	s9 =	sor.u32 $0xD0000000, s2;
	s6 =	simm.s32 $0x108;
	_ =	swait.ge @!p0 [sflag:s8], $0x0  }
0x24: {  	s3 =	sadd.s32 $0x88, s3;
	s6 =	simm.s32 @!p1 $0x1082;
	[sflag:s4] =	ssyncset.s32 $0xFFFFF086  }
0x25: {  	[simem:s6], [sflag:s4] =	dma.local [hbm:s3], $0xF7A  }
0x26: {  	[smem:$0x3F95] =	sst s1;
	(tag) =	ssettag s2;
	_ =	strace s9  }
0x27: {  	s1 =	sld [smem:$0x3FA5]  }
0x28: {  	s2 =	sld [smem:$0x3FA6]  }
0x29: {  	s4 =	sld [smem:$0x3FA8]  }
0x2a: {  	p0 =	seq.s32 s5, $0x0;
	s5 =	sld [smem:$0x3FA9]  }
0x2b: {  	s6 =	sld [smem:$0x3FAA]  }
0x2c: {  	s7 =	sld [smem:$0x3FAB]  }
0x2d: {  	s3 =	simm.s32 $0x108;
	s8 =	sld [smem:$0x3FAC]  }
0x2e: {  	s3 =	simm.s32 @!p0 $0x1082;
	s9 =	sld [smem:$0x3FAD]  }
0x2f: {  	lr =	sadd.s32 s0, s3;
	s0 =	sld [smem:$0x3FA4]  }
0x30: {  	s3 =	sld [smem:$0x3FA7]  }
0x31: {  	[smem:$0x3FB0] =	sst s10  }
0x32: {  	s10 =	sld [smem:$0x3FAE];
	_ =	sdelay $0x3  }
0x33: {  	p0 =	seq.s32 s10, $0x1;
	s10 =	sld [smem:$0x3FB0];
	_ =	sdelay $0x3  }
0x34: {  	[smem:$0x3FB0] =	sst s10  }
0x35: {  	s10 =	sld [smem:$0x3FAF];
	_ =	sdelay $0x3  }
0x36: {  	p1 =	seq.s32 s10, $0x1;
	s10 =	sld [smem:$0x3FB0];
	_ =	sdelay $0x3  }
0x37: {  	[smem:$0x3FB0] =	sst s10  }
0x38: {  	s10 =	sld [smem:$0x3FB1]  }
0x39: {  	_ = 	snop;
	(pc) =	sbr.ind lr, $3  }
0x3a: {  	_ = 	snop  }
0x3b: {  	_ = 	snop  }
0x3c: {  	p2 =	seq.s32 s10, $0x1;
	s10 =	sld [smem:$0x3FB0]  }
0x3d: {  	_ =	shalt  }
0x3e: {  	_ =	shalt  }
0x3f: {  	_ =	shalt  }
0x40: {  	_ =	shalt  }
0x41: {  	_ =	shalt  }
0x42: {  	_ =	shalt  }
0x43: {  	_ =	shalt  }
0x44: {  	_ =	shalt  }
0x45: {  	_ =	shalt  }
0x46: {  	_ =	shalt  }
0x47: {  	_ =	shalt  }
0x48: {  	_ =	shalt  }
0x49: {  	_ =	shalt  }
0x4a: {  	_ =	shalt  }
0x4b: {  	_ =	shalt  }
0x4c: {  	_ =	shalt  }
0x4d: {  	_ =	shalt  }
0x4e: {  	_ =	shalt  }
0x4f: {  	_ =	shalt  }
0x50: {  	_ =	shalt  }
0x51: {  	_ =	shalt  }
0x52: {  	_ =	shalt  }
0x53: {  	_ =	shalt  }
0x54: {  	_ =	shalt  }
0x55: {  	_ =	shalt  }
0x56: {  	_ =	shalt  }
0x57: {  	_ =	shalt  }
0x58: {  	_ =	shalt  }
0x59: {  	_ =	shalt  }
0x5a: {  	_ =	shalt  }
0x5b: {  	_ =	shalt  }
0x5c: {  	_ =	shalt  }
0x5d: {  	_ =	shalt  }
0x5e: {  	_ =	shalt  }
0x5f: {  	_ =	shalt  }
0x60: {  	_ =	shalt  }
0x61: {  	_ =	shalt  }
0x62: {  	_ =	shalt  }
0x63: {  	_ =	shalt  }
0x64: {  	_ =	shalt  }
0x65: {  	_ =	shalt  }
0x66: {  	_ =	shalt  }
0x67: {  	_ =	shalt  }
0x68: {  	_ =	shalt  }
0x69: {  	_ =	shalt  }
0x6a: {  	_ =	shalt  }
0x6b: {  	_ =	shalt  }
0x6c: {  	_ =	shalt  }
0x6d: {  	_ =	shalt  }
0x6e: {  	_ =	shalt  }
0x6f: {  	_ =	shalt  }
0x70: {  	_ =	shalt  }
0x71: {  	_ =	shalt  }
0x72: {  	_ =	shalt  }
0x73: {  	_ =	shalt  }
0x74: {  	_ =	shalt  }
0x75: {  	_ =	shalt  }
0x76: {  	_ =	shalt  }
0x77: {  	_ =	shalt  }
0x78: {  	_ =	shalt  }
0x79: {  	_ =	shalt  }
0x7a: {  	_ =	shalt  }
0x7b: {  	_ =	shalt  }
0x7c: {  	_ =	shalt  }
0x7d: {  	_ =	shalt  }
0x7e: {  	_ =	shalt  }
0x7f: {  	_ =	shalt  }
0x80: {  	_ =	shalt  }
0x81: {  	_ =	shalt  }
0x82: {  	_ =	shalt  }
0x83: {  	_ =	shalt  }
0x84: {  	_ =	shalt  }
0x85: {  	_ =	shalt  }
0x86: {  	_ =	shalt  }
0x87: {  	_ =	shalt  }
.Lfunc_end0:
.L_simem_size_0:
called_computation.3_lowered:
.L_overlay_start_0:
0x88: {  	s2 =	sld [smem:$0x3FD9]  }
0x89: {  	s3 =	sld [smem:$0x3FFE];
	_ =	sdelay $0x1  }
0x8a: {  	s1 =	srdreg.scid  }
0x8b: {  	s0 =	sand.u32 $0x1, s1  }
0x8c: {  	s17 =	sshll.u32 s0, $0xA;
	s2 =	sadd.s32 s3, s2  }
0x8d: {  	s2 =	sadd.s32 s2, s17  }
0x8e: {  	[smem:$0x3FBC] =	sst s2  }
0x8f: {  	_ = 	snop  }
0x90: {  	s2 =	sld [smem:$0x3FD0];
	(tm) =	ssettm $0x1  }
0x91: {  	s18 =	sld [smem:$0x3FFB];
	_ =	sdelay $0x3  }
0x92: {  	_ =	strace s18  }
0x93: {  	s3 =	sld [smem:$0x3FFC];
	_ =	sdelay $0x3  }
0x94: {  	_ =	strace s3  }
0x95: {  	s3 =	sld [smem:$0x3FFD];
	_ =	sdelay $0x3  }
0x96: {  	_ =	strace s3  }
0x97: {  	_ =	strace $0x8FFFFFFF  }
0x98: {  	s19 =	sld [smem:$0x3FDB];
	_ =	sdelay $0x1  }
0x99: {  	s4 =	simm.s32 $_scs_section_size  }
0x9a: {  	s5 =	simm.s32 $_size__tile_overlayer_lowered;
	s6 =	simm.s32 $_tile_overlayer_lowered  }
0x9b: {  	s22 =	simm.s32 $0x1BFF;
	s21 =	sshll.u32 s6, $0x1;
	s3 =	sadd.s32 s4, s19  }
0x9c: {  	s7 =	simm.s32 $0x0;
	s20 =	sshll.u32 s5, $0x1;
	s5 =	sadd.s32 s21, s3  }
0x9d: {  	[timem:s7], [sflag:s22] =	dma.local [hbm:s5], s20  }
0x9e: {  	_ =	swait.ge [sflag:s22], s20  }
0x9f: {  	s4 =	ssub.s32 $0x0, s20;
	[sflag:s22] =	ssyncset.done $0x0  }
0xa0: {  	[sflag:s22] =	ssyncadd.s32 s4;
	_ =	sdelay $0x1  }
0xa1: {  	s23 =	simm.s32 $0x1B8B  }
0xa2: {  	_ =	swait.ge [sflag:s23], $0x1  }
0xa3: {  	[sflag:s23] =	ssyncset.done $0x0  }
0xa4: {  	s25 =	simm.s32 $0x1B8E;
	s24 =	sld [smem:$0x3FFE];
	[sflag:s23] =	ssyncadd.s32 $0xFFFFFFFF  }
0xa5: {  	s26 =	simm.s32 $execute0_lowered;
	[smem:$0x3FD2] =	sst s25  }
0xa6: {  	s5 =	sshll.u32 s26, $0x1;
	_ =	strace $0x8000004F;
	[dreg:$0x1] =	wrdreg $0xFFFFFFFF  }
0xa7: {  	s28 =	simm.s32 $_size_execute0_lowered;
	s3 =	sadd.s32 s3, s5;
	[dreg:$0x0] =	wrdreg $0x0  }
0xa8: {  	s5 =	sshll.u32 s28, $0x1;
	[dreg:$0x2] =	wrdreg s3  }
0xa9: {  	[dreg:$0x3] =	wrdreg s5  }
0xaa: {  	[dreg:$0x4] =	wrdreg $0xC0  }
0xab: {  	_ =	task [dreg:s7], $0x5FFFF  }
0xac: {  	[dreg:$0x1] =	wrdreg $0xFFFFFFFF  }
0xad: {  	[dreg:$0x0] =	wrdreg $0x60  }
0xae: {  	[dreg:$0x2] =	wrdreg s24  }
0xaf: {  	[dreg:$0x3] =	wrdreg s2  }
0xb0: {  	[dreg:$0x4] =	wrdreg $0x90000  }
0xb1: {  	[dreg:$0x5] =	wrdreg $0x9  }
0xb2: {  	_ =	task.clear_ibuf [dreg:s7], $0x6FFFF;
	_ =	strace $0x9000004F  }
0xb3: {  	s29 =	simm.s32 $0x9;
	_ =	strace $0x80000051  }
0xb4: {  	_ =	swait.ge [sflag:s29], $0x1  }
0xb5: {  	[sflag:s29] =	ssyncadd.s32 $0xFFFFFFFF  }
0xb6: {  	_ =	strace $0x90000051  }
0xb7: {  	_ =	sfence  }
0xb8: {  	s30 =	sld [smem:$0x0];
	_ =	sdelay $0x2  }
0xb9: {  	s31 =	sshll.u32 s1, $0xD;
	s1 =	sshrl.u32 s1, $0x2  }
0xba: {  	s3 =	sand.u32 $0x4000, s31;
	s1 =	sadd.s32 s1, s30  }
0xbb: {  	s0 =	sor.u32 s3, s0;
	s1 =	sshll.u32 s1, $0x11  }
0xbc: {  	s0 =	sor.u32 s1, s0  }
0xbd: {  	s0 =	sadd.s32 $0x8F2B, s0  }
0xbe: {  	[sflag:s0] =	ssyncadd.remote.s32 $0x1  }
0xbf: {  	_ =	sfence.sel $0xFFFF  }
0xc0: {  	[dreg:$0x0] =	wrdreg $0xFFFFFFFF;
	(pc) =	sbr.abs _section_cstart, $3  }
0xc1: {  	[dreg:$0x1] =	wrdreg $0xFFFFFFFF  }
0xc2: {  	_ =	task.clear_ibuf [dreg:s7], $0x2FFFF;
	_ =	strace $0x9FFFFFFF  }
0xc3: {  	(tm) =	ssettm $0x7FFFFFFF  }
tec
execute0_lowered:
.L_overlay_start_1:
0x0: {  	(tag) =	ssettag $0x1  }
0x1: {  	s8 =	rddreg [dreg:$0x0]  }
0x2: {  	s2 =	rddreg [dreg:$0x1]  }
0x3: {  	s3 =	rddreg [dreg:$0x2]  }
0x4: {  	s1 =	stileid.u32;
	s4 =	simm.s32 $0x0;
	s5 =	srdreg.scid  }
0x5: {  	s16 =	simm.s32 $0x800;
	s17 =	simm.s32 $0x80;
	s18 =	simm.s32 $0x1000  }
0x6: {  	s19 =	simm.s32 $0x5000;
	s20 =	simm.s32 $0x2;
	s21 =	simm.s32 $0x3  }
0x7: {  	s22 =	simm.s32 $0x1;
	s23 =	simm.s32 $0x0;
	s7 =	smul.u32 $0x13C00, s1  }
0x8: {  	[smem:$0x7FF] =	sst s4;
	s9 =	sand.u32 $0x1, s5;
	s5 =	sadd.s32 $0x2A600, s8  }
0x9: {  	s6 =	sadd.s32 $0x79E00, s8;
	s26 =	smul.u32 $0x4F000, s1;
	s30 =	sshll.u32 s1, $0x6  }
0xa: {  	_ =	strace $0x80000050;
	s11 =	smul.u32 $0x13C000, s9;
	s12 =	sshll.u32 s9, $0x4  }
0xb: {  	s9 =	ssub.s32 $0x2, s9;
	s10 =	sshrl.u32 s7, $0x3;
	s28 =	sor.u32 s1, s12  }
0xc: {  	s29 =	sshrl.u32 s9, $0x1;
	s10 =	sadd.s32 s10, s8;
	s7 =	sadd.s32 s7, s11  }
0xd: {  	s11 =	sshrl.u32 s26, $0x2;
	s13 =	sshrl.u32 s7, $0x3;
	s7 =	smul.u32 $0x2800, s28  }
0xe: {  	s14 =	ssub.s32 s9, s29;
	s9 =	sor.u32 $0x1C04, s30;
	s15 =	sadd.s32 s11, s3  }
0xf: {  	s13 =	sadd.s32 s13, s8;
	s8 =	sadd.s32 $0x2E00, s10;
	s31 =	sshrl.u32 s7, $0x3  }
0x10: {  	s12 =	sadd.s32 $0x83E00, s13;
	s13 =	smax.u32 s14, $0x1;
	s14 =	sshrl.u32 s15, $0x3  }
0x11: {  	s15 =	simm.s32 $0x4;
	s10 =	sadd.s32 s6, s31;
	s11 =	sadd.s32 s2, s31  }
.LBB2_1:
0x12: {  	[spmem:s14], [sflag:s9] =	dma.local [hbm:s8], $0x2780  }
0x13: {  	_ =	swait.ge [sflag:s15], $0x2780  }
0x14: {  	[sflag:s15] =	ssyncset.done $0x0  }
0x15: {  	[sflag:s15] =	ssyncadd.s32 $0xFFFFD880  }
0x16: {  	[tilespmem:s4], [sflag:$0x4] =	stream.linear.gather [hbm4b:s10+s4], $0x400, $0x38;
	[tilespmem:$0x1CC00] =	vst v63  }
0x17: {  	_ =	swait.ge [sflag:s15], $0x400  }
0x18: {  	[sflag:s15] =	ssyncset.done $0x0  }
0x19: {  	[sflag:s15] =	ssyncadd.s32 $0xFFFFFC00  }
0x1a: {  	[tilespmem:s16], [sflag:$0x4] =	stream.linear.gather [hbm4b:s11+s4], $0x400, $0x38;
	[tilespmem:$0x1CC00] =	vst v63  }
0x1b: {  	s24 =	smin.u32 s22, $0x9;
	_ =	swait.ge [sflag:s15], $0x400  }
0x1c: {  	s24 =	sshll.u32 s24, $0xA;
	[sflag:s15] =	ssyncset.done $0x0  }
0x1d: {  	s24 =	sadd.s32 s7, s24;
	[sflag:s15] =	ssyncadd.s32 $0xFFFFFC00  }
0x1e: {  	s25 =	simm.s32 $0x400;
	s28 =	sshrl.u32 s24, $0x3;
	[bflag:$0x0] =	sbarrier.arrive $0xFFFF  }
0x1f: {  	[tilespmem:s18], [sflag:$0x2] =	stream.indirect.gather [hbm4b:s5+s17], $0x80, s4, s17, $0xb8;
	[tilespmem:$0x1CC00] =	vst v63  }
0x20: {  	s24 =	sand.u32 $0x400, s25;
	s26 =	sadd.s32 s6, s28  }
0x21: {  	[tilespmem:s24], [sflag:$0x1] =	stream.linear.gather [hbm4b:s26+s4], $0x400, $0x38;
	[tilespmem:$0x1CC00] =	vst v63  }
0x22: {  	s29 =	sor.u32 $0x800, s24;
	s28 =	sadd.s32 s2, s28;
	s26 =	sand.u32 $0x400, s4  }
0x23: {  	[tilespmem:s29], [sflag:$0x1] =	stream.linear.gather [hbm4b:s28+s4], $0x400, $0x38;
	[tilespmem:$0x1CC00] =	vst v63  }
0x24: {  	s31 =	sor.u32 $0x80, s26  }
0x25: {  	[tilespmem:s19], [sflag:$0x3] =	stream.indirect.gather [hbm4b:s5+s17], $0x80, s31, s17, $0xb8;
	[tilespmem:$0x1CC00] =	vst v63  }
0x26: {  	_ =	swait.ge [sflag:s20], $0x4000  }
0x27: {  	[sflag:s20] =	ssyncset.done $0x0  }
0x28: {  	s0 =	sor.u32 $0x800, s26;
	[sflag:s20] =	ssyncadd.s32 $0xFFFFC000  }
0x29: {  	[spmem:s3] =	stream.indirect.scatter.add.f32 [tilespmem:s18], [sflag:$0x4], $0x80, s0, s17, $0xb8;
	[tilespmem:$0x1CC00] =	vst v63  }
0x2a: {  	_ =	swait.ge [sflag:s15], $0x4000  }
0x2b: {  	[sflag:s15] =	ssyncset.done $0x0  }
0x2c: {  	s29 =	sor.u32 $0x100, s26;
	[sflag:s15] =	ssyncadd.s32 $0xFFFFC000  }
0x2d: {  	[tilespmem:s18], [sflag:$0x2] =	stream.indirect.gather [hbm4b:s5+s17], $0x80, s29, s17, $0xb8;
	[tilespmem:$0x1CC00] =	vst v63  }
0x2e: {  	_ =	swait.ge [sflag:s21], $0x4000  }
0x2f: {  	[sflag:s21] =	ssyncset.done $0x0  }
0x30: {  	s31 =	sor.u32 $0x880, s26;
	[sflag:s21] =	ssyncadd.s32 $0xFFFFC000  }
0x31: {  	[spmem:s3] =	stream.indirect.scatter.add.f32 [tilespmem:s19], [sflag:$0x4], $0x80, s31, s17, $0xb8;
	[tilespmem:$0x1CC00] =	vst v63  }
0x32: {  	_ =	swait.ge [sflag:s15], $0x4000  }
0x33: {  	[sflag:s15] =	ssyncset.done $0x0  }
0x34: {  	s0 =	sor.u32 $0x180, s26;
	[sflag:s15] =	ssyncadd.s32 $0xFFFFC000  }
0x35: {  	[tilespmem:s19], [sflag:$0x3] =	stream.indirect.gather [hbm4b:s5+s17], $0x80, s0, s17, $0xb8;
	[tilespmem:$0x1CC00] =	vst v63  }
0x36: {  	_ =	swait.ge [sflag:s20], $0x4000  }
0x37: {  	[sflag:s20] =	ssyncset.done $0x0  }
0x38: {  	s29 =	sor.u32 $0x900, s26;
	[sflag:s20] =	ssyncadd.s32 $0xFFFFC000  }
0x39: {  	[spmem:s3] =	stream.indirect.scatter.add.f32 [tilespmem:s18], [sflag:$0x4], $0x80, s29, s17, $0xb8;
	[tilespmem:$0x1CC00] =	vst v63  }
0x3a: {  	_ =	swait.ge [sflag:s15], $0x4000  }
0x3b: {  	[sflag:s15] =	ssyncset.done $0x0  }
0x3c: {  	s31 =	sor.u32 $0x200, s26;
	[sflag:s15] =	ssyncadd.s32 $0xFFFFC000  }
0x3d: {  	[tilespmem:s18], [sflag:$0x2] =	stream.indirect.gather [hbm4b:s5+s17], $0x80, s31, s17, $0xb8;
	[tilespmem:$0x1CC00] =	vst v63  }
0x3e: {  	_ =	swait.ge [sflag:s21], $0x4000  }
0x3f: {  	[sflag:s21] =	ssyncset.done $0x0  }
0x40: {  	s0 =	sor.u32 $0x980, s26;
	[sflag:s21] =	ssyncadd.s32 $0xFFFFC000  }
0x41: {  	[spmem:s3] =	stream.indirect.scatter.add.f32 [tilespmem:s19], [sflag:$0x4], $0x80, s0, s17, $0xb8;
	[tilespmem:$0x1CC00] =	vst v63  }
0x42: {  	_ =	swait.ge [sflag:s15], $0x4000  }
0x43: {  	[sflag:s15] =	ssyncset.done $0x0  }
0x44: {  	s29 =	sor.u32 $0x280, s26;
	[sflag:s15] =	ssyncadd.s32 $0xFFFFC000  }
0x45: {  	[tilespmem:s19], [sflag:$0x3] =	stream.indirect.gather [hbm4b:s5+s17], $0x80, s29, s17, $0xb8;
	[tilespmem:$0x1CC00] =	vst v63  }
0x46: {  	_ =	swait.ge [sflag:s20], $0x4000  }
0x47: {  	[sflag:s20] =	ssyncset.done $0x0  }
0x48: {  	s31 =	sor.u32 $0xA00, s26;
	[sflag:s20] =	ssyncadd.s32 $0xFFFFC000  }
0x49: {  	[spmem:s3] =	stream.indirect.scatter.add.f32 [tilespmem:s18], [sflag:$0x4], $0x80, s31, s17, $0xb8;
	[tilespmem:$0x1CC00] =	vst v63  }
0x4a: {  	_ =	swait.ge [sflag:s15], $0x4000  }
0x4b: {  	[sflag:s15] =	ssyncset.done $0x0  }
0x4c: {  	s0 =	sor.u32 $0x300, s26;
	[sflag:s15] =	ssyncadd.s32 $0xFFFFC000  }
0x4d: {  	[tilespmem:s18], [sflag:$0x2] =	stream.indirect.gather [hbm4b:s5+s17], $0x80, s0, s17, $0xb8;
	[tilespmem:$0x1CC00] =	vst v63  }
0x4e: {  	_ =	swait.ge [sflag:s21], $0x4000  }
0x4f: {  	[sflag:s21] =	ssyncset.done $0x0  }
0x50: {  	s29 =	sor.u32 $0xA80, s26;
	[sflag:s21] =	ssyncadd.s32 $0xFFFFC000  }
0x51: {  	[spmem:s3] =	stream.indirect.scatter.add.f32 [tilespmem:s19], [sflag:$0x4], $0x80, s29, s17, $0xb8;
	[tilespmem:$0x1CC00] =	vst v63  }
0x52: {  	_ =	swait.ge [sflag:s15], $0x4000  }
0x53: {  	[sflag:s15] =	ssyncset.done $0x0  }
0x54: {  	s31 =	sor.u32 $0x380, s26;
	[sflag:s15] =	ssyncadd.s32 $0xFFFFC000  }
0x55: {  	[tilespmem:s19], [sflag:$0x3] =	stream.indirect.gather [hbm4b:s5+s17], $0x80, s31, s17, $0xb8;
	[tilespmem:$0x1CC00] =	vst v63  }
0x56: {  	_ =	swait.ge [sflag:s20], $0x4000  }
0x57: {  	[sflag:s20] =	ssyncset.done $0x0  }
0x58: {  	s0 =	sor.u32 $0xB00, s26;
	[sflag:s20] =	ssyncadd.s32 $0xFFFFC000  }
0x59: {  	[spmem:s3] =	stream.indirect.scatter.add.f32 [tilespmem:s18], [sflag:$0x4], $0x80, s0, s17, $0xb8;
	[tilespmem:$0x1CC00] =	vst v63  }
0x5a: {  	_ =	swait.ge [sflag:s15], $0x4000  }
0x5b: {  	[sflag:s15] =	ssyncset.done $0x0  }
0x5c: {  	[sflag:s15] =	ssyncadd.s32 $0xFFFFC000  }
0x5d: {  	_ =	swait.ge [sflag:s22], $0x400  }
0x5e: {  	[sflag:s22] =	ssyncset.done $0x0  }
0x5f: {  	[sflag:s22] =	ssyncadd.s32 $0xFFFFFC00  }
0x60: {  	_ =	swait.ge [sflag:s22], $0x400  }
0x61: {  	[sflag:s22] =	ssyncset.done $0x0  }
0x62: {  	[sflag:s22] =	ssyncadd.s32 $0xFFFFFC00  }
0x63: {  	[tilespmem:s18], [sflag:$0x2] =	stream.indirect.gather [hbm4b:s5+s17], $0x80, s24, s17, $0xb8;
	[tilespmem:$0x1CC00] =	vst v63  }
0x64: {  	_ =	swait.ge [sflag:s21], $0x4000  }
0x65: {  	s29 =	simm.s32 $0x2;
	[sflag:s21] =	ssyncset.done $0x0  }
0x66: {  	s26 =	sor.u32 $0xB80, s26;
	s28 =	smin.u32 s29, $0x9;
	[sflag:s21] =	ssyncadd.s32 $0xFFFFC000  }
0x67: {  	[spmem:s3] =	stream.indirect.scatter.add.f32 [tilespmem:s19], [sflag:$0x4], $0x80, s26, s17, $0xb8;
	[tilespmem:$0x1CC00] =	vst v63  }
0x68: {  	s31 =	sshll.u32 s28, $0xA;
	_ =	swait.ge [sflag:s15], $0x4000  }
0x69: {  	s30 =	simm.s32 $0x3;
	s26 =	sadd.s32 s7, s31;
	[sflag:s15] =	ssyncset.done $0x0  }
.LBB2_2:
0x6a: {  	s25 =	sadd.s32 $0x400, s25  }
0x6b: {  	s31 =	sshrl.u32 s26, $0x3;
	[sflag:s15] =	ssyncadd.s32 $0xFFFFC000;
	s29 =	smov.u32 s30  }
0x6c: {  	s26 =	sand.u32 $0x400, s25;
	s28 =	sadd.s32 s6, s31  }
0x6d: {  	[tilespmem:s26], [sflag:$0x1] =	stream.linear.gather [hbm4b:s28+s4], $0x400, $0x38;
	[tilespmem:$0x1CC00] =	vst v63  }
0x6e: {  	s31 =	sadd.s32 s2, s31;
	s28 =	sadd.s32 $0x1, s30;
	s0 =	sor.u32 $0x800, s26  }
0x6f: {  	[tilespmem:s0], [sflag:$0x1] =	stream.linear.gather [hbm4b:s31+s4], $0x400, $0x38;
	[tilespmem:$0x1CC00] =	vst v63  }
0x70: {  	p0 =	sne.s32 s30, $0xA;
	s0 =	sor.u32 $0x80, s24  }
0x71: {  	[tilespmem:s19], [sflag:$0x3] =	stream.indirect.gather [hbm4b:s5+s17], $0x80, s0, s17, $0xb8;
	[tilespmem:$0x1CC00] =	vst v63  }
0x72: {  	_ =	swait.ge [sflag:s20], $0x4000  }
0x73: {  	[sflag:s20] =	ssyncset.done $0x0  }
0x74: {  	s0 =	sor.u32 $0x800, s24;
	[sflag:s20] =	ssyncadd.s32 $0xFFFFC000  }
0x75: {  	[spmem:s3] =	stream.indirect.scatter.add.f32 [tilespmem:s18], [sflag:$0x4], $0x80, s0, s17, $0xb8;
	[tilespmem:$0x1CC00] =	vst v63  }
0x76: {  	_ =	swait.ge [sflag:s15], $0x4000  }
0x77: {  	[sflag:s15] =	ssyncset.done $0x0  }
0x78: {  	s0 =	sor.u32 $0x100, s24;
	[sflag:s15] =	ssyncadd.s32 $0xFFFFC000  }
0x79: {  	[tilespmem:s18], [sflag:$0x2] =	stream.indirect.gather [hbm4b:s5+s17], $0x80, s0, s17, $0xb8;
	[tilespmem:$0x1CC00] =	vst v63  }
0x7a: {  	_ =	swait.ge [sflag:s21], $0x4000  }
0x7b: {  	[sflag:s21] =	ssyncset.done $0x0  }
0x7c: {  	s0 =	sor.u32 $0x880, s24;
	[sflag:s21] =	ssyncadd.s32 $0xFFFFC000  }
0x7d: {  	[spmem:s3] =	stream.indirect.scatter.add.f32 [tilespmem:s19], [sflag:$0x4], $0x80, s0, s17, $0xb8;
	[tilespmem:$0x1CC00] =	vst v63  }
0x7e: {  	_ =	swait.ge [sflag:s15], $0x4000  }
0x7f: {  	[sflag:s15] =	ssyncset.done $0x0  }
0x80: {  	s0 =	sor.u32 $0x180, s24;
	[sflag:s15] =	ssyncadd.s32 $0xFFFFC000  }
0x81: {  	[tilespmem:s19], [sflag:$0x3] =	stream.indirect.gather [hbm4b:s5+s17], $0x80, s0, s17, $0xb8;
	[tilespmem:$0x1CC00] =	vst v63  }
0x82: {  	_ =	swait.ge [sflag:s20], $0x4000  }
0x83: {  	[sflag:s20] =	ssyncset.done $0x0  }
0x84: {  	s0 =	sor.u32 $0x900, s24;
	[sflag:s20] =	ssyncadd.s32 $0xFFFFC000  }
0x85: {  	[spmem:s3] =	stream.indirect.scatter.add.f32 [tilespmem:s18], [sflag:$0x4], $0x80, s0, s17, $0xb8;
	[tilespmem:$0x1CC00] =	vst v63  }
0x86: {  	_ =	swait.ge [sflag:s15], $0x4000  }
0x87: {  	[sflag:s15] =	ssyncset.done $0x0  }
0x88: {  	s0 =	sor.u32 $0x200, s24;
	[sflag:s15] =	ssyncadd.s32 $0xFFFFC000  }
0x89: {  	[tilespmem:s18], [sflag:$0x2] =	stream.indirect.gather [hbm4b:s5+s17], $0x80, s0, s17, $0xb8;
	[tilespmem:$0x1CC00] =	vst v63  }
0x8a: {  	_ =	swait.ge [sflag:s21], $0x4000  }
0x8b: {  	[sflag:s21] =	ssyncset.done $0x0  }
0x8c: {  	s0 =	sor.u32 $0x980, s24;
	[sflag:s21] =	ssyncadd.s32 $0xFFFFC000  }
0x8d: {  	[spmem:s3] =	stream.indirect.scatter.add.f32 [tilespmem:s19], [sflag:$0x4], $0x80, s0, s17, $0xb8;
	[tilespmem:$0x1CC00] =	vst v63  }
0x8e: {  	_ =	swait.ge [sflag:s15], $0x4000  }
0x8f: {  	[sflag:s15] =	ssyncset.done $0x0  }
0x90: {  	s0 =	sor.u32 $0x280, s24;
	[sflag:s15] =	ssyncadd.s32 $0xFFFFC000  }
0x91: {  	[tilespmem:s19], [sflag:$0x3] =	stream.indirect.gather [hbm4b:s5+s17], $0x80, s0, s17, $0xb8;
	[tilespmem:$0x1CC00] =	vst v63  }
0x92: {  	_ =	swait.ge [sflag:s20], $0x4000  }
0x93: {  	[sflag:s20] =	ssyncset.done $0x0  }
0x94: {  	s0 =	sor.u32 $0xA00, s24;
	[sflag:s20] =	ssyncadd.s32 $0xFFFFC000  }
0x95: {  	[spmem:s3] =	stream.indirect.scatter.add.f32 [tilespmem:s18], [sflag:$0x4], $0x80, s0, s17, $0xb8;
	[tilespmem:$0x1CC00] =	vst v63  }
0x96: {  	_ =	swait.ge [sflag:s15], $0x4000  }
0x97: {  	[sflag:s15] =	ssyncset.done $0x0  }
0x98: {  	s0 =	sor.u32 $0x300, s24;
	[sflag:s15] =	ssyncadd.s32 $0xFFFFC000  }
0x99: {  	[tilespmem:s18], [sflag:$0x2] =	stream.indirect.gather [hbm4b:s5+s17], $0x80, s0, s17, $0xb8;
	[tilespmem:$0x1CC00] =	vst v63  }
0x9a: {  	_ =	swait.ge [sflag:s21], $0x4000  }
0x9b: {  	[sflag:s21] =	ssyncset.done $0x0  }
0x9c: {  	s0 =	sor.u32 $0xA80, s24;
	[sflag:s21] =	ssyncadd.s32 $0xFFFFC000  }
0x9d: {  	[spmem:s3] =	stream.indirect.scatter.add.f32 [tilespmem:s19], [sflag:$0x4], $0x80, s0, s17, $0xb8;
	[tilespmem:$0x1CC00] =	vst v63  }
0x9e: {  	_ =	swait.ge [sflag:s15], $0x4000  }
0x9f: {  	[sflag:s15] =	ssyncset.done $0x0  }
0xa0: {  	s0 =	sor.u32 $0x380, s24;
	[sflag:s15] =	ssyncadd.s32 $0xFFFFC000  }
0xa1: {  	[tilespmem:s19], [sflag:$0x3] =	stream.indirect.gather [hbm4b:s5+s17], $0x80, s0, s17, $0xb8;
	[tilespmem:$0x1CC00] =	vst v63  }
0xa2: {  	_ =	swait.ge [sflag:s20], $0x4000  }
0xa3: {  	[sflag:s20] =	ssyncset.done $0x0  }
0xa4: {  	s0 =	sor.u32 $0xB00, s24;
	[sflag:s20] =	ssyncadd.s32 $0xFFFFC000  }
0xa5: {  	[spmem:s3] =	stream.indirect.scatter.add.f32 [tilespmem:s18], [sflag:$0x4], $0x80, s0, s17, $0xb8;
	[tilespmem:$0x1CC00] =	vst v63  }
0xa6: {  	_ =	swait.ge [sflag:s15], $0x4000  }
0xa7: {  	[sflag:s15] =	ssyncset.done $0x0  }
0xa8: {  	[sflag:s15] =	ssyncadd.s32 $0xFFFFC000  }
0xa9: {  	_ =	swait.ge [sflag:s22], $0x400  }
0xaa: {  	[sflag:s22] =	ssyncset.done $0x0  }
0xab: {  	[sflag:s22] =	ssyncadd.s32 $0xFFFFFC00  }
0xac: {  	_ =	swait.ge [sflag:s22], $0x400  }
0xad: {  	[sflag:s22] =	ssyncset.done $0x0  }
0xae: {  	[sflag:s22] =	ssyncadd.s32 $0xFFFFFC00  }
0xaf: {  	[tilespmem:s18], [sflag:$0x2] =	stream.indirect.gather [hbm4b:s5+s17], $0x80, s26, s17, $0xb8;
	[tilespmem:$0x1CC00] =	vst v63  }
0xb0: {  	_ =	swait.ge [sflag:s21], $0x4000  }
.Ltmp0:
0xb1: {  	[sflag:s21] =	ssyncset.done $0x0;
	(pc) =	sbr.rel @p0 .LBB2_2-.Ltmp0, $4  }
0xb2: {  	s24 =	sor.u32 $0xB80, s24;
	s0 =	smin.u32 s29, $0x9;
	[sflag:s21] =	ssyncadd.s32 $0xFFFFC000  }
0xb3: {  	[spmem:s3] =	stream.indirect.scatter.add.f32 [tilespmem:s19], [sflag:$0x4], $0x80, s24, s17, $0xb8;
	[tilespmem:$0x1CC00] =	vst v63  }
0xb4: {  	s0 =	sshll.u32 s0, $0xA;
	s24 =	smov.u32 s26;
	_ =	swait.ge [sflag:s15], $0x4000  }
0xb5: {  	s30 =	smov.u32 s28;
	s26 =	sadd.s32 s7, s0;
	[sflag:s15] =	ssyncset.done $0x0  }
0xb6: {  	s0 =	sadd.s32 $0x400, s25;
	s26 =	sshrl.u32 s26, $0x3  }
0xb7: {  	[sflag:s15] =	ssyncadd.s32 $0xFFFFC000;
	s25 =	sand.u32 $0x400, s0;
	s30 =	sadd.s32 s6, s26  }
0xb8: {  	[tilespmem:s25], [sflag:$0x1] =	stream.linear.gather [hbm4b:s30+s4], $0x400, $0x38;
	[tilespmem:$0x1CC00] =	vst v63  }
0xb9: {  	s26 =	sadd.s32 s2, s26;
	s31 =	sor.u32 $0x800, s25  }
0xba: {  	[tilespmem:s31], [sflag:$0x1] =	stream.linear.gather [hbm4b:s26+s4], $0x400, $0x38;
	[tilespmem:$0x1CC00] =	vst v63  }
0xbb: {  	s26 =	sor.u32 $0x80, s24  }
0xbc: {  	[tilespmem:s19], [sflag:$0x3] =	stream.indirect.gather [hbm4b:s5+s17], $0x80, s26, s17, $0xb8;
	[tilespmem:$0x1CC00] =	vst v63  }
0xbd: {  	_ =	swait.ge [sflag:s20], $0x4000  }
0xbe: {  	[sflag:s20] =	ssyncset.done $0x0  }
0xbf: {  	s28 =	sor.u32 $0x800, s24;
	[sflag:s20] =	ssyncadd.s32 $0xFFFFC000  }
0xc0: {  	[spmem:s3] =	stream.indirect.scatter.add.f32 [tilespmem:s18], [sflag:$0x4], $0x80, s28, s17, $0xb8;
	[tilespmem:$0x1CC00] =	vst v63  }
0xc1: {  	_ =	swait.ge [sflag:s15], $0x4000  }
0xc2: {  	[sflag:s15] =	ssyncset.done $0x0  }
0xc3: {  	s29 =	sor.u32 $0x100, s24;
	[sflag:s15] =	ssyncadd.s32 $0xFFFFC000  }
0xc4: {  	[tilespmem:s18], [sflag:$0x2] =	stream.indirect.gather [hbm4b:s5+s17], $0x80, s29, s17, $0xb8;
	[tilespmem:$0x1CC00] =	vst v63  }
0xc5: {  	_ =	swait.ge [sflag:s21], $0x4000  }
0xc6: {  	[sflag:s21] =	ssyncset.done $0x0  }
0xc7: {  	s30 =	sor.u32 $0x880, s24;
	[sflag:s21] =	ssyncadd.s32 $0xFFFFC000  }
0xc8: {  	[spmem:s3] =	stream.indirect.scatter.add.f32 [tilespmem:s19], [sflag:$0x4], $0x80, s30, s17, $0xb8;
	[tilespmem:$0x1CC00] =	vst v63  }
0xc9: {  	_ =	swait.ge [sflag:s15], $0x4000  }
0xca: {  	[sflag:s15] =	ssyncset.done $0x0  }
0xcb: {  	s31 =	sor.u32 $0x180, s24;
	[sflag:s15] =	ssyncadd.s32 $0xFFFFC000  }
0xcc: {  	[tilespmem:s19], [sflag:$0x3] =	stream.indirect.gather [hbm4b:s5+s17], $0x80, s31, s17, $0xb8;
	[tilespmem:$0x1CC00] =	vst v63  }
0xcd: {  	_ =	swait.ge [sflag:s20], $0x4000  }
0xce: {  	[sflag:s20] =	ssyncset.done $0x0  }
0xcf: {  	s26 =	sor.u32 $0x900, s24;
	[sflag:s20] =	ssyncadd.s32 $0xFFFFC000  }
0xd0: {  	[spmem:s3] =	stream.indirect.scatter.add.f32 [tilespmem:s18], [sflag:$0x4], $0x80, s26, s17, $0xb8;
	[tilespmem:$0x1CC00] =	vst v63  }
0xd1: {  	_ =	swait.ge [sflag:s15], $0x4000  }
0xd2: {  	[sflag:s15] =	ssyncset.done $0x0  }
0xd3: {  	s28 =	sor.u32 $0x200, s24;
	[sflag:s15] =	ssyncadd.s32 $0xFFFFC000  }
0xd4: {  	[tilespmem:s18], [sflag:$0x2] =	stream.indirect.gather [hbm4b:s5+s17], $0x80, s28, s17, $0xb8;
	[tilespmem:$0x1CC00] =	vst v63  }
0xd5: {  	_ =	swait.ge [sflag:s21], $0x4000  }
0xd6: {  	[sflag:s21] =	ssyncset.done $0x0  }
0xd7: {  	s29 =	sor.u32 $0x980, s24;
	[sflag:s21] =	ssyncadd.s32 $0xFFFFC000  }
0xd8: {  	[spmem:s3] =	stream.indirect.scatter.add.f32 [tilespmem:s19], [sflag:$0x4], $0x80, s29, s17, $0xb8;
	[tilespmem:$0x1CC00] =	vst v63  }
0xd9: {  	_ =	swait.ge [sflag:s15], $0x4000  }
0xda: {  	[sflag:s15] =	ssyncset.done $0x0  }
0xdb: {  	s30 =	sor.u32 $0x280, s24;
	[sflag:s15] =	ssyncadd.s32 $0xFFFFC000  }
0xdc: {  	[tilespmem:s19], [sflag:$0x3] =	stream.indirect.gather [hbm4b:s5+s17], $0x80, s30, s17, $0xb8;
	[tilespmem:$0x1CC00] =	vst v63  }
0xdd: {  	_ =	swait.ge [sflag:s20], $0x4000  }
0xde: {  	[sflag:s20] =	ssyncset.done $0x0  }
0xdf: {  	s31 =	sor.u32 $0xA00, s24;
	[sflag:s20] =	ssyncadd.s32 $0xFFFFC000  }
0xe0: {  	[spmem:s3] =	stream.indirect.scatter.add.f32 [tilespmem:s18], [sflag:$0x4], $0x80, s31, s17, $0xb8;
	[tilespmem:$0x1CC00] =	vst v63  }
0xe1: {  	_ =	swait.ge [sflag:s15], $0x4000  }
0xe2: {  	[sflag:s15] =	ssyncset.done $0x0  }
0xe3: {  	s26 =	sor.u32 $0x300, s24;
	[sflag:s15] =	ssyncadd.s32 $0xFFFFC000  }
0xe4: {  	[tilespmem:s18], [sflag:$0x2] =	stream.indirect.gather [hbm4b:s5+s17], $0x80, s26, s17, $0xb8;
	[tilespmem:$0x1CC00] =	vst v63  }
0xe5: {  	_ =	swait.ge [sflag:s21], $0x4000  }
0xe6: {  	[sflag:s21] =	ssyncset.done $0x0  }
0xe7: {  	s28 =	sor.u32 $0xA80, s24;
	[sflag:s21] =	ssyncadd.s32 $0xFFFFC000  }
0xe8: {  	[spmem:s3] =	stream.indirect.scatter.add.f32 [tilespmem:s19], [sflag:$0x4], $0x80, s28, s17, $0xb8;
	[tilespmem:$0x1CC00] =	vst v63  }
0xe9: {  	_ =	swait.ge [sflag:s15], $0x4000  }
0xea: {  	[sflag:s15] =	ssyncset.done $0x0  }
0xeb: {  	s29 =	sor.u32 $0x380, s24;
	[sflag:s15] =	ssyncadd.s32 $0xFFFFC000  }
0xec: {  	[tilespmem:s19], [sflag:$0x3] =	stream.indirect.gather [hbm4b:s5+s17], $0x80, s29, s17, $0xb8;
	[tilespmem:$0x1CC00] =	vst v63  }
0xed: {  	_ =	swait.ge [sflag:s20], $0x4000  }
0xee: {  	[sflag:s20] =	ssyncset.done $0x0  }
0xef: {  	s30 =	sor.u32 $0xB00, s24;
	[sflag:s20] =	ssyncadd.s32 $0xFFFFC000  }
0xf0: {  	[spmem:s3] =	stream.indirect.scatter.add.f32 [tilespmem:s18], [sflag:$0x4], $0x80, s30, s17, $0xb8;
	[tilespmem:$0x1CC00] =	vst v63  }
0xf1: {  	_ =	swait.ge [sflag:s15], $0x4000  }
0xf2: {  	[sflag:s15] =	ssyncset.done $0x0  }
0xf3: {  	[sflag:s15] =	ssyncadd.s32 $0xFFFFC000  }
0xf4: {  	_ =	swait.ge [sflag:s22], $0x400  }
0xf5: {  	[sflag:s22] =	ssyncset.done $0x0  }
0xf6: {  	[sflag:s22] =	ssyncadd.s32 $0xFFFFFC00  }
0xf7: {  	_ =	swait.ge [sflag:s22], $0x400  }
0xf8: {  	[sflag:s22] =	ssyncset.done $0x0  }
0xf9: {  	[sflag:s22] =	ssyncadd.s32 $0xFFFFFC00  }
0xfa: {  	[tilespmem:s18], [sflag:$0x2] =	stream.indirect.gather [hbm4b:s5+s17], $0x80, s25, s17, $0xb8;
	[tilespmem:$0x1CC00] =	vst v63  }
0xfb: {  	_ =	swait.ge [sflag:s21], $0x4000  }
0xfc: {  	[sflag:s21] =	ssyncset.done $0x0  }
0xfd: {  	s31 =	sor.u32 $0xB80, s24;
	[sflag:s21] =	ssyncadd.s32 $0xFFFFC000  }
0xfe: {  	[spmem:s3] =	stream.indirect.scatter.add.f32 [tilespmem:s19], [sflag:$0x4], $0x80, s31, s17, $0xb8;
	[tilespmem:$0x1CC00] =	vst v63  }
0xff: {  	_ =	swait.ge [sflag:s15], $0x4000  }
0x100: {  	[sflag:s15] =	ssyncset.done $0x0  }
0x101: {  	[sflag:s15] =	ssyncadd.s32 $0xFFFFC000  }
0x102: {  	_ =	swait.ge [sflag:s20], $0x4000  }
0x103: {  	s23 =	sadd.s32 $0x1, s23;
	[sflag:s20] =	ssyncset.done $0x0  }
0x104: {  	p0 =	sne.s32 s23, s13;
	[sflag:s20] =	ssyncadd.s32 $0xFFFFC000  }
.Ltmp1:
0x105: {  	[bflag:$0x0] =	sbarrier.arrive $0xFFFF;
	(pc) =	sbr.rel @p0 .LBB2_1-.Ltmp1, $4  }
0x106: {  	[hbm:s12], [sflag:s9] =	dma.local [spmem:s14], $0x2780  }
0x107: {  	_ =	swait.ge [sflag:s15], $0x2780  }
0x108: {  	[sflag:s15] =	ssyncset.done $0x0  }
0x109: {  	[sflag:s15] =	ssyncadd.s32 $0xFFFFD880  }
0x10a: {  	_ =	sfence.sel $0x180000  }
0x10b: {  	[bflag:$0x0] =	sbarrier.arrive $0xFFFF  }
0x10c: {  	_ =	strace $0x90000050  }
0x10d: {  	[bflag:$0x2] =	sbarrier.arrive $0xFFFF  }
0x10e: {  	p0 =	sne.s32 s1, $0x0;
	s0 =	rddreg [dreg:$0x3]  }
0x10f: {  	s0 =	sadd.s32 @!p0 $0x100000, s0  }
0x110: {  	[sflag:s0] =	ssyncadd.tile.s32 @!p0 $0x1;
	_ =	shalt  }
.Lfunc_end2:
_tile_overlayer_lowered:
.L_overlay_start_2:
0x111: {  	(tag) =	ssettag $0x2  }
0x112: {  	s0 =	rddreg [dreg:$0x0];
	s2 =	stileid.u32  }
0x113: {  	s1 =	rddreg [dreg:$0x1];
	p0 =	sne.s32 s2, $0x0  }
0x114: {  	s3 =	rddreg [dreg:$0x2];
	[bflag:$0x3] =	sbarrier.arrive $0xFFFF;
	s2 =	simm.s32 @!p0 $0x1C04  }
0x115: {  	[timem:s3], [sflag:s2] =	dma.local @!p0 [hbm:s0], s1  }
0x116: {  	s0 =	simm.s32 @!p0 $0x4  }
0x117: {  	_ =	swait.ge @!p0 [sflag:s0], s1  }
0x118: {  	s1 =	ssub.s32 @!p0 $0x0, s1;
	[sflag:s0] =	ssyncset.done @!p0 $0x0  }
0x119: {  	[sflag:s0] =	ssyncadd.s32 @!p0 s1  }
0x11a: {  	[bflag:$0x3] =	sbarrier.arrive $0xFFFF  }
0x11b: {  	_ =	shalt  }

</sc_bundles>
